<compile_context>
chip_gen: v7x
topology: tpu7x:2x2x1
jax: 0.10.2.dev20260603
libtpu: 0.0.44.dev20260713+nightly
codegen_flags: <defaults>
</compile_context>

<pallas_src>
import functools

import jax
import jax.numpy as jnp
from jax import lax
from jax.experimental import pallas as pl
from jax.experimental.pallas import tpu as pltpu
from jax.experimental.pallas import tpu_sc as plsc

N = 10000
E = 320000
D = 128

NC = 2
NS = 16
NW = NC * NS
NP = 10240
EPW = E // NW
CHUNK = 100
NCHUNK = EPW // CHUNK
RPT = NP // NS
ZCH = 64
ZB = RPT // ZCH
GROUP = 25
NGROUP = NCHUNK // GROUP

_MESH = plsc.VectorSubcoreMesh(core_axis_name="c", subcore_axis_name="s")


@functools.partial(
    pl.kernel, mesh=_MESH,
    out_type=jax.ShapeDtypeStruct((NC * NP, D), jnp.float32),
    scratch_types=[
        pltpu.VMEM((GROUP, CHUNK), jnp.int32),
        pltpu.VMEM((GROUP, CHUNK), jnp.int32),
        pltpu.VMEM((CHUNK, D), jnp.float32),
        pltpu.VMEM((CHUNK, D), jnp.float32),
        pltpu.VMEM_SHARED((NP, D), jnp.float32),
    ],
)
def _sc_feature_agg(feats_h, src_h, dst_h, zf_h, out_h, sidx, didx, rows,
                    rows2, acc):
    c = lax.axis_index("c")
    s = lax.axis_index("s")
    wid = c * NS + s
    base = c * NP + s * RPT
    pltpu.sync_copy(zf_h, rows)

    def zbody(j, carry):
        pltpu.sync_copy(rows.at[pl.ds(0, ZCH)],
                        acc.at[pl.ds(s * RPT + j * ZCH, ZCH)])
        return carry

    lax.fori_loop(0, ZB, zbody, 0)
    plsc.subcore_barrier()

    def _pipeline(sem_a, sem_b):
        for g in range(NGROUP):
            pltpu.sync_copy(src_h.at[wid, g], sidx)
            pltpu.sync_copy(dst_h.at[wid, g], didx)
            pltpu.async_copy(feats_h.at[sidx.at[0]], rows, sem_a)

            def ebody(k, carry):
                i = 2 * k
                pltpu.async_copy(feats_h.at[sidx.at[i + 1]], rows2, sem_b)
                pltpu.make_async_copy(feats_h.at[sidx.at[i]], rows,
                                      sem_a).wait()
                pltpu.sync_copy(rows, acc.at[didx.at[i]], add=True)
                pltpu.async_copy(feats_h.at[sidx.at[i + 2]], rows, sem_a)
                pltpu.make_async_copy(feats_h.at[sidx.at[i + 1]], rows2,
                                      sem_b).wait()
                pltpu.sync_copy(rows2, acc.at[didx.at[i + 1]], add=True)
                return carry

            lax.fori_loop(0, (GROUP - 1) // 2, ebody, 0)
            pltpu.make_async_copy(feats_h.at[sidx.at[GROUP - 1]], rows,
                                  sem_a).wait()
            pltpu.sync_copy(rows, acc.at[didx.at[GROUP - 1]], add=True)

    pl.run_scoped(_pipeline, sem_a=pltpu.SemaphoreType.DMA,
                  sem_b=pltpu.SemaphoreType.DMA)
    plsc.subcore_barrier()

    def dbody(j, carry):
        pltpu.sync_copy(acc.at[pl.ds(s * RPT + j * ZCH, ZCH)],
                        rows.at[pl.ds(0, ZCH)])
        pltpu.sync_copy(rows.at[pl.ds(0, ZCH)],
                        out_h.at[pl.ds(base + j * ZCH, ZCH)])
        return carry

    lax.fori_loop(0, ZB, dbody, 0)


def _tc_sage(partials, cnt_partials, feats, WlT, bl, WrT, relu):
    Bn = 1024
    grid = (NP // Bn,)

    def body(p_ref, c_ref, f_ref, wl_ref, b_ref, wr_ref, o_ref):
        summed = p_ref[0] + p_ref[1]
        cnt = c_ref[0] + c_ref[1]
        agg = summed / jnp.maximum(cnt, 1.0)
        r = (jnp.dot(agg, wl_ref[...], preferred_element_type=jnp.float32,
                     precision=lax.Precision.HIGHEST)
             + jnp.dot(f_ref[...], wr_ref[...],
                       preferred_element_type=jnp.float32,
                       precision=lax.Precision.HIGHEST)
             + b_ref[...])
        if relu:
            r = jnp.maximum(r, 0.0)
        o_ref[...] = r

    return pl.pallas_call(
        body,
        grid=grid,
        in_specs=[
            pl.BlockSpec((NC, Bn, D), lambda i: (0, i, 0)),
            pl.BlockSpec((NC, Bn, D), lambda i: (0, i, 0)),
            pl.BlockSpec((Bn, D), lambda i: (i, 0)),
            pl.BlockSpec((D, D), lambda i: (0, 0)),
            pl.BlockSpec((1, D), lambda i: (0, 0)),
            pl.BlockSpec((D, D), lambda i: (0, 0)),
        ],
        out_specs=pl.BlockSpec((Bn, D), lambda i: (i, 0)),
        out_shape=jax.ShapeDtypeStruct((NP, D), jnp.float32),
    )(partials, cnt_partials, feats, WlT, bl, WrT)


def kernel(x, edge_index, W1l, b1l, W1r, W2l, b2l, W2r):
    src = edge_index[0].reshape(NW, NGROUP, GROUP, CHUNK)
    dst = edge_index[1].reshape(NW, NGROUP, GROUP, CHUNK)
    x_p = jnp.pad(x, ((0, NP - N), (0, 0)))

    zeros_f = jnp.zeros((CHUNK, D), jnp.float32)
    ones_mat = jnp.ones((NP, D), jnp.float32)

    cntp = _sc_feature_agg(ones_mat, src, dst, zeros_f).reshape(NC, NP, D)
    p1 = _sc_feature_agg(x_p, src, dst, zeros_f).reshape(NC, NP, D)
    h = _tc_sage(p1, cntp, x_p, W1l.T, b1l.reshape(1, D), W1r.T, relu=True)
    p2 = _sc_feature_agg(h, src, dst, zeros_f).reshape(NC, NP, D)
    out = _tc_sage(p2, cntp, h, W2l.T, b2l.reshape(1, D), W2r.T, relu=False)
    return out[:N]

# --- scband reference (transcript-rebuilt; emitter-appended) ---
"""Pipeline reference for scband-graph-sage-541165879479 (READ-ONLY COPY).

The authoritative reference and input builder live on the scoring server;
editing this copy changes nothing except your own understanding.
"""

import jax, jax.numpy as jnp
import numpy as np

N = 10000
E = 320000
D_IN = 128
D_HID = 128
D_OUT = 128


def setup_inputs(seed: int = 0) -> dict:
    key = jax.random.key(seed)
    ks = jax.random.split(key, 9)
    x = jax.random.normal(ks[0], (N, D_IN), dtype=jnp.float32)
    edge_index = jax.random.randint(ks[1], (2, E), 0, N, dtype=jnp.int32)
    s1 = 1.0 / np.sqrt(D_IN)
    s2 = 1.0 / np.sqrt(D_HID)
    # Layer 1 SAGEConv params: lin_l (neighbor agg, with bias), lin_r (root, no bias)
    W1l = jax.random.normal(ks[2], (D_HID, D_IN), dtype=jnp.float32) * s1
    b1l = jax.random.normal(ks[3], (D_HID,), dtype=jnp.float32) * s1
    W1r = jax.random.normal(ks[4], (D_HID, D_IN), dtype=jnp.float32) * s1
    # Layer 2 SAGEConv params
    W2l = jax.random.normal(ks[5], (D_OUT, D_HID), dtype=jnp.float32) * s2
    b2l = jax.random.normal(ks[6], (D_OUT,), dtype=jnp.float32) * s2
    W2r = jax.random.normal(ks[7], (D_OUT, D_HID), dtype=jnp.float32) * s2
    return {"x": x, "edge_index": edge_index, "W1l": W1l, "b1l": b1l, "W1r": W1r,
            "W2l": W2l, "b2l": b2l, "W2r": W2r}


def _sage_conv(x, src, dst, Wl, bl, Wr, num_nodes):
    # message: gather source node features
    msg = jnp.take(x, src, axis=0)
    # mean aggregation over incoming edges at dst
    summed = jax.ops.segment_sum(msg, dst, num_segments=num_nodes)
    cnt = jax.ops.segment_sum(jnp.ones((src.shape[0],), dtype=x.dtype), dst, num_segments=num_nodes)
    agg = summed / jnp.clip(cnt, 1.0, None)[:, None]
    return agg @ Wl.T + bl + x @ Wr.T


def reference(x, edge_index, W1l, b1l, W1r, W2l, b2l, W2r):
    src = edge_index[0]
    dst = edge_index[1]
    h = _sage_conv(x, src, dst, W1l, b1l, W1r, N)
    h = jax.nn.relu(h)
    # dropout inactive in eval mode
    out = _sage_conv(h, src, dst, W2l, b2l, W2r, N)
    return out

if __name__ == "__main__":
    import jax
    _d = setup_inputs()
    print(jax.jit(kernel)(*tuple(_d.values())))

</pallas_src>

<mosaic_0001>
#map = affine_map<(d0, d1) -> (0, 0)>
#map1 = affine_map<(d0, d1) -> (0, 0, 0, 0)>
module attributes {stable_mosaic.version = 14 : i64} {
  func.func @_sc_feature_agg(%arg0: i32, %arg1: i32, %arg2: memref<10240x128xf32, #tpu.memory_space<hbm>>, %arg3: memref<32x4x25x100xi32, #tpu.memory_space<hbm>>, %arg4: memref<32x4x25x100xi32, #tpu.memory_space<hbm>>, %arg5: memref<100x128xf32, #tpu.memory_space<hbm>>, %arg6: memref<20480x128xf32, #tpu.memory_space<hbm>>, %arg7: memref<25x100xi32, #tpu.memory_space<vmem>>, %arg8: memref<25x100xi32, #tpu.memory_space<vmem>>, %arg9: memref<100x128xf32, #tpu.memory_space<vmem>>, %arg10: memref<100x128xf32, #tpu.memory_space<vmem>>, %arg11: memref<10240x128xf32, #tpu.memory_space<vmem_shared>>) attributes {dimension_semantics = [#tpu.dimension_semantics<core_parallel>, #tpu.dimension_semantics<subcore_parallel>], iteration_bounds = array<i64: 2, 16>, scalar_prefetch = 0 : i64, scratch_operands = 5 : i64, tpu.core_type = #tpu.core_type<sc_vector_subcore>, window_params = [{transform_indices = #map}, {transform_indices = #map1}, {transform_indices = #map1}, {transform_indices = #map}, {transform_indices = #map}]} {
    %mul3A = arith.constant 16 : i32
    %mul3A_0 = arith.muli %arg0, %mul3A : i32
    %add3A = arith.addi %mul3A_0, %arg1 : i32
    %mul3A_1 = arith.constant 10240 : i32
    %mul3A_2 = arith.muli %arg0, %mul3A_1 : i32
    %mul3A_3 = arith.constant 640 : i32
    %mul3A_4 = arith.muli %arg1, %mul3A_3 : i32
    %add3A_5 = arith.addi %mul3A_2, %mul3A_4 : i32
    "tpu.region"() ({
      %run_scoped3A = tpu.sem_alloc : memref<!tpu.dma_semaphore, #tpu.memory_space<semaphore_mem>>
      tpu.enqueue_dma source(%arg5 : memref<100x128xf32, #tpu.memory_space<hbm>>) target(%arg9 : memref<100x128xf32, #tpu.memory_space<vmem>>) target_semaphore(%run_scoped3A : memref<!tpu.dma_semaphore, #tpu.memory_space<semaphore_mem>>)
      tpu.wait_dma2 semaphore(%run_scoped3A : memref<!tpu.dma_semaphore, #tpu.memory_space<semaphore_mem>>) src(%arg5 : memref<100x128xf32, #tpu.memory_space<hbm>>) dst(%arg9 : memref<100x128xf32, #tpu.memory_space<vmem>>)
      tpu.yield
    }) : () -> ()
    %scan3A = arith.constant 0 : i32
    %scan3A_6 = arith.constant 0 : i32
    %scan3A_7 = arith.constant 10 : i32
    %scan3A_8 = arith.addi %scan3A_6, %scan3A_7 : i32
    %scan3A_9 = arith.constant 1 : i32
    scf.for %scan3A_18 = %scan3A_6 to %scan3A_8 step %scan3A_9  : i32 {
      %mul3A_19 = arith.constant 640 : i32
      %mul3A_20 = arith.muli %arg1, %mul3A_19 : i32
      %mul3A_21 = arith.constant 64 : i32
      %mul3A_22 = arith.muli %scan3A_18, %mul3A_21 : i32
      %add3A_23 = arith.addi %mul3A_20, %mul3A_22 : i32
      "tpu.region"() ({
        %run_scoped3A = tpu.sem_alloc : memref<!tpu.dma_semaphore, #tpu.memory_space<semaphore_mem>>
        %dma_start3A = arith.constant 0 : i32
        %dma_start3A_24 = arith.constant 0 : i32
        %dma_start3A_25 = tpu.memref_slice %arg9[%dma_start3A, %dma_start3A_24] : memref<100x128xf32, #tpu.memory_space<vmem>> -> memref<64x128xf32, #tpu.memory_space<vmem>>
        %dma_start3A_26 = arith.constant 0 : i32
        %dma_start3A_27 = tpu.memref_slice %arg11[%add3A_23, %dma_start3A_26] : memref<10240x128xf32, #tpu.memory_space<vmem_shared>> -> memref<64x128xf32, #tpu.memory_space<vmem_shared>>
        %dma_start3A_28 = arith.constant 0 : i32
        %dma_start3A_29 = tpu.memref_slice %arg11[%add3A_23, %dma_start3A_28] : memref<10240x128xf32, #tpu.memory_space<vmem_shared>> -> memref<64x128xf32, #tpu.memory_space<vmem_shared>>
        %dma_start3A_30 = arith.constant 0 : i32
        %dma_start3A_31 = arith.constant 0 : i32
        %dma_start3A_32 = tpu.memref_slice %arg9[%dma_start3A_30, %dma_start3A_31] : memref<100x128xf32, #tpu.memory_space<vmem>> -> memref<64x128xf32, #tpu.memory_space<vmem>>
        tpu.enqueue_dma source(%dma_start3A_32 : memref<64x128xf32, #tpu.memory_space<vmem>>) target(%dma_start3A_29 : memref<64x128xf32, #tpu.memory_space<vmem_shared>>) target_semaphore(%run_scoped3A : memref<!tpu.dma_semaphore, #tpu.memory_space<semaphore_mem>>)
        %dma_wait3A = arith.constant 0 : i32
        %dma_wait3A_33 = arith.constant 0 : i32
        %dma_wait3A_34 = tpu.memref_slice %arg9[%dma_wait3A, %dma_wait3A_33] : memref<100x128xf32, #tpu.memory_space<vmem>> -> memref<64x128xf32, #tpu.memory_space<vmem>>
        %dma_wait3A_35 = arith.constant 0 : i32
        %dma_wait3A_36 = tpu.memref_slice %arg11[%add3A_23, %dma_wait3A_35] : memref<10240x128xf32, #tpu.memory_space<vmem_shared>> -> memref<64x128xf32, #tpu.memory_space<vmem_shared>>
        %dma_wait3A_37 = arith.constant 0 : i32
        %dma_wait3A_38 = tpu.memref_slice %arg11[%add3A_23, %dma_wait3A_37] : memref<10240x128xf32, #tpu.memory_space<vmem_shared>> -> memref<64x128xf32, #tpu.memory_space<vmem_shared>>
        %dma_wait3A_39 = arith.constant 0 : i32
        %dma_wait3A_40 = arith.constant 0 : i32
        %dma_wait3A_41 = tpu.memref_slice %arg9[%dma_wait3A_39, %dma_wait3A_40] : memref<100x128xf32, #tpu.memory_space<vmem>> -> memref<64x128xf32, #tpu.memory_space<vmem>>
        tpu.wait_dma2 semaphore(%run_scoped3A : memref<!tpu.dma_semaphore, #tpu.memory_space<semaphore_mem>>) src(%dma_wait3A_41 : memref<64x128xf32, #tpu.memory_space<vmem>>) dst(%dma_wait3A_38 : memref<64x128xf32, #tpu.memory_space<vmem_shared>>)
        tpu.yield
      }) : () -> ()
    }
    %scan3A_10 = arith.constant 10 : i32
    %barrier3A = arith.constant 0 : index
    tpu.barrier barrier_id(%barrier3A)
    "tpu.region"() ({
      %run_scoped3A = tpu.sem_alloc : memref<!tpu.dma_semaphore, #tpu.memory_space<semaphore_mem>>
      %run_scoped3A_18 = tpu.sem_alloc : memref<!tpu.dma_semaphore, #tpu.memory_space<semaphore_mem>>
      %run_scoped3A_19 = arith.constant 0 : i32
      "tpu.region"() ({
        %run_scoped3A_109 = tpu.sem_alloc : memref<!tpu.dma_semaphore, #tpu.memory_space<semaphore_mem>>
        %dma_start3A_110 = arith.constant 0 : i32
        %dma_start3A_111 = arith.constant 0 : i32
        %dma_start3A_112 = tpu.memref_slice %arg3[%add3A, %run_scoped3A_19, %dma_start3A_110, %dma_start3A_111] : memref<32x4x25x100xi32, #tpu.memory_space<hbm>> -> memref<1x1x25x100xi32, #tpu.memory_space<hbm>>
        %dma_start3A_113 = tpu.memref_squeeze %dma_start3A_112 : memref<1x1x25x100xi32, #tpu.memory_space<hbm>> -> memref<25x100xi32, #tpu.memory_space<hbm>>
        %dma_start3A_114 = arith.constant 0 : i32
        %dma_start3A_115 = arith.constant 0 : i32
        %dma_start3A_116 = tpu.memref_slice %arg3[%add3A, %run_scoped3A_19, %dma_start3A_114, %dma_start3A_115] : memref<32x4x25x100xi32, #tpu.memory_space<hbm>> -> memref<1x1x25x100xi32, #tpu.memory_space<hbm>>
        %dma_start3A_117 = tpu.memref_squeeze %dma_start3A_116 : memref<1x1x25x100xi32, #tpu.memory_space<hbm>> -> memref<25x100xi32, #tpu.memory_space<hbm>>
        tpu.enqueue_dma source(%dma_start3A_117 : memref<25x100xi32, #tpu.memory_space<hbm>>) target(%arg7 : memref<25x100xi32, #tpu.memory_space<vmem>>) target_semaphore(%run_scoped3A_109 : memref<!tpu.dma_semaphore, #tpu.memory_space<semaphore_mem>>)
        %dma_wait3A_118 = arith.constant 0 : i32
        %dma_wait3A_119 = arith.constant 0 : i32
        %dma_wait3A_120 = tpu.memref_slice %arg3[%add3A, %run_scoped3A_19, %dma_wait3A_118, %dma_wait3A_119] : memref<32x4x25x100xi32, #tpu.memory_space<hbm>> -> memref<1x1x25x100xi32, #tpu.memory_space<hbm>>
        %dma_wait3A_121 = tpu.memref_squeeze %dma_wait3A_120 : memref<1x1x25x100xi32, #tpu.memory_space<hbm>> -> memref<25x100xi32, #tpu.memory_space<hbm>>
        %dma_wait3A_122 = arith.constant 0 : i32
        %dma_wait3A_123 = arith.constant 0 : i32
        %dma_wait3A_124 = tpu.memref_slice %arg3[%add3A, %run_scoped3A_19, %dma_wait3A_122, %dma_wait3A_123] : memref<32x4x25x100xi32, #tpu.memory_space<hbm>> -> memref<1x1x25x100xi32, #tpu.memory_space<hbm>>
        %dma_wait3A_125 = tpu.memref_squeeze %dma_wait3A_124 : memref<1x1x25x100xi32, #tpu.memory_space<hbm>> -> memref<25x100xi32, #tpu.memory_space<hbm>>
        tpu.wait_dma2 semaphore(%run_scoped3A_109 : memref<!tpu.dma_semaphore, #tpu.memory_space<semaphore_mem>>) src(%dma_wait3A_125 : memref<25x100xi32, #tpu.memory_space<hbm>>) dst(%arg7 : memref<25x100xi32, #tpu.memory_space<vmem>>)
        tpu.yield
      }) : () -> ()
      %run_scoped3A_20 = arith.constant 0 : i32
      "tpu.region"() ({
        %run_scoped3A_109 = tpu.sem_alloc : memref<!tpu.dma_semaphore, #tpu.memory_space<semaphore_mem>>
        %dma_start3A_110 = arith.constant 0 : i32
        %dma_start3A_111 = arith.constant 0 : i32
        %dma_start3A_112 = tpu.memref_slice %arg4[%add3A, %run_scoped3A_20, %dma_start3A_110, %dma_start3A_111] : memref<32x4x25x100xi32, #tpu.memory_space<hbm>> -> memref<1x1x25x100xi32, #tpu.memory_space<hbm>>
        %dma_start3A_113 = tpu.memref_squeeze %dma_start3A_112 : memref<1x1x25x100xi32, #tpu.memory_space<hbm>> -> memref<25x100xi32, #tpu.memory_space<hbm>>
        %dma_start3A_114 = arith.constant 0 : i32
        %dma_start3A_115 = arith.constant 0 : i32
        %dma_start3A_116 = tpu.memref_slice %arg4[%add3A, %run_scoped3A_20, %dma_start3A_114, %dma_start3A_115] : memref<32x4x25x100xi32, #tpu.memory_space<hbm>> -> memref<1x1x25x100xi32, #tpu.memory_space<hbm>>
        %dma_start3A_117 = tpu.memref_squeeze %dma_start3A_116 : memref<1x1x25x100xi32, #tpu.memory_space<hbm>> -> memref<25x100xi32, #tpu.memory_space<hbm>>
        tpu.enqueue_dma source(%dma_start3A_117 : memref<25x100xi32, #tpu.memory_space<hbm>>) target(%arg8 : memref<25x100xi32, #tpu.memory_space<vmem>>) target_semaphore(%run_scoped3A_109 : memref<!tpu.dma_semaphore, #tpu.memory_space<semaphore_mem>>)
        %dma_wait3A_118 = arith.constant 0 : i32
        %dma_wait3A_119 = arith.constant 0 : i32
        %dma_wait3A_120 = tpu.memref_slice %arg4[%add3A, %run_scoped3A_20, %dma_wait3A_118, %dma_wait3A_119] : memref<32x4x25x100xi32, #tpu.memory_space<hbm>> -> memref<1x1x25x100xi32, #tpu.memory_space<hbm>>
        %dma_wait3A_121 = tpu.memref_squeeze %dma_wait3A_120 : memref<1x1x25x100xi32, #tpu.memory_space<hbm>> -> memref<25x100xi32, #tpu.memory_space<hbm>>
        %dma_wait3A_122 = arith.constant 0 : i32
        %dma_wait3A_123 = arith.constant 0 : i32
        %dma_wait3A_124 = tpu.memref_slice %arg4[%add3A, %run_scoped3A_20, %dma_wait3A_122, %dma_wait3A_123] : memref<32x4x25x100xi32, #tpu.memory_space<hbm>> -> memref<1x1x25x100xi32, #tpu.memory_space<hbm>>
        %dma_wait3A_125 = tpu.memref_squeeze %dma_wait3A_124 : memref<1x1x25x100xi32, #tpu.memory_space<hbm>> -> memref<25x100xi32, #tpu.memory_space<hbm>>
        tpu.wait_dma2 semaphore(%run_scoped3A_109 : memref<!tpu.dma_semaphore, #tpu.memory_space<semaphore_mem>>) src(%dma_wait3A_125 : memref<25x100xi32, #tpu.memory_space<hbm>>) dst(%arg8 : memref<25x100xi32, #tpu.memory_space<vmem>>)
        tpu.yield
      }) : () -> ()
      %dma_start3A = arith.constant 0 : i32
      %dma_start3A_21 = arith.constant 0 : i32
      %dma_start3A_22 = tpu.memref_slice %arg7[%dma_start3A, %dma_start3A_21] : memref<25x100xi32, #tpu.memory_space<vmem>> -> memref<1x100xi32, #tpu.memory_space<vmem>>
      %dma_start3A_23 = tpu.memref_squeeze %dma_start3A_22 : memref<1x100xi32, #tpu.memory_space<vmem>> -> memref<100xi32, #tpu.memory_space<vmem>>
      %dma_start3A_24 = arith.constant 0 : i32
      %dma_start3A_25 = arith.constant 0 : i32
      %dma_start3A_26 = tpu.memref_slice %arg2[%dma_start3A_24, %dma_start3A_25] : memref<10240x128xf32, #tpu.memory_space<hbm>> -> memref<10240x128xf32, #tpu.memory_space<hbm>>
      tpu.enqueue_indirect_dma source(%dma_start3A_26 : memref<10240x128xf32, #tpu.memory_space<hbm>>) target(%arg9 : memref<100x128xf32, #tpu.memory_space<vmem>>) offsets(%dma_start3A_23 : memref<100xi32, #tpu.memory_space<vmem>>) semaphore(%run_scoped3A : memref<!tpu.dma_semaphore, #tpu.memory_space<semaphore_mem>>)
      %scan3A_27 = arith.constant 0 : i32
      %scan3A_28 = arith.constant 0 : i32
      %scan3A_29 = arith.constant 12 : i32
      %scan3A_30 = arith.addi %scan3A_28, %scan3A_29 : i32
      %scan3A_31 = arith.constant 1 : i32
      scf.for %scan3A_109 = %scan3A_28 to %scan3A_30 step %scan3A_31  : i32 {
        %mul3A_110 = arith.constant 2 : i32
        %mul3A_111 = arith.muli %mul3A_110, %scan3A_109 : i32
        %add3A_112 = arith.constant 1 : i32
        %add3A_113 = arith.addi %mul3A_111, %add3A_112 : i32
        %dma_start3A_114 = arith.constant 0 : i32
        %dma_start3A_115 = tpu.memref_slice %arg7[%add3A_113, %dma_start3A_114] : memref<25x100xi32, #tpu.memory_space<vmem>> -> memref<1x100xi32, #tpu.memory_space<vmem>>
        %dma_start3A_116 = tpu.memref_squeeze %dma_start3A_115 : memref<1x100xi32, #tpu.memory_space<vmem>> -> memref<100xi32, #tpu.memory_space<vmem>>
        %dma_start3A_117 = arith.constant 0 : i32
        %dma_start3A_118 = arith.constant 0 : i32
        %dma_start3A_119 = tpu.memref_slice %arg2[%dma_start3A_117, %dma_start3A_118] : memref<10240x128xf32, #tpu.memory_space<hbm>> -> memref<10240x128xf32, #tpu.memory_space<hbm>>
        tpu.enqueue_indirect_dma source(%dma_start3A_119 : memref<10240x128xf32, #tpu.memory_space<hbm>>) target(%arg10 : memref<100x128xf32, #tpu.memory_space<vmem>>) offsets(%dma_start3A_116 : memref<100xi32, #tpu.memory_space<vmem>>) semaphore(%run_scoped3A_18 : memref<!tpu.dma_semaphore, #tpu.memory_space<semaphore_mem>>)
        %dma_wait3A_120 = arith.constant 0 : i32
        %dma_wait3A_121 = tpu.memref_slice %arg7[%mul3A_111, %dma_wait3A_120] : memref<25x100xi32, #tpu.memory_space<vmem>> -> memref<1x100xi32, #tpu.memory_space<vmem>>
        %dma_wait3A_122 = tpu.memref_squeeze %dma_wait3A_121 : memref<1x100xi32, #tpu.memory_space<vmem>> -> memref<100xi32, #tpu.memory_space<vmem>>
        %dma_wait3A_123 = arith.constant 0 : i32
        %dma_wait3A_124 = arith.constant 0 : i32
        %dma_wait3A_125 = tpu.memref_slice %arg2[%dma_wait3A_123, %dma_wait3A_124] : memref<10240x128xf32, #tpu.memory_space<hbm>> -> memref<10240x128xf32, #tpu.memory_space<hbm>>
        tpu.wait_indirect_dma semaphore(%run_scoped3A : memref<!tpu.dma_semaphore, #tpu.memory_space<semaphore_mem>>) src(%dma_wait3A_125 : memref<10240x128xf32, #tpu.memory_space<hbm>>) dst(%arg9 : memref<100x128xf32, #tpu.memory_space<vmem>>)
        "tpu.region"() ({
          %run_scoped3A_144 = tpu.sem_alloc : memref<!tpu.dma_semaphore, #tpu.memory_space<semaphore_mem>>
          %dma_start3A_145 = arith.constant 0 : i32
          %dma_start3A_146 = tpu.memref_slice %arg8[%mul3A_111, %dma_start3A_145] : memref<25x100xi32, #tpu.memory_space<vmem>> -> memref<1x100xi32, #tpu.memory_space<vmem>>
          %dma_start3A_147 = tpu.memref_squeeze %dma_start3A_146 : memref<1x100xi32, #tpu.memory_space<vmem>> -> memref<100xi32, #tpu.memory_space<vmem>>
          %dma_start3A_148 = arith.constant 0 : i32
          %dma_start3A_149 = arith.constant 0 : i32
          %dma_start3A_150 = tpu.memref_slice %arg11[%dma_start3A_148, %dma_start3A_149] : memref<10240x128xf32, #tpu.memory_space<vmem_shared>> -> memref<10240x128xf32, #tpu.memory_space<vmem_shared>>
          tpu.enqueue_indirect_dma source(%arg9 : memref<100x128xf32, #tpu.memory_space<vmem>>) target(%dma_start3A_150 : memref<10240x128xf32, #tpu.memory_space<vmem_shared>>) offsets(%dma_start3A_147 : memref<100xi32, #tpu.memory_space<vmem>>) semaphore(%run_scoped3A_144 : memref<!tpu.dma_semaphore, #tpu.memory_space<semaphore_mem>>) {add = true}
          %dma_wait3A_151 = arith.constant 0 : i32
          %dma_wait3A_152 = tpu.memref_slice %arg8[%mul3A_111, %dma_wait3A_151] : memref<25x100xi32, #tpu.memory_space<vmem>> -> memref<1x100xi32, #tpu.memory_space<vmem>>
          %dma_wait3A_153 = tpu.memref_squeeze %dma_wait3A_152 : memref<1x100xi32, #tpu.memory_space<vmem>> -> memref<100xi32, #tpu.memory_space<vmem>>
          %dma_wait3A_154 = arith.constant 0 : i32
          %dma_wait3A_155 = arith.constant 0 : i32
          %dma_wait3A_156 = tpu.memref_slice %arg11[%dma_wait3A_154, %dma_wait3A_155] : memref<10240x128xf32, #tpu.memory_space<vmem_shared>> -> memref<10240x128xf32, #tpu.memory_space<vmem_shared>>
          tpu.wait_indirect_dma semaphore(%run_scoped3A_144 : memref<!tpu.dma_semaphore, #tpu.memory_space<semaphore_mem>>) src(%arg9 : memref<100x128xf32, #tpu.memory_space<vmem>>) dst(%dma_wait3A_156 : memref<10240x128xf32, #tpu.memory_space<vmem_shared>>)
          tpu.yield
        }) : () -> ()
        %add3A_126 = arith.constant 2 : i32
        %add3A_127 = arith.addi %mul3A_111, %add3A_126 : i32
        %dma_start3A_128 = arith.constant 0 : i32
        %dma_start3A_129 = tpu.memref_slice %arg7[%add3A_127, %dma_start3A_128] : memref<25x100xi32, #tpu.memory_space<vmem>> -> memref<1x100xi32, #tpu.memory_space<vmem>>
        %dma_start3A_130 = tpu.memref_squeeze %dma_start3A_129 : memref<1x100xi32, #tpu.memory_space<vmem>> -> memref<100xi32, #tpu.memory_space<vmem>>
        %dma_start3A_131 = arith.constant 0 : i32
        %dma_start3A_132 = arith.constant 0 : i32
        %dma_start3A_133 = tpu.memref_slice %arg2[%dma_start3A_131, %dma_start3A_132] : memref<10240x128xf32, #tpu.memory_space<hbm>> -> memref<10240x128xf32, #tpu.memory_space<hbm>>
        tpu.enqueue_indirect_dma source(%dma_start3A_133 : memref<10240x128xf32, #tpu.memory_space<hbm>>) target(%arg9 : memref<100x128xf32, #tpu.memory_space<vmem>>) offsets(%dma_start3A_130 : memref<100xi32, #tpu.memory_space<vmem>>) semaphore(%run_scoped3A : memref<!tpu.dma_semaphore, #tpu.memory_space<semaphore_mem>>)
        %add3A_134 = arith.constant 1 : i32
        %add3A_135 = arith.addi %mul3A_111, %add3A_134 : i32
        %dma_wait3A_136 = arith.constant 0 : i32
        %dma_wait3A_137 = tpu.memref_slice %arg7[%add3A_135, %dma_wait3A_136] : memref<25x100xi32, #tpu.memory_space<vmem>> -> memref<1x100xi32, #tpu.memory_space<vmem>>
        %dma_wait3A_138 = tpu.memref_squeeze %dma_wait3A_137 : memref<1x100xi32, #tpu.memory_space<vmem>> -> memref<100xi32, #tpu.memory_space<vmem>>
        %dma_wait3A_139 = arith.constant 0 : i32
        %dma_wait3A_140 = arith.constant 0 : i32
        %dma_wait3A_141 = tpu.memref_slice %arg2[%dma_wait3A_139, %dma_wait3A_140] : memref<10240x128xf32, #tpu.memory_space<hbm>> -> memref<10240x128xf32, #tpu.memory_space<hbm>>
        tpu.wait_indirect_dma semaphore(%run_scoped3A_18 : memref<!tpu.dma_semaphore, #tpu.memory_space<semaphore_mem>>) src(%dma_wait3A_141 : memref<10240x128xf32, #tpu.memory_space<hbm>>) dst(%arg10 : memref<100x128xf32, #tpu.memory_space<vmem>>)
        %add3A_142 = arith.constant 1 : i32
        %add3A_143 = arith.addi %mul3A_111, %add3A_142 : i32
        "tpu.region"() ({
          %run_scoped3A_144 = tpu.sem_alloc : memref<!tpu.dma_semaphore, #tpu.memory_space<semaphore_mem>>
          %dma_start3A_145 = arith.constant 0 : i32
          %dma_start3A_146 = tpu.memref_slice %arg8[%add3A_143, %dma_start3A_145] : memref<25x100xi32, #tpu.memory_space<vmem>> -> memref<1x100xi32, #tpu.memory_space<vmem>>
          %dma_start3A_147 = tpu.memref_squeeze %dma_start3A_146 : memref<1x100xi32, #tpu.memory_space<vmem>> -> memref<100xi32, #tpu.memory_space<vmem>>
          %dma_start3A_148 = arith.constant 0 : i32
          %dma_start3A_149 = arith.constant 0 : i32
          %dma_start3A_150 = tpu.memref_slice %arg11[%dma_start3A_148, %dma_start3A_149] : memref<10240x128xf32, #tpu.memory_space<vmem_shared>> -> memref<10240x128xf32, #tpu.memory_space<vmem_shared>>
          tpu.enqueue_indirect_dma source(%arg10 : memref<100x128xf32, #tpu.memory_space<vmem>>) target(%dma_start3A_150 : memref<10240x128xf32, #tpu.memory_space<vmem_shared>>) offsets(%dma_start3A_147 : memref<100xi32, #tpu.memory_space<vmem>>) semaphore(%run_scoped3A_144 : memref<!tpu.dma_semaphore, #tpu.memory_space<semaphore_mem>>) {add = true}
          %dma_wait3A_151 = arith.constant 0 : i32
          %dma_wait3A_152 = tpu.memref_slice %arg8[%add3A_143, %dma_wait3A_151] : memref<25x100xi32, #tpu.memory_space<vmem>> -> memref<1x100xi32, #tpu.memory_space<vmem>>
          %dma_wait3A_153 = tpu.memref_squeeze %dma_wait3A_152 : memref<1x100xi32, #tpu.memory_space<vmem>> -> memref<100xi32, #tpu.memory_space<vmem>>
          %dma_wait3A_154 = arith.constant 0 : i32
          %dma_wait3A_155 = arith.constant 0 : i32
          %dma_wait3A_156 = tpu.memref_slice %arg11[%dma_wait3A_154, %dma_wait3A_155] : memref<10240x128xf32, #tpu.memory_space<vmem_shared>> -> memref<10240x128xf32, #tpu.memory_space<vmem_shared>>
          tpu.wait_indirect_dma semaphore(%run_scoped3A_144 : memref<!tpu.dma_semaphore, #tpu.memory_space<semaphore_mem>>) src(%arg10 : memref<100x128xf32, #tpu.memory_space<vmem>>) dst(%dma_wait3A_156 : memref<10240x128xf32, #tpu.memory_space<vmem_shared>>)
          tpu.yield
        }) : () -> ()
      }
      %scan3A_32 = arith.constant 12 : i32
      %dma_wait3A = arith.constant 24 : i32
      %dma_wait3A_33 = arith.constant 0 : i32
      %dma_wait3A_34 = tpu.memref_slice %arg7[%dma_wait3A, %dma_wait3A_33] : memref<25x100xi32, #tpu.memory_space<vmem>> -> memref<1x100xi32, #tpu.memory_space<vmem>>
      %dma_wait3A_35 = tpu.memref_squeeze %dma_wait3A_34 : memref<1x100xi32, #tpu.memory_space<vmem>> -> memref<100xi32, #tpu.memory_space<vmem>>
      %dma_wait3A_36 = arith.constant 0 : i32
      %dma_wait3A_37 = arith.constant 0 : i32
      %dma_wait3A_38 = tpu.memref_slice %arg2[%dma_wait3A_36, %dma_wait3A_37] : memref<10240x128xf32, #tpu.memory_space<hbm>> -> memref<10240x128xf32, #tpu.memory_space<hbm>>
      tpu.wait_indirect_dma semaphore(%run_scoped3A : memref<!tpu.dma_semaphore, #tpu.memory_space<semaphore_mem>>) src(%dma_wait3A_38 : memref<10240x128xf32, #tpu.memory_space<hbm>>) dst(%arg9 : memref<100x128xf32, #tpu.memory_space<vmem>>)
      %run_scoped3A_39 = arith.constant 24 : i32
      "tpu.region"() ({
        %run_scoped3A_109 = tpu.sem_alloc : memref<!tpu.dma_semaphore, #tpu.memory_space<semaphore_mem>>
        %dma_start3A_110 = arith.constant 0 : i32
        %dma_start3A_111 = tpu.memref_slice %arg8[%run_scoped3A_39, %dma_start3A_110] : memref<25x100xi32, #tpu.memory_space<vmem>> -> memref<1x100xi32, #tpu.memory_space<vmem>>
        %dma_start3A_112 = tpu.memref_squeeze %dma_start3A_111 : memref<1x100xi32, #tpu.memory_space<vmem>> -> memref<100xi32, #tpu.memory_space<vmem>>
        %dma_start3A_113 = arith.constant 0 : i32
        %dma_start3A_114 = arith.constant 0 : i32
        %dma_start3A_115 = tpu.memref_slice %arg11[%dma_start3A_113, %dma_start3A_114] : memref<10240x128xf32, #tpu.memory_space<vmem_shared>> -> memref<10240x128xf32, #tpu.memory_space<vmem_shared>>
        tpu.enqueue_indirect_dma source(%arg9 : memref<100x128xf32, #tpu.memory_space<vmem>>) target(%dma_start3A_115 : memref<10240x128xf32, #tpu.memory_space<vmem_shared>>) offsets(%dma_start3A_112 : memref<100xi32, #tpu.memory_space<vmem>>) semaphore(%run_scoped3A_109 : memref<!tpu.dma_semaphore, #tpu.memory_space<semaphore_mem>>) {add = true}
        %dma_wait3A_116 = arith.constant 0 : i32
        %dma_wait3A_117 = tpu.memref_slice %arg8[%run_scoped3A_39, %dma_wait3A_116] : memref<25x100xi32, #tpu.memory_space<vmem>> -> memref<1x100xi32, #tpu.memory_space<vmem>>
        %dma_wait3A_118 = tpu.memref_squeeze %dma_wait3A_117 : memref<1x100xi32, #tpu.memory_space<vmem>> -> memref<100xi32, #tpu.memory_space<vmem>>
        %dma_wait3A_119 = arith.constant 0 : i32
        %dma_wait3A_120 = arith.constant 0 : i32
        %dma_wait3A_121 = tpu.memref_slice %arg11[%dma_wait3A_119, %dma_wait3A_120] : memref<10240x128xf32, #tpu.memory_space<vmem_shared>> -> memref<10240x128xf32, #tpu.memory_space<vmem_shared>>
        tpu.wait_indirect_dma semaphore(%run_scoped3A_109 : memref<!tpu.dma_semaphore, #tpu.memory_space<semaphore_mem>>) src(%arg9 : memref<100x128xf32, #tpu.memory_space<vmem>>) dst(%dma_wait3A_121 : memref<10240x128xf32, #tpu.memory_space<vmem_shared>>)
        tpu.yield
      }) : () -> ()
      %run_scoped3A_40 = arith.constant 1 : i32
      "tpu.region"() ({
        %run_scoped3A_109 = tpu.sem_alloc : memref<!tpu.dma_semaphore, #tpu.memory_space<semaphore_mem>>
        %dma_start3A_110 = arith.constant 0 : i32
        %dma_start3A_111 = arith.constant 0 : i32
        %dma_start3A_112 = tpu.memref_slice %arg3[%add3A, %run_scoped3A_40, %dma_start3A_110, %dma_start3A_111] : memref<32x4x25x100xi32, #tpu.memory_space<hbm>> -> memref<1x1x25x100xi32, #tpu.memory_space<hbm>>
        %dma_start3A_113 = tpu.memref_squeeze %dma_start3A_112 : memref<1x1x25x100xi32, #tpu.memory_space<hbm>> -> memref<25x100xi32, #tpu.memory_space<hbm>>
        %dma_start3A_114 = arith.constant 0 : i32
        %dma_start3A_115 = arith.constant 0 : i32
        %dma_start3A_116 = tpu.memref_slice %arg3[%add3A, %run_scoped3A_40, %dma_start3A_114, %dma_start3A_115] : memref<32x4x25x100xi32, #tpu.memory_space<hbm>> -> memref<1x1x25x100xi32, #tpu.memory_space<hbm>>
        %dma_start3A_117 = tpu.memref_squeeze %dma_start3A_116 : memref<1x1x25x100xi32, #tpu.memory_space<hbm>> -> memref<25x100xi32, #tpu.memory_space<hbm>>
        tpu.enqueue_dma source(%dma_start3A_117 : memref<25x100xi32, #tpu.memory_space<hbm>>) target(%arg7 : memref<25x100xi32, #tpu.memory_space<vmem>>) target_semaphore(%run_scoped3A_109 : memref<!tpu.dma_semaphore, #tpu.memory_space<semaphore_mem>>)
        %dma_wait3A_118 = arith.constant 0 : i32
        %dma_wait3A_119 = arith.constant 0 : i32
        %dma_wait3A_120 = tpu.memref_slice %arg3[%add3A, %run_scoped3A_40, %dma_wait3A_118, %dma_wait3A_119] : memref<32x4x25x100xi32, #tpu.memory_space<hbm>> -> memref<1x1x25x100xi32, #tpu.memory_space<hbm>>
        %dma_wait3A_121 = tpu.memref_squeeze %dma_wait3A_120 : memref<1x1x25x100xi32, #tpu.memory_space<hbm>> -> memref<25x100xi32, #tpu.memory_space<hbm>>
        %dma_wait3A_122 = arith.constant 0 : i32
        %dma_wait3A_123 = arith.constant 0 : i32
        %dma_wait3A_124 = tpu.memref_slice %arg3[%add3A, %run_scoped3A_40, %dma_wait3A_122, %dma_wait3A_123] : memref<32x4x25x100xi32, #tpu.memory_space<hbm>> -> memref<1x1x25x100xi32, #tpu.memory_space<hbm>>
        %dma_wait3A_125 = tpu.memref_squeeze %dma_wait3A_124 : memref<1x1x25x100xi32, #tpu.memory_space<hbm>> -> memref<25x100xi32, #tpu.memory_space<hbm>>
        tpu.wait_dma2 semaphore(%run_scoped3A_109 : memref<!tpu.dma_semaphore, #tpu.memory_space<semaphore_mem>>) src(%dma_wait3A_125 : memref<25x100xi32, #tpu.memory_space<hbm>>) dst(%arg7 : memref<25x100xi32, #tpu.memory_space<vmem>>)
        tpu.yield
      }) : () -> ()
      %run_scoped3A_41 = arith.constant 1 : i32
      "tpu.region"() ({
        %run_scoped3A_109 = tpu.sem_alloc : memref<!tpu.dma_semaphore, #tpu.memory_space<semaphore_mem>>
        %dma_start3A_110 = arith.constant 0 : i32
        %dma_start3A_111 = arith.constant 0 : i32
        %dma_start3A_112 = tpu.memref_slice %arg4[%add3A, %run_scoped3A_41, %dma_start3A_110, %dma_start3A_111] : memref<32x4x25x100xi32, #tpu.memory_space<hbm>> -> memref<1x1x25x100xi32, #tpu.memory_space<hbm>>
        %dma_start3A_113 = tpu.memref_squeeze %dma_start3A_112 : memref<1x1x25x100xi32, #tpu.memory_space<hbm>> -> memref<25x100xi32, #tpu.memory_space<hbm>>
        %dma_start3A_114 = arith.constant 0 : i32
        %dma_start3A_115 = arith.constant 0 : i32
        %dma_start3A_116 = tpu.memref_slice %arg4[%add3A, %run_scoped3A_41, %dma_start3A_114, %dma_start3A_115] : memref<32x4x25x100xi32, #tpu.memory_space<hbm>> -> memref<1x1x25x100xi32, #tpu.memory_space<hbm>>
        %dma_start3A_117 = tpu.memref_squeeze %dma_start3A_116 : memref<1x1x25x100xi32, #tpu.memory_space<hbm>> -> memref<25x100xi32, #tpu.memory_space<hbm>>
        tpu.enqueue_dma source(%dma_start3A_117 : memref<25x100xi32, #tpu.memory_space<hbm>>) target(%arg8 : memref<25x100xi32, #tpu.memory_space<vmem>>) target_semaphore(%run_scoped3A_109 : memref<!tpu.dma_semaphore, #tpu.memory_space<semaphore_mem>>)
        %dma_wait3A_118 = arith.constant 0 : i32
        %dma_wait3A_119 = arith.constant 0 : i32
        %dma_wait3A_120 = tpu.memref_slice %arg4[%add3A, %run_scoped3A_41, %dma_wait3A_118, %dma_wait3A_119] : memref<32x4x25x100xi32, #tpu.memory_space<hbm>> -> memref<1x1x25x100xi32, #tpu.memory_space<hbm>>
        %dma_wait3A_121 = tpu.memref_squeeze %dma_wait3A_120 : memref<1x1x25x100xi32, #tpu.memory_space<hbm>> -> memref<25x100xi32, #tpu.memory_space<hbm>>
        %dma_wait3A_122 = arith.constant 0 : i32
        %dma_wait3A_123 = arith.constant 0 : i32
        %dma_wait3A_124 = tpu.memref_slice %arg4[%add3A, %run_scoped3A_41, %dma_wait3A_122, %dma_wait3A_123] : memref<32x4x25x100xi32, #tpu.memory_space<hbm>> -> memref<1x1x25x100xi32, #tpu.memory_space<hbm>>
        %dma_wait3A_125 = tpu.memref_squeeze %dma_wait3A_124 : memref<1x1x25x100xi32, #tpu.memory_space<hbm>> -> memref<25x100xi32, #tpu.memory_space<hbm>>
        tpu.wait_dma2 semaphore(%run_scoped3A_109 : memref<!tpu.dma_semaphore, #tpu.memory_space<semaphore_mem>>) src(%dma_wait3A_125 : memref<25x100xi32, #tpu.memory_space<hbm>>) dst(%arg8 : memref<25x100xi32, #tpu.memory_space<vmem>>)
        tpu.yield
      }) : () -> ()
      %dma_start3A_42 = arith.constant 0 : i32
      %dma_start3A_43 = arith.constant 0 : i32
      %dma_start3A_44 = tpu.memref_slice %arg7[%dma_start3A_42, %dma_start3A_43] : memref<25x100xi32, #tpu.memory_space<vmem>> -> memref<1x100xi32, #tpu.memory_space<vmem>>
      %dma_start3A_45 = tpu.memref_squeeze %dma_start3A_44 : memref<1x100xi32, #tpu.memory_space<vmem>> -> memref<100xi32, #tpu.memory_space<vmem>>
      %dma_start3A_46 = arith.constant 0 : i32
      %dma_start3A_47 = arith.constant 0 : i32
      %dma_start3A_48 = tpu.memref_slice %arg2[%dma_start3A_46, %dma_start3A_47] : memref<10240x128xf32, #tpu.memory_space<hbm>> -> memref<10240x128xf32, #tpu.memory_space<hbm>>
      tpu.enqueue_indirect_dma source(%dma_start3A_48 : memref<10240x128xf32, #tpu.memory_space<hbm>>) target(%arg9 : memref<100x128xf32, #tpu.memory_space<vmem>>) offsets(%dma_start3A_45 : memref<100xi32, #tpu.memory_space<vmem>>) semaphore(%run_scoped3A : memref<!tpu.dma_semaphore, #tpu.memory_space<semaphore_mem>>)
      %scan3A_49 = arith.constant 0 : i32
      %scan3A_50 = arith.constant 0 : i32
      %scan3A_51 = arith.constant 12 : i32
      %scan3A_52 = arith.addi %scan3A_50, %scan3A_51 : i32
      %scan3A_53 = arith.constant 1 : i32
      scf.for %scan3A_109 = %scan3A_50 to %scan3A_52 step %scan3A_53  : i32 {
        %mul3A_110 = arith.constant 2 : i32
        %mul3A_111 = arith.muli %mul3A_110, %scan3A_109 : i32
        %add3A_112 = arith.constant 1 : i32
        %add3A_113 = arith.addi %mul3A_111, %add3A_112 : i32
        %dma_start3A_114 = arith.constant 0 : i32
        %dma_start3A_115 = tpu.memref_slice %arg7[%add3A_113, %dma_start3A_114] : memref<25x100xi32, #tpu.memory_space<vmem>> -> memref<1x100xi32, #tpu.memory_space<vmem>>
        %dma_start3A_116 = tpu.memref_squeeze %dma_start3A_115 : memref<1x100xi32, #tpu.memory_space<vmem>> -> memref<100xi32, #tpu.memory_space<vmem>>
        %dma_start3A_117 = arith.constant 0 : i32
        %dma_start3A_118 = arith.constant 0 : i32
        %dma_start3A_119 = tpu.memref_slice %arg2[%dma_start3A_117, %dma_start3A_118] : memref<10240x128xf32, #tpu.memory_space<hbm>> -> memref<10240x128xf32, #tpu.memory_space<hbm>>
        tpu.enqueue_indirect_dma source(%dma_start3A_119 : memref<10240x128xf32, #tpu.memory_space<hbm>>) target(%arg10 : memref<100x128xf32, #tpu.memory_space<vmem>>) offsets(%dma_start3A_116 : memref<100xi32, #tpu.memory_space<vmem>>) semaphore(%run_scoped3A_18 : memref<!tpu.dma_semaphore, #tpu.memory_space<semaphore_mem>>)
        %dma_wait3A_120 = arith.constant 0 : i32
        %dma_wait3A_121 = tpu.memref_slice %arg7[%mul3A_111, %dma_wait3A_120] : memref<25x100xi32, #tpu.memory_space<vmem>> -> memref<1x100xi32, #tpu.memory_space<vmem>>
        %dma_wait3A_122 = tpu.memref_squeeze %dma_wait3A_121 : memref<1x100xi32, #tpu.memory_space<vmem>> -> memref<100xi32, #tpu.memory_space<vmem>>
        %dma_wait3A_123 = arith.constant 0 : i32
        %dma_wait3A_124 = arith.constant 0 : i32
        %dma_wait3A_125 = tpu.memref_slice %arg2[%dma_wait3A_123, %dma_wait3A_124] : memref<10240x128xf32, #tpu.memory_space<hbm>> -> memref<10240x128xf32, #tpu.memory_space<hbm>>
        tpu.wait_indirect_dma semaphore(%run_scoped3A : memref<!tpu.dma_semaphore, #tpu.memory_space<semaphore_mem>>) src(%dma_wait3A_125 : memref<10240x128xf32, #tpu.memory_space<hbm>>) dst(%arg9 : memref<100x128xf32, #tpu.memory_space<vmem>>)
        "tpu.region"() ({
          %run_scoped3A_144 = tpu.sem_alloc : memref<!tpu.dma_semaphore, #tpu.memory_space<semaphore_mem>>
          %dma_start3A_145 = arith.constant 0 : i32
          %dma_start3A_146 = tpu.memref_slice %arg8[%mul3A_111, %dma_start3A_145] : memref<25x100xi32, #tpu.memory_space<vmem>> -> memref<1x100xi32, #tpu.memory_space<vmem>>
          %dma_start3A_147 = tpu.memref_squeeze %dma_start3A_146 : memref<1x100xi32, #tpu.memory_space<vmem>> -> memref<100xi32, #tpu.memory_space<vmem>>
          %dma_start3A_148 = arith.constant 0 : i32
          %dma_start3A_149 = arith.constant 0 : i32
          %dma_start3A_150 = tpu.memref_slice %arg11[%dma_start3A_148, %dma_start3A_149] : memref<10240x128xf32, #tpu.memory_space<vmem_shared>> -> memref<10240x128xf32, #tpu.memory_space<vmem_shared>>
          tpu.enqueue_indirect_dma source(%arg9 : memref<100x128xf32, #tpu.memory_space<vmem>>) target(%dma_start3A_150 : memref<10240x128xf32, #tpu.memory_space<vmem_shared>>) offsets(%dma_start3A_147 : memref<100xi32, #tpu.memory_space<vmem>>) semaphore(%run_scoped3A_144 : memref<!tpu.dma_semaphore, #tpu.memory_space<semaphore_mem>>) {add = true}
          %dma_wait3A_151 = arith.constant 0 : i32
          %dma_wait3A_152 = tpu.memref_slice %arg8[%mul3A_111, %dma_wait3A_151] : memref<25x100xi32, #tpu.memory_space<vmem>> -> memref<1x100xi32, #tpu.memory_space<vmem>>
          %dma_wait3A_153 = tpu.memref_squeeze %dma_wait3A_152 : memref<1x100xi32, #tpu.memory_space<vmem>> -> memref<100xi32, #tpu.memory_space<vmem>>
          %dma_wait3A_154 = arith.constant 0 : i32
          %dma_wait3A_155 = arith.constant 0 : i32
          %dma_wait3A_156 = tpu.memref_slice %arg11[%dma_wait3A_154, %dma_wait3A_155] : memref<10240x128xf32, #tpu.memory_space<vmem_shared>> -> memref<10240x128xf32, #tpu.memory_space<vmem_shared>>
          tpu.wait_indirect_dma semaphore(%run_scoped3A_144 : memref<!tpu.dma_semaphore, #tpu.memory_space<semaphore_mem>>) src(%arg9 : memref<100x128xf32, #tpu.memory_space<vmem>>) dst(%dma_wait3A_156 : memref<10240x128xf32, #tpu.memory_space<vmem_shared>>)
          tpu.yield
        }) : () -> ()
        %add3A_126 = arith.constant 2 : i32
        %add3A_127 = arith.addi %mul3A_111, %add3A_126 : i32
        %dma_start3A_128 = arith.constant 0 : i32
        %dma_start3A_129 = tpu.memref_slice %arg7[%add3A_127, %dma_start3A_128] : memref<25x100xi32, #tpu.memory_space<vmem>> -> memref<1x100xi32, #tpu.memory_space<vmem>>
        %dma_start3A_130 = tpu.memref_squeeze %dma_start3A_129 : memref<1x100xi32, #tpu.memory_space<vmem>> -> memref<100xi32, #tpu.memory_space<vmem>>
        %dma_start3A_131 = arith.constant 0 : i32
        %dma_start3A_132 = arith.constant 0 : i32
        %dma_start3A_133 = tpu.memref_slice %arg2[%dma_start3A_131, %dma_start3A_132] : memref<10240x128xf32, #tpu.memory_space<hbm>> -> memref<10240x128xf32, #tpu.memory_space<hbm>>
        tpu.enqueue_indirect_dma source(%dma_start3A_133 : memref<10240x128xf32, #tpu.memory_space<hbm>>) target(%arg9 : memref<100x128xf32, #tpu.memory_space<vmem>>) offsets(%dma_start3A_130 : memref<100xi32, #tpu.memory_space<vmem>>) semaphore(%run_scoped3A : memref<!tpu.dma_semaphore, #tpu.memory_space<semaphore_mem>>)
        %add3A_134 = arith.constant 1 : i32
        %add3A_135 = arith.addi %mul3A_111, %add3A_134 : i32
        %dma_wait3A_136 = arith.constant 0 : i32
        %dma_wait3A_137 = tpu.memref_slice %arg7[%add3A_135, %dma_wait3A_136] : memref<25x100xi32, #tpu.memory_space<vmem>> -> memref<1x100xi32, #tpu.memory_space<vmem>>
        %dma_wait3A_138 = tpu.memref_squeeze %dma_wait3A_137 : memref<1x100xi32, #tpu.memory_space<vmem>> -> memref<100xi32, #tpu.memory_space<vmem>>
        %dma_wait3A_139 = arith.constant 0 : i32
        %dma_wait3A_140 = arith.constant 0 : i32
        %dma_wait3A_141 = tpu.memref_slice %arg2[%dma_wait3A_139, %dma_wait3A_140] : memref<10240x128xf32, #tpu.memory_space<hbm>> -> memref<10240x128xf32, #tpu.memory_space<hbm>>
        tpu.wait_indirect_dma semaphore(%run_scoped3A_18 : memref<!tpu.dma_semaphore, #tpu.memory_space<semaphore_mem>>) src(%dma_wait3A_141 : memref<10240x128xf32, #tpu.memory_space<hbm>>) dst(%arg10 : memref<100x128xf32, #tpu.memory_space<vmem>>)
        %add3A_142 = arith.constant 1 : i32
        %add3A_143 = arith.addi %mul3A_111, %add3A_142 : i32
        "tpu.region"() ({
          %run_scoped3A_144 = tpu.sem_alloc : memref<!tpu.dma_semaphore, #tpu.memory_space<semaphore_mem>>
          %dma_start3A_145 = arith.constant 0 : i32
          %dma_start3A_146 = tpu.memref_slice %arg8[%add3A_143, %dma_start3A_145] : memref<25x100xi32, #tpu.memory_space<vmem>> -> memref<1x100xi32, #tpu.memory_space<vmem>>
          %dma_start3A_147 = tpu.memref_squeeze %dma_start3A_146 : memref<1x100xi32, #tpu.memory_space<vmem>> -> memref<100xi32, #tpu.memory_space<vmem>>
          %dma_start3A_148 = arith.constant 0 : i32
          %dma_start3A_149 = arith.constant 0 : i32
          %dma_start3A_150 = tpu.memref_slice %arg11[%dma_start3A_148, %dma_start3A_149] : memref<10240x128xf32, #tpu.memory_space<vmem_shared>> -> memref<10240x128xf32, #tpu.memory_space<vmem_shared>>
          tpu.enqueue_indirect_dma source(%arg10 : memref<100x128xf32, #tpu.memory_space<vmem>>) target(%dma_start3A_150 : memref<10240x128xf32, #tpu.memory_space<vmem_shared>>) offsets(%dma_start3A_147 : memref<100xi32, #tpu.memory_space<vmem>>) semaphore(%run_scoped3A_144 : memref<!tpu.dma_semaphore, #tpu.memory_space<semaphore_mem>>) {add = true}
          %dma_wait3A_151 = arith.constant 0 : i32
          %dma_wait3A_152 = tpu.memref_slice %arg8[%add3A_143, %dma_wait3A_151] : memref<25x100xi32, #tpu.memory_space<vmem>> -> memref<1x100xi32, #tpu.memory_space<vmem>>
          %dma_wait3A_153 = tpu.memref_squeeze %dma_wait3A_152 : memref<1x100xi32, #tpu.memory_space<vmem>> -> memref<100xi32, #tpu.memory_space<vmem>>
          %dma_wait3A_154 = arith.constant 0 : i32
          %dma_wait3A_155 = arith.constant 0 : i32
          %dma_wait3A_156 = tpu.memref_slice %arg11[%dma_wait3A_154, %dma_wait3A_155] : memref<10240x128xf32, #tpu.memory_space<vmem_shared>> -> memref<10240x128xf32, #tpu.memory_space<vmem_shared>>
          tpu.wait_indirect_dma semaphore(%run_scoped3A_144 : memref<!tpu.dma_semaphore, #tpu.memory_space<semaphore_mem>>) src(%arg10 : memref<100x128xf32, #tpu.memory_space<vmem>>) dst(%dma_wait3A_156 : memref<10240x128xf32, #tpu.memory_space<vmem_shared>>)
          tpu.yield
        }) : () -> ()
      }
      %scan3A_54 = arith.constant 12 : i32
      %dma_wait3A_55 = arith.constant 24 : i32
      %dma_wait3A_56 = arith.constant 0 : i32
      %dma_wait3A_57 = tpu.memref_slice %arg7[%dma_wait3A_55, %dma_wait3A_56] : memref<25x100xi32, #tpu.memory_space<vmem>> -> memref<1x100xi32, #tpu.memory_space<vmem>>
      %dma_wait3A_58 = tpu.memref_squeeze %dma_wait3A_57 : memref<1x100xi32, #tpu.memory_space<vmem>> -> memref<100xi32, #tpu.memory_space<vmem>>
      %dma_wait3A_59 = arith.constant 0 : i32
      %dma_wait3A_60 = arith.constant 0 : i32
      %dma_wait3A_61 = tpu.memref_slice %arg2[%dma_wait3A_59, %dma_wait3A_60] : memref<10240x128xf32, #tpu.memory_space<hbm>> -> memref<10240x128xf32, #tpu.memory_space<hbm>>
      tpu.wait_indirect_dma semaphore(%run_scoped3A : memref<!tpu.dma_semaphore, #tpu.memory_space<semaphore_mem>>) src(%dma_wait3A_61 : memref<10240x128xf32, #tpu.memory_space<hbm>>) dst(%arg9 : memref<100x128xf32, #tpu.memory_space<vmem>>)
      %run_scoped3A_62 = arith.constant 24 : i32
      "tpu.region"() ({
        %run_scoped3A_109 = tpu.sem_alloc : memref<!tpu.dma_semaphore, #tpu.memory_space<semaphore_mem>>
        %dma_start3A_110 = arith.constant 0 : i32
        %dma_start3A_111 = tpu.memref_slice %arg8[%run_scoped3A_62, %dma_start3A_110] : memref<25x100xi32, #tpu.memory_space<vmem>> -> memref<1x100xi32, #tpu.memory_space<vmem>>
        %dma_start3A_112 = tpu.memref_squeeze %dma_start3A_111 : memref<1x100xi32, #tpu.memory_space<vmem>> -> memref<100xi32, #tpu.memory_space<vmem>>
        %dma_start3A_113 = arith.constant 0 : i32
        %dma_start3A_114 = arith.constant 0 : i32
        %dma_start3A_115 = tpu.memref_slice %arg11[%dma_start3A_113, %dma_start3A_114] : memref<10240x128xf32, #tpu.memory_space<vmem_shared>> -> memref<10240x128xf32, #tpu.memory_space<vmem_shared>>
        tpu.enqueue_indirect_dma source(%arg9 : memref<100x128xf32, #tpu.memory_space<vmem>>) target(%dma_start3A_115 : memref<10240x128xf32, #tpu.memory_space<vmem_shared>>) offsets(%dma_start3A_112 : memref<100xi32, #tpu.memory_space<vmem>>) semaphore(%run_scoped3A_109 : memref<!tpu.dma_semaphore, #tpu.memory_space<semaphore_mem>>) {add = true}
        %dma_wait3A_116 = arith.constant 0 : i32
        %dma_wait3A_117 = tpu.memref_slice %arg8[%run_scoped3A_62, %dma_wait3A_116] : memref<25x100xi32, #tpu.memory_space<vmem>> -> memref<1x100xi32, #tpu.memory_space<vmem>>
        %dma_wait3A_118 = tpu.memref_squeeze %dma_wait3A_117 : memref<1x100xi32, #tpu.memory_space<vmem>> -> memref<100xi32, #tpu.memory_space<vmem>>
        %dma_wait3A_119 = arith.constant 0 : i32
        %dma_wait3A_120 = arith.constant 0 : i32
        %dma_wait3A_121 = tpu.memref_slice %arg11[%dma_wait3A_119, %dma_wait3A_120] : memref<10240x128xf32, #tpu.memory_space<vmem_shared>> -> memref<10240x128xf32, #tpu.memory_space<vmem_shared>>
        tpu.wait_indirect_dma semaphore(%run_scoped3A_109 : memref<!tpu.dma_semaphore, #tpu.memory_space<semaphore_mem>>) src(%arg9 : memref<100x128xf32, #tpu.memory_space<vmem>>) dst(%dma_wait3A_121 : memref<10240x128xf32, #tpu.memory_space<vmem_shared>>)
        tpu.yield
      }) : () -> ()
      %run_scoped3A_63 = arith.constant 2 : i32
      "tpu.region"() ({
        %run_scoped3A_109 = tpu.sem_alloc : memref<!tpu.dma_semaphore, #tpu.memory_space<semaphore_mem>>
        %dma_start3A_110 = arith.constant 0 : i32
        %dma_start3A_111 = arith.constant 0 : i32
        %dma_start3A_112 = tpu.memref_slice %arg3[%add3A, %run_scoped3A_63, %dma_start3A_110, %dma_start3A_111] : memref<32x4x25x100xi32, #tpu.memory_space<hbm>> -> memref<1x1x25x100xi32, #tpu.memory_space<hbm>>
        %dma_start3A_113 = tpu.memref_squeeze %dma_start3A_112 : memref<1x1x25x100xi32, #tpu.memory_space<hbm>> -> memref<25x100xi32, #tpu.memory_space<hbm>>
        %dma_start3A_114 = arith.constant 0 : i32
        %dma_start3A_115 = arith.constant 0 : i32
        %dma_start3A_116 = tpu.memref_slice %arg3[%add3A, %run_scoped3A_63, %dma_start3A_114, %dma_start3A_115] : memref<32x4x25x100xi32, #tpu.memory_space<hbm>> -> memref<1x1x25x100xi32, #tpu.memory_space<hbm>>
        %dma_start3A_117 = tpu.memref_squeeze %dma_start3A_116 : memref<1x1x25x100xi32, #tpu.memory_space<hbm>> -> memref<25x100xi32, #tpu.memory_space<hbm>>
        tpu.enqueue_dma source(%dma_start3A_117 : memref<25x100xi32, #tpu.memory_space<hbm>>) target(%arg7 : memref<25x100xi32, #tpu.memory_space<vmem>>) target_semaphore(%run_scoped3A_109 : memref<!tpu.dma_semaphore, #tpu.memory_space<semaphore_mem>>)
        %dma_wait3A_118 = arith.constant 0 : i32
        %dma_wait3A_119 = arith.constant 0 : i32
        %dma_wait3A_120 = tpu.memref_slice %arg3[%add3A, %run_scoped3A_63, %dma_wait3A_118, %dma_wait3A_119] : memref<32x4x25x100xi32, #tpu.memory_space<hbm>> -> memref<1x1x25x100xi32, #tpu.memory_space<hbm>>
        %dma_wait3A_121 = tpu.memref_squeeze %dma_wait3A_120 : memref<1x1x25x100xi32, #tpu.memory_space<hbm>> -> memref<25x100xi32, #tpu.memory_space<hbm>>
        %dma_wait3A_122 = arith.constant 0 : i32
        %dma_wait3A_123 = arith.constant 0 : i32
        %dma_wait3A_124 = tpu.memref_slice %arg3[%add3A, %run_scoped3A_63, %dma_wait3A_122, %dma_wait3A_123] : memref<32x4x25x100xi32, #tpu.memory_space<hbm>> -> memref<1x1x25x100xi32, #tpu.memory_space<hbm>>
        %dma_wait3A_125 = tpu.memref_squeeze %dma_wait3A_124 : memref<1x1x25x100xi32, #tpu.memory_space<hbm>> -> memref<25x100xi32, #tpu.memory_space<hbm>>
        tpu.wait_dma2 semaphore(%run_scoped3A_109 : memref<!tpu.dma_semaphore, #tpu.memory_space<semaphore_mem>>) src(%dma_wait3A_125 : memref<25x100xi32, #tpu.memory_space<hbm>>) dst(%arg7 : memref<25x100xi32, #tpu.memory_space<vmem>>)
        tpu.yield
      }) : () -> ()
      %run_scoped3A_64 = arith.constant 2 : i32
      "tpu.region"() ({
        %run_scoped3A_109 = tpu.sem_alloc : memref<!tpu.dma_semaphore, #tpu.memory_space<semaphore_mem>>
        %dma_start3A_110 = arith.constant 0 : i32
        %dma_start3A_111 = arith.constant 0 : i32
        %dma_start3A_112 = tpu.memref_slice %arg4[%add3A, %run_scoped3A_64, %dma_start3A_110, %dma_start3A_111] : memref<32x4x25x100xi32, #tpu.memory_space<hbm>> -> memref<1x1x25x100xi32, #tpu.memory_space<hbm>>
        %dma_start3A_113 = tpu.memref_squeeze %dma_start3A_112 : memref<1x1x25x100xi32, #tpu.memory_space<hbm>> -> memref<25x100xi32, #tpu.memory_space<hbm>>
        %dma_start3A_114 = arith.constant 0 : i32
        %dma_start3A_115 = arith.constant 0 : i32
        %dma_start3A_116 = tpu.memref_slice %arg4[%add3A, %run_scoped3A_64, %dma_start3A_114, %dma_start3A_115] : memref<32x4x25x100xi32, #tpu.memory_space<hbm>> -> memref<1x1x25x100xi32, #tpu.memory_space<hbm>>
        %dma_start3A_117 = tpu.memref_squeeze %dma_start3A_116 : memref<1x1x25x100xi32, #tpu.memory_space<hbm>> -> memref<25x100xi32, #tpu.memory_space<hbm>>
        tpu.enqueue_dma source(%dma_start3A_117 : memref<25x100xi32, #tpu.memory_space<hbm>>) target(%arg8 : memref<25x100xi32, #tpu.memory_space<vmem>>) target_semaphore(%run_scoped3A_109 : memref<!tpu.dma_semaphore, #tpu.memory_space<semaphore_mem>>)
        %dma_wait3A_118 = arith.constant 0 : i32
        %dma_wait3A_119 = arith.constant 0 : i32
        %dma_wait3A_120 = tpu.memref_slice %arg4[%add3A, %run_scoped3A_64, %dma_wait3A_118, %dma_wait3A_119] : memref<32x4x25x100xi32, #tpu.memory_space<hbm>> -> memref<1x1x25x100xi32, #tpu.memory_space<hbm>>
        %dma_wait3A_121 = tpu.memref_squeeze %dma_wait3A_120 : memref<1x1x25x100xi32, #tpu.memory_space<hbm>> -> memref<25x100xi32, #tpu.memory_space<hbm>>
        %dma_wait3A_122 = arith.constant 0 : i32
        %dma_wait3A_123 = arith.constant 0 : i32
        %dma_wait3A_124 = tpu.memref_slice %arg4[%add3A, %run_scoped3A_64, %dma_wait3A_122, %dma_wait3A_123] : memref<32x4x25x100xi32, #tpu.memory_space<hbm>> -> memref<1x1x25x100xi32, #tpu.memory_space<hbm>>
        %dma_wait3A_125 = tpu.memref_squeeze %dma_wait3A_124 : memref<1x1x25x100xi32, #tpu.memory_space<hbm>> -> memref<25x100xi32, #tpu.memory_space<hbm>>
        tpu.wait_dma2 semaphore(%run_scoped3A_109 : memref<!tpu.dma_semaphore, #tpu.memory_space<semaphore_mem>>) src(%dma_wait3A_125 : memref<25x100xi32, #tpu.memory_space<hbm>>) dst(%arg8 : memref<25x100xi32, #tpu.memory_space<vmem>>)
        tpu.yield
      }) : () -> ()
      %dma_start3A_65 = arith.constant 0 : i32
      %dma_start3A_66 = arith.constant 0 : i32
      %dma_start3A_67 = tpu.memref_slice %arg7[%dma_start3A_65, %dma_start3A_66] : memref<25x100xi32, #tpu.memory_space<vmem>> -> memref<1x100xi32, #tpu.memory_space<vmem>>
      %dma_start3A_68 = tpu.memref_squeeze %dma_start3A_67 : memref<1x100xi32, #tpu.memory_space<vmem>> -> memref<100xi32, #tpu.memory_space<vmem>>
      %dma_start3A_69 = arith.constant 0 : i32
      %dma_start3A_70 = arith.constant 0 : i32
      %dma_start3A_71 = tpu.memref_slice %arg2[%dma_start3A_69, %dma_start3A_70] : memref<10240x128xf32, #tpu.memory_space<hbm>> -> memref<10240x128xf32, #tpu.memory_space<hbm>>
      tpu.enqueue_indirect_dma source(%dma_start3A_71 : memref<10240x128xf32, #tpu.memory_space<hbm>>) target(%arg9 : memref<100x128xf32, #tpu.memory_space<vmem>>) offsets(%dma_start3A_68 : memref<100xi32, #tpu.memory_space<vmem>>) semaphore(%run_scoped3A : memref<!tpu.dma_semaphore, #tpu.memory_space<semaphore_mem>>)
      %scan3A_72 = arith.constant 0 : i32
      %scan3A_73 = arith.constant 0 : i32
      %scan3A_74 = arith.constant 12 : i32
      %scan3A_75 = arith.addi %scan3A_73, %scan3A_74 : i32
      %scan3A_76 = arith.constant 1 : i32
      scf.for %scan3A_109 = %scan3A_73 to %scan3A_75 step %scan3A_76  : i32 {
        %mul3A_110 = arith.constant 2 : i32
        %mul3A_111 = arith.muli %mul3A_110, %scan3A_109 : i32
        %add3A_112 = arith.constant 1 : i32
        %add3A_113 = arith.addi %mul3A_111, %add3A_112 : i32
        %dma_start3A_114 = arith.constant 0 : i32
        %dma_start3A_115 = tpu.memref_slice %arg7[%add3A_113, %dma_start3A_114] : memref<25x100xi32, #tpu.memory_space<vmem>> -> memref<1x100xi32, #tpu.memory_space<vmem>>
        %dma_start3A_116 = tpu.memref_squeeze %dma_start3A_115 : memref<1x100xi32, #tpu.memory_space<vmem>> -> memref<100xi32, #tpu.memory_space<vmem>>
        %dma_start3A_117 = arith.constant 0 : i32
        %dma_start3A_118 = arith.constant 0 : i32
        %dma_start3A_119 = tpu.memref_slice %arg2[%dma_start3A_117, %dma_start3A_118] : memref<10240x128xf32, #tpu.memory_space<hbm>> -> memref<10240x128xf32, #tpu.memory_space<hbm>>
        tpu.enqueue_indirect_dma source(%dma_start3A_119 : memref<10240x128xf32, #tpu.memory_space<hbm>>) target(%arg10 : memref<100x128xf32, #tpu.memory_space<vmem>>) offsets(%dma_start3A_116 : memref<100xi32, #tpu.memory_space<vmem>>) semaphore(%run_scoped3A_18 : memref<!tpu.dma_semaphore, #tpu.memory_space<semaphore_mem>>)
        %dma_wait3A_120 = arith.constant 0 : i32
        %dma_wait3A_121 = tpu.memref_slice %arg7[%mul3A_111, %dma_wait3A_120] : memref<25x100xi32, #tpu.memory_space<vmem>> -> memref<1x100xi32, #tpu.memory_space<vmem>>
        %dma_wait3A_122 = tpu.memref_squeeze %dma_wait3A_121 : memref<1x100xi32, #tpu.memory_space<vmem>> -> memref<100xi32, #tpu.memory_space<vmem>>
        %dma_wait3A_123 = arith.constant 0 : i32
        %dma_wait3A_124 = arith.constant 0 : i32
        %dma_wait3A_125 = tpu.memref_slice %arg2[%dma_wait3A_123, %dma_wait3A_124] : memref<10240x128xf32, #tpu.memory_space<hbm>> -> memref<10240x128xf32, #tpu.memory_space<hbm>>
        tpu.wait_indirect_dma semaphore(%run_scoped3A : memref<!tpu.dma_semaphore, #tpu.memory_space<semaphore_mem>>) src(%dma_wait3A_125 : memref<10240x128xf32, #tpu.memory_space<hbm>>) dst(%arg9 : memref<100x128xf32, #tpu.memory_space<vmem>>)
        "tpu.region"() ({
          %run_scoped3A_144 = tpu.sem_alloc : memref<!tpu.dma_semaphore, #tpu.memory_space<semaphore_mem>>
          %dma_start3A_145 = arith.constant 0 : i32
          %dma_start3A_146 = tpu.memref_slice %arg8[%mul3A_111, %dma_start3A_145] : memref<25x100xi32, #tpu.memory_space<vmem>> -> memref<1x100xi32, #tpu.memory_space<vmem>>
          %dma_start3A_147 = tpu.memref_squeeze %dma_start3A_146 : memref<1x100xi32, #tpu.memory_space<vmem>> -> memref<100xi32, #tpu.memory_space<vmem>>
          %dma_start3A_148 = arith.constant 0 : i32
          %dma_start3A_149 = arith.constant 0 : i32
          %dma_start3A_150 = tpu.memref_slice %arg11[%dma_start3A_148, %dma_start3A_149] : memref<10240x128xf32, #tpu.memory_space<vmem_shared>> -> memref<10240x128xf32, #tpu.memory_space<vmem_shared>>
          tpu.enqueue_indirect_dma source(%arg9 : memref<100x128xf32, #tpu.memory_space<vmem>>) target(%dma_start3A_150 : memref<10240x128xf32, #tpu.memory_space<vmem_shared>>) offsets(%dma_start3A_147 : memref<100xi32, #tpu.memory_space<vmem>>) semaphore(%run_scoped3A_144 : memref<!tpu.dma_semaphore, #tpu.memory_space<semaphore_mem>>) {add = true}
          %dma_wait3A_151 = arith.constant 0 : i32
          %dma_wait3A_152 = tpu.memref_slice %arg8[%mul3A_111, %dma_wait3A_151] : memref<25x100xi32, #tpu.memory_space<vmem>> -> memref<1x100xi32, #tpu.memory_space<vmem>>
          %dma_wait3A_153 = tpu.memref_squeeze %dma_wait3A_152 : memref<1x100xi32, #tpu.memory_space<vmem>> -> memref<100xi32, #tpu.memory_space<vmem>>
          %dma_wait3A_154 = arith.constant 0 : i32
          %dma_wait3A_155 = arith.constant 0 : i32
          %dma_wait3A_156 = tpu.memref_slice %arg11[%dma_wait3A_154, %dma_wait3A_155] : memref<10240x128xf32, #tpu.memory_space<vmem_shared>> -> memref<10240x128xf32, #tpu.memory_space<vmem_shared>>
          tpu.wait_indirect_dma semaphore(%run_scoped3A_144 : memref<!tpu.dma_semaphore, #tpu.memory_space<semaphore_mem>>) src(%arg9 : memref<100x128xf32, #tpu.memory_space<vmem>>) dst(%dma_wait3A_156 : memref<10240x128xf32, #tpu.memory_space<vmem_shared>>)
          tpu.yield
        }) : () -> ()
        %add3A_126 = arith.constant 2 : i32
        %add3A_127 = arith.addi %mul3A_111, %add3A_126 : i32
        %dma_start3A_128 = arith.constant 0 : i32
        %dma_start3A_129 = tpu.memref_slice %arg7[%add3A_127, %dma_start3A_128] : memref<25x100xi32, #tpu.memory_space<vmem>> -> memref<1x100xi32, #tpu.memory_space<vmem>>
        %dma_start3A_130 = tpu.memref_squeeze %dma_start3A_129 : memref<1x100xi32, #tpu.memory_space<vmem>> -> memref<100xi32, #tpu.memory_space<vmem>>
        %dma_start3A_131 = arith.constant 0 : i32
        %dma_start3A_132 = arith.constant 0 : i32
        %dma_start3A_133 = tpu.memref_slice %arg2[%dma_start3A_131, %dma_start3A_132] : memref<10240x128xf32, #tpu.memory_space<hbm>> -> memref<10240x128xf32, #tpu.memory_space<hbm>>
        tpu.enqueue_indirect_dma source(%dma_start3A_133 : memref<10240x128xf32, #tpu.memory_space<hbm>>) target(%arg9 : memref<100x128xf32, #tpu.memory_space<vmem>>) offsets(%dma_start3A_130 : memref<100xi32, #tpu.memory_space<vmem>>) semaphore(%run_scoped3A : memref<!tpu.dma_semaphore, #tpu.memory_space<semaphore_mem>>)
        %add3A_134 = arith.constant 1 : i32
        %add3A_135 = arith.addi %mul3A_111, %add3A_134 : i32
        %dma_wait3A_136 = arith.constant 0 : i32
        %dma_wait3A_137 = tpu.memref_slice %arg7[%add3A_135, %dma_wait3A_136] : memref<25x100xi32, #tpu.memory_space<vmem>> -> memref<1x100xi32, #tpu.memory_space<vmem>>
        %dma_wait3A_138 = tpu.memref_squeeze %dma_wait3A_137 : memref<1x100xi32, #tpu.memory_space<vmem>> -> memref<100xi32, #tpu.memory_space<vmem>>
        %dma_wait3A_139 = arith.constant 0 : i32
        %dma_wait3A_140 = arith.constant 0 : i32
        %dma_wait3A_141 = tpu.memref_slice %arg2[%dma_wait3A_139, %dma_wait3A_140] : memref<10240x128xf32, #tpu.memory_space<hbm>> -> memref<10240x128xf32, #tpu.memory_space<hbm>>
        tpu.wait_indirect_dma semaphore(%run_scoped3A_18 : memref<!tpu.dma_semaphore, #tpu.memory_space<semaphore_mem>>) src(%dma_wait3A_141 : memref<10240x128xf32, #tpu.memory_space<hbm>>) dst(%arg10 : memref<100x128xf32, #tpu.memory_space<vmem>>)
        %add3A_142 = arith.constant 1 : i32
        %add3A_143 = arith.addi %mul3A_111, %add3A_142 : i32
        "tpu.region"() ({
          %run_scoped3A_144 = tpu.sem_alloc : memref<!tpu.dma_semaphore, #tpu.memory_space<semaphore_mem>>
          %dma_start3A_145 = arith.constant 0 : i32
          %dma_start3A_146 = tpu.memref_slice %arg8[%add3A_143, %dma_start3A_145] : memref<25x100xi32, #tpu.memory_space<vmem>> -> memref<1x100xi32, #tpu.memory_space<vmem>>
          %dma_start3A_147 = tpu.memref_squeeze %dma_start3A_146 : memref<1x100xi32, #tpu.memory_space<vmem>> -> memref<100xi32, #tpu.memory_space<vmem>>
          %dma_start3A_148 = arith.constant 0 : i32
          %dma_start3A_149 = arith.constant 0 : i32
          %dma_start3A_150 = tpu.memref_slice %arg11[%dma_start3A_148, %dma_start3A_149] : memref<10240x128xf32, #tpu.memory_space<vmem_shared>> -> memref<10240x128xf32, #tpu.memory_space<vmem_shared>>
          tpu.enqueue_indirect_dma source(%arg10 : memref<100x128xf32, #tpu.memory_space<vmem>>) target(%dma_start3A_150 : memref<10240x128xf32, #tpu.memory_space<vmem_shared>>) offsets(%dma_start3A_147 : memref<100xi32, #tpu.memory_space<vmem>>) semaphore(%run_scoped3A_144 : memref<!tpu.dma_semaphore, #tpu.memory_space<semaphore_mem>>) {add = true}
          %dma_wait3A_151 = arith.constant 0 : i32
          %dma_wait3A_152 = tpu.memref_slice %arg8[%add3A_143, %dma_wait3A_151] : memref<25x100xi32, #tpu.memory_space<vmem>> -> memref<1x100xi32, #tpu.memory_space<vmem>>
          %dma_wait3A_153 = tpu.memref_squeeze %dma_wait3A_152 : memref<1x100xi32, #tpu.memory_space<vmem>> -> memref<100xi32, #tpu.memory_space<vmem>>
          %dma_wait3A_154 = arith.constant 0 : i32
          %dma_wait3A_155 = arith.constant 0 : i32
          %dma_wait3A_156 = tpu.memref_slice %arg11[%dma_wait3A_154, %dma_wait3A_155] : memref<10240x128xf32, #tpu.memory_space<vmem_shared>> -> memref<10240x128xf32, #tpu.memory_space<vmem_shared>>
          tpu.wait_indirect_dma semaphore(%run_scoped3A_144 : memref<!tpu.dma_semaphore, #tpu.memory_space<semaphore_mem>>) src(%arg10 : memref<100x128xf32, #tpu.memory_space<vmem>>) dst(%dma_wait3A_156 : memref<10240x128xf32, #tpu.memory_space<vmem_shared>>)
          tpu.yield
        }) : () -> ()
      }
      %scan3A_77 = arith.constant 12 : i32
      %dma_wait3A_78 = arith.constant 24 : i32
      %dma_wait3A_79 = arith.constant 0 : i32
      %dma_wait3A_80 = tpu.memref_slice %arg7[%dma_wait3A_78, %dma_wait3A_79] : memref<25x100xi32, #tpu.memory_space<vmem>> -> memref<1x100xi32, #tpu.memory_space<vmem>>
      %dma_wait3A_81 = tpu.memref_squeeze %dma_wait3A_80 : memref<1x100xi32, #tpu.memory_space<vmem>> -> memref<100xi32, #tpu.memory_space<vmem>>
      %dma_wait3A_82 = arith.constant 0 : i32
      %dma_wait3A_83 = arith.constant 0 : i32
      %dma_wait3A_84 = tpu.memref_slice %arg2[%dma_wait3A_82, %dma_wait3A_83] : memref<10240x128xf32, #tpu.memory_space<hbm>> -> memref<10240x128xf32, #tpu.memory_space<hbm>>
      tpu.wait_indirect_dma semaphore(%run_scoped3A : memref<!tpu.dma_semaphore, #tpu.memory_space<semaphore_mem>>) src(%dma_wait3A_84 : memref<10240x128xf32, #tpu.memory_space<hbm>>) dst(%arg9 : memref<100x128xf32, #tpu.memory_space<vmem>>)
      %run_scoped3A_85 = arith.constant 24 : i32
      "tpu.region"() ({
        %run_scoped3A_109 = tpu.sem_alloc : memref<!tpu.dma_semaphore, #tpu.memory_space<semaphore_mem>>
        %dma_start3A_110 = arith.constant 0 : i32
        %dma_start3A_111 = tpu.memref_slice %arg8[%run_scoped3A_85, %dma_start3A_110] : memref<25x100xi32, #tpu.memory_space<vmem>> -> memref<1x100xi32, #tpu.memory_space<vmem>>
        %dma_start3A_112 = tpu.memref_squeeze %dma_start3A_111 : memref<1x100xi32, #tpu.memory_space<vmem>> -> memref<100xi32, #tpu.memory_space<vmem>>
        %dma_start3A_113 = arith.constant 0 : i32
        %dma_start3A_114 = arith.constant 0 : i32
        %dma_start3A_115 = tpu.memref_slice %arg11[%dma_start3A_113, %dma_start3A_114] : memref<10240x128xf32, #tpu.memory_space<vmem_shared>> -> memref<10240x128xf32, #tpu.memory_space<vmem_shared>>
        tpu.enqueue_indirect_dma source(%arg9 : memref<100x128xf32, #tpu.memory_space<vmem>>) target(%dma_start3A_115 : memref<10240x128xf32, #tpu.memory_space<vmem_shared>>) offsets(%dma_start3A_112 : memref<100xi32, #tpu.memory_space<vmem>>) semaphore(%run_scoped3A_109 : memref<!tpu.dma_semaphore, #tpu.memory_space<semaphore_mem>>) {add = true}
        %dma_wait3A_116 = arith.constant 0 : i32
        %dma_wait3A_117 = tpu.memref_slice %arg8[%run_scoped3A_85, %dma_wait3A_116] : memref<25x100xi32, #tpu.memory_space<vmem>> -> memref<1x100xi32, #tpu.memory_space<vmem>>
        %dma_wait3A_118 = tpu.memref_squeeze %dma_wait3A_117 : memref<1x100xi32, #tpu.memory_space<vmem>> -> memref<100xi32, #tpu.memory_space<vmem>>
        %dma_wait3A_119 = arith.constant 0 : i32
        %dma_wait3A_120 = arith.constant 0 : i32
        %dma_wait3A_121 = tpu.memref_slice %arg11[%dma_wait3A_119, %dma_wait3A_120] : memref<10240x128xf32, #tpu.memory_space<vmem_shared>> -> memref<10240x128xf32, #tpu.memory_space<vmem_shared>>
        tpu.wait_indirect_dma semaphore(%run_scoped3A_109 : memref<!tpu.dma_semaphore, #tpu.memory_space<semaphore_mem>>) src(%arg9 : memref<100x128xf32, #tpu.memory_space<vmem>>) dst(%dma_wait3A_121 : memref<10240x128xf32, #tpu.memory_space<vmem_shared>>)
        tpu.yield
      }) : () -> ()
      %run_scoped3A_86 = arith.constant 3 : i32
      "tpu.region"() ({
        %run_scoped3A_109 = tpu.sem_alloc : memref<!tpu.dma_semaphore, #tpu.memory_space<semaphore_mem>>
        %dma_start3A_110 = arith.constant 0 : i32
        %dma_start3A_111 = arith.constant 0 : i32
        %dma_start3A_112 = tpu.memref_slice %arg3[%add3A, %run_scoped3A_86, %dma_start3A_110, %dma_start3A_111] : memref<32x4x25x100xi32, #tpu.memory_space<hbm>> -> memref<1x1x25x100xi32, #tpu.memory_space<hbm>>
        %dma_start3A_113 = tpu.memref_squeeze %dma_start3A_112 : memref<1x1x25x100xi32, #tpu.memory_space<hbm>> -> memref<25x100xi32, #tpu.memory_space<hbm>>
        %dma_start3A_114 = arith.constant 0 : i32
        %dma_start3A_115 = arith.constant 0 : i32
        %dma_start3A_116 = tpu.memref_slice %arg3[%add3A, %run_scoped3A_86, %dma_start3A_114, %dma_start3A_115] : memref<32x4x25x100xi32, #tpu.memory_space<hbm>> -> memref<1x1x25x100xi32, #tpu.memory_space<hbm>>
        %dma_start3A_117 = tpu.memref_squeeze %dma_start3A_116 : memref<1x1x25x100xi32, #tpu.memory_space<hbm>> -> memref<25x100xi32, #tpu.memory_space<hbm>>
        tpu.enqueue_dma source(%dma_start3A_117 : memref<25x100xi32, #tpu.memory_space<hbm>>) target(%arg7 : memref<25x100xi32, #tpu.memory_space<vmem>>) target_semaphore(%run_scoped3A_109 : memref<!tpu.dma_semaphore, #tpu.memory_space<semaphore_mem>>)
        %dma_wait3A_118 = arith.constant 0 : i32
        %dma_wait3A_119 = arith.constant 0 : i32
        %dma_wait3A_120 = tpu.memref_slice %arg3[%add3A, %run_scoped3A_86, %dma_wait3A_118, %dma_wait3A_119] : memref<32x4x25x100xi32, #tpu.memory_space<hbm>> -> memref<1x1x25x100xi32, #tpu.memory_space<hbm>>
        %dma_wait3A_121 = tpu.memref_squeeze %dma_wait3A_120 : memref<1x1x25x100xi32, #tpu.memory_space<hbm>> -> memref<25x100xi32, #tpu.memory_space<hbm>>
        %dma_wait3A_122 = arith.constant 0 : i32
        %dma_wait3A_123 = arith.constant 0 : i32
        %dma_wait3A_124 = tpu.memref_slice %arg3[%add3A, %run_scoped3A_86, %dma_wait3A_122, %dma_wait3A_123] : memref<32x4x25x100xi32, #tpu.memory_space<hbm>> -> memref<1x1x25x100xi32, #tpu.memory_space<hbm>>
        %dma_wait3A_125 = tpu.memref_squeeze %dma_wait3A_124 : memref<1x1x25x100xi32, #tpu.memory_space<hbm>> -> memref<25x100xi32, #tpu.memory_space<hbm>>
        tpu.wait_dma2 semaphore(%run_scoped3A_109 : memref<!tpu.dma_semaphore, #tpu.memory_space<semaphore_mem>>) src(%dma_wait3A_125 : memref<25x100xi32, #tpu.memory_space<hbm>>) dst(%arg7 : memref<25x100xi32, #tpu.memory_space<vmem>>)
        tpu.yield
      }) : () -> ()
      %run_scoped3A_87 = arith.constant 3 : i32
      "tpu.region"() ({
        %run_scoped3A_109 = tpu.sem_alloc : memref<!tpu.dma_semaphore, #tpu.memory_space<semaphore_mem>>
        %dma_start3A_110 = arith.constant 0 : i32
        %dma_start3A_111 = arith.constant 0 : i32
        %dma_start3A_112 = tpu.memref_slice %arg4[%add3A, %run_scoped3A_87, %dma_start3A_110, %dma_start3A_111] : memref<32x4x25x100xi32, #tpu.memory_space<hbm>> -> memref<1x1x25x100xi32, #tpu.memory_space<hbm>>
        %dma_start3A_113 = tpu.memref_squeeze %dma_start3A_112 : memref<1x1x25x100xi32, #tpu.memory_space<hbm>> -> memref<25x100xi32, #tpu.memory_space<hbm>>
        %dma_start3A_114 = arith.constant 0 : i32
        %dma_start3A_115 = arith.constant 0 : i32
        %dma_start3A_116 = tpu.memref_slice %arg4[%add3A, %run_scoped3A_87, %dma_start3A_114, %dma_start3A_115] : memref<32x4x25x100xi32, #tpu.memory_space<hbm>> -> memref<1x1x25x100xi32, #tpu.memory_space<hbm>>
        %dma_start3A_117 = tpu.memref_squeeze %dma_start3A_116 : memref<1x1x25x100xi32, #tpu.memory_space<hbm>> -> memref<25x100xi32, #tpu.memory_space<hbm>>
        tpu.enqueue_dma source(%dma_start3A_117 : memref<25x100xi32, #tpu.memory_space<hbm>>) target(%arg8 : memref<25x100xi32, #tpu.memory_space<vmem>>) target_semaphore(%run_scoped3A_109 : memref<!tpu.dma_semaphore, #tpu.memory_space<semaphore_mem>>)
        %dma_wait3A_118 = arith.constant 0 : i32
        %dma_wait3A_119 = arith.constant 0 : i32
        %dma_wait3A_120 = tpu.memref_slice %arg4[%add3A, %run_scoped3A_87, %dma_wait3A_118, %dma_wait3A_119] : memref<32x4x25x100xi32, #tpu.memory_space<hbm>> -> memref<1x1x25x100xi32, #tpu.memory_space<hbm>>
        %dma_wait3A_121 = tpu.memref_squeeze %dma_wait3A_120 : memref<1x1x25x100xi32, #tpu.memory_space<hbm>> -> memref<25x100xi32, #tpu.memory_space<hbm>>
        %dma_wait3A_122 = arith.constant 0 : i32
        %dma_wait3A_123 = arith.constant 0 : i32
        %dma_wait3A_124 = tpu.memref_slice %arg4[%add3A, %run_scoped3A_87, %dma_wait3A_122, %dma_wait3A_123] : memref<32x4x25x100xi32, #tpu.memory_space<hbm>> -> memref<1x1x25x100xi32, #tpu.memory_space<hbm>>
        %dma_wait3A_125 = tpu.memref_squeeze %dma_wait3A_124 : memref<1x1x25x100xi32, #tpu.memory_space<hbm>> -> memref<25x100xi32, #tpu.memory_space<hbm>>
        tpu.wait_dma2 semaphore(%run_scoped3A_109 : memref<!tpu.dma_semaphore, #tpu.memory_space<semaphore_mem>>) src(%dma_wait3A_125 : memref<25x100xi32, #tpu.memory_space<hbm>>) dst(%arg8 : memref<25x100xi32, #tpu.memory_space<vmem>>)
        tpu.yield
      }) : () -> ()
      %dma_start3A_88 = arith.constant 0 : i32
      %dma_start3A_89 = arith.constant 0 : i32
      %dma_start3A_90 = tpu.memref_slice %arg7[%dma_start3A_88, %dma_start3A_89] : memref<25x100xi32, #tpu.memory_space<vmem>> -> memref<1x100xi32, #tpu.memory_space<vmem>>
      %dma_start3A_91 = tpu.memref_squeeze %dma_start3A_90 : memref<1x100xi32, #tpu.memory_space<vmem>> -> memref<100xi32, #tpu.memory_space<vmem>>
      %dma_start3A_92 = arith.constant 0 : i32
      %dma_start3A_93 = arith.constant 0 : i32
      %dma_start3A_94 = tpu.memref_slice %arg2[%dma_start3A_92, %dma_start3A_93] : memref<10240x128xf32, #tpu.memory_space<hbm>> -> memref<10240x128xf32, #tpu.memory_space<hbm>>
      tpu.enqueue_indirect_dma source(%dma_start3A_94 : memref<10240x128xf32, #tpu.memory_space<hbm>>) target(%arg9 : memref<100x128xf32, #tpu.memory_space<vmem>>) offsets(%dma_start3A_91 : memref<100xi32, #tpu.memory_space<vmem>>) semaphore(%run_scoped3A : memref<!tpu.dma_semaphore, #tpu.memory_space<semaphore_mem>>)
      %scan3A_95 = arith.constant 0 : i32
      %scan3A_96 = arith.constant 0 : i32
      %scan3A_97 = arith.constant 12 : i32
      %scan3A_98 = arith.addi %scan3A_96, %scan3A_97 : i32
      %scan3A_99 = arith.constant 1 : i32
      scf.for %scan3A_109 = %scan3A_96 to %scan3A_98 step %scan3A_99  : i32 {
        %mul3A_110 = arith.constant 2 : i32
        %mul3A_111 = arith.muli %mul3A_110, %scan3A_109 : i32
        %add3A_112 = arith.constant 1 : i32
        %add3A_113 = arith.addi %mul3A_111, %add3A_112 : i32
        %dma_start3A_114 = arith.constant 0 : i32
        %dma_start3A_115 = tpu.memref_slice %arg7[%add3A_113, %dma_start3A_114] : memref<25x100xi32, #tpu.memory_space<vmem>> -> memref<1x100xi32, #tpu.memory_space<vmem>>
        %dma_start3A_116 = tpu.memref_squeeze %dma_start3A_115 : memref<1x100xi32, #tpu.memory_space<vmem>> -> memref<100xi32, #tpu.memory_space<vmem>>
        %dma_start3A_117 = arith.constant 0 : i32
        %dma_start3A_118 = arith.constant 0 : i32
        %dma_start3A_119 = tpu.memref_slice %arg2[%dma_start3A_117, %dma_start3A_118] : memref<10240x128xf32, #tpu.memory_space<hbm>> -> memref<10240x128xf32, #tpu.memory_space<hbm>>
        tpu.enqueue_indirect_dma source(%dma_start3A_119 : memref<10240x128xf32, #tpu.memory_space<hbm>>) target(%arg10 : memref<100x128xf32, #tpu.memory_space<vmem>>) offsets(%dma_start3A_116 : memref<100xi32, #tpu.memory_space<vmem>>) semaphore(%run_scoped3A_18 : memref<!tpu.dma_semaphore, #tpu.memory_space<semaphore_mem>>)
        %dma_wait3A_120 = arith.constant 0 : i32
        %dma_wait3A_121 = tpu.memref_slice %arg7[%mul3A_111, %dma_wait3A_120] : memref<25x100xi32, #tpu.memory_space<vmem>> -> memref<1x100xi32, #tpu.memory_space<vmem>>
        %dma_wait3A_122 = tpu.memref_squeeze %dma_wait3A_121 : memref<1x100xi32, #tpu.memory_space<vmem>> -> memref<100xi32, #tpu.memory_space<vmem>>
        %dma_wait3A_123 = arith.constant 0 : i32
        %dma_wait3A_124 = arith.constant 0 : i32
        %dma_wait3A_125 = tpu.memref_slice %arg2[%dma_wait3A_123, %dma_wait3A_124] : memref<10240x128xf32, #tpu.memory_space<hbm>> -> memref<10240x128xf32, #tpu.memory_space<hbm>>
        tpu.wait_indirect_dma semaphore(%run_scoped3A : memref<!tpu.dma_semaphore, #tpu.memory_space<semaphore_mem>>) src(%dma_wait3A_125 : memref<10240x128xf32, #tpu.memory_space<hbm>>) dst(%arg9 : memref<100x128xf32, #tpu.memory_space<vmem>>)
        "tpu.region"() ({
          %run_scoped3A_144 = tpu.sem_alloc : memref<!tpu.dma_semaphore, #tpu.memory_space<semaphore_mem>>
          %dma_start3A_145 = arith.constant 0 : i32
          %dma_start3A_146 = tpu.memref_slice %arg8[%mul3A_111, %dma_start3A_145] : memref<25x100xi32, #tpu.memory_space<vmem>> -> memref<1x100xi32, #tpu.memory_space<vmem>>
          %dma_start3A_147 = tpu.memref_squeeze %dma_start3A_146 : memref<1x100xi32, #tpu.memory_space<vmem>> -> memref<100xi32, #tpu.memory_space<vmem>>
          %dma_start3A_148 = arith.constant 0 : i32
          %dma_start3A_149 = arith.constant 0 : i32
          %dma_start3A_150 = tpu.memref_slice %arg11[%dma_start3A_148, %dma_start3A_149] : memref<10240x128xf32, #tpu.memory_space<vmem_shared>> -> memref<10240x128xf32, #tpu.memory_space<vmem_shared>>
          tpu.enqueue_indirect_dma source(%arg9 : memref<100x128xf32, #tpu.memory_space<vmem>>) target(%dma_start3A_150 : memref<10240x128xf32, #tpu.memory_space<vmem_shared>>) offsets(%dma_start3A_147 : memref<100xi32, #tpu.memory_space<vmem>>) semaphore(%run_scoped3A_144 : memref<!tpu.dma_semaphore, #tpu.memory_space<semaphore_mem>>) {add = true}
          %dma_wait3A_151 = arith.constant 0 : i32
          %dma_wait3A_152 = tpu.memref_slice %arg8[%mul3A_111, %dma_wait3A_151] : memref<25x100xi32, #tpu.memory_space<vmem>> -> memref<1x100xi32, #tpu.memory_space<vmem>>
          %dma_wait3A_153 = tpu.memref_squeeze %dma_wait3A_152 : memref<1x100xi32, #tpu.memory_space<vmem>> -> memref<100xi32, #tpu.memory_space<vmem>>
          %dma_wait3A_154 = arith.constant 0 : i32
          %dma_wait3A_155 = arith.constant 0 : i32
          %dma_wait3A_156 = tpu.memref_slice %arg11[%dma_wait3A_154, %dma_wait3A_155] : memref<10240x128xf32, #tpu.memory_space<vmem_shared>> -> memref<10240x128xf32, #tpu.memory_space<vmem_shared>>
          tpu.wait_indirect_dma semaphore(%run_scoped3A_144 : memref<!tpu.dma_semaphore, #tpu.memory_space<semaphore_mem>>) src(%arg9 : memref<100x128xf32, #tpu.memory_space<vmem>>) dst(%dma_wait3A_156 : memref<10240x128xf32, #tpu.memory_space<vmem_shared>>)
          tpu.yield
        }) : () -> ()
        %add3A_126 = arith.constant 2 : i32
        %add3A_127 = arith.addi %mul3A_111, %add3A_126 : i32
        %dma_start3A_128 = arith.constant 0 : i32
        %dma_start3A_129 = tpu.memref_slice %arg7[%add3A_127, %dma_start3A_128] : memref<25x100xi32, #tpu.memory_space<vmem>> -> memref<1x100xi32, #tpu.memory_space<vmem>>
        %dma_start3A_130 = tpu.memref_squeeze %dma_start3A_129 : memref<1x100xi32, #tpu.memory_space<vmem>> -> memref<100xi32, #tpu.memory_space<vmem>>
        %dma_start3A_131 = arith.constant 0 : i32
        %dma_start3A_132 = arith.constant 0 : i32
        %dma_start3A_133 = tpu.memref_slice %arg2[%dma_start3A_131, %dma_start3A_132] : memref<10240x128xf32, #tpu.memory_space<hbm>> -> memref<10240x128xf32, #tpu.memory_space<hbm>>
        tpu.enqueue_indirect_dma source(%dma_start3A_133 : memref<10240x128xf32, #tpu.memory_space<hbm>>) target(%arg9 : memref<100x128xf32, #tpu.memory_space<vmem>>) offsets(%dma_start3A_130 : memref<100xi32, #tpu.memory_space<vmem>>) semaphore(%run_scoped3A : memref<!tpu.dma_semaphore, #tpu.memory_space<semaphore_mem>>)
        %add3A_134 = arith.constant 1 : i32
        %add3A_135 = arith.addi %mul3A_111, %add3A_134 : i32
        %dma_wait3A_136 = arith.constant 0 : i32
        %dma_wait3A_137 = tpu.memref_slice %arg7[%add3A_135, %dma_wait3A_136] : memref<25x100xi32, #tpu.memory_space<vmem>> -> memref<1x100xi32, #tpu.memory_space<vmem>>
        %dma_wait3A_138 = tpu.memref_squeeze %dma_wait3A_137 : memref<1x100xi32, #tpu.memory_space<vmem>> -> memref<100xi32, #tpu.memory_space<vmem>>
        %dma_wait3A_139 = arith.constant 0 : i32
        %dma_wait3A_140 = arith.constant 0 : i32
        %dma_wait3A_141 = tpu.memref_slice %arg2[%dma_wait3A_139, %dma_wait3A_140] : memref<10240x128xf32, #tpu.memory_space<hbm>> -> memref<10240x128xf32, #tpu.memory_space<hbm>>
        tpu.wait_indirect_dma semaphore(%run_scoped3A_18 : memref<!tpu.dma_semaphore, #tpu.memory_space<semaphore_mem>>) src(%dma_wait3A_141 : memref<10240x128xf32, #tpu.memory_space<hbm>>) dst(%arg10 : memref<100x128xf32, #tpu.memory_space<vmem>>)
        %add3A_142 = arith.constant 1 : i32
        %add3A_143 = arith.addi %mul3A_111, %add3A_142 : i32
        "tpu.region"() ({
          %run_scoped3A_144 = tpu.sem_alloc : memref<!tpu.dma_semaphore, #tpu.memory_space<semaphore_mem>>
          %dma_start3A_145 = arith.constant 0 : i32
          %dma_start3A_146 = tpu.memref_slice %arg8[%add3A_143, %dma_start3A_145] : memref<25x100xi32, #tpu.memory_space<vmem>> -> memref<1x100xi32, #tpu.memory_space<vmem>>
          %dma_start3A_147 = tpu.memref_squeeze %dma_start3A_146 : memref<1x100xi32, #tpu.memory_space<vmem>> -> memref<100xi32, #tpu.memory_space<vmem>>
          %dma_start3A_148 = arith.constant 0 : i32
          %dma_start3A_149 = arith.constant 0 : i32
          %dma_start3A_150 = tpu.memref_slice %arg11[%dma_start3A_148, %dma_start3A_149] : memref<10240x128xf32, #tpu.memory_space<vmem_shared>> -> memref<10240x128xf32, #tpu.memory_space<vmem_shared>>
          tpu.enqueue_indirect_dma source(%arg10 : memref<100x128xf32, #tpu.memory_space<vmem>>) target(%dma_start3A_150 : memref<10240x128xf32, #tpu.memory_space<vmem_shared>>) offsets(%dma_start3A_147 : memref<100xi32, #tpu.memory_space<vmem>>) semaphore(%run_scoped3A_144 : memref<!tpu.dma_semaphore, #tpu.memory_space<semaphore_mem>>) {add = true}
          %dma_wait3A_151 = arith.constant 0 : i32
          %dma_wait3A_152 = tpu.memref_slice %arg8[%add3A_143, %dma_wait3A_151] : memref<25x100xi32, #tpu.memory_space<vmem>> -> memref<1x100xi32, #tpu.memory_space<vmem>>
          %dma_wait3A_153 = tpu.memref_squeeze %dma_wait3A_152 : memref<1x100xi32, #tpu.memory_space<vmem>> -> memref<100xi32, #tpu.memory_space<vmem>>
          %dma_wait3A_154 = arith.constant 0 : i32
          %dma_wait3A_155 = arith.constant 0 : i32
          %dma_wait3A_156 = tpu.memref_slice %arg11[%dma_wait3A_154, %dma_wait3A_155] : memref<10240x128xf32, #tpu.memory_space<vmem_shared>> -> memref<10240x128xf32, #tpu.memory_space<vmem_shared>>
          tpu.wait_indirect_dma semaphore(%run_scoped3A_144 : memref<!tpu.dma_semaphore, #tpu.memory_space<semaphore_mem>>) src(%arg10 : memref<100x128xf32, #tpu.memory_space<vmem>>) dst(%dma_wait3A_156 : memref<10240x128xf32, #tpu.memory_space<vmem_shared>>)
          tpu.yield
        }) : () -> ()
      }
      %scan3A_100 = arith.constant 12 : i32
      %dma_wait3A_101 = arith.constant 24 : i32
      %dma_wait3A_102 = arith.constant 0 : i32
      %dma_wait3A_103 = tpu.memref_slice %arg7[%dma_wait3A_101, %dma_wait3A_102] : memref<25x100xi32, #tpu.memory_space<vmem>> -> memref<1x100xi32, #tpu.memory_space<vmem>>
      %dma_wait3A_104 = tpu.memref_squeeze %dma_wait3A_103 : memref<1x100xi32, #tpu.memory_space<vmem>> -> memref<100xi32, #tpu.memory_space<vmem>>
      %dma_wait3A_105 = arith.constant 0 : i32
      %dma_wait3A_106 = arith.constant 0 : i32
      %dma_wait3A_107 = tpu.memref_slice %arg2[%dma_wait3A_105, %dma_wait3A_106] : memref<10240x128xf32, #tpu.memory_space<hbm>> -> memref<10240x128xf32, #tpu.memory_space<hbm>>
      tpu.wait_indirect_dma semaphore(%run_scoped3A : memref<!tpu.dma_semaphore, #tpu.memory_space<semaphore_mem>>) src(%dma_wait3A_107 : memref<10240x128xf32, #tpu.memory_space<hbm>>) dst(%arg9 : memref<100x128xf32, #tpu.memory_space<vmem>>)
      %run_scoped3A_108 = arith.constant 24 : i32
      "tpu.region"() ({
        %run_scoped3A_109 = tpu.sem_alloc : memref<!tpu.dma_semaphore, #tpu.memory_space<semaphore_mem>>
        %dma_start3A_110 = arith.constant 0 : i32
        %dma_start3A_111 = tpu.memref_slice %arg8[%run_scoped3A_108, %dma_start3A_110] : memref<25x100xi32, #tpu.memory_space<vmem>> -> memref<1x100xi32, #tpu.memory_space<vmem>>
        %dma_start3A_112 = tpu.memref_squeeze %dma_start3A_111 : memref<1x100xi32, #tpu.memory_space<vmem>> -> memref<100xi32, #tpu.memory_space<vmem>>
        %dma_start3A_113 = arith.constant 0 : i32
        %dma_start3A_114 = arith.constant 0 : i32
        %dma_start3A_115 = tpu.memref_slice %arg11[%dma_start3A_113, %dma_start3A_114] : memref<10240x128xf32, #tpu.memory_space<vmem_shared>> -> memref<10240x128xf32, #tpu.memory_space<vmem_shared>>
        tpu.enqueue_indirect_dma source(%arg9 : memref<100x128xf32, #tpu.memory_space<vmem>>) target(%dma_start3A_115 : memref<10240x128xf32, #tpu.memory_space<vmem_shared>>) offsets(%dma_start3A_112 : memref<100xi32, #tpu.memory_space<vmem>>) semaphore(%run_scoped3A_109 : memref<!tpu.dma_semaphore, #tpu.memory_space<semaphore_mem>>) {add = true}
        %dma_wait3A_116 = arith.constant 0 : i32
        %dma_wait3A_117 = tpu.memref_slice %arg8[%run_scoped3A_108, %dma_wait3A_116] : memref<25x100xi32, #tpu.memory_space<vmem>> -> memref<1x100xi32, #tpu.memory_space<vmem>>
        %dma_wait3A_118 = tpu.memref_squeeze %dma_wait3A_117 : memref<1x100xi32, #tpu.memory_space<vmem>> -> memref<100xi32, #tpu.memory_space<vmem>>
        %dma_wait3A_119 = arith.constant 0 : i32
        %dma_wait3A_120 = arith.constant 0 : i32
        %dma_wait3A_121 = tpu.memref_slice %arg11[%dma_wait3A_119, %dma_wait3A_120] : memref<10240x128xf32, #tpu.memory_space<vmem_shared>> -> memref<10240x128xf32, #tpu.memory_space<vmem_shared>>
        tpu.wait_indirect_dma semaphore(%run_scoped3A_109 : memref<!tpu.dma_semaphore, #tpu.memory_space<semaphore_mem>>) src(%arg9 : memref<100x128xf32, #tpu.memory_space<vmem>>) dst(%dma_wait3A_121 : memref<10240x128xf32, #tpu.memory_space<vmem_shared>>)
        tpu.yield
      }) : () -> ()
      tpu.yield
    }) : () -> ()
    %barrier3A_11 = arith.constant 0 : index
    tpu.barrier barrier_id(%barrier3A_11)
    %scan3A_12 = arith.constant 0 : i32
    %scan3A_13 = arith.constant 0 : i32
    %scan3A_14 = arith.constant 10 : i32
    %scan3A_15 = arith.addi %scan3A_13, %scan3A_14 : i32
    %scan3A_16 = arith.constant 1 : i32
    scf.for %scan3A_18 = %scan3A_13 to %scan3A_15 step %scan3A_16  : i32 {
      %mul3A_19 = arith.constant 640 : i32
      %mul3A_20 = arith.muli %arg1, %mul3A_19 : i32
      %mul3A_21 = arith.constant 64 : i32
      %mul3A_22 = arith.muli %scan3A_18, %mul3A_21 : i32
      %add3A_23 = arith.addi %mul3A_20, %mul3A_22 : i32
      "tpu.region"() ({
        %run_scoped3A = tpu.sem_alloc : memref<!tpu.dma_semaphore, #tpu.memory_space<semaphore_mem>>
        %dma_start3A = arith.constant 0 : i32
        %dma_start3A_27 = arith.constant 0 : i32
        %dma_start3A_28 = tpu.memref_slice %arg9[%dma_start3A, %dma_start3A_27] : memref<100x128xf32, #tpu.memory_space<vmem>> -> memref<64x128xf32, #tpu.memory_space<vmem>>
        %dma_start3A_29 = arith.constant 0 : i32
        %dma_start3A_30 = tpu.memref_slice %arg11[%add3A_23, %dma_start3A_29] : memref<10240x128xf32, #tpu.memory_space<vmem_shared>> -> memref<64x128xf32, #tpu.memory_space<vmem_shared>>
        %dma_start3A_31 = arith.constant 0 : i32
        %dma_start3A_32 = arith.constant 0 : i32
        %dma_start3A_33 = tpu.memref_slice %arg9[%dma_start3A_31, %dma_start3A_32] : memref<100x128xf32, #tpu.memory_space<vmem>> -> memref<64x128xf32, #tpu.memory_space<vmem>>
        %dma_start3A_34 = arith.constant 0 : i32
        %dma_start3A_35 = tpu.memref_slice %arg11[%add3A_23, %dma_start3A_34] : memref<10240x128xf32, #tpu.memory_space<vmem_shared>> -> memref<64x128xf32, #tpu.memory_space<vmem_shared>>
        tpu.enqueue_dma source(%dma_start3A_35 : memref<64x128xf32, #tpu.memory_space<vmem_shared>>) target(%dma_start3A_33 : memref<64x128xf32, #tpu.memory_space<vmem>>) target_semaphore(%run_scoped3A : memref<!tpu.dma_semaphore, #tpu.memory_space<semaphore_mem>>)
        %dma_wait3A = arith.constant 0 : i32
        %dma_wait3A_36 = arith.constant 0 : i32
        %dma_wait3A_37 = tpu.memref_slice %arg9[%dma_wait3A, %dma_wait3A_36] : memref<100x128xf32, #tpu.memory_space<vmem>> -> memref<64x128xf32, #tpu.memory_space<vmem>>
        %dma_wait3A_38 = arith.constant 0 : i32
        %dma_wait3A_39 = tpu.memref_slice %arg11[%add3A_23, %dma_wait3A_38] : memref<10240x128xf32, #tpu.memory_space<vmem_shared>> -> memref<64x128xf32, #tpu.memory_space<vmem_shared>>
        %dma_wait3A_40 = arith.constant 0 : i32
        %dma_wait3A_41 = arith.constant 0 : i32
        %dma_wait3A_42 = tpu.memref_slice %arg9[%dma_wait3A_40, %dma_wait3A_41] : memref<100x128xf32, #tpu.memory_space<vmem>> -> memref<64x128xf32, #tpu.memory_space<vmem>>
        %dma_wait3A_43 = arith.constant 0 : i32
        %dma_wait3A_44 = tpu.memref_slice %arg11[%add3A_23, %dma_wait3A_43] : memref<10240x128xf32, #tpu.memory_space<vmem_shared>> -> memref<64x128xf32, #tpu.memory_space<vmem_shared>>
        tpu.wait_dma2 semaphore(%run_scoped3A : memref<!tpu.dma_semaphore, #tpu.memory_space<semaphore_mem>>) src(%dma_wait3A_44 : memref<64x128xf32, #tpu.memory_space<vmem_shared>>) dst(%dma_wait3A_42 : memref<64x128xf32, #tpu.memory_space<vmem>>)
        tpu.yield
      }) : () -> ()
      %mul3A_24 = arith.constant 64 : i32
      %mul3A_25 = arith.muli %scan3A_18, %mul3A_24 : i32
      %add3A_26 = arith.addi %add3A_5, %mul3A_25 : i32
      "tpu.region"() ({
        %run_scoped3A = tpu.sem_alloc : memref<!tpu.dma_semaphore, #tpu.memory_space<semaphore_mem>>
        %dma_start3A = arith.constant 0 : i32
        %dma_start3A_27 = arith.constant 0 : i32
        %dma_start3A_28 = tpu.memref_slice %arg9[%dma_start3A, %dma_start3A_27] : memref<100x128xf32, #tpu.memory_space<vmem>> -> memref<64x128xf32, #tpu.memory_space<vmem>>
        %dma_start3A_29 = arith.constant 0 : i32
        %dma_start3A_30 = tpu.memref_slice %arg6[%add3A_26, %dma_start3A_29] : memref<20480x128xf32, #tpu.memory_space<hbm>> -> memref<64x128xf32, #tpu.memory_space<hbm>>
        %dma_start3A_31 = arith.constant 0 : i32
        %dma_start3A_32 = tpu.memref_slice %arg6[%add3A_26, %dma_start3A_31] : memref<20480x128xf32, #tpu.memory_space<hbm>> -> memref<64x128xf32, #tpu.memory_space<hbm>>
        %dma_start3A_33 = arith.constant 0 : i32
        %dma_start3A_34 = arith.constant 0 : i32
        %dma_start3A_35 = tpu.memref_slice %arg9[%dma_start3A_33, %dma_start3A_34] : memref<100x128xf32, #tpu.memory_space<vmem>> -> memref<64x128xf32, #tpu.memory_space<vmem>>
        tpu.enqueue_dma source(%dma_start3A_35 : memref<64x128xf32, #tpu.memory_space<vmem>>) target(%dma_start3A_32 : memref<64x128xf32, #tpu.memory_space<hbm>>) target_semaphore(%run_scoped3A : memref<!tpu.dma_semaphore, #tpu.memory_space<semaphore_mem>>)
        %dma_wait3A = arith.constant 0 : i32
        %dma_wait3A_36 = arith.constant 0 : i32
        %dma_wait3A_37 = tpu.memref_slice %arg9[%dma_wait3A, %dma_wait3A_36] : memref<100x128xf32, #tpu.memory_space<vmem>> -> memref<64x128xf32, #tpu.memory_space<vmem>>
        %dma_wait3A_38 = arith.constant 0 : i32
        %dma_wait3A_39 = tpu.memref_slice %arg6[%add3A_26, %dma_wait3A_38] : memref<20480x128xf32, #tpu.memory_space<hbm>> -> memref<64x128xf32, #tpu.memory_space<hbm>>
        %dma_wait3A_40 = arith.constant 0 : i32
        %dma_wait3A_41 = tpu.memref_slice %arg6[%add3A_26, %dma_wait3A_40] : memref<20480x128xf32, #tpu.memory_space<hbm>> -> memref<64x128xf32, #tpu.memory_space<hbm>>
        %dma_wait3A_42 = arith.constant 0 : i32
        %dma_wait3A_43 = arith.constant 0 : i32
        %dma_wait3A_44 = tpu.memref_slice %arg9[%dma_wait3A_42, %dma_wait3A_43] : memref<100x128xf32, #tpu.memory_space<vmem>> -> memref<64x128xf32, #tpu.memory_space<vmem>>
        tpu.wait_dma2 semaphore(%run_scoped3A : memref<!tpu.dma_semaphore, #tpu.memory_space<semaphore_mem>>) src(%dma_wait3A_44 : memref<64x128xf32, #tpu.memory_space<vmem>>) dst(%dma_wait3A_41 : memref<64x128xf32, #tpu.memory_space<hbm>>)
        tpu.yield
      }) : () -> ()
    }
    %scan3A_17 = arith.constant 10 : i32
    return
  }
}

#map = affine_map<(d0, d1) -> (0, 0)>
#map1 = affine_map<(d0, d1) -> (0, 0, 0, 0)>
module attributes {stable_mosaic.version = 14 : i64} {
  func.func @_sc_feature_agg(%arg0: i32, %arg1: i32, %arg2: memref<10240x128xf32, #tpu.memory_space<hbm>>, %arg3: memref<32x4x25x100xi32, #tpu.memory_space<hbm>>, %arg4: memref<32x4x25x100xi32, #tpu.memory_space<hbm>>, %arg5: memref<100x128xf32, #tpu.memory_space<hbm>>, %arg6: memref<20480x128xf32, #tpu.memory_space<hbm>>, %arg7: memref<25x100xi32, #tpu.memory_space<vmem>>, %arg8: memref<25x100xi32, #tpu.memory_space<vmem>>, %arg9: memref<100x128xf32, #tpu.memory_space<vmem>>, %arg10: memref<100x128xf32, #tpu.memory_space<vmem>>, %arg11: memref<10240x128xf32, #tpu.memory_space<vmem_shared>>) attributes {dimension_semantics = [#tpu.dimension_semantics<core_parallel>, #tpu.dimension_semantics<subcore_parallel>], iteration_bounds = array<i64: 2, 16>, scalar_prefetch = 0 : i64, scratch_operands = 5 : i64, tpu.core_type = #tpu.core_type<sc_vector_subcore>, window_params = [{transform_indices = #map}, {transform_indices = #map1}, {transform_indices = #map1}, {transform_indices = #map}, {transform_indices = #map}]} {
    %mul3A = arith.constant 16 : i32
    %mul3A_0 = arith.muli %arg0, %mul3A : i32
    %add3A = arith.addi %mul3A_0, %arg1 : i32
    %mul3A_1 = arith.constant 10240 : i32
    %mul3A_2 = arith.muli %arg0, %mul3A_1 : i32
    %mul3A_3 = arith.constant 640 : i32
    %mul3A_4 = arith.muli %arg1, %mul3A_3 : i32
    %add3A_5 = arith.addi %mul3A_2, %mul3A_4 : i32
    "tpu.region"() ({
      %run_scoped3A = tpu.sem_alloc : memref<!tpu.dma_semaphore, #tpu.memory_space<semaphore_mem>>
      tpu.enqueue_dma source(%arg5 : memref<100x128xf32, #tpu.memory_space<hbm>>) target(%arg9 : memref<100x128xf32, #tpu.memory_space<vmem>>) target_semaphore(%run_scoped3A : memref<!tpu.dma_semaphore, #tpu.memory_space<semaphore_mem>>)
      tpu.wait_dma2 semaphore(%run_scoped3A : memref<!tpu.dma_semaphore, #tpu.memory_space<semaphore_mem>>) src(%arg5 : memref<100x128xf32, #tpu.memory_space<hbm>>) dst(%arg9 : memref<100x128xf32, #tpu.memory_space<vmem>>)
      tpu.yield
    }) : () -> ()
    %scan3A = arith.constant 0 : i32
    %scan3A_6 = arith.constant 0 : i32
    %scan3A_7 = arith.constant 10 : i32
    %scan3A_8 = arith.addi %scan3A_6, %scan3A_7 : i32
    %scan3A_9 = arith.constant 1 : i32
    scf.for %scan3A_18 = %scan3A_6 to %scan3A_8 step %scan3A_9  : i32 {
      %mul3A_19 = arith.constant 640 : i32
      %mul3A_20 = arith.muli %arg1, %mul3A_19 : i32
      %mul3A_21 = arith.constant 64 : i32
      %mul3A_22 = arith.muli %scan3A_18, %mul3A_21 : i32
      %add3A_23 = arith.addi %mul3A_20, %mul3A_22 : i32
      "tpu.region"() ({
        %run_scoped3A = tpu.sem_alloc : memref<!tpu.dma_semaphore, #tpu.memory_space<semaphore_mem>>
        %dma_start3A = arith.constant 0 : i32
        %dma_start3A_24 = arith.constant 0 : i32
        %dma_start3A_25 = tpu.memref_slice %arg9[%dma_start3A, %dma_start3A_24] : memref<100x128xf32, #tpu.memory_space<vmem>> -> memref<64x128xf32, #tpu.memory_space<vmem>>
        %dma_start3A_26 = arith.constant 0 : i32
        %dma_start3A_27 = tpu.memref_slice %arg11[%add3A_23, %dma_start3A_26] : memref<10240x128xf32, #tpu.memory_space<vmem_shared>> -> memref<64x128xf32, #tpu.memory_space<vmem_shared>>
        %dma_start3A_28 = arith.constant 0 : i32
        %dma_start3A_29 = tpu.memref_slice %arg11[%add3A_23, %dma_start3A_28] : memref<10240x128xf32, #tpu.memory_space<vmem_shared>> -> memref<64x128xf32, #tpu.memory_space<vmem_shared>>
        %dma_start3A_30 = arith.constant 0 : i32
        %dma_start3A_31 = arith.constant 0 : i32
        %dma_start3A_32 = tpu.memref_slice %arg9[%dma_start3A_30, %dma_start3A_31] : memref<100x128xf32, #tpu.memory_space<vmem>> -> memref<64x128xf32, #tpu.memory_space<vmem>>
        tpu.enqueue_dma source(%dma_start3A_32 : memref<64x128xf32, #tpu.memory_space<vmem>>) target(%dma_start3A_29 : memref<64x128xf32, #tpu.memory_space<vmem_shared>>) target_semaphore(%run_scoped3A : memref<!tpu.dma_semaphore, #tpu.memory_space<semaphore_mem>>)
        %dma_wait3A = arith.constant 0 : i32
        %dma_wait3A_33 = arith.constant 0 : i32
        %dma_wait3A_34 = tpu.memref_slice %arg9[%dma_wait3A, %dma_wait3A_33] : memref<100x128xf32, #tpu.memory_space<vmem>> -> memref<64x128xf32, #tpu.memory_space<vmem>>
        %dma_wait3A_35 = arith.constant 0 : i32
        %dma_wait3A_36 = tpu.memref_slice %arg11[%add3A_23, %dma_wait3A_35] : memref<10240x128xf32, #tpu.memory_space<vmem_shared>> -> memref<64x128xf32, #tpu.memory_space<vmem_shared>>
        %dma_wait3A_37 = arith.constant 0 : i32
        %dma_wait3A_38 = tpu.memref_slice %arg11[%add3A_23, %dma_wait3A_37] : memref<10240x128xf32, #tpu.memory_space<vmem_shared>> -> memref<64x128xf32, #tpu.memory_space<vmem_shared>>
        %dma_wait3A_39 = arith.constant 0 : i32
        %dma_wait3A_40 = arith.constant 0 : i32
        %dma_wait3A_41 = tpu.memref_slice %arg9[%dma_wait3A_39, %dma_wait3A_40] : memref<100x128xf32, #tpu.memory_space<vmem>> -> memref<64x128xf32, #tpu.memory_space<vmem>>
        tpu.wait_dma2 semaphore(%run_scoped3A : memref<!tpu.dma_semaphore, #tpu.memory_space<semaphore_mem>>) src(%dma_wait3A_41 : memref<64x128xf32, #tpu.memory_space<vmem>>) dst(%dma_wait3A_38 : memref<64x128xf32, #tpu.memory_space<vmem_shared>>)
        tpu.yield
      }) : () -> ()
    }
    %scan3A_10 = arith.constant 10 : i32
    %barrier3A = arith.constant 0 : index
    tpu.barrier barrier_id(%barrier3A)
    "tpu.region"() ({
      %run_scoped3A = tpu.sem_alloc : memref<!tpu.dma_semaphore, #tpu.memory_space<semaphore_mem>>
      %run_scoped3A_18 = tpu.sem_alloc : memref<!tpu.dma_semaphore, #tpu.memory_space<semaphore_mem>>
      %run_scoped3A_19 = arith.constant 0 : i32
      "tpu.region"() ({
        %run_scoped3A_109 = tpu.sem_alloc : memref<!tpu.dma_semaphore, #tpu.memory_space<semaphore_mem>>
        %dma_start3A_110 = arith.constant 0 : i32
        %dma_start3A_111 = arith.constant 0 : i32
        %dma_start3A_112 = tpu.memref_slice %arg3[%add3A, %run_scoped3A_19, %dma_start3A_110, %dma_start3A_111] : memref<32x4x25x100xi32, #tpu.memory_space<hbm>> -> memref<1x1x25x100xi32, #tpu.memory_space<hbm>>
        %dma_start3A_113 = tpu.memref_squeeze %dma_start3A_112 : memref<1x1x25x100xi32, #tpu.memory_space<hbm>> -> memref<25x100xi32, #tpu.memory_space<hbm>>
        %dma_start3A_114 = arith.constant 0 : i32
        %dma_start3A_115 = arith.constant 0 : i32
        %dma_start3A_116 = tpu.memref_slice %arg3[%add3A, %run_scoped3A_19, %dma_start3A_114, %dma_start3A_115] : memref<32x4x25x100xi32, #tpu.memory_space<hbm>> -> memref<1x1x25x100xi32, #tpu.memory_space<hbm>>
        %dma_start3A_117 = tpu.memref_squeeze %dma_start3A_116 : memref<1x1x25x100xi32, #tpu.memory_space<hbm>> -> memref<25x100xi32, #tpu.memory_space<hbm>>
        tpu.enqueue_dma source(%dma_start3A_117 : memref<25x100xi32, #tpu.memory_space<hbm>>) target(%arg7 : memref<25x100xi32, #tpu.memory_space<vmem>>) target_semaphore(%run_scoped3A_109 : memref<!tpu.dma_semaphore, #tpu.memory_space<semaphore_mem>>)
        %dma_wait3A_118 = arith.constant 0 : i32
        %dma_wait3A_119 = arith.constant 0 : i32
        %dma_wait3A_120 = tpu.memref_slice %arg3[%add3A, %run_scoped3A_19, %dma_wait3A_118, %dma_wait3A_119] : memref<32x4x25x100xi32, #tpu.memory_space<hbm>> -> memref<1x1x25x100xi32, #tpu.memory_space<hbm>>
        %dma_wait3A_121 = tpu.memref_squeeze %dma_wait3A_120 : memref<1x1x25x100xi32, #tpu.memory_space<hbm>> -> memref<25x100xi32, #tpu.memory_space<hbm>>
        %dma_wait3A_122 = arith.constant 0 : i32
        %dma_wait3A_123 = arith.constant 0 : i32
        %dma_wait3A_124 = tpu.memref_slice %arg3[%add3A, %run_scoped3A_19, %dma_wait3A_122, %dma_wait3A_123] : memref<32x4x25x100xi32, #tpu.memory_space<hbm>> -> memref<1x1x25x100xi32, #tpu.memory_space<hbm>>
        %dma_wait3A_125 = tpu.memref_squeeze %dma_wait3A_124 : memref<1x1x25x100xi32, #tpu.memory_space<hbm>> -> memref<25x100xi32, #tpu.memory_space<hbm>>
        tpu.wait_dma2 semaphore(%run_scoped3A_109 : memref<!tpu.dma_semaphore, #tpu.memory_space<semaphore_mem>>) src(%dma_wait3A_125 : memref<25x100xi32, #tpu.memory_space<hbm>>) dst(%arg7 : memref<25x100xi32, #tpu.memory_space<vmem>>)
        tpu.yield
      }) : () -> ()
      %run_scoped3A_20 = arith.constant 0 : i32
      "tpu.region"() ({
        %run_scoped3A_109 = tpu.sem_alloc : memref<!tpu.dma_semaphore, #tpu.memory_space<semaphore_mem>>
        %dma_start3A_110 = arith.constant 0 : i32
        %dma_start3A_111 = arith.constant 0 : i32
        %dma_start3A_112 = tpu.memref_slice %arg4[%add3A, %run_scoped3A_20, %dma_start3A_110, %dma_start3A_111] : memref<32x4x25x100xi32, #tpu.memory_space<hbm>> -> memref<1x1x25x100xi32, #tpu.memory_space<hbm>>
        %dma_start3A_113 = tpu.memref_squeeze %dma_start3A_112 : memref<1x1x25x100xi32, #tpu.memory_space<hbm>> -> memref<25x100xi32, #tpu.memory_space<hbm>>
        %dma_start3A_114 = arith.constant 0 : i32
        %dma_start3A_115 = arith.constant 0 : i32
        %dma_start3A_116 = tpu.memref_slice %arg4[%add3A, %run_scoped3A_20, %dma_start3A_114, %dma_start3A_115] : memref<32x4x25x100xi32, #tpu.memory_space<hbm>> -> memref<1x1x25x100xi32, #tpu.memory_space<hbm>>
        %dma_start3A_117 = tpu.memref_squeeze %dma_start3A_116 : memref<1x1x25x100xi32, #tpu.memory_space<hbm>> -> memref<25x100xi32, #tpu.memory_space<hbm>>
        tpu.enqueue_dma source(%dma_start3A_117 : memref<25x100xi32, #tpu.memory_space<hbm>>) target(%arg8 : memref<25x100xi32, #tpu.memory_space<vmem>>) target_semaphore(%run_scoped3A_109 : memref<!tpu.dma_semaphore, #tpu.memory_space<semaphore_mem>>)
        %dma_wait3A_118 = arith.constant 0 : i32
        %dma_wait3A_119 = arith.constant 0 : i32
        %dma_wait3A_120 = tpu.memref_slice %arg4[%add3A, %run_scoped3A_20, %dma_wait3A_118, %dma_wait3A_119] : memref<32x4x25x100xi32, #tpu.memory_space<hbm>> -> memref<1x1x25x100xi32, #tpu.memory_space<hbm>>
        %dma_wait3A_121 = tpu.memref_squeeze %dma_wait3A_120 : memref<1x1x25x100xi32, #tpu.memory_space<hbm>> -> memref<25x100xi32, #tpu.memory_space<hbm>>
        %dma_wait3A_122 = arith.constant 0 : i32
        %dma_wait3A_123 = arith.constant 0 : i32
        %dma_wait3A_124 = tpu.memref_slice %arg4[%add3A, %run_scoped3A_20, %dma_wait3A_122, %dma_wait3A_123] : memref<32x4x25x100xi32, #tpu.memory_space<hbm>> -> memref<1x1x25x100xi32, #tpu.memory_space<hbm>>
        %dma_wait3A_125 = tpu.memref_squeeze %dma_wait3A_124 : memref<1x1x25x100xi32, #tpu.memory_space<hbm>> -> memref<25x100xi32, #tpu.memory_space<hbm>>
        tpu.wait_dma2 semaphore(%run_scoped3A_109 : memref<!tpu.dma_semaphore, #tpu.memory_space<semaphore_mem>>) src(%dma_wait3A_125 : memref<25x100xi32, #tpu.memory_space<hbm>>) dst(%arg8 : memref<25x100xi32, #tpu.memory_space<vmem>>)
        tpu.yield
      }) : () -> ()
      %dma_start3A = arith.constant 0 : i32
      %dma_start3A_21 = arith.constant 0 : i32
      %dma_start3A_22 = tpu.memref_slice %arg7[%dma_start3A, %dma_start3A_21] : memref<25x100xi32, #tpu.memory_space<vmem>> -> memref<1x100xi32, #tpu.memory_space<vmem>>
      %dma_start3A_23 = tpu.memref_squeeze %dma_start3A_22 : memref<1x100xi32, #tpu.memory_space<vmem>> -> memref<100xi32, #tpu.memory_space<vmem>>
      %dma_start3A_24 = arith.constant 0 : i32
      %dma_start3A_25 = arith.constant 0 : i32
      %dma_start3A_26 = tpu.memref_slice %arg2[%dma_start3A_24, %dma_start3A_25] : memref<10240x128xf32, #tpu.memory_space<hbm>> -> memref<10240x128xf32, #tpu.memory_space<hbm>>
      tpu.enqueue_indirect_dma source(%dma_start3A_26 : memref<10240x128xf32, #tpu.memory_space<hbm>>) target(%arg9 : memref<100x128xf32, #tpu.memory_space<vmem>>) offsets(%dma_start3A_23 : memref<100xi32, #tpu.memory_space<vmem>>) semaphore(%run_scoped3A : memref<!tpu.dma_semaphore, #tpu.memory_space<semaphore_mem>>)
      %scan3A_27 = arith.constant 0 : i32
      %scan3A_28 = arith.constant 0 : i32
      %scan3A_29 = arith.constant 12 : i32
      %scan3A_30 = arith.addi %scan3A_28, %scan3A_29 : i32
      %scan3A_31 = arith.constant 1 : i32
      scf.for %scan3A_109 = %scan3A_28 to %scan3A_30 step %scan3A_31  : i32 {
        %mul3A_110 = arith.constant 2 : i32
        %mul3A_111 = arith.muli %mul3A_110, %scan3A_109 : i32
        %add3A_112 = arith.constant 1 : i32
        %add3A_113 = arith.addi %mul3A_111, %add3A_112 : i32
        %dma_start3A_114 = arith.constant 0 : i32
        %dma_start3A_115 = tpu.memref_slice %arg7[%add3A_113, %dma_start3A_114] : memref<25x100xi32, #tpu.memory_space<vmem>> -> memref<1x100xi32, #tpu.memory_space<vmem>>
        %dma_start3A_116 = tpu.memref_squeeze %dma_start3A_115 : memref<1x100xi32, #tpu.memory_space<vmem>> -> memref<100xi32, #tpu.memory_space<vmem>>
        %dma_start3A_117 = arith.constant 0 : i32
        %dma_start3A_118 = arith.constant 0 : i32
        %dma_start3A_119 = tpu.memref_slice %arg2[%dma_start3A_117, %dma_start3A_118] : memref<10240x128xf32, #tpu.memory_space<hbm>> -> memref<10240x128xf32, #tpu.memory_space<hbm>>
        tpu.enqueue_indirect_dma source(%dma_start3A_119 : memref<10240x128xf32, #tpu.memory_space<hbm>>) target(%arg10 : memref<100x128xf32, #tpu.memory_space<vmem>>) offsets(%dma_start3A_116 : memref<100xi32, #tpu.memory_space<vmem>>) semaphore(%run_scoped3A_18 : memref<!tpu.dma_semaphore, #tpu.memory_space<semaphore_mem>>)
        %dma_wait3A_120 = arith.constant 0 : i32
        %dma_wait3A_121 = tpu.memref_slice %arg7[%mul3A_111, %dma_wait3A_120] : memref<25x100xi32, #tpu.memory_space<vmem>> -> memref<1x100xi32, #tpu.memory_space<vmem>>
        %dma_wait3A_122 = tpu.memref_squeeze %dma_wait3A_121 : memref<1x100xi32, #tpu.memory_space<vmem>> -> memref<100xi32, #tpu.memory_space<vmem>>
        %dma_wait3A_123 = arith.constant 0 : i32
        %dma_wait3A_124 = arith.constant 0 : i32
        %dma_wait3A_125 = tpu.memref_slice %arg2[%dma_wait3A_123, %dma_wait3A_124] : memref<10240x128xf32, #tpu.memory_space<hbm>> -> memref<10240x128xf32, #tpu.memory_space<hbm>>
        tpu.wait_indirect_dma semaphore(%run_scoped3A : memref<!tpu.dma_semaphore, #tpu.memory_space<semaphore_mem>>) src(%dma_wait3A_125 : memref<10240x128xf32, #tpu.memory_space<hbm>>) dst(%arg9 : memref<100x128xf32, #tpu.memory_space<vmem>>)
        "tpu.region"() ({
          %run_scoped3A_144 = tpu.sem_alloc : memref<!tpu.dma_semaphore, #tpu.memory_space<semaphore_mem>>
          %dma_start3A_145 = arith.constant 0 : i32
          %dma_start3A_146 = tpu.memref_slice %arg8[%mul3A_111, %dma_start3A_145] : memref<25x100xi32, #tpu.memory_space<vmem>> -> memref<1x100xi32, #tpu.memory_space<vmem>>
          %dma_start3A_147 = tpu.memref_squeeze %dma_start3A_146 : memref<1x100xi32, #tpu.memory_space<vmem>> -> memref<100xi32, #tpu.memory_space<vmem>>
          %dma_start3A_148 = arith.constant 0 : i32
          %dma_start3A_149 = arith.constant 0 : i32
          %dma_start3A_150 = tpu.memref_slice %arg11[%dma_start3A_148, %dma_start3A_149] : memref<10240x128xf32, #tpu.memory_space<vmem_shared>> -> memref<10240x128xf32, #tpu.memory_space<vmem_shared>>
          tpu.enqueue_indirect_dma source(%arg9 : memref<100x128xf32, #tpu.memory_space<vmem>>) target(%dma_start3A_150 : memref<10240x128xf32, #tpu.memory_space<vmem_shared>>) offsets(%dma_start3A_147 : memref<100xi32, #tpu.memory_space<vmem>>) semaphore(%run_scoped3A_144 : memref<!tpu.dma_semaphore, #tpu.memory_space<semaphore_mem>>) {add = true}
          %dma_wait3A_151 = arith.constant 0 : i32
          %dma_wait3A_152 = tpu.memref_slice %arg8[%mul3A_111, %dma_wait3A_151] : memref<25x100xi32, #tpu.memory_space<vmem>> -> memref<1x100xi32, #tpu.memory_space<vmem>>
          %dma_wait3A_153 = tpu.memref_squeeze %dma_wait3A_152 : memref<1x100xi32, #tpu.memory_space<vmem>> -> memref<100xi32, #tpu.memory_space<vmem>>
          %dma_wait3A_154 = arith.constant 0 : i32
          %dma_wait3A_155 = arith.constant 0 : i32
          %dma_wait3A_156 = tpu.memref_slice %arg11[%dma_wait3A_154, %dma_wait3A_155] : memref<10240x128xf32, #tpu.memory_space<vmem_shared>> -> memref<10240x128xf32, #tpu.memory_space<vmem_shared>>
          tpu.wait_indirect_dma semaphore(%run_scoped3A_144 : memref<!tpu.dma_semaphore, #tpu.memory_space<semaphore_mem>>) src(%arg9 : memref<100x128xf32, #tpu.memory_space<vmem>>) dst(%dma_wait3A_156 : memref<10240x128xf32, #tpu.memory_space<vmem_shared>>)
          tpu.yield
        }) : () -> ()
        %add3A_126 = arith.constant 2 : i32
        %add3A_127 = arith.addi %mul3A_111, %add3A_126 : i32
        %dma_start3A_128 = arith.constant 0 : i32
        %dma_start3A_129 = tpu.memref_slice %arg7[%add3A_127, %dma_start3A_128] : memref<25x100xi32, #tpu.memory_space<vmem>> -> memref<1x100xi32, #tpu.memory_space<vmem>>
        %dma_start3A_130 = tpu.memref_squeeze %dma_start3A_129 : memref<1x100xi32, #tpu.memory_space<vmem>> -> memref<100xi32, #tpu.memory_space<vmem>>
        %dma_start3A_131 = arith.constant 0 : i32
        %dma_start3A_132 = arith.constant 0 : i32
        %dma_start3A_133 = tpu.memref_slice %arg2[%dma_start3A_131, %dma_start3A_132] : memref<10240x128xf32, #tpu.memory_space<hbm>> -> memref<10240x128xf32, #tpu.memory_space<hbm>>
        tpu.enqueue_indirect_dma source(%dma_start3A_133 : memref<10240x128xf32, #tpu.memory_space<hbm>>) target(%arg9 : memref<100x128xf32, #tpu.memory_space<vmem>>) offsets(%dma_start3A_130 : memref<100xi32, #tpu.memory_space<vmem>>) semaphore(%run_scoped3A : memref<!tpu.dma_semaphore, #tpu.memory_space<semaphore_mem>>)
        %add3A_134 = arith.constant 1 : i32
        %add3A_135 = arith.addi %mul3A_111, %add3A_134 : i32
        %dma_wait3A_136 = arith.constant 0 : i32
        %dma_wait3A_137 = tpu.memref_slice %arg7[%add3A_135, %dma_wait3A_136] : memref<25x100xi32, #tpu.memory_space<vmem>> -> memref<1x100xi32, #tpu.memory_space<vmem>>
        %dma_wait3A_138 = tpu.memref_squeeze %dma_wait3A_137 : memref<1x100xi32, #tpu.memory_space<vmem>> -> memref<100xi32, #tpu.memory_space<vmem>>
        %dma_wait3A_139 = arith.constant 0 : i32
        %dma_wait3A_140 = arith.constant 0 : i32
        %dma_wait3A_141 = tpu.memref_slice %arg2[%dma_wait3A_139, %dma_wait3A_140] : memref<10240x128xf32, #tpu.memory_space<hbm>> -> memref<10240x128xf32, #tpu.memory_space<hbm>>
        tpu.wait_indirect_dma semaphore(%run_scoped3A_18 : memref<!tpu.dma_semaphore, #tpu.memory_space<semaphore_mem>>) src(%dma_wait3A_141 : memref<10240x128xf32, #tpu.memory_space<hbm>>) dst(%arg10 : memref<100x128xf32, #tpu.memory_space<vmem>>)
        %add3A_142 = arith.constant 1 : i32
        %add3A_143 = arith.addi %mul3A_111, %add3A_142 : i32
        "tpu.region"() ({
          %run_scoped3A_144 = tpu.sem_alloc : memref<!tpu.dma_semaphore, #tpu.memory_space<semaphore_mem>>
          %dma_start3A_145 = arith.constant 0 : i32
          %dma_start3A_146 = tpu.memref_slice %arg8[%add3A_143, %dma_start3A_145] : memref<25x100xi32, #tpu.memory_space<vmem>> -> memref<1x100xi32, #tpu.memory_space<vmem>>
          %dma_start3A_147 = tpu.memref_squeeze %dma_start3A_146 : memref<1x100xi32, #tpu.memory_space<vmem>> -> memref<100xi32, #tpu.memory_space<vmem>>
          %dma_start3A_148 = arith.constant 0 : i32
          %dma_start3A_149 = arith.constant 0 : i32
          %dma_start3A_150 = tpu.memref_slice %arg11[%dma_start3A_148, %dma_start3A_149] : memref<10240x128xf32, #tpu.memory_space<vmem_shared>> -> memref<10240x128xf32, #tpu.memory_space<vmem_shared>>
          tpu.enqueue_indirect_dma source(%arg10 : memref<100x128xf32, #tpu.memory_space<vmem>>) target(%dma_start3A_150 : memref<10240x128xf32, #tpu.memory_space<vmem_shared>>) offsets(%dma_start3A_147 : memref<100xi32, #tpu.memory_space<vmem>>) semaphore(%run_scoped3A_144 : memref<!tpu.dma_semaphore, #tpu.memory_space<semaphore_mem>>) {add = true}
          %dma_wait3A_151 = arith.constant 0 : i32
          %dma_wait3A_152 = tpu.memref_slice %arg8[%add3A_143, %dma_wait3A_151] : memref<25x100xi32, #tpu.memory_space<vmem>> -> memref<1x100xi32, #tpu.memory_space<vmem>>
          %dma_wait3A_153 = tpu.memref_squeeze %dma_wait3A_152 : memref<1x100xi32, #tpu.memory_space<vmem>> -> memref<100xi32, #tpu.memory_space<vmem>>
          %dma_wait3A_154 = arith.constant 0 : i32
          %dma_wait3A_155 = arith.constant 0 : i32
          %dma_wait3A_156 = tpu.memref_slice %arg11[%dma_wait3A_154, %dma_wait3A_155] : memref<10240x128xf32, #tpu.memory_space<vmem_shared>> -> memref<10240x128xf32, #tpu.memory_space<vmem_shared>>
          tpu.wait_indirect_dma semaphore(%run_scoped3A_144 : memref<!tpu.dma_semaphore, #tpu.memory_space<semaphore_mem>>) src(%arg10 : memref<100x128xf32, #tpu.memory_space<vmem>>) dst(%dma_wait3A_156 : memref<10240x128xf32, #tpu.memory_space<vmem_shared>>)
          tpu.yield
        }) : () -> ()
      }
      %scan3A_32 = arith.constant 12 : i32
      %dma_wait3A = arith.constant 24 : i32
      %dma_wait3A_33 = arith.constant 0 : i32
      %dma_wait3A_34 = tpu.memref_slice %arg7[%dma_wait3A, %dma_wait3A_33] : memref<25x100xi32, #tpu.memory_space<vmem>> -> memref<1x100xi32, #tpu.memory_space<vmem>>
      %dma_wait3A_35 = tpu.memref_squeeze %dma_wait3A_34 : memref<1x100xi32, #tpu.memory_space<vmem>> -> memref<100xi32, #tpu.memory_space<vmem>>
      %dma_wait3A_36 = arith.constant 0 : i32
      %dma_wait3A_37 = arith.constant 0 : i32
      %dma_wait3A_38 = tpu.memref_slice %arg2[%dma_wait3A_36, %dma_wait3A_37] : memref<10240x128xf32, #tpu.memory_space<hbm>> -> memref<10240x128xf32, #tpu.memory_space<hbm>>
      tpu.wait_indirect_dma semaphore(%run_scoped3A : memref<!tpu.dma_semaphore, #tpu.memory_space<semaphore_mem>>) src(%dma_wait3A_38 : memref<10240x128xf32, #tpu.memory_space<hbm>>) dst(%arg9 : memref<100x128xf32, #tpu.memory_space<vmem>>)
      %run_scoped3A_39 = arith.constant 24 : i32
      "tpu.region"() ({
        %run_scoped3A_109 = tpu.sem_alloc : memref<!tpu.dma_semaphore, #tpu.memory_space<semaphore_mem>>
        %dma_start3A_110 = arith.constant 0 : i32
        %dma_start3A_111 = tpu.memref_slice %arg8[%run_scoped3A_39, %dma_start3A_110] : memref<25x100xi32, #tpu.memory_space<vmem>> -> memref<1x100xi32, #tpu.memory_space<vmem>>
        %dma_start3A_112 = tpu.memref_squeeze %dma_start3A_111 : memref<1x100xi32, #tpu.memory_space<vmem>> -> memref<100xi32, #tpu.memory_space<vmem>>
        %dma_start3A_113 = arith.constant 0 : i32
        %dma_start3A_114 = arith.constant 0 : i32
        %dma_start3A_115 = tpu.memref_slice %arg11[%dma_start3A_113, %dma_start3A_114] : memref<10240x128xf32, #tpu.memory_space<vmem_shared>> -> memref<10240x128xf32, #tpu.memory_space<vmem_shared>>
        tpu.enqueue_indirect_dma source(%arg9 : memref<100x128xf32, #tpu.memory_space<vmem>>) target(%dma_start3A_115 : memref<10240x128xf32, #tpu.memory_space<vmem_shared>>) offsets(%dma_start3A_112 : memref<100xi32, #tpu.memory_space<vmem>>) semaphore(%run_scoped3A_109 : memref<!tpu.dma_semaphore, #tpu.memory_space<semaphore_mem>>) {add = true}
        %dma_wait3A_116 = arith.constant 0 : i32
        %dma_wait3A_117 = tpu.memref_slice %arg8[%run_scoped3A_39, %dma_wait3A_116] : memref<25x100xi32, #tpu.memory_space<vmem>> -> memref<1x100xi32, #tpu.memory_space<vmem>>
        %dma_wait3A_118 = tpu.memref_squeeze %dma_wait3A_117 : memref<1x100xi32, #tpu.memory_space<vmem>> -> memref<100xi32, #tpu.memory_space<vmem>>
        %dma_wait3A_119 = arith.constant 0 : i32
        %dma_wait3A_120 = arith.constant 0 : i32
        %dma_wait3A_121 = tpu.memref_slice %arg11[%dma_wait3A_119, %dma_wait3A_120] : memref<10240x128xf32, #tpu.memory_space<vmem_shared>> -> memref<10240x128xf32, #tpu.memory_space<vmem_shared>>
        tpu.wait_indirect_dma semaphore(%run_scoped3A_109 : memref<!tpu.dma_semaphore, #tpu.memory_space<semaphore_mem>>) src(%arg9 : memref<100x128xf32, #tpu.memory_space<vmem>>) dst(%dma_wait3A_121 : memref<10240x128xf32, #tpu.memory_space<vmem_shared>>)
        tpu.yield
      }) : () -> ()
      %run_scoped3A_40 = arith.constant 1 : i32
      "tpu.region"() ({
        %run_scoped3A_109 = tpu.sem_alloc : memref<!tpu.dma_semaphore, #tpu.memory_space<semaphore_mem>>
        %dma_start3A_110 = arith.constant 0 : i32
        %dma_start3A_111 = arith.constant 0 : i32
        %dma_start3A_112 = tpu.memref_slice %arg3[%add3A, %run_scoped3A_40, %dma_start3A_110, %dma_start3A_111] : memref<32x4x25x100xi32, #tpu.memory_space<hbm>> -> memref<1x1x25x100xi32, #tpu.memory_space<hbm>>
        %dma_start3A_113 = tpu.memref_squeeze %dma_start3A_112 : memref<1x1x25x100xi32, #tpu.memory_space<hbm>> -> memref<25x100xi32, #tpu.memory_space<hbm>>
        %dma_start3A_114 = arith.constant 0 : i32
        %dma_start3A_115 = arith.constant 0 : i32
        %dma_start3A_116 = tpu.memref_slice %arg3[%add3A, %run_scoped3A_40, %dma_start3A_114, %dma_start3A_115] : memref<32x4x25x100xi32, #tpu.memory_space<hbm>> -> memref<1x1x25x100xi32, #tpu.memory_space<hbm>>
        %dma_start3A_117 = tpu.memref_squeeze %dma_start3A_116 : memref<1x1x25x100xi32, #tpu.memory_space<hbm>> -> memref<25x100xi32, #tpu.memory_space<hbm>>
        tpu.enqueue_dma source(%dma_start3A_117 : memref<25x100xi32, #tpu.memory_space<hbm>>) target(%arg7 : memref<25x100xi32, #tpu.memory_space<vmem>>) target_semaphore(%run_scoped3A_109 : memref<!tpu.dma_semaphore, #tpu.memory_space<semaphore_mem>>)
        %dma_wait3A_118 = arith.constant 0 : i32
        %dma_wait3A_119 = arith.constant 0 : i32
        %dma_wait3A_120 = tpu.memref_slice %arg3[%add3A, %run_scoped3A_40, %dma_wait3A_118, %dma_wait3A_119] : memref<32x4x25x100xi32, #tpu.memory_space<hbm>> -> memref<1x1x25x100xi32, #tpu.memory_space<hbm>>
        %dma_wait3A_121 = tpu.memref_squeeze %dma_wait3A_120 : memref<1x1x25x100xi32, #tpu.memory_space<hbm>> -> memref<25x100xi32, #tpu.memory_space<hbm>>
        %dma_wait3A_122 = arith.constant 0 : i32
        %dma_wait3A_123 = arith.constant 0 : i32
        %dma_wait3A_124 = tpu.memref_slice %arg3[%add3A, %run_scoped3A_40, %dma_wait3A_122, %dma_wait3A_123] : memref<32x4x25x100xi32, #tpu.memory_space<hbm>> -> memref<1x1x25x100xi32, #tpu.memory_space<hbm>>
        %dma_wait3A_125 = tpu.memref_squeeze %dma_wait3A_124 : memref<1x1x25x100xi32, #tpu.memory_space<hbm>> -> memref<25x100xi32, #tpu.memory_space<hbm>>
        tpu.wait_dma2 semaphore(%run_scoped3A_109 : memref<!tpu.dma_semaphore, #tpu.memory_space<semaphore_mem>>) src(%dma_wait3A_125 : memref<25x100xi32, #tpu.memory_space<hbm>>) dst(%arg7 : memref<25x100xi32, #tpu.memory_space<vmem>>)
        tpu.yield
      }) : () -> ()
      %run_scoped3A_41 = arith.constant 1 : i32
      "tpu.region"() ({
        %run_scoped3A_109 = tpu.sem_alloc : memref<!tpu.dma_semaphore, #tpu.memory_space<semaphore_mem>>
        %dma_start3A_110 = arith.constant 0 : i32
        %dma_start3A_111 = arith.constant 0 : i32
        %dma_start3A_112 = tpu.memref_slice %arg4[%add3A, %run_scoped3A_41, %dma_start3A_110, %dma_start3A_111] : memref<32x4x25x100xi32, #tpu.memory_space<hbm>> -> memref<1x1x25x100xi32, #tpu.memory_space<hbm>>
        %dma_start3A_113 = tpu.memref_squeeze %dma_start3A_112 : memref<1x1x25x100xi32, #tpu.memory_space<hbm>> -> memref<25x100xi32, #tpu.memory_space<hbm>>
        %dma_start3A_114 = arith.constant 0 : i32
        %dma_start3A_115 = arith.constant 0 : i32
        %dma_start3A_116 = tpu.memref_slice %arg4[%add3A, %run_scoped3A_41, %dma_start3A_114, %dma_start3A_115] : memref<32x4x25x100xi32, #tpu.memory_space<hbm>> -> memref<1x1x25x100xi32, #tpu.memory_space<hbm>>
        %dma_start3A_117 = tpu.memref_squeeze %dma_start3A_116 : memref<1x1x25x100xi32, #tpu.memory_space<hbm>> -> memref<25x100xi32, #tpu.memory_space<hbm>>
        tpu.enqueue_dma source(%dma_start3A_117 : memref<25x100xi32, #tpu.memory_space<hbm>>) target(%arg8 : memref<25x100xi32, #tpu.memory_space<vmem>>) target_semaphore(%run_scoped3A_109 : memref<!tpu.dma_semaphore, #tpu.memory_space<semaphore_mem>>)
        %dma_wait3A_118 = arith.constant 0 : i32
        %dma_wait3A_119 = arith.constant 0 : i32
        %dma_wait3A_120 = tpu.memref_slice %arg4[%add3A, %run_scoped3A_41, %dma_wait3A_118, %dma_wait3A_119] : memref<32x4x25x100xi32, #tpu.memory_space<hbm>> -> memref<1x1x25x100xi32, #tpu.memory_space<hbm>>
        %dma_wait3A_121 = tpu.memref_squeeze %dma_wait3A_120 : memref<1x1x25x100xi32, #tpu.memory_space<hbm>> -> memref<25x100xi32, #tpu.memory_space<hbm>>
        %dma_wait3A_122 = arith.constant 0 : i32
        %dma_wait3A_123 = arith.constant 0 : i32
        %dma_wait3A_124 = tpu.memref_slice %arg4[%add3A, %run_scoped3A_41, %dma_wait3A_122, %dma_wait3A_123] : memref<32x4x25x100xi32, #tpu.memory_space<hbm>> -> memref<1x1x25x100xi32, #tpu.memory_space<hbm>>
        %dma_wait3A_125 = tpu.memref_squeeze %dma_wait3A_124 : memref<1x1x25x100xi32, #tpu.memory_space<hbm>> -> memref<25x100xi32, #tpu.memory_space<hbm>>
        tpu.wait_dma2 semaphore(%run_scoped3A_109 : memref<!tpu.dma_semaphore, #tpu.memory_space<semaphore_mem>>) src(%dma_wait3A_125 : memref<25x100xi32, #tpu.memory_space<hbm>>) dst(%arg8 : memref<25x100xi32, #tpu.memory_space<vmem>>)
        tpu.yield
      }) : () -> ()
      %dma_start3A_42 = arith.constant 0 : i32
      %dma_start3A_43 = arith.constant 0 : i32
      %dma_start3A_44 = tpu.memref_slice %arg7[%dma_start3A_42, %dma_start3A_43] : memref<25x100xi32, #tpu.memory_space<vmem>> -> memref<1x100xi32, #tpu.memory_space<vmem>>
      %dma_start3A_45 = tpu.memref_squeeze %dma_start3A_44 : memref<1x100xi32, #tpu.memory_space<vmem>> -> memref<100xi32, #tpu.memory_space<vmem>>
      %dma_start3A_46 = arith.constant 0 : i32
      %dma_start3A_47 = arith.constant 0 : i32
      %dma_start3A_48 = tpu.memref_slice %arg2[%dma_start3A_46, %dma_start3A_47] : memref<10240x128xf32, #tpu.memory_space<hbm>> -> memref<10240x128xf32, #tpu.memory_space<hbm>>
      tpu.enqueue_indirect_dma source(%dma_start3A_48 : memref<10240x128xf32, #tpu.memory_space<hbm>>) target(%arg9 : memref<100x128xf32, #tpu.memory_space<vmem>>) offsets(%dma_start3A_45 : memref<100xi32, #tpu.memory_space<vmem>>) semaphore(%run_scoped3A : memref<!tpu.dma_semaphore, #tpu.memory_space<semaphore_mem>>)
      %scan3A_49 = arith.constant 0 : i32
      %scan3A_50 = arith.constant 0 : i32
      %scan3A_51 = arith.constant 12 : i32
      %scan3A_52 = arith.addi %scan3A_50, %scan3A_51 : i32
      %scan3A_53 = arith.constant 1 : i32
      scf.for %scan3A_109 = %scan3A_50 to %scan3A_52 step %scan3A_53  : i32 {
        %mul3A_110 = arith.constant 2 : i32
        %mul3A_111 = arith.muli %mul3A_110, %scan3A_109 : i32
        %add3A_112 = arith.constant 1 : i32
        %add3A_113 = arith.addi %mul3A_111, %add3A_112 : i32
        %dma_start3A_114 = arith.constant 0 : i32
        %dma_start3A_115 = tpu.memref_slice %arg7[%add3A_113, %dma_start3A_114] : memref<25x100xi32, #tpu.memory_space<vmem>> -> memref<1x100xi32, #tpu.memory_space<vmem>>
        %dma_start3A_116 = tpu.memref_squeeze %dma_start3A_115 : memref<1x100xi32, #tpu.memory_space<vmem>> -> memref<100xi32, #tpu.memory_space<vmem>>
        %dma_start3A_117 = arith.constant 0 : i32
        %dma_start3A_118 = arith.constant 0 : i32
        %dma_start3A_119 = tpu.memref_slice %arg2[%dma_start3A_117, %dma_start3A_118] : memref<10240x128xf32, #tpu.memory_space<hbm>> -> memref<10240x128xf32, #tpu.memory_space<hbm>>
        tpu.enqueue_indirect_dma source(%dma_start3A_119 : memref<10240x128xf32, #tpu.memory_space<hbm>>) target(%arg10 : memref<100x128xf32, #tpu.memory_space<vmem>>) offsets(%dma_start3A_116 : memref<100xi32, #tpu.memory_space<vmem>>) semaphore(%run_scoped3A_18 : memref<!tpu.dma_semaphore, #tpu.memory_space<semaphore_mem>>)
        %dma_wait3A_120 = arith.constant 0 : i32
        %dma_wait3A_121 = tpu.memref_slice %arg7[%mul3A_111, %dma_wait3A_120] : memref<25x100xi32, #tpu.memory_space<vmem>> -> memref<1x100xi32, #tpu.memory_space<vmem>>
        %dma_wait3A_122 = tpu.memref_squeeze %dma_wait3A_121 : memref<1x100xi32, #tpu.memory_space<vmem>> -> memref<100xi32, #tpu.memory_space<vmem>>
        %dma_wait3A_123 = arith.constant 0 : i32
        %dma_wait3A_124 = arith.constant 0 : i32
        %dma_wait3A_125 = tpu.memref_slice %arg2[%dma_wait3A_123, %dma_wait3A_124] : memref<10240x128xf32, #tpu.memory_space<hbm>> -> memref<10240x128xf32, #tpu.memory_space<hbm>>
        tpu.wait_indirect_dma semaphore(%run_scoped3A : memref<!tpu.dma_semaphore, #tpu.memory_space<semaphore_mem>>) src(%dma_wait3A_125 : memref<10240x128xf32, #tpu.memory_space<hbm>>) dst(%arg9 : memref<100x128xf32, #tpu.memory_space<vmem>>)
        "tpu.region"() ({
          %run_scoped3A_144 = tpu.sem_alloc : memref<!tpu.dma_semaphore, #tpu.memory_space<semaphore_mem>>
          %dma_start3A_145 = arith.constant 0 : i32
          %dma_start3A_146 = tpu.memref_slice %arg8[%mul3A_111, %dma_start3A_145] : memref<25x100xi32, #tpu.memory_space<vmem>> -> memref<1x100xi32, #tpu.memory_space<vmem>>
          %dma_start3A_147 = tpu.memref_squeeze %dma_start3A_146 : memref<1x100xi32, #tpu.memory_space<vmem>> -> memref<100xi32, #tpu.memory_space<vmem>>
          %dma_start3A_148 = arith.constant 0 : i32
          %dma_start3A_149 = arith.constant 0 : i32
          %dma_start3A_150 = tpu.memref_slice %arg11[%dma_start3A_148, %dma_start3A_149] : memref<10240x128xf32, #tpu.memory_space<vmem_shared>> -> memref<10240x128xf32, #tpu.memory_space<vmem_shared>>
          tpu.enqueue_indirect_dma source(%arg9 : memref<100x128xf32, #tpu.memory_space<vmem>>) target(%dma_start3A_150 : memref<10240x128xf32, #tpu.memory_space<vmem_shared>>) offsets(%dma_start3A_147 : memref<100xi32, #tpu.memory_space<vmem>>) semaphore(%run_scoped3A_144 : memref<!tpu.dma_semaphore, #tpu.memory_space<semaphore_mem>>) {add = true}
          %dma_wait3A_151 = arith.constant 0 : i32
          %dma_wait3A_152 = tpu.memref_slice %arg8[%mul3A_111, %dma_wait3A_151] : memref<25x100xi32, #tpu.memory_space<vmem>> -> memref<1x100xi32, #tpu.memory_space<vmem>>
          %dma_wait3A_153 = tpu.memref_squeeze %dma_wait3A_152 : memref<1x100xi32, #tpu.memory_space<vmem>> -> memref<100xi32, #tpu.memory_space<vmem>>
          %dma_wait3A_154 = arith.constant 0 : i32
          %dma_wait3A_155 = arith.constant 0 : i32
          %dma_wait3A_156 = tpu.memref_slice %arg11[%dma_wait3A_154, %dma_wait3A_155] : memref<10240x128xf32, #tpu.memory_space<vmem_shared>> -> memref<10240x128xf32, #tpu.memory_space<vmem_shared>>
          tpu.wait_indirect_dma semaphore(%run_scoped3A_144 : memref<!tpu.dma_semaphore, #tpu.memory_space<semaphore_mem>>) src(%arg9 : memref<100x128xf32, #tpu.memory_space<vmem>>) dst(%dma_wait3A_156 : memref<10240x128xf32, #tpu.memory_space<vmem_shared>>)
          tpu.yield
        }) : () -> ()
        %add3A_126 = arith.constant 2 : i32
        %add3A_127 = arith.addi %mul3A_111, %add3A_126 : i32
        %dma_start3A_128 = arith.constant 0 : i32
        %dma_start3A_129 = tpu.memref_slice %arg7[%add3A_127, %dma_start3A_128] : memref<25x100xi32, #tpu.memory_space<vmem>> -> memref<1x100xi32, #tpu.memory_space<vmem>>
        %dma_start3A_130 = tpu.memref_squeeze %dma_start3A_129 : memref<1x100xi32, #tpu.memory_space<vmem>> -> memref<100xi32, #tpu.memory_space<vmem>>
        %dma_start3A_131 = arith.constant 0 : i32
        %dma_start3A_132 = arith.constant 0 : i32
        %dma_start3A_133 = tpu.memref_slice %arg2[%dma_start3A_131, %dma_start3A_132] : memref<10240x128xf32, #tpu.memory_space<hbm>> -> memref<10240x128xf32, #tpu.memory_space<hbm>>
        tpu.enqueue_indirect_dma source(%dma_start3A_133 : memref<10240x128xf32, #tpu.memory_space<hbm>>) target(%arg9 : memref<100x128xf32, #tpu.memory_space<vmem>>) offsets(%dma_start3A_130 : memref<100xi32, #tpu.memory_space<vmem>>) semaphore(%run_scoped3A : memref<!tpu.dma_semaphore, #tpu.memory_space<semaphore_mem>>)
        %add3A_134 = arith.constant 1 : i32
        %add3A_135 = arith.addi %mul3A_111, %add3A_134 : i32
        %dma_wait3A_136 = arith.constant 0 : i32
        %dma_wait3A_137 = tpu.memref_slice %arg7[%add3A_135, %dma_wait3A_136] : memref<25x100xi32, #tpu.memory_space<vmem>> -> memref<1x100xi32, #tpu.memory_space<vmem>>
        %dma_wait3A_138 = tpu.memref_squeeze %dma_wait3A_137 : memref<1x100xi32, #tpu.memory_space<vmem>> -> memref<100xi32, #tpu.memory_space<vmem>>
        %dma_wait3A_139 = arith.constant 0 : i32
        %dma_wait3A_140 = arith.constant 0 : i32
        %dma_wait3A_141 = tpu.memref_slice %arg2[%dma_wait3A_139, %dma_wait3A_140] : memref<10240x128xf32, #tpu.memory_space<hbm>> -> memref<10240x128xf32, #tpu.memory_space<hbm>>
        tpu.wait_indirect_dma semaphore(%run_scoped3A_18 : memref<!tpu.dma_semaphore, #tpu.memory_space<semaphore_mem>>) src(%dma_wait3A_141 : memref<10240x128xf32, #tpu.memory_space<hbm>>) dst(%arg10 : memref<100x128xf32, #tpu.memory_space<vmem>>)
        %add3A_142 = arith.constant 1 : i32
        %add3A_143 = arith.addi %mul3A_111, %add3A_142 : i32
        "tpu.region"() ({
          %run_scoped3A_144 = tpu.sem_alloc : memref<!tpu.dma_semaphore, #tpu.memory_space<semaphore_mem>>
          %dma_start3A_145 = arith.constant 0 : i32
          %dma_start3A_146 = tpu.memref_slice %arg8[%add3A_143, %dma_start3A_145] : memref<25x100xi32, #tpu.memory_space<vmem>> -> memref<1x100xi32, #tpu.memory_space<vmem>>
          %dma_start3A_147 = tpu.memref_squeeze %dma_start3A_146 : memref<1x100xi32, #tpu.memory_space<vmem>> -> memref<100xi32, #tpu.memory_space<vmem>>
          %dma_start3A_148 = arith.constant 0 : i32
          %dma_start3A_149 = arith.constant 0 : i32
          %dma_start3A_150 = tpu.memref_slice %arg11[%dma_start3A_148, %dma_start3A_149] : memref<10240x128xf32, #tpu.memory_space<vmem_shared>> -> memref<10240x128xf32, #tpu.memory_space<vmem_shared>>
          tpu.enqueue_indirect_dma source(%arg10 : memref<100x128xf32, #tpu.memory_space<vmem>>) target(%dma_start3A_150 : memref<10240x128xf32, #tpu.memory_space<vmem_shared>>) offsets(%dma_start3A_147 : memref<100xi32, #tpu.memory_space<vmem>>) semaphore(%run_scoped3A_144 : memref<!tpu.dma_semaphore, #tpu.memory_space<semaphore_mem>>) {add = true}
          %dma_wait3A_151 = arith.constant 0 : i32
          %dma_wait3A_152 = tpu.memref_slice %arg8[%add3A_143, %dma_wait3A_151] : memref<25x100xi32, #tpu.memory_space<vmem>> -> memref<1x100xi32, #tpu.memory_space<vmem>>
          %dma_wait3A_153 = tpu.memref_squeeze %dma_wait3A_152 : memref<1x100xi32, #tpu.memory_space<vmem>> -> memref<100xi32, #tpu.memory_space<vmem>>
          %dma_wait3A_154 = arith.constant 0 : i32
          %dma_wait3A_155 = arith.constant 0 : i32
          %dma_wait3A_156 = tpu.memref_slice %arg11[%dma_wait3A_154, %dma_wait3A_155] : memref<10240x128xf32, #tpu.memory_space<vmem_shared>> -> memref<10240x128xf32, #tpu.memory_space<vmem_shared>>
          tpu.wait_indirect_dma semaphore(%run_scoped3A_144 : memref<!tpu.dma_semaphore, #tpu.memory_space<semaphore_mem>>) src(%arg10 : memref<100x128xf32, #tpu.memory_space<vmem>>) dst(%dma_wait3A_156 : memref<10240x128xf32, #tpu.memory_space<vmem_shared>>)
          tpu.yield
        }) : () -> ()
      }
      %scan3A_54 = arith.constant 12 : i32
      %dma_wait3A_55 = arith.constant 24 : i32
      %dma_wait3A_56 = arith.constant 0 : i32
      %dma_wait3A_57 = tpu.memref_slice %arg7[%dma_wait3A_55, %dma_wait3A_56] : memref<25x100xi32, #tpu.memory_space<vmem>> -> memref<1x100xi32, #tpu.memory_space<vmem>>
      %dma_wait3A_58 = tpu.memref_squeeze %dma_wait3A_57 : memref<1x100xi32, #tpu.memory_space<vmem>> -> memref<100xi32, #tpu.memory_space<vmem>>
      %dma_wait3A_59 = arith.constant 0 : i32
      %dma_wait3A_60 = arith.constant 0 : i32
      %dma_wait3A_61 = tpu.memref_slice %arg2[%dma_wait3A_59, %dma_wait3A_60] : memref<10240x128xf32, #tpu.memory_space<hbm>> -> memref<10240x128xf32, #tpu.memory_space<hbm>>
      tpu.wait_indirect_dma semaphore(%run_scoped3A : memref<!tpu.dma_semaphore, #tpu.memory_space<semaphore_mem>>) src(%dma_wait3A_61 : memref<10240x128xf32, #tpu.memory_space<hbm>>) dst(%arg9 : memref<100x128xf32, #tpu.memory_space<vmem>>)
      %run_scoped3A_62 = arith.constant 24 : i32
      "tpu.region"() ({
        %run_scoped3A_109 = tpu.sem_alloc : memref<!tpu.dma_semaphore, #tpu.memory_space<semaphore_mem>>
        %dma_start3A_110 = arith.constant 0 : i32
        %dma_start3A_111 = tpu.memref_slice %arg8[%run_scoped3A_62, %dma_start3A_110] : memref<25x100xi32, #tpu.memory_space<vmem>> -> memref<1x100xi32, #tpu.memory_space<vmem>>
        %dma_start3A_112 = tpu.memref_squeeze %dma_start3A_111 : memref<1x100xi32, #tpu.memory_space<vmem>> -> memref<100xi32, #tpu.memory_space<vmem>>
        %dma_start3A_113 = arith.constant 0 : i32
        %dma_start3A_114 = arith.constant 0 : i32
        %dma_start3A_115 = tpu.memref_slice %arg11[%dma_start3A_113, %dma_start3A_114] : memref<10240x128xf32, #tpu.memory_space<vmem_shared>> -> memref<10240x128xf32, #tpu.memory_space<vmem_shared>>
        tpu.enqueue_indirect_dma source(%arg9 : memref<100x128xf32, #tpu.memory_space<vmem>>) target(%dma_start3A_115 : memref<10240x128xf32, #tpu.memory_space<vmem_shared>>) offsets(%dma_start3A_112 : memref<100xi32, #tpu.memory_space<vmem>>) semaphore(%run_scoped3A_109 : memref<!tpu.dma_semaphore, #tpu.memory_space<semaphore_mem>>) {add = true}
        %dma_wait3A_116 = arith.constant 0 : i32
        %dma_wait3A_117 = tpu.memref_slice %arg8[%run_scoped3A_62, %dma_wait3A_116] : memref<25x100xi32, #tpu.memory_space<vmem>> -> memref<1x100xi32, #tpu.memory_space<vmem>>
        %dma_wait3A_118 = tpu.memref_squeeze %dma_wait3A_117 : memref<1x100xi32, #tpu.memory_space<vmem>> -> memref<100xi32, #tpu.memory_space<vmem>>
        %dma_wait3A_119 = arith.constant 0 : i32
        %dma_wait3A_120 = arith.constant 0 : i32
        %dma_wait3A_121 = tpu.memref_slice %arg11[%dma_wait3A_119, %dma_wait3A_120] : memref<10240x128xf32, #tpu.memory_space<vmem_shared>> -> memref<10240x128xf32, #tpu.memory_space<vmem_shared>>
        tpu.wait_indirect_dma semaphore(%run_scoped3A_109 : memref<!tpu.dma_semaphore, #tpu.memory_space<semaphore_mem>>) src(%arg9 : memref<100x128xf32, #tpu.memory_space<vmem>>) dst(%dma_wait3A_121 : memref<10240x128xf32, #tpu.memory_space<vmem_shared>>)
        tpu.yield
      }) : () -> ()
      %run_scoped3A_63 = arith.constant 2 : i32
      "tpu.region"() ({
        %run_scoped3A_109 = tpu.sem_alloc : memref<!tpu.dma_semaphore, #tpu.memory_space<semaphore_mem>>
        %dma_start3A_110 = arith.constant 0 : i32
        %dma_start3A_111 = arith.constant 0 : i32
        %dma_start3A_112 = tpu.memref_slice %arg3[%add3A, %run_scoped3A_63, %dma_start3A_110, %dma_start3A_111] : memref<32x4x25x100xi32, #tpu.memory_space<hbm>> -> memref<1x1x25x100xi32, #tpu.memory_space<hbm>>
        %dma_start3A_113 = tpu.memref_squeeze %dma_start3A_112 : memref<1x1x25x100xi32, #tpu.memory_space<hbm>> -> memref<25x100xi32, #tpu.memory_space<hbm>>
        %dma_start3A_114 = arith.constant 0 : i32
        %dma_start3A_115 = arith.constant 0 : i32
        %dma_start3A_116 = tpu.memref_slice %arg3[%add3A, %run_scoped3A_63, %dma_start3A_114, %dma_start3A_115] : memref<32x4x25x100xi32, #tpu.memory_space<hbm>> -> memref<1x1x25x100xi32, #tpu.memory_space<hbm>>
        %dma_start3A_117 = tpu.memref_squeeze %dma_start3A_116 : memref<1x1x25x100xi32, #tpu.memory_space<hbm>> -> memref<25x100xi32, #tpu.memory_space<hbm>>
        tpu.enqueue_dma source(%dma_start3A_117 : memref<25x100xi32, #tpu.memory_space<hbm>>) target(%arg7 : memref<25x100xi32, #tpu.memory_space<vmem>>) target_semaphore(%run_scoped3A_109 : memref<!tpu.dma_semaphore, #tpu.memory_space<semaphore_mem>>)
        %dma_wait3A_118 = arith.constant 0 : i32
        %dma_wait3A_119 = arith.constant 0 : i32
        %dma_wait3A_120 = tpu.memref_slice %arg3[%add3A, %run_scoped3A_63, %dma_wait3A_118, %dma_wait3A_119] : memref<32x4x25x100xi32, #tpu.memory_space<hbm>> -> memref<1x1x25x100xi32, #tpu.memory_space<hbm>>
        %dma_wait3A_121 = tpu.memref_squeeze %dma_wait3A_120 : memref<1x1x25x100xi32, #tpu.memory_space<hbm>> -> memref<25x100xi32, #tpu.memory_space<hbm>>
        %dma_wait3A_122 = arith.constant 0 : i32
        %dma_wait3A_123 = arith.constant 0 : i32
        %dma_wait3A_124 = tpu.memref_slice %arg3[%add3A, %run_scoped3A_63, %dma_wait3A_122, %dma_wait3A_123] : memref<32x4x25x100xi32, #tpu.memory_space<hbm>> -> memref<1x1x25x100xi32, #tpu.memory_space<hbm>>
        %dma_wait3A_125 = tpu.memref_squeeze %dma_wait3A_124 : memref<1x1x25x100xi32, #tpu.memory_space<hbm>> -> memref<25x100xi32, #tpu.memory_space<hbm>>
        tpu.wait_dma2 semaphore(%run_scoped3A_109 : memref<!tpu.dma_semaphore, #tpu.memory_space<semaphore_mem>>) src(%dma_wait3A_125 : memref<25x100xi32, #tpu.memory_space<hbm>>) dst(%arg7 : memref<25x100xi32, #tpu.memory_space<vmem>>)
        tpu.yield
      }) : () -> ()
      %run_scoped3A_64 = arith.constant 2 : i32
      "tpu.region"() ({
        %run_scoped3A_109 = tpu.sem_alloc : memref<!tpu.dma_semaphore, #tpu.memory_space<semaphore_mem>>
        %dma_start3A_110 = arith.constant 0 : i32
        %dma_start3A_111 = arith.constant 0 : i32
        %dma_start3A_112 = tpu.memref_slice %arg4[%add3A, %run_scoped3A_64, %dma_start3A_110, %dma_start3A_111] : memref<32x4x25x100xi32, #tpu.memory_space<hbm>> -> memref<1x1x25x100xi32, #tpu.memory_space<hbm>>
        %dma_start3A_113 = tpu.memref_squeeze %dma_start3A_112 : memref<1x1x25x100xi32, #tpu.memory_space<hbm>> -> memref<25x100xi32, #tpu.memory_space<hbm>>
        %dma_start3A_114 = arith.constant 0 : i32
        %dma_start3A_115 = arith.constant 0 : i32
        %dma_start3A_116 = tpu.memref_slice %arg4[%add3A, %run_scoped3A_64, %dma_start3A_114, %dma_start3A_115] : memref<32x4x25x100xi32, #tpu.memory_space<hbm>> -> memref<1x1x25x100xi32, #tpu.memory_space<hbm>>
        %dma_start3A_117 = tpu.memref_squeeze %dma_start3A_116 : memref<1x1x25x100xi32, #tpu.memory_space<hbm>> -> memref<25x100xi32, #tpu.memory_space<hbm>>
        tpu.enqueue_dma source(%dma_start3A_117 : memref<25x100xi32, #tpu.memory_space<hbm>>) target(%arg8 : memref<25x100xi32, #tpu.memory_space<vmem>>) target_semaphore(%run_scoped3A_109 : memref<!tpu.dma_semaphore, #tpu.memory_space<semaphore_mem>>)
        %dma_wait3A_118 = arith.constant 0 : i32
        %dma_wait3A_119 = arith.constant 0 : i32
        %dma_wait3A_120 = tpu.memref_slice %arg4[%add3A, %run_scoped3A_64, %dma_wait3A_118, %dma_wait3A_119] : memref<32x4x25x100xi32, #tpu.memory_space<hbm>> -> memref<1x1x25x100xi32, #tpu.memory_space<hbm>>
        %dma_wait3A_121 = tpu.memref_squeeze %dma_wait3A_120 : memref<1x1x25x100xi32, #tpu.memory_space<hbm>> -> memref<25x100xi32, #tpu.memory_space<hbm>>
        %dma_wait3A_122 = arith.constant 0 : i32
        %dma_wait3A_123 = arith.constant 0 : i32
        %dma_wait3A_124 = tpu.memref_slice %arg4[%add3A, %run_scoped3A_64, %dma_wait3A_122, %dma_wait3A_123] : memref<32x4x25x100xi32, #tpu.memory_space<hbm>> -> memref<1x1x25x100xi32, #tpu.memory_space<hbm>>
        %dma_wait3A_125 = tpu.memref_squeeze %dma_wait3A_124 : memref<1x1x25x100xi32, #tpu.memory_space<hbm>> -> memref<25x100xi32, #tpu.memory_space<hbm>>
        tpu.wait_dma2 semaphore(%run_scoped3A_109 : memref<!tpu.dma_semaphore, #tpu.memory_space<semaphore_mem>>) src(%dma_wait3A_125 : memref<25x100xi32, #tpu.memory_space<hbm>>) dst(%arg8 : memref<25x100xi32, #tpu.memory_space<vmem>>)
        tpu.yield
      }) : () -> ()
      %dma_start3A_65 = arith.constant 0 : i32
      %dma_start3A_66 = arith.constant 0 : i32
      %dma_start3A_67 = tpu.memref_slice %arg7[%dma_start3A_65, %dma_start3A_66] : memref<25x100xi32, #tpu.memory_space<vmem>> -> memref<1x100xi32, #tpu.memory_space<vmem>>
      %dma_start3A_68 = tpu.memref_squeeze %dma_start3A_67 : memref<1x100xi32, #tpu.memory_space<vmem>> -> memref<100xi32, #tpu.memory_space<vmem>>
      %dma_start3A_69 = arith.constant 0 : i32
      %dma_start3A_70 = arith.constant 0 : i32
      %dma_start3A_71 = tpu.memref_slice %arg2[%dma_start3A_69, %dma_start3A_70] : memref<10240x128xf32, #tpu.memory_space<hbm>> -> memref<10240x128xf32, #tpu.memory_space<hbm>>
      tpu.enqueue_indirect_dma source(%dma_start3A_71 : memref<10240x128xf32, #tpu.memory_space<hbm>>) target(%arg9 : memref<100x128xf32, #tpu.memory_space<vmem>>) offsets(%dma_start3A_68 : memref<100xi32, #tpu.memory_space<vmem>>) semaphore(%run_scoped3A : memref<!tpu.dma_semaphore, #tpu.memory_space<semaphore_mem>>)
      %scan3A_72 = arith.constant 0 : i32
      %scan3A_73 = arith.constant 0 : i32
      %scan3A_74 = arith.constant 12 : i32
      %scan3A_75 = arith.addi %scan3A_73, %scan3A_74 : i32
      %scan3A_76 = arith.constant 1 : i32
      scf.for %scan3A_109 = %scan3A_73 to %scan3A_75 step %scan3A_76  : i32 {
        %mul3A_110 = arith.constant 2 : i32
        %mul3A_111 = arith.muli %mul3A_110, %scan3A_109 : i32
        %add3A_112 = arith.constant 1 : i32
        %add3A_113 = arith.addi %mul3A_111, %add3A_112 : i32
        %dma_start3A_114 = arith.constant 0 : i32
        %dma_start3A_115 = tpu.memref_slice %arg7[%add3A_113, %dma_start3A_114] : memref<25x100xi32, #tpu.memory_space<vmem>> -> memref<1x100xi32, #tpu.memory_space<vmem>>
        %dma_start3A_116 = tpu.memref_squeeze %dma_start3A_115 : memref<1x100xi32, #tpu.memory_space<vmem>> -> memref<100xi32, #tpu.memory_space<vmem>>
        %dma_start3A_117 = arith.constant 0 : i32
        %dma_start3A_118 = arith.constant 0 : i32
        %dma_start3A_119 = tpu.memref_slice %arg2[%dma_start3A_117, %dma_start3A_118] : memref<10240x128xf32, #tpu.memory_space<hbm>> -> memref<10240x128xf32, #tpu.memory_space<hbm>>
        tpu.enqueue_indirect_dma source(%dma_start3A_119 : memref<10240x128xf32, #tpu.memory_space<hbm>>) target(%arg10 : memref<100x128xf32, #tpu.memory_space<vmem>>) offsets(%dma_start3A_116 : memref<100xi32, #tpu.memory_space<vmem>>) semaphore(%run_scoped3A_18 : memref<!tpu.dma_semaphore, #tpu.memory_space<semaphore_mem>>)
        %dma_wait3A_120 = arith.constant 0 : i32
        %dma_wait3A_121 = tpu.memref_slice %arg7[%mul3A_111, %dma_wait3A_120] : memref<25x100xi32, #tpu.memory_space<vmem>> -> memref<1x100xi32, #tpu.memory_space<vmem>>
        %dma_wait3A_122 = tpu.memref_squeeze %dma_wait3A_121 : memref<1x100xi32, #tpu.memory_space<vmem>> -> memref<100xi32, #tpu.memory_space<vmem>>
        %dma_wait3A_123 = arith.constant 0 : i32
        %dma_wait3A_124 = arith.constant 0 : i32
        %dma_wait3A_125 = tpu.memref_slice %arg2[%dma_wait3A_123, %dma_wait3A_124] : memref<10240x128xf32, #tpu.memory_space<hbm>> -> memref<10240x128xf32, #tpu.memory_space<hbm>>
        tpu.wait_indirect_dma semaphore(%run_scoped3A : memref<!tpu.dma_semaphore, #tpu.memory_space<semaphore_mem>>) src(%dma_wait3A_125 : memref<10240x128xf32, #tpu.memory_space<hbm>>) dst(%arg9 : memref<100x128xf32, #tpu.memory_space<vmem>>)
        "tpu.region"() ({
          %run_scoped3A_144 = tpu.sem_alloc : memref<!tpu.dma_semaphore, #tpu.memory_space<semaphore_mem>>
          %dma_start3A_145 = arith.constant 0 : i32
          %dma_start3A_146 = tpu.memref_slice %arg8[%mul3A_111, %dma_start3A_145] : memref<25x100xi32, #tpu.memory_space<vmem>> -> memref<1x100xi32, #tpu.memory_space<vmem>>
          %dma_start3A_147 = tpu.memref_squeeze %dma_start3A_146 : memref<1x100xi32, #tpu.memory_space<vmem>> -> memref<100xi32, #tpu.memory_space<vmem>>
          %dma_start3A_148 = arith.constant 0 : i32
          %dma_start3A_149 = arith.constant 0 : i32
          %dma_start3A_150 = tpu.memref_slice %arg11[%dma_start3A_148, %dma_start3A_149] : memref<10240x128xf32, #tpu.memory_space<vmem_shared>> -> memref<10240x128xf32, #tpu.memory_space<vmem_shared>>
          tpu.enqueue_indirect_dma source(%arg9 : memref<100x128xf32, #tpu.memory_space<vmem>>) target(%dma_start3A_150 : memref<10240x128xf32, #tpu.memory_space<vmem_shared>>) offsets(%dma_start3A_147 : memref<100xi32, #tpu.memory_space<vmem>>) semaphore(%run_scoped3A_144 : memref<!tpu.dma_semaphore, #tpu.memory_space<semaphore_mem>>) {add = true}
          %dma_wait3A_151 = arith.constant 0 : i32
          %dma_wait3A_152 = tpu.memref_slice %arg8[%mul3A_111, %dma_wait3A_151] : memref<25x100xi32, #tpu.memory_space<vmem>> -> memref<1x100xi32, #tpu.memory_space<vmem>>
          %dma_wait3A_153 = tpu.memref_squeeze %dma_wait3A_152 : memref<1x100xi32, #tpu.memory_space<vmem>> -> memref<100xi32, #tpu.memory_space<vmem>>
          %dma_wait3A_154 = arith.constant 0 : i32
          %dma_wait3A_155 = arith.constant 0 : i32
          %dma_wait3A_156 = tpu.memref_slice %arg11[%dma_wait3A_154, %dma_wait3A_155] : memref<10240x128xf32, #tpu.memory_space<vmem_shared>> -> memref<10240x128xf32, #tpu.memory_space<vmem_shared>>
          tpu.wait_indirect_dma semaphore(%run_scoped3A_144 : memref<!tpu.dma_semaphore, #tpu.memory_space<semaphore_mem>>) src(%arg9 : memref<100x128xf32, #tpu.memory_space<vmem>>) dst(%dma_wait3A_156 : memref<10240x128xf32, #tpu.memory_space<vmem_shared>>)
          tpu.yield
        }) : () -> ()
        %add3A_126 = arith.constant 2 : i32
        %add3A_127 = arith.addi %mul3A_111, %add3A_126 : i32
        %dma_start3A_128 = arith.constant 0 : i32
        %dma_start3A_129 = tpu.memref_slice %arg7[%add3A_127, %dma_start3A_128] : memref<25x100xi32, #tpu.memory_space<vmem>> -> memref<1x100xi32, #tpu.memory_space<vmem>>
        %dma_start3A_130 = tpu.memref_squeeze %dma_start3A_129 : memref<1x100xi32, #tpu.memory_space<vmem>> -> memref<100xi32, #tpu.memory_space<vmem>>
        %dma_start3A_131 = arith.constant 0 : i32
        %dma_start3A_132 = arith.constant 0 : i32
        %dma_start3A_133 = tpu.memref_slice %arg2[%dma_start3A_131, %dma_start3A_132] : memref<10240x128xf32, #tpu.memory_space<hbm>> -> memref<10240x128xf32, #tpu.memory_space<hbm>>
        tpu.enqueue_indirect_dma source(%dma_start3A_133 : memref<10240x128xf32, #tpu.memory_space<hbm>>) target(%arg9 : memref<100x128xf32, #tpu.memory_space<vmem>>) offsets(%dma_start3A_130 : memref<100xi32, #tpu.memory_space<vmem>>) semaphore(%run_scoped3A : memref<!tpu.dma_semaphore, #tpu.memory_space<semaphore_mem>>)
        %add3A_134 = arith.constant 1 : i32
        %add3A_135 = arith.addi %mul3A_111, %add3A_134 : i32
        %dma_wait3A_136 = arith.constant 0 : i32
        %dma_wait3A_137 = tpu.memref_slice %arg7[%add3A_135, %dma_wait3A_136] : memref<25x100xi32, #tpu.memory_space<vmem>> -> memref<1x100xi32, #tpu.memory_space<vmem>>
        %dma_wait3A_138 = tpu.memref_squeeze %dma_wait3A_137 : memref<1x100xi32, #tpu.memory_space<vmem>> -> memref<100xi32, #tpu.memory_space<vmem>>
        %dma_wait3A_139 = arith.constant 0 : i32
        %dma_wait3A_140 = arith.constant 0 : i32
        %dma_wait3A_141 = tpu.memref_slice %arg2[%dma_wait3A_139, %dma_wait3A_140] : memref<10240x128xf32, #tpu.memory_space<hbm>> -> memref<10240x128xf32, #tpu.memory_space<hbm>>
        tpu.wait_indirect_dma semaphore(%run_scoped3A_18 : memref<!tpu.dma_semaphore, #tpu.memory_space<semaphore_mem>>) src(%dma_wait3A_141 : memref<10240x128xf32, #tpu.memory_space<hbm>>) dst(%arg10 : memref<100x128xf32, #tpu.memory_space<vmem>>)
        %add3A_142 = arith.constant 1 : i32
        %add3A_143 = arith.addi %mul3A_111, %add3A_142 : i32
        "tpu.region"() ({
          %run_scoped3A_144 = tpu.sem_alloc : memref<!tpu.dma_semaphore, #tpu.memory_space<semaphore_mem>>
          %dma_start3A_145 = arith.constant 0 : i32
          %dma_start3A_146 = tpu.memref_slice %arg8[%add3A_143, %dma_start3A_145] : memref<25x100xi32, #tpu.memory_space<vmem>> -> memref<1x100xi32, #tpu.memory_space<vmem>>
          %dma_start3A_147 = tpu.memref_squeeze %dma_start3A_146 : memref<1x100xi32, #tpu.memory_space<vmem>> -> memref<100xi32, #tpu.memory_space<vmem>>
          %dma_start3A_148 = arith.constant 0 : i32
          %dma_start3A_149 = arith.constant 0 : i32
          %dma_start3A_150 = tpu.memref_slice %arg11[%dma_start3A_148, %dma_start3A_149] : memref<10240x128xf32, #tpu.memory_space<vmem_shared>> -> memref<10240x128xf32, #tpu.memory_space<vmem_shared>>
          tpu.enqueue_indirect_dma source(%arg10 : memref<100x128xf32, #tpu.memory_space<vmem>>) target(%dma_start3A_150 : memref<10240x128xf32, #tpu.memory_space<vmem_shared>>) offsets(%dma_start3A_147 : memref<100xi32, #tpu.memory_space<vmem>>) semaphore(%run_scoped3A_144 : memref<!tpu.dma_semaphore, #tpu.memory_space<semaphore_mem>>) {add = true}
          %dma_wait3A_151 = arith.constant 0 : i32
          %dma_wait3A_152 = tpu.memref_slice %arg8[%add3A_143, %dma_wait3A_151] : memref<25x100xi32, #tpu.memory_space<vmem>> -> memref<1x100xi32, #tpu.memory_space<vmem>>
          %dma_wait3A_153 = tpu.memref_squeeze %dma_wait3A_152 : memref<1x100xi32, #tpu.memory_space<vmem>> -> memref<100xi32, #tpu.memory_space<vmem>>
          %dma_wait3A_154 = arith.constant 0 : i32
          %dma_wait3A_155 = arith.constant 0 : i32
          %dma_wait3A_156 = tpu.memref_slice %arg11[%dma_wait3A_154, %dma_wait3A_155] : memref<10240x128xf32, #tpu.memory_space<vmem_shared>> -> memref<10240x128xf32, #tpu.memory_space<vmem_shared>>
          tpu.wait_indirect_dma semaphore(%run_scoped3A_144 : memref<!tpu.dma_semaphore, #tpu.memory_space<semaphore_mem>>) src(%arg10 : memref<100x128xf32, #tpu.memory_space<vmem>>) dst(%dma_wait3A_156 : memref<10240x128xf32, #tpu.memory_space<vmem_shared>>)
          tpu.yield
        }) : () -> ()
      }
      %scan3A_77 = arith.constant 12 : i32
      %dma_wait3A_78 = arith.constant 24 : i32
      %dma_wait3A_79 = arith.constant 0 : i32
      %dma_wait3A_80 = tpu.memref_slice %arg7[%dma_wait3A_78, %dma_wait3A_79] : memref<25x100xi32, #tpu.memory_space<vmem>> -> memref<1x100xi32, #tpu.memory_space<vmem>>
      %dma_wait3A_81 = tpu.memref_squeeze %dma_wait3A_80 : memref<1x100xi32, #tpu.memory_space<vmem>> -> memref<100xi32, #tpu.memory_space<vmem>>
      %dma_wait3A_82 = arith.constant 0 : i32
      %dma_wait3A_83 = arith.constant 0 : i32
      %dma_wait3A_84 = tpu.memref_slice %arg2[%dma_wait3A_82, %dma_wait3A_83] : memref<10240x128xf32, #tpu.memory_space<hbm>> -> memref<10240x128xf32, #tpu.memory_space<hbm>>
      tpu.wait_indirect_dma semaphore(%run_scoped3A : memref<!tpu.dma_semaphore, #tpu.memory_space<semaphore_mem>>) src(%dma_wait3A_84 : memref<10240x128xf32, #tpu.memory_space<hbm>>) dst(%arg9 : memref<100x128xf32, #tpu.memory_space<vmem>>)
      %run_scoped3A_85 = arith.constant 24 : i32
      "tpu.region"() ({
        %run_scoped3A_109 = tpu.sem_alloc : memref<!tpu.dma_semaphore, #tpu.memory_space<semaphore_mem>>
        %dma_start3A_110 = arith.constant 0 : i32
        %dma_start3A_111 = tpu.memref_slice %arg8[%run_scoped3A_85, %dma_start3A_110] : memref<25x100xi32, #tpu.memory_space<vmem>> -> memref<1x100xi32, #tpu.memory_space<vmem>>
        %dma_start3A_112 = tpu.memref_squeeze %dma_start3A_111 : memref<1x100xi32, #tpu.memory_space<vmem>> -> memref<100xi32, #tpu.memory_space<vmem>>
        %dma_start3A_113 = arith.constant 0 : i32
        %dma_start3A_114 = arith.constant 0 : i32
        %dma_start3A_115 = tpu.memref_slice %arg11[%dma_start3A_113, %dma_start3A_114] : memref<10240x128xf32, #tpu.memory_space<vmem_shared>> -> memref<10240x128xf32, #tpu.memory_space<vmem_shared>>
        tpu.enqueue_indirect_dma source(%arg9 : memref<100x128xf32, #tpu.memory_space<vmem>>) target(%dma_start3A_115 : memref<10240x128xf32, #tpu.memory_space<vmem_shared>>) offsets(%dma_start3A_112 : memref<100xi32, #tpu.memory_space<vmem>>) semaphore(%run_scoped3A_109 : memref<!tpu.dma_semaphore, #tpu.memory_space<semaphore_mem>>) {add = true}
        %dma_wait3A_116 = arith.constant 0 : i32
        %dma_wait3A_117 = tpu.memref_slice %arg8[%run_scoped3A_85, %dma_wait3A_116] : memref<25x100xi32, #tpu.memory_space<vmem>> -> memref<1x100xi32, #tpu.memory_space<vmem>>
        %dma_wait3A_118 = tpu.memref_squeeze %dma_wait3A_117 : memref<1x100xi32, #tpu.memory_space<vmem>> -> memref<100xi32, #tpu.memory_space<vmem>>
        %dma_wait3A_119 = arith.constant 0 : i32
        %dma_wait3A_120 = arith.constant 0 : i32
        %dma_wait3A_121 = tpu.memref_slice %arg11[%dma_wait3A_119, %dma_wait3A_120] : memref<10240x128xf32, #tpu.memory_space<vmem_shared>> -> memref<10240x128xf32, #tpu.memory_space<vmem_shared>>
        tpu.wait_indirect_dma semaphore(%run_scoped3A_109 : memref<!tpu.dma_semaphore, #tpu.memory_space<semaphore_mem>>) src(%arg9 : memref<100x128xf32, #tpu.memory_space<vmem>>) dst(%dma_wait3A_121 : memref<10240x128xf32, #tpu.memory_space<vmem_shared>>)
        tpu.yield
      }) : () -> ()
      %run_scoped3A_86 = arith.constant 3 : i32
      "tpu.region"() ({
        %run_scoped3A_109 = tpu.sem_alloc : memref<!tpu.dma_semaphore, #tpu.memory_space<semaphore_mem>>
        %dma_start3A_110 = arith.constant 0 : i32
        %dma_start3A_111 = arith.constant 0 : i32
        %dma_start3A_112 = tpu.memref_slice %arg3[%add3A, %run_scoped3A_86, %dma_start3A_110, %dma_start3A_111] : memref<32x4x25x100xi32, #tpu.memory_space<hbm>> -> memref<1x1x25x100xi32, #tpu.memory_space<hbm>>
        %dma_start3A_113 = tpu.memref_squeeze %dma_start3A_112 : memref<1x1x25x100xi32, #tpu.memory_space<hbm>> -> memref<25x100xi32, #tpu.memory_space<hbm>>
        %dma_start3A_114 = arith.constant 0 : i32
        %dma_start3A_115 = arith.constant 0 : i32
        %dma_start3A_116 = tpu.memref_slice %arg3[%add3A, %run_scoped3A_86, %dma_start3A_114, %dma_start3A_115] : memref<32x4x25x100xi32, #tpu.memory_space<hbm>> -> memref<1x1x25x100xi32, #tpu.memory_space<hbm>>
        %dma_start3A_117 = tpu.memref_squeeze %dma_start3A_116 : memref<1x1x25x100xi32, #tpu.memory_space<hbm>> -> memref<25x100xi32, #tpu.memory_space<hbm>>
        tpu.enqueue_dma source(%dma_start3A_117 : memref<25x100xi32, #tpu.memory_space<hbm>>) target(%arg7 : memref<25x100xi32, #tpu.memory_space<vmem>>) target_semaphore(%run_scoped3A_109 : memref<!tpu.dma_semaphore, #tpu.memory_space<semaphore_mem>>)
        %dma_wait3A_118 = arith.constant 0 : i32
        %dma_wait3A_119 = arith.constant 0 : i32
        %dma_wait3A_120 = tpu.memref_slice %arg3[%add3A, %run_scoped3A_86, %dma_wait3A_118, %dma_wait3A_119] : memref<32x4x25x100xi32, #tpu.memory_space<hbm>> -> memref<1x1x25x100xi32, #tpu.memory_space<hbm>>
        %dma_wait3A_121 = tpu.memref_squeeze %dma_wait3A_120 : memref<1x1x25x100xi32, #tpu.memory_space<hbm>> -> memref<25x100xi32, #tpu.memory_space<hbm>>
        %dma_wait3A_122 = arith.constant 0 : i32
        %dma_wait3A_123 = arith.constant 0 : i32
        %dma_wait3A_124 = tpu.memref_slice %arg3[%add3A, %run_scoped3A_86, %dma_wait3A_122, %dma_wait3A_123] : memref<32x4x25x100xi32, #tpu.memory_space<hbm>> -> memref<1x1x25x100xi32, #tpu.memory_space<hbm>>
        %dma_wait3A_125 = tpu.memref_squeeze %dma_wait3A_124 : memref<1x1x25x100xi32, #tpu.memory_space<hbm>> -> memref<25x100xi32, #tpu.memory_space<hbm>>
        tpu.wait_dma2 semaphore(%run_scoped3A_109 : memref<!tpu.dma_semaphore, #tpu.memory_space<semaphore_mem>>) src(%dma_wait3A_125 : memref<25x100xi32, #tpu.memory_space<hbm>>) dst(%arg7 : memref<25x100xi32, #tpu.memory_space<vmem>>)
        tpu.yield
      }) : () -> ()
      %run_scoped3A_87 = arith.constant 3 : i32
      "tpu.region"() ({
        %run_scoped3A_109 = tpu.sem_alloc : memref<!tpu.dma_semaphore, #tpu.memory_space<semaphore_mem>>
        %dma_start3A_110 = arith.constant 0 : i32
        %dma_start3A_111 = arith.constant 0 : i32
        %dma_start3A_112 = tpu.memref_slice %arg4[%add3A, %run_scoped3A_87, %dma_start3A_110, %dma_start3A_111] : memref<32x4x25x100xi32, #tpu.memory_space<hbm>> -> memref<1x1x25x100xi32, #tpu.memory_space<hbm>>
        %dma_start3A_113 = tpu.memref_squeeze %dma_start3A_112 : memref<1x1x25x100xi32, #tpu.memory_space<hbm>> -> memref<25x100xi32, #tpu.memory_space<hbm>>
        %dma_start3A_114 = arith.constant 0 : i32
        %dma_start3A_115 = arith.constant 0 : i32
        %dma_start3A_116 = tpu.memref_slice %arg4[%add3A, %run_scoped3A_87, %dma_start3A_114, %dma_start3A_115] : memref<32x4x25x100xi32, #tpu.memory_space<hbm>> -> memref<1x1x25x100xi32, #tpu.memory_space<hbm>>
        %dma_start3A_117 = tpu.memref_squeeze %dma_start3A_116 : memref<1x1x25x100xi32, #tpu.memory_space<hbm>> -> memref<25x100xi32, #tpu.memory_space<hbm>>
        tpu.enqueue_dma source(%dma_start3A_117 : memref<25x100xi32, #tpu.memory_space<hbm>>) target(%arg8 : memref<25x100xi32, #tpu.memory_space<vmem>>) target_semaphore(%run_scoped3A_109 : memref<!tpu.dma_semaphore, #tpu.memory_space<semaphore_mem>>)
        %dma_wait3A_118 = arith.constant 0 : i32
        %dma_wait3A_119 = arith.constant 0 : i32
        %dma_wait3A_120 = tpu.memref_slice %arg4[%add3A, %run_scoped3A_87, %dma_wait3A_118, %dma_wait3A_119] : memref<32x4x25x100xi32, #tpu.memory_space<hbm>> -> memref<1x1x25x100xi32, #tpu.memory_space<hbm>>
        %dma_wait3A_121 = tpu.memref_squeeze %dma_wait3A_120 : memref<1x1x25x100xi32, #tpu.memory_space<hbm>> -> memref<25x100xi32, #tpu.memory_space<hbm>>
        %dma_wait3A_122 = arith.constant 0 : i32
        %dma_wait3A_123 = arith.constant 0 : i32
        %dma_wait3A_124 = tpu.memref_slice %arg4[%add3A, %run_scoped3A_87, %dma_wait3A_122, %dma_wait3A_123] : memref<32x4x25x100xi32, #tpu.memory_space<hbm>> -> memref<1x1x25x100xi32, #tpu.memory_space<hbm>>
        %dma_wait3A_125 = tpu.memref_squeeze %dma_wait3A_124 : memref<1x1x25x100xi32, #tpu.memory_space<hbm>> -> memref<25x100xi32, #tpu.memory_space<hbm>>
        tpu.wait_dma2 semaphore(%run_scoped3A_109 : memref<!tpu.dma_semaphore, #tpu.memory_space<semaphore_mem>>) src(%dma_wait3A_125 : memref<25x100xi32, #tpu.memory_space<hbm>>) dst(%arg8 : memref<25x100xi32, #tpu.memory_space<vmem>>)
        tpu.yield
      }) : () -> ()
      %dma_start3A_88 = arith.constant 0 : i32
      %dma_start3A_89 = arith.constant 0 : i32
      %dma_start3A_90 = tpu.memref_slice %arg7[%dma_start3A_88, %dma_start3A_89] : memref<25x100xi32, #tpu.memory_space<vmem>> -> memref<1x100xi32, #tpu.memory_space<vmem>>
      %dma_start3A_91 = tpu.memref_squeeze %dma_start3A_90 : memref<1x100xi32, #tpu.memory_space<vmem>> -> memref<100xi32, #tpu.memory_space<vmem>>
      %dma_start3A_92 = arith.constant 0 : i32
      %dma_start3A_93 = arith.constant 0 : i32
      %dma_start3A_94 = tpu.memref_slice %arg2[%dma_start3A_92, %dma_start3A_93] : memref<10240x128xf32, #tpu.memory_space<hbm>> -> memref<10240x128xf32, #tpu.memory_space<hbm>>
      tpu.enqueue_indirect_dma source(%dma_start3A_94 : memref<10240x128xf32, #tpu.memory_space<hbm>>) target(%arg9 : memref<100x128xf32, #tpu.memory_space<vmem>>) offsets(%dma_start3A_91 : memref<100xi32, #tpu.memory_space<vmem>>) semaphore(%run_scoped3A : memref<!tpu.dma_semaphore, #tpu.memory_space<semaphore_mem>>)
      %scan3A_95 = arith.constant 0 : i32
      %scan3A_96 = arith.constant 0 : i32
      %scan3A_97 = arith.constant 12 : i32
      %scan3A_98 = arith.addi %scan3A_96, %scan3A_97 : i32
      %scan3A_99 = arith.constant 1 : i32
      scf.for %scan3A_109 = %scan3A_96 to %scan3A_98 step %scan3A_99  : i32 {
        %mul3A_110 = arith.constant 2 : i32
        %mul3A_111 = arith.muli %mul3A_110, %scan3A_109 : i32
        %add3A_112 = arith.constant 1 : i32
        %add3A_113 = arith.addi %mul3A_111, %add3A_112 : i32
        %dma_start3A_114 = arith.constant 0 : i32
        %dma_start3A_115 = tpu.memref_slice %arg7[%add3A_113, %dma_start3A_114] : memref<25x100xi32, #tpu.memory_space<vmem>> -> memref<1x100xi32, #tpu.memory_space<vmem>>
        %dma_start3A_116 = tpu.memref_squeeze %dma_start3A_115 : memref<1x100xi32, #tpu.memory_space<vmem>> -> memref<100xi32, #tpu.memory_space<vmem>>
        %dma_start3A_117 = arith.constant 0 : i32
        %dma_start3A_118 = arith.constant 0 : i32
        %dma_start3A_119 = tpu.memref_slice %arg2[%dma_start3A_117, %dma_start3A_118] : memref<10240x128xf32, #tpu.memory_space<hbm>> -> memref<10240x128xf32, #tpu.memory_space<hbm>>
        tpu.enqueue_indirect_dma source(%dma_start3A_119 : memref<10240x128xf32, #tpu.memory_space<hbm>>) target(%arg10 : memref<100x128xf32, #tpu.memory_space<vmem>>) offsets(%dma_start3A_116 : memref<100xi32, #tpu.memory_space<vmem>>) semaphore(%run_scoped3A_18 : memref<!tpu.dma_semaphore, #tpu.memory_space<semaphore_mem>>)
        %dma_wait3A_120 = arith.constant 0 : i32
        %dma_wait3A_121 = tpu.memref_slice %arg7[%mul3A_111, %dma_wait3A_120] : memref<25x100xi32, #tpu.memory_space<vmem>> -> memref<1x100xi32, #tpu.memory_space<vmem>>
        %dma_wait3A_122 = tpu.memref_squeeze %dma_wait3A_121 : memref<1x100xi32, #tpu.memory_space<vmem>> -> memref<100xi32, #tpu.memory_space<vmem>>
        %dma_wait3A_123 = arith.constant 0 : i32
        %dma_wait3A_124 = arith.constant 0 : i32
        %dma_wait3A_125 = tpu.memref_slice %arg2[%dma_wait3A_123, %dma_wait3A_124] : memref<10240x128xf32, #tpu.memory_space<hbm>> -> memref<10240x128xf32, #tpu.memory_space<hbm>>
        tpu.wait_indirect_dma semaphore(%run_scoped3A : memref<!tpu.dma_semaphore, #tpu.memory_space<semaphore_mem>>) src(%dma_wait3A_125 : memref<10240x128xf32, #tpu.memory_space<hbm>>) dst(%arg9 : memref<100x128xf32, #tpu.memory_space<vmem>>)
        "tpu.region"() ({
          %run_scoped3A_144 = tpu.sem_alloc : memref<!tpu.dma_semaphore, #tpu.memory_space<semaphore_mem>>
          %dma_start3A_145 = arith.constant 0 : i32
          %dma_start3A_146 = tpu.memref_slice %arg8[%mul3A_111, %dma_start3A_145] : memref<25x100xi32, #tpu.memory_space<vmem>> -> memref<1x100xi32, #tpu.memory_space<vmem>>
          %dma_start3A_147 = tpu.memref_squeeze %dma_start3A_146 : memref<1x100xi32, #tpu.memory_space<vmem>> -> memref<100xi32, #tpu.memory_space<vmem>>
          %dma_start3A_148 = arith.constant 0 : i32
          %dma_start3A_149 = arith.constant 0 : i32
          %dma_start3A_150 = tpu.memref_slice %arg11[%dma_start3A_148, %dma_start3A_149] : memref<10240x128xf32, #tpu.memory_space<vmem_shared>> -> memref<10240x128xf32, #tpu.memory_space<vmem_shared>>
          tpu.enqueue_indirect_dma source(%arg9 : memref<100x128xf32, #tpu.memory_space<vmem>>) target(%dma_start3A_150 : memref<10240x128xf32, #tpu.memory_space<vmem_shared>>) offsets(%dma_start3A_147 : memref<100xi32, #tpu.memory_space<vmem>>) semaphore(%run_scoped3A_144 : memref<!tpu.dma_semaphore, #tpu.memory_space<semaphore_mem>>) {add = true}
          %dma_wait3A_151 = arith.constant 0 : i32
          %dma_wait3A_152 = tpu.memref_slice %arg8[%mul3A_111, %dma_wait3A_151] : memref<25x100xi32, #tpu.memory_space<vmem>> -> memref<1x100xi32, #tpu.memory_space<vmem>>
          %dma_wait3A_153 = tpu.memref_squeeze %dma_wait3A_152 : memref<1x100xi32, #tpu.memory_space<vmem>> -> memref<100xi32, #tpu.memory_space<vmem>>
          %dma_wait3A_154 = arith.constant 0 : i32
          %dma_wait3A_155 = arith.constant 0 : i32
          %dma_wait3A_156 = tpu.memref_slice %arg11[%dma_wait3A_154, %dma_wait3A_155] : memref<10240x128xf32, #tpu.memory_space<vmem_shared>> -> memref<10240x128xf32, #tpu.memory_space<vmem_shared>>
          tpu.wait_indirect_dma semaphore(%run_scoped3A_144 : memref<!tpu.dma_semaphore, #tpu.memory_space<semaphore_mem>>) src(%arg9 : memref<100x128xf32, #tpu.memory_space<vmem>>) dst(%dma_wait3A_156 : memref<10240x128xf32, #tpu.memory_space<vmem_shared>>)
          tpu.yield
        }) : () -> ()
        %add3A_126 = arith.constant 2 : i32
        %add3A_127 = arith.addi %mul3A_111, %add3A_126 : i32
        %dma_start3A_128 = arith.constant 0 : i32
        %dma_start3A_129 = tpu.memref_slice %arg7[%add3A_127, %dma_start3A_128] : memref<25x100xi32, #tpu.memory_space<vmem>> -> memref<1x100xi32, #tpu.memory_space<vmem>>
        %dma_start3A_130 = tpu.memref_squeeze %dma_start3A_129 : memref<1x100xi32, #tpu.memory_space<vmem>> -> memref<100xi32, #tpu.memory_space<vmem>>
        %dma_start3A_131 = arith.constant 0 : i32
        %dma_start3A_132 = arith.constant 0 : i32
        %dma_start3A_133 = tpu.memref_slice %arg2[%dma_start3A_131, %dma_start3A_132] : memref<10240x128xf32, #tpu.memory_space<hbm>> -> memref<10240x128xf32, #tpu.memory_space<hbm>>
        tpu.enqueue_indirect_dma source(%dma_start3A_133 : memref<10240x128xf32, #tpu.memory_space<hbm>>) target(%arg9 : memref<100x128xf32, #tpu.memory_space<vmem>>) offsets(%dma_start3A_130 : memref<100xi32, #tpu.memory_space<vmem>>) semaphore(%run_scoped3A : memref<!tpu.dma_semaphore, #tpu.memory_space<semaphore_mem>>)
        %add3A_134 = arith.constant 1 : i32
        %add3A_135 = arith.addi %mul3A_111, %add3A_134 : i32
        %dma_wait3A_136 = arith.constant 0 : i32
        %dma_wait3A_137 = tpu.memref_slice %arg7[%add3A_135, %dma_wait3A_136] : memref<25x100xi32, #tpu.memory_space<vmem>> -> memref<1x100xi32, #tpu.memory_space<vmem>>
        %dma_wait3A_138 = tpu.memref_squeeze %dma_wait3A_137 : memref<1x100xi32, #tpu.memory_space<vmem>> -> memref<100xi32, #tpu.memory_space<vmem>>
        %dma_wait3A_139 = arith.constant 0 : i32
        %dma_wait3A_140 = arith.constant 0 : i32
        %dma_wait3A_141 = tpu.memref_slice %arg2[%dma_wait3A_139, %dma_wait3A_140] : memref<10240x128xf32, #tpu.memory_space<hbm>> -> memref<10240x128xf32, #tpu.memory_space<hbm>>
        tpu.wait_indirect_dma semaphore(%run_scoped3A_18 : memref<!tpu.dma_semaphore, #tpu.memory_space<semaphore_mem>>) src(%dma_wait3A_141 : memref<10240x128xf32, #tpu.memory_space<hbm>>) dst(%arg10 : memref<100x128xf32, #tpu.memory_space<vmem>>)
        %add3A_142 = arith.constant 1 : i32
        %add3A_143 = arith.addi %mul3A_111, %add3A_142 : i32
        "tpu.region"() ({
          %run_scoped3A_144 = tpu.sem_alloc : memref<!tpu.dma_semaphore, #tpu.memory_space<semaphore_mem>>
          %dma_start3A_145 = arith.constant 0 : i32
          %dma_start3A_146 = tpu.memref_slice %arg8[%add3A_143, %dma_start3A_145] : memref<25x100xi32, #tpu.memory_space<vmem>> -> memref<1x100xi32, #tpu.memory_space<vmem>>
          %dma_start3A_147 = tpu.memref_squeeze %dma_start3A_146 : memref<1x100xi32, #tpu.memory_space<vmem>> -> memref<100xi32, #tpu.memory_space<vmem>>
          %dma_start3A_148 = arith.constant 0 : i32
          %dma_start3A_149 = arith.constant 0 : i32
          %dma_start3A_150 = tpu.memref_slice %arg11[%dma_start3A_148, %dma_start3A_149] : memref<10240x128xf32, #tpu.memory_space<vmem_shared>> -> memref<10240x128xf32, #tpu.memory_space<vmem_shared>>
          tpu.enqueue_indirect_dma source(%arg10 : memref<100x128xf32, #tpu.memory_space<vmem>>) target(%dma_start3A_150 : memref<10240x128xf32, #tpu.memory_space<vmem_shared>>) offsets(%dma_start3A_147 : memref<100xi32, #tpu.memory_space<vmem>>) semaphore(%run_scoped3A_144 : memref<!tpu.dma_semaphore, #tpu.memory_space<semaphore_mem>>) {add = true}
          %dma_wait3A_151 = arith.constant 0 : i32
          %dma_wait3A_152 = tpu.memref_slice %arg8[%add3A_143, %dma_wait3A_151] : memref<25x100xi32, #tpu.memory_space<vmem>> -> memref<1x100xi32, #tpu.memory_space<vmem>>
          %dma_wait3A_153 = tpu.memref_squeeze %dma_wait3A_152 : memref<1x100xi32, #tpu.memory_space<vmem>> -> memref<100xi32, #tpu.memory_space<vmem>>
          %dma_wait3A_154 = arith.constant 0 : i32
          %dma_wait3A_155 = arith.constant 0 : i32
          %dma_wait3A_156 = tpu.memref_slice %arg11[%dma_wait3A_154, %dma_wait3A_155] : memref<10240x128xf32, #tpu.memory_space<vmem_shared>> -> memref<10240x128xf32, #tpu.memory_space<vmem_shared>>
          tpu.wait_indirect_dma semaphore(%run_scoped3A_144 : memref<!tpu.dma_semaphore, #tpu.memory_space<semaphore_mem>>) src(%arg10 : memref<100x128xf32, #tpu.memory_space<vmem>>) dst(%dma_wait3A_156 : memref<10240x128xf32, #tpu.memory_space<vmem_shared>>)
          tpu.yield
        }) : () -> ()
      }
      %scan3A_100 = arith.constant 12 : i32
      %dma_wait3A_101 = arith.constant 24 : i32
      %dma_wait3A_102 = arith.constant 0 : i32
      %dma_wait3A_103 = tpu.memref_slice %arg7[%dma_wait3A_101, %dma_wait3A_102] : memref<25x100xi32, #tpu.memory_space<vmem>> -> memref<1x100xi32, #tpu.memory_space<vmem>>
      %dma_wait3A_104 = tpu.memref_squeeze %dma_wait3A_103 : memref<1x100xi32, #tpu.memory_space<vmem>> -> memref<100xi32, #tpu.memory_space<vmem>>
      %dma_wait3A_105 = arith.constant 0 : i32
      %dma_wait3A_106 = arith.constant 0 : i32
      %dma_wait3A_107 = tpu.memref_slice %arg2[%dma_wait3A_105, %dma_wait3A_106] : memref<10240x128xf32, #tpu.memory_space<hbm>> -> memref<10240x128xf32, #tpu.memory_space<hbm>>
      tpu.wait_indirect_dma semaphore(%run_scoped3A : memref<!tpu.dma_semaphore, #tpu.memory_space<semaphore_mem>>) src(%dma_wait3A_107 : memref<10240x128xf32, #tpu.memory_space<hbm>>) dst(%arg9 : memref<100x128xf32, #tpu.memory_space<vmem>>)
      %run_scoped3A_108 = arith.constant 24 : i32
      "tpu.region"() ({
        %run_scoped3A_109 = tpu.sem_alloc : memref<!tpu.dma_semaphore, #tpu.memory_space<semaphore_mem>>
        %dma_start3A_110 = arith.constant 0 : i32
        %dma_start3A_111 = tpu.memref_slice %arg8[%run_scoped3A_108, %dma_start3A_110] : memref<25x100xi32, #tpu.memory_space<vmem>> -> memref<1x100xi32, #tpu.memory_space<vmem>>
        %dma_start3A_112 = tpu.memref_squeeze %dma_start3A_111 : memref<1x100xi32, #tpu.memory_space<vmem>> -> memref<100xi32, #tpu.memory_space<vmem>>
        %dma_start3A_113 = arith.constant 0 : i32
        %dma_start3A_114 = arith.constant 0 : i32
        %dma_start3A_115 = tpu.memref_slice %arg11[%dma_start3A_113, %dma_start3A_114] : memref<10240x128xf32, #tpu.memory_space<vmem_shared>> -> memref<10240x128xf32, #tpu.memory_space<vmem_shared>>
        tpu.enqueue_indirect_dma source(%arg9 : memref<100x128xf32, #tpu.memory_space<vmem>>) target(%dma_start3A_115 : memref<10240x128xf32, #tpu.memory_space<vmem_shared>>) offsets(%dma_start3A_112 : memref<100xi32, #tpu.memory_space<vmem>>) semaphore(%run_scoped3A_109 : memref<!tpu.dma_semaphore, #tpu.memory_space<semaphore_mem>>) {add = true}
        %dma_wait3A_116 = arith.constant 0 : i32
        %dma_wait3A_117 = tpu.memref_slice %arg8[%run_scoped3A_108, %dma_wait3A_116] : memref<25x100xi32, #tpu.memory_space<vmem>> -> memref<1x100xi32, #tpu.memory_space<vmem>>
        %dma_wait3A_118 = tpu.memref_squeeze %dma_wait3A_117 : memref<1x100xi32, #tpu.memory_space<vmem>> -> memref<100xi32, #tpu.memory_space<vmem>>
        %dma_wait3A_119 = arith.constant 0 : i32
        %dma_wait3A_120 = arith.constant 0 : i32
        %dma_wait3A_121 = tpu.memref_slice %arg11[%dma_wait3A_119, %dma_wait3A_120] : memref<10240x128xf32, #tpu.memory_space<vmem_shared>> -> memref<10240x128xf32, #tpu.memory_space<vmem_shared>>
        tpu.wait_indirect_dma semaphore(%run_scoped3A_109 : memref<!tpu.dma_semaphore, #tpu.memory_space<semaphore_mem>>) src(%arg9 : memref<100x128xf32, #tpu.memory_space<vmem>>) dst(%dma_wait3A_121 : memref<10240x128xf32, #tpu.memory_space<vmem_shared>>)
        tpu.yield
      }) : () -> ()
      tpu.yield
    }) : () -> ()
    %barrier3A_11 = arith.constant 0 : index
    tpu.barrier barrier_id(%barrier3A_11)
    %scan3A_12 = arith.constant 0 : i32
    %scan3A_13 = arith.constant 0 : i32
    %scan3A_14 = arith.constant 10 : i32
    %scan3A_15 = arith.addi %scan3A_13, %scan3A_14 : i32
    %scan3A_16 = arith.constant 1 : i32
    scf.for %scan3A_18 = %scan3A_13 to %scan3A_15 step %scan3A_16  : i32 {
      %mul3A_19 = arith.constant 640 : i32
      %mul3A_20 = arith.muli %arg1, %mul3A_19 : i32
      %mul3A_21 = arith.constant 64 : i32
      %mul3A_22 = arith.muli %scan3A_18, %mul3A_21 : i32
      %add3A_23 = arith.addi %mul3A_20, %mul3A_22 : i32
      "tpu.region"() ({
        %run_scoped3A = tpu.sem_alloc : memref<!tpu.dma_semaphore, #tpu.memory_space<semaphore_mem>>
        %dma_start3A = arith.constant 0 : i32
        %dma_start3A_27 = arith.constant 0 : i32
        %dma_start3A_28 = tpu.memref_slice %arg9[%dma_start3A, %dma_start3A_27] : memref<100x128xf32, #tpu.memory_space<vmem>> -> memref<64x128xf32, #tpu.memory_space<vmem>>
        %dma_start3A_29 = arith.constant 0 : i32
        %dma_start3A_30 = tpu.memref_slice %arg11[%add3A_23, %dma_start3A_29] : memref<10240x128xf32, #tpu.memory_space<vmem_shared>> -> memref<64x128xf32, #tpu.memory_space<vmem_shared>>
        %dma_start3A_31 = arith.constant 0 : i32
        %dma_start3A_32 = arith.constant 0 : i32
        %dma_start3A_33 = tpu.memref_slice %arg9[%dma_start3A_31, %dma_start3A_32] : memref<100x128xf32, #tpu.memory_space<vmem>> -> memref<64x128xf32, #tpu.memory_space<vmem>>
        %dma_start3A_34 = arith.constant 0 : i32
        %dma_start3A_35 = tpu.memref_slice %arg11[%add3A_23, %dma_start3A_34] : memref<10240x128xf32, #tpu.memory_space<vmem_shared>> -> memref<64x128xf32, #tpu.memory_space<vmem_shared>>
        tpu.enqueue_dma source(%dma_start3A_35 : memref<64x128xf32, #tpu.memory_space<vmem_shared>>) target(%dma_start3A_33 : memref<64x128xf32, #tpu.memory_space<vmem>>) target_semaphore(%run_scoped3A : memref<!tpu.dma_semaphore, #tpu.memory_space<semaphore_mem>>)
        %dma_wait3A = arith.constant 0 : i32
        %dma_wait3A_36 = arith.constant 0 : i32
        %dma_wait3A_37 = tpu.memref_slice %arg9[%dma_wait3A, %dma_wait3A_36] : memref<100x128xf32, #tpu.memory_space<vmem>> -> memref<64x128xf32, #tpu.memory_space<vmem>>
        %dma_wait3A_38 = arith.constant 0 : i32
        %dma_wait3A_39 = tpu.memref_slice %arg11[%add3A_23, %dma_wait3A_38] : memref<10240x128xf32, #tpu.memory_space<vmem_shared>> -> memref<64x128xf32, #tpu.memory_space<vmem_shared>>
        %dma_wait3A_40 = arith.constant 0 : i32
        %dma_wait3A_41 = arith.constant 0 : i32
        %dma_wait3A_42 = tpu.memref_slice %arg9[%dma_wait3A_40, %dma_wait3A_41] : memref<100x128xf32, #tpu.memory_space<vmem>> -> memref<64x128xf32, #tpu.memory_space<vmem>>
        %dma_wait3A_43 = arith.constant 0 : i32
        %dma_wait3A_44 = tpu.memref_slice %arg11[%add3A_23, %dma_wait3A_43] : memref<10240x128xf32, #tpu.memory_space<vmem_shared>> -> memref<64x128xf32, #tpu.memory_space<vmem_shared>>
        tpu.wait_dma2 semaphore(%run_scoped3A : memref<!tpu.dma_semaphore, #tpu.memory_space<semaphore_mem>>) src(%dma_wait3A_44 : memref<64x128xf32, #tpu.memory_space<vmem_shared>>) dst(%dma_wait3A_42 : memref<64x128xf32, #tpu.memory_space<vmem>>)
        tpu.yield
      }) : () -> ()
      %mul3A_24 = arith.constant 64 : i32
      %mul3A_25 = arith.muli %scan3A_18, %mul3A_24 : i32
      %add3A_26 = arith.addi %add3A_5, %mul3A_25 : i32
      "tpu.region"() ({
        %run_scoped3A = tpu.sem_alloc : memref<!tpu.dma_semaphore, #tpu.memory_space<semaphore_mem>>
        %dma_start3A = arith.constant 0 : i32
        %dma_start3A_27 = arith.constant 0 : i32
        %dma_start3A_28 = tpu.memref_slice %arg9[%dma_start3A, %dma_start3A_27] : memref<100x128xf32, #tpu.memory_space<vmem>> -> memref<64x128xf32, #tpu.memory_space<vmem>>
        %dma_start3A_29 = arith.constant 0 : i32
        %dma_start3A_30 = tpu.memref_slice %arg6[%add3A_26, %dma_start3A_29] : memref<20480x128xf32, #tpu.memory_space<hbm>> -> memref<64x128xf32, #tpu.memory_space<hbm>>
        %dma_start3A_31 = arith.constant 0 : i32
        %dma_start3A_32 = tpu.memref_slice %arg6[%add3A_26, %dma_start3A_31] : memref<20480x128xf32, #tpu.memory_space<hbm>> -> memref<64x128xf32, #tpu.memory_space<hbm>>
        %dma_start3A_33 = arith.constant 0 : i32
        %dma_start3A_34 = arith.constant 0 : i32
        %dma_start3A_35 = tpu.memref_slice %arg9[%dma_start3A_33, %dma_start3A_34] : memref<100x128xf32, #tpu.memory_space<vmem>> -> memref<64x128xf32, #tpu.memory_space<vmem>>
        tpu.enqueue_dma source(%dma_start3A_35 : memref<64x128xf32, #tpu.memory_space<vmem>>) target(%dma_start3A_32 : memref<64x128xf32, #tpu.memory_space<hbm>>) target_semaphore(%run_scoped3A : memref<!tpu.dma_semaphore, #tpu.memory_space<semaphore_mem>>)
        %dma_wait3A = arith.constant 0 : i32
        %dma_wait3A_36 = arith.constant 0 : i32
        %dma_wait3A_37 = tpu.memref_slice %arg9[%dma_wait3A, %dma_wait3A_36] : memref<100x128xf32, #tpu.memory_space<vmem>> -> memref<64x128xf32, #tpu.memory_space<vmem>>
        %dma_wait3A_38 = arith.constant 0 : i32
        %dma_wait3A_39 = tpu.memref_slice %arg6[%add3A_26, %dma_wait3A_38] : memref<20480x128xf32, #tpu.memory_space<hbm>> -> memref<64x128xf32, #tpu.memory_space<hbm>>
        %dma_wait3A_40 = arith.constant 0 : i32
        %dma_wait3A_41 = tpu.memref_slice %arg6[%add3A_26, %dma_wait3A_40] : memref<20480x128xf32, #tpu.memory_space<hbm>> -> memref<64x128xf32, #tpu.memory_space<hbm>>
        %dma_wait3A_42 = arith.constant 0 : i32
        %dma_wait3A_43 = arith.constant 0 : i32
        %dma_wait3A_44 = tpu.memref_slice %arg9[%dma_wait3A_42, %dma_wait3A_43] : memref<100x128xf32, #tpu.memory_space<vmem>> -> memref<64x128xf32, #tpu.memory_space<vmem>>
        tpu.wait_dma2 semaphore(%run_scoped3A : memref<!tpu.dma_semaphore, #tpu.memory_space<semaphore_mem>>) src(%dma_wait3A_44 : memref<64x128xf32, #tpu.memory_space<vmem>>) dst(%dma_wait3A_41 : memref<64x128xf32, #tpu.memory_space<hbm>>)
        tpu.yield
      }) : () -> ()
    }
    %scan3A_17 = arith.constant 10 : i32
    return
  }
}

#map = affine_map<(d0, d1) -> (0, 0)>
#map1 = affine_map<(d0, d1) -> (0, 0, 0, 0)>
module attributes {stable_mosaic.version = 14 : i64} {
  func.func @_sc_feature_agg(%arg0: i32, %arg1: i32, %arg2: memref<10240x128xf32, #tpu.memory_space<hbm>>, %arg3: memref<32x4x25x100xi32, #tpu.memory_space<hbm>>, %arg4: memref<32x4x25x100xi32, #tpu.memory_space<hbm>>, %arg5: memref<100x128xf32, #tpu.memory_space<hbm>>, %arg6: memref<20480x128xf32, #tpu.memory_space<hbm>>, %arg7: memref<25x100xi32, #tpu.memory_space<vmem>>, %arg8: memref<25x100xi32, #tpu.memory_space<vmem>>, %arg9: memref<100x128xf32, #tpu.memory_space<vmem>>, %arg10: memref<100x128xf32, #tpu.memory_space<vmem>>, %arg11: memref<10240x128xf32, #tpu.memory_space<vmem_shared>>) attributes {dimension_semantics = [#tpu.dimension_semantics<core_parallel>, #tpu.dimension_semantics<subcore_parallel>], iteration_bounds = array<i64: 2, 16>, scalar_prefetch = 0 : i64, scratch_operands = 5 : i64, tpu.core_type = #tpu.core_type<sc_vector_subcore>, window_params = [{transform_indices = #map}, {transform_indices = #map1}, {transform_indices = #map1}, {transform_indices = #map}, {transform_indices = #map}]} {
    %mul3A = arith.constant 16 : i32
    %mul3A_0 = arith.muli %arg0, %mul3A : i32
    %add3A = arith.addi %mul3A_0, %arg1 : i32
    %mul3A_1 = arith.constant 10240 : i32
    %mul3A_2 = arith.muli %arg0, %mul3A_1 : i32
    %mul3A_3 = arith.constant 640 : i32
    %mul3A_4 = arith.muli %arg1, %mul3A_3 : i32
    %add3A_5 = arith.addi %mul3A_2, %mul3A_4 : i32
    "tpu.region"() ({
      %run_scoped3A = tpu.sem_alloc : memref<!tpu.dma_semaphore, #tpu.memory_space<semaphore_mem>>
      tpu.enqueue_dma source(%arg5 : memref<100x128xf32, #tpu.memory_space<hbm>>) target(%arg9 : memref<100x128xf32, #tpu.memory_space<vmem>>) target_semaphore(%run_scoped3A : memref<!tpu.dma_semaphore, #tpu.memory_space<semaphore_mem>>)
      tpu.wait_dma2 semaphore(%run_scoped3A : memref<!tpu.dma_semaphore, #tpu.memory_space<semaphore_mem>>) src(%arg5 : memref<100x128xf32, #tpu.memory_space<hbm>>) dst(%arg9 : memref<100x128xf32, #tpu.memory_space<vmem>>)
      tpu.yield
    }) : () -> ()
    %scan3A = arith.constant 0 : i32
    %scan3A_6 = arith.constant 0 : i32
    %scan3A_7 = arith.constant 10 : i32
    %scan3A_8 = arith.addi %scan3A_6, %scan3A_7 : i32
    %scan3A_9 = arith.constant 1 : i32
    scf.for %scan3A_18 = %scan3A_6 to %scan3A_8 step %scan3A_9  : i32 {
      %mul3A_19 = arith.constant 640 : i32
      %mul3A_20 = arith.muli %arg1, %mul3A_19 : i32
      %mul3A_21 = arith.constant 64 : i32
      %mul3A_22 = arith.muli %scan3A_18, %mul3A_21 : i32
      %add3A_23 = arith.addi %mul3A_20, %mul3A_22 : i32
      "tpu.region"() ({
        %run_scoped3A = tpu.sem_alloc : memref<!tpu.dma_semaphore, #tpu.memory_space<semaphore_mem>>
        %dma_start3A = arith.constant 0 : i32
        %dma_start3A_24 = arith.constant 0 : i32
        %dma_start3A_25 = tpu.memref_slice %arg9[%dma_start3A, %dma_start3A_24] : memref<100x128xf32, #tpu.memory_space<vmem>> -> memref<64x128xf32, #tpu.memory_space<vmem>>
        %dma_start3A_26 = arith.constant 0 : i32
        %dma_start3A_27 = tpu.memref_slice %arg11[%add3A_23, %dma_start3A_26] : memref<10240x128xf32, #tpu.memory_space<vmem_shared>> -> memref<64x128xf32, #tpu.memory_space<vmem_shared>>
        %dma_start3A_28 = arith.constant 0 : i32
        %dma_start3A_29 = tpu.memref_slice %arg11[%add3A_23, %dma_start3A_28] : memref<10240x128xf32, #tpu.memory_space<vmem_shared>> -> memref<64x128xf32, #tpu.memory_space<vmem_shared>>
        %dma_start3A_30 = arith.constant 0 : i32
        %dma_start3A_31 = arith.constant 0 : i32
        %dma_start3A_32 = tpu.memref_slice %arg9[%dma_start3A_30, %dma_start3A_31] : memref<100x128xf32, #tpu.memory_space<vmem>> -> memref<64x128xf32, #tpu.memory_space<vmem>>
        tpu.enqueue_dma source(%dma_start3A_32 : memref<64x128xf32, #tpu.memory_space<vmem>>) target(%dma_start3A_29 : memref<64x128xf32, #tpu.memory_space<vmem_shared>>) target_semaphore(%run_scoped3A : memref<!tpu.dma_semaphore, #tpu.memory_space<semaphore_mem>>)
        %dma_wait3A = arith.constant 0 : i32
        %dma_wait3A_33 = arith.constant 0 : i32
        %dma_wait3A_34 = tpu.memref_slice %arg9[%dma_wait3A, %dma_wait3A_33] : memref<100x128xf32, #tpu.memory_space<vmem>> -> memref<64x128xf32, #tpu.memory_space<vmem>>
        %dma_wait3A_35 = arith.constant 0 : i32
        %dma_wait3A_36 = tpu.memref_slice %arg11[%add3A_23, %dma_wait3A_35] : memref<10240x128xf32, #tpu.memory_space<vmem_shared>> -> memref<64x128xf32, #tpu.memory_space<vmem_shared>>
        %dma_wait3A_37 = arith.constant 0 : i32
        %dma_wait3A_38 = tpu.memref_slice %arg11[%add3A_23, %dma_wait3A_37] : memref<10240x128xf32, #tpu.memory_space<vmem_shared>> -> memref<64x128xf32, #tpu.memory_space<vmem_shared>>
        %dma_wait3A_39 = arith.constant 0 : i32
        %dma_wait3A_40 = arith.constant 0 : i32
        %dma_wait3A_41 = tpu.memref_slice %arg9[%dma_wait3A_39, %dma_wait3A_40] : memref<100x128xf32, #tpu.memory_space<vmem>> -> memref<64x128xf32, #tpu.memory_space<vmem>>
        tpu.wait_dma2 semaphore(%run_scoped3A : memref<!tpu.dma_semaphore, #tpu.memory_space<semaphore_mem>>) src(%dma_wait3A_41 : memref<64x128xf32, #tpu.memory_space<vmem>>) dst(%dma_wait3A_38 : memref<64x128xf32, #tpu.memory_space<vmem_shared>>)
        tpu.yield
      }) : () -> ()
    }
    %scan3A_10 = arith.constant 10 : i32
    %barrier3A = arith.constant 0 : index
    tpu.barrier barrier_id(%barrier3A)
    "tpu.region"() ({
      %run_scoped3A = tpu.sem_alloc : memref<!tpu.dma_semaphore, #tpu.memory_space<semaphore_mem>>
      %run_scoped3A_18 = tpu.sem_alloc : memref<!tpu.dma_semaphore, #tpu.memory_space<semaphore_mem>>
      %run_scoped3A_19 = arith.constant 0 : i32
      "tpu.region"() ({
        %run_scoped3A_109 = tpu.sem_alloc : memref<!tpu.dma_semaphore, #tpu.memory_space<semaphore_mem>>
        %dma_start3A_110 = arith.constant 0 : i32
        %dma_start3A_111 = arith.constant 0 : i32
        %dma_start3A_112 = tpu.memref_slice %arg3[%add3A, %run_scoped3A_19, %dma_start3A_110, %dma_start3A_111] : memref<32x4x25x100xi32, #tpu.memory_space<hbm>> -> memref<1x1x25x100xi32, #tpu.memory_space<hbm>>
        %dma_start3A_113 = tpu.memref_squeeze %dma_start3A_112 : memref<1x1x25x100xi32, #tpu.memory_space<hbm>> -> memref<25x100xi32, #tpu.memory_space<hbm>>
        %dma_start3A_114 = arith.constant 0 : i32
        %dma_start3A_115 = arith.constant 0 : i32
        %dma_start3A_116 = tpu.memref_slice %arg3[%add3A, %run_scoped3A_19, %dma_start3A_114, %dma_start3A_115] : memref<32x4x25x100xi32, #tpu.memory_space<hbm>> -> memref<1x1x25x100xi32, #tpu.memory_space<hbm>>
        %dma_start3A_117 = tpu.memref_squeeze %dma_start3A_116 : memref<1x1x25x100xi32, #tpu.memory_space<hbm>> -> memref<25x100xi32, #tpu.memory_space<hbm>>
        tpu.enqueue_dma source(%dma_start3A_117 : memref<25x100xi32, #tpu.memory_space<hbm>>) target(%arg7 : memref<25x100xi32, #tpu.memory_space<vmem>>) target_semaphore(%run_scoped3A_109 : memref<!tpu.dma_semaphore, #tpu.memory_space<semaphore_mem>>)
        %dma_wait3A_118 = arith.constant 0 : i32
        %dma_wait3A_119 = arith.constant 0 : i32
        %dma_wait3A_120 = tpu.memref_slice %arg3[%add3A, %run_scoped3A_19, %dma_wait3A_118, %dma_wait3A_119] : memref<32x4x25x100xi32, #tpu.memory_space<hbm>> -> memref<1x1x25x100xi32, #tpu.memory_space<hbm>>
        %dma_wait3A_121 = tpu.memref_squeeze %dma_wait3A_120 : memref<1x1x25x100xi32, #tpu.memory_space<hbm>> -> memref<25x100xi32, #tpu.memory_space<hbm>>
        %dma_wait3A_122 = arith.constant 0 : i32
        %dma_wait3A_123 = arith.constant 0 : i32
        %dma_wait3A_124 = tpu.memref_slice %arg3[%add3A, %run_scoped3A_19, %dma_wait3A_122, %dma_wait3A_123] : memref<32x4x25x100xi32, #tpu.memory_space<hbm>> -> memref<1x1x25x100xi32, #tpu.memory_space<hbm>>
        %dma_wait3A_125 = tpu.memref_squeeze %dma_wait3A_124 : memref<1x1x25x100xi32, #tpu.memory_space<hbm>> -> memref<25x100xi32, #tpu.memory_space<hbm>>
        tpu.wait_dma2 semaphore(%run_scoped3A_109 : memref<!tpu.dma_semaphore, #tpu.memory_space<semaphore_mem>>) src(%dma_wait3A_125 : memref<25x100xi32, #tpu.memory_space<hbm>>) dst(%arg7 : memref<25x100xi32, #tpu.memory_space<vmem>>)
        tpu.yield
      }) : () -> ()
      %run_scoped3A_20 = arith.constant 0 : i32
      "tpu.region"() ({
        %run_scoped3A_109 = tpu.sem_alloc : memref<!tpu.dma_semaphore, #tpu.memory_space<semaphore_mem>>
        %dma_start3A_110 = arith.constant 0 : i32
        %dma_start3A_111 = arith.constant 0 : i32
        %dma_start3A_112 = tpu.memref_slice %arg4[%add3A, %run_scoped3A_20, %dma_start3A_110, %dma_start3A_111] : memref<32x4x25x100xi32, #tpu.memory_space<hbm>> -> memref<1x1x25x100xi32, #tpu.memory_space<hbm>>
        %dma_start3A_113 = tpu.memref_squeeze %dma_start3A_112 : memref<1x1x25x100xi32, #tpu.memory_space<hbm>> -> memref<25x100xi32, #tpu.memory_space<hbm>>
        %dma_start3A_114 = arith.constant 0 : i32
        %dma_start3A_115 = arith.constant 0 : i32
        %dma_start3A_116 = tpu.memref_slice %arg4[%add3A, %run_scoped3A_20, %dma_start3A_114, %dma_start3A_115] : memref<32x4x25x100xi32, #tpu.memory_space<hbm>> -> memref<1x1x25x100xi32, #tpu.memory_space<hbm>>
        %dma_start3A_117 = tpu.memref_squeeze %dma_start3A_116 : memref<1x1x25x100xi32, #tpu.memory_space<hbm>> -> memref<25x100xi32, #tpu.memory_space<hbm>>
        tpu.enqueue_dma source(%dma_start3A_117 : memref<25x100xi32, #tpu.memory_space<hbm>>) target(%arg8 : memref<25x100xi32, #tpu.memory_space<vmem>>) target_semaphore(%run_scoped3A_109 : memref<!tpu.dma_semaphore, #tpu.memory_space<semaphore_mem>>)
        %dma_wait3A_118 = arith.constant 0 : i32
        %dma_wait3A_119 = arith.constant 0 : i32
        %dma_wait3A_120 = tpu.memref_slice %arg4[%add3A, %run_scoped3A_20, %dma_wait3A_118, %dma_wait3A_119] : memref<32x4x25x100xi32, #tpu.memory_space<hbm>> -> memref<1x1x25x100xi32, #tpu.memory_space<hbm>>
        %dma_wait3A_121 = tpu.memref_squeeze %dma_wait3A_120 : memref<1x1x25x100xi32, #tpu.memory_space<hbm>> -> memref<25x100xi32, #tpu.memory_space<hbm>>
        %dma_wait3A_122 = arith.constant 0 : i32
        %dma_wait3A_123 = arith.constant 0 : i32
        %dma_wait3A_124 = tpu.memref_slice %arg4[%add3A, %run_scoped3A_20, %dma_wait3A_122, %dma_wait3A_123] : memref<32x4x25x100xi32, #tpu.memory_space<hbm>> -> memref<1x1x25x100xi32, #tpu.memory_space<hbm>>
        %dma_wait3A_125 = tpu.memref_squeeze %dma_wait3A_124 : memref<1x1x25x100xi32, #tpu.memory_space<hbm>> -> memref<25x100xi32, #tpu.memory_space<hbm>>
        tpu.wait_dma2 semaphore(%run_scoped3A_109 : memref<!tpu.dma_semaphore, #tpu.memory_space<semaphore_mem>>) src(%dma_wait3A_125 : memref<25x100xi32, #tpu.memory_space<hbm>>) dst(%arg8 : memref<25x100xi32, #tpu.memory_space<vmem>>)
        tpu.yield
      }) : () -> ()
      %dma_start3A = arith.constant 0 : i32
      %dma_start3A_21 = arith.constant 0 : i32
      %dma_start3A_22 = tpu.memref_slice %arg7[%dma_start3A, %dma_start3A_21] : memref<25x100xi32, #tpu.memory_space<vmem>> -> memref<1x100xi32, #tpu.memory_space<vmem>>
      %dma_start3A_23 = tpu.memref_squeeze %dma_start3A_22 : memref<1x100xi32, #tpu.memory_space<vmem>> -> memref<100xi32, #tpu.memory_space<vmem>>
      %dma_start3A_24 = arith.constant 0 : i32
      %dma_start3A_25 = arith.constant 0 : i32
      %dma_start3A_26 = tpu.memref_slice %arg2[%dma_start3A_24, %dma_start3A_25] : memref<10240x128xf32, #tpu.memory_space<hbm>> -> memref<10240x128xf32, #tpu.memory_space<hbm>>
      tpu.enqueue_indirect_dma source(%dma_start3A_26 : memref<10240x128xf32, #tpu.memory_space<hbm>>) target(%arg9 : memref<100x128xf32, #tpu.memory_space<vmem>>) offsets(%dma_start3A_23 : memref<100xi32, #tpu.memory_space<vmem>>) semaphore(%run_scoped3A : memref<!tpu.dma_semaphore, #tpu.memory_space<semaphore_mem>>)
      %scan3A_27 = arith.constant 0 : i32
      %scan3A_28 = arith.constant 0 : i32
      %scan3A_29 = arith.constant 12 : i32
      %scan3A_30 = arith.addi %scan3A_28, %scan3A_29 : i32
      %scan3A_31 = arith.constant 1 : i32
      scf.for %scan3A_109 = %scan3A_28 to %scan3A_30 step %scan3A_31  : i32 {
        %mul3A_110 = arith.constant 2 : i32
        %mul3A_111 = arith.muli %mul3A_110, %scan3A_109 : i32
        %add3A_112 = arith.constant 1 : i32
        %add3A_113 = arith.addi %mul3A_111, %add3A_112 : i32
        %dma_start3A_114 = arith.constant 0 : i32
        %dma_start3A_115 = tpu.memref_slice %arg7[%add3A_113, %dma_start3A_114] : memref<25x100xi32, #tpu.memory_space<vmem>> -> memref<1x100xi32, #tpu.memory_space<vmem>>
        %dma_start3A_116 = tpu.memref_squeeze %dma_start3A_115 : memref<1x100xi32, #tpu.memory_space<vmem>> -> memref<100xi32, #tpu.memory_space<vmem>>
        %dma_start3A_117 = arith.constant 0 : i32
        %dma_start3A_118 = arith.constant 0 : i32
        %dma_start3A_119 = tpu.memref_slice %arg2[%dma_start3A_117, %dma_start3A_118] : memref<10240x128xf32, #tpu.memory_space<hbm>> -> memref<10240x128xf32, #tpu.memory_space<hbm>>
        tpu.enqueue_indirect_dma source(%dma_start3A_119 : memref<10240x128xf32, #tpu.memory_space<hbm>>) target(%arg10 : memref<100x128xf32, #tpu.memory_space<vmem>>) offsets(%dma_start3A_116 : memref<100xi32, #tpu.memory_space<vmem>>) semaphore(%run_scoped3A_18 : memref<!tpu.dma_semaphore, #tpu.memory_space<semaphore_mem>>)
        %dma_wait3A_120 = arith.constant 0 : i32
        %dma_wait3A_121 = tpu.memref_slice %arg7[%mul3A_111, %dma_wait3A_120] : memref<25x100xi32, #tpu.memory_space<vmem>> -> memref<1x100xi32, #tpu.memory_space<vmem>>
        %dma_wait3A_122 = tpu.memref_squeeze %dma_wait3A_121 : memref<1x100xi32, #tpu.memory_space<vmem>> -> memref<100xi32, #tpu.memory_space<vmem>>
        %dma_wait3A_123 = arith.constant 0 : i32
        %dma_wait3A_124 = arith.constant 0 : i32
        %dma_wait3A_125 = tpu.memref_slice %arg2[%dma_wait3A_123, %dma_wait3A_124] : memref<10240x128xf32, #tpu.memory_space<hbm>> -> memref<10240x128xf32, #tpu.memory_space<hbm>>
        tpu.wait_indirect_dma semaphore(%run_scoped3A : memref<!tpu.dma_semaphore, #tpu.memory_space<semaphore_mem>>) src(%dma_wait3A_125 : memref<10240x128xf32, #tpu.memory_space<hbm>>) dst(%arg9 : memref<100x128xf32, #tpu.memory_space<vmem>>)
        "tpu.region"() ({
          %run_scoped3A_144 = tpu.sem_alloc : memref<!tpu.dma_semaphore, #tpu.memory_space<semaphore_mem>>
          %dma_start3A_145 = arith.constant 0 : i32
          %dma_start3A_146 = tpu.memref_slice %arg8[%mul3A_111, %dma_start3A_145] : memref<25x100xi32, #tpu.memory_space<vmem>> -> memref<1x100xi32, #tpu.memory_space<vmem>>
          %dma_start3A_147 = tpu.memref_squeeze %dma_start3A_146 : memref<1x100xi32, #tpu.memory_space<vmem>> -> memref<100xi32, #tpu.memory_space<vmem>>
          %dma_start3A_148 = arith.constant 0 : i32
          %dma_start3A_149 = arith.constant 0 : i32
          %dma_start3A_150 = tpu.memref_slice %arg11[%dma_start3A_148, %dma_start3A_149] : memref<10240x128xf32, #tpu.memory_space<vmem_shared>> -> memref<10240x128xf32, #tpu.memory_space<vmem_shared>>
          tpu.enqueue_indirect_dma source(%arg9 : memref<100x128xf32, #tpu.memory_space<vmem>>) target(%dma_start3A_150 : memref<10240x128xf32, #tpu.memory_space<vmem_shared>>) offsets(%dma_start3A_147 : memref<100xi32, #tpu.memory_space<vmem>>) semaphore(%run_scoped3A_144 : memref<!tpu.dma_semaphore, #tpu.memory_space<semaphore_mem>>) {add = true}
          %dma_wait3A_151 = arith.constant 0 : i32
          %dma_wait3A_152 = tpu.memref_slice %arg8[%mul3A_111, %dma_wait3A_151] : memref<25x100xi32, #tpu.memory_space<vmem>> -> memref<1x100xi32, #tpu.memory_space<vmem>>
          %dma_wait3A_153 = tpu.memref_squeeze %dma_wait3A_152 : memref<1x100xi32, #tpu.memory_space<vmem>> -> memref<100xi32, #tpu.memory_space<vmem>>
          %dma_wait3A_154 = arith.constant 0 : i32
          %dma_wait3A_155 = arith.constant 0 : i32
          %dma_wait3A_156 = tpu.memref_slice %arg11[%dma_wait3A_154, %dma_wait3A_155] : memref<10240x128xf32, #tpu.memory_space<vmem_shared>> -> memref<10240x128xf32, #tpu.memory_space<vmem_shared>>
          tpu.wait_indirect_dma semaphore(%run_scoped3A_144 : memref<!tpu.dma_semaphore, #tpu.memory_space<semaphore_mem>>) src(%arg9 : memref<100x128xf32, #tpu.memory_space<vmem>>) dst(%dma_wait3A_156 : memref<10240x128xf32, #tpu.memory_space<vmem_shared>>)
          tpu.yield
        }) : () -> ()
        %add3A_126 = arith.constant 2 : i32
        %add3A_127 = arith.addi %mul3A_111, %add3A_126 : i32
        %dma_start3A_128 = arith.constant 0 : i32
        %dma_start3A_129 = tpu.memref_slice %arg7[%add3A_127, %dma_start3A_128] : memref<25x100xi32, #tpu.memory_space<vmem>> -> memref<1x100xi32, #tpu.memory_space<vmem>>
        %dma_start3A_130 = tpu.memref_squeeze %dma_start3A_129 : memref<1x100xi32, #tpu.memory_space<vmem>> -> memref<100xi32, #tpu.memory_space<vmem>>
        %dma_start3A_131 = arith.constant 0 : i32
        %dma_start3A_132 = arith.constant 0 : i32
        %dma_start3A_133 = tpu.memref_slice %arg2[%dma_start3A_131, %dma_start3A_132] : memref<10240x128xf32, #tpu.memory_space<hbm>> -> memref<10240x128xf32, #tpu.memory_space<hbm>>
        tpu.enqueue_indirect_dma source(%dma_start3A_133 : memref<10240x128xf32, #tpu.memory_space<hbm>>) target(%arg9 : memref<100x128xf32, #tpu.memory_space<vmem>>) offsets(%dma_start3A_130 : memref<100xi32, #tpu.memory_space<vmem>>) semaphore(%run_scoped3A : memref<!tpu.dma_semaphore, #tpu.memory_space<semaphore_mem>>)
        %add3A_134 = arith.constant 1 : i32
        %add3A_135 = arith.addi %mul3A_111, %add3A_134 : i32
        %dma_wait3A_136 = arith.constant 0 : i32
        %dma_wait3A_137 = tpu.memref_slice %arg7[%add3A_135, %dma_wait3A_136] : memref<25x100xi32, #tpu.memory_space<vmem>> -> memref<1x100xi32, #tpu.memory_space<vmem>>
        %dma_wait3A_138 = tpu.memref_squeeze %dma_wait3A_137 : memref<1x100xi32, #tpu.memory_space<vmem>> -> memref<100xi32, #tpu.memory_space<vmem>>
        %dma_wait3A_139 = arith.constant 0 : i32
        %dma_wait3A_140 = arith.constant 0 : i32
        %dma_wait3A_141 = tpu.memref_slice %arg2[%dma_wait3A_139, %dma_wait3A_140] : memref<10240x128xf32, #tpu.memory_space<hbm>> -> memref<10240x128xf32, #tpu.memory_space<hbm>>
        tpu.wait_indirect_dma semaphore(%run_scoped3A_18 : memref<!tpu.dma_semaphore, #tpu.memory_space<semaphore_mem>>) src(%dma_wait3A_141 : memref<10240x128xf32, #tpu.memory_space<hbm>>) dst(%arg10 : memref<100x128xf32, #tpu.memory_space<vmem>>)
        %add3A_142 = arith.constant 1 : i32
        %add3A_143 = arith.addi %mul3A_111, %add3A_142 : i32
        "tpu.region"() ({
          %run_scoped3A_144 = tpu.sem_alloc : memref<!tpu.dma_semaphore, #tpu.memory_space<semaphore_mem>>
          %dma_start3A_145 = arith.constant 0 : i32
          %dma_start3A_146 = tpu.memref_slice %arg8[%add3A_143, %dma_start3A_145] : memref<25x100xi32, #tpu.memory_space<vmem>> -> memref<1x100xi32, #tpu.memory_space<vmem>>
          %dma_start3A_147 = tpu.memref_squeeze %dma_start3A_146 : memref<1x100xi32, #tpu.memory_space<vmem>> -> memref<100xi32, #tpu.memory_space<vmem>>
          %dma_start3A_148 = arith.constant 0 : i32
          %dma_start3A_149 = arith.constant 0 : i32
          %dma_start3A_150 = tpu.memref_slice %arg11[%dma_start3A_148, %dma_start3A_149] : memref<10240x128xf32, #tpu.memory_space<vmem_shared>> -> memref<10240x128xf32, #tpu.memory_space<vmem_shared>>
          tpu.enqueue_indirect_dma source(%arg10 : memref<100x128xf32, #tpu.memory_space<vmem>>) target(%dma_start3A_150 : memref<10240x128xf32, #tpu.memory_space<vmem_shared>>) offsets(%dma_start3A_147 : memref<100xi32, #tpu.memory_space<vmem>>) semaphore(%run_scoped3A_144 : memref<!tpu.dma_semaphore, #tpu.memory_space<semaphore_mem>>) {add = true}
          %dma_wait3A_151 = arith.constant 0 : i32
          %dma_wait3A_152 = tpu.memref_slice %arg8[%add3A_143, %dma_wait3A_151] : memref<25x100xi32, #tpu.memory_space<vmem>> -> memref<1x100xi32, #tpu.memory_space<vmem>>
          %dma_wait3A_153 = tpu.memref_squeeze %dma_wait3A_152 : memref<1x100xi32, #tpu.memory_space<vmem>> -> memref<100xi32, #tpu.memory_space<vmem>>
          %dma_wait3A_154 = arith.constant 0 : i32
          %dma_wait3A_155 = arith.constant 0 : i32
          %dma_wait3A_156 = tpu.memref_slice %arg11[%dma_wait3A_154, %dma_wait3A_155] : memref<10240x128xf32, #tpu.memory_space<vmem_shared>> -> memref<10240x128xf32, #tpu.memory_space<vmem_shared>>
          tpu.wait_indirect_dma semaphore(%run_scoped3A_144 : memref<!tpu.dma_semaphore, #tpu.memory_space<semaphore_mem>>) src(%arg10 : memref<100x128xf32, #tpu.memory_space<vmem>>) dst(%dma_wait3A_156 : memref<10240x128xf32, #tpu.memory_space<vmem_shared>>)
          tpu.yield
        }) : () -> ()
      }
      %scan3A_32 = arith.constant 12 : i32
      %dma_wait3A = arith.constant 24 : i32
      %dma_wait3A_33 = arith.constant 0 : i32
      %dma_wait3A_34 = tpu.memref_slice %arg7[%dma_wait3A, %dma_wait3A_33] : memref<25x100xi32, #tpu.memory_space<vmem>> -> memref<1x100xi32, #tpu.memory_space<vmem>>
      %dma_wait3A_35 = tpu.memref_squeeze %dma_wait3A_34 : memref<1x100xi32, #tpu.memory_space<vmem>> -> memref<100xi32, #tpu.memory_space<vmem>>
      %dma_wait3A_36 = arith.constant 0 : i32
      %dma_wait3A_37 = arith.constant 0 : i32
      %dma_wait3A_38 = tpu.memref_slice %arg2[%dma_wait3A_36, %dma_wait3A_37] : memref<10240x128xf32, #tpu.memory_space<hbm>> -> memref<10240x128xf32, #tpu.memory_space<hbm>>
      tpu.wait_indirect_dma semaphore(%run_scoped3A : memref<!tpu.dma_semaphore, #tpu.memory_space<semaphore_mem>>) src(%dma_wait3A_38 : memref<10240x128xf32, #tpu.memory_space<hbm>>) dst(%arg9 : memref<100x128xf32, #tpu.memory_space<vmem>>)
      %run_scoped3A_39 = arith.constant 24 : i32
      "tpu.region"() ({
        %run_scoped3A_109 = tpu.sem_alloc : memref<!tpu.dma_semaphore, #tpu.memory_space<semaphore_mem>>
        %dma_start3A_110 = arith.constant 0 : i32
        %dma_start3A_111 = tpu.memref_slice %arg8[%run_scoped3A_39, %dma_start3A_110] : memref<25x100xi32, #tpu.memory_space<vmem>> -> memref<1x100xi32, #tpu.memory_space<vmem>>
        %dma_start3A_112 = tpu.memref_squeeze %dma_start3A_111 : memref<1x100xi32, #tpu.memory_space<vmem>> -> memref<100xi32, #tpu.memory_space<vmem>>
        %dma_start3A_113 = arith.constant 0 : i32
        %dma_start3A_114 = arith.constant 0 : i32
        %dma_start3A_115 = tpu.memref_slice %arg11[%dma_start3A_113, %dma_start3A_114] : memref<10240x128xf32, #tpu.memory_space<vmem_shared>> -> memref<10240x128xf32, #tpu.memory_space<vmem_shared>>
        tpu.enqueue_indirect_dma source(%arg9 : memref<100x128xf32, #tpu.memory_space<vmem>>) target(%dma_start3A_115 : memref<10240x128xf32, #tpu.memory_space<vmem_shared>>) offsets(%dma_start3A_112 : memref<100xi32, #tpu.memory_space<vmem>>) semaphore(%run_scoped3A_109 : memref<!tpu.dma_semaphore, #tpu.memory_space<semaphore_mem>>) {add = true}
        %dma_wait3A_116 = arith.constant 0 : i32
        %dma_wait3A_117 = tpu.memref_slice %arg8[%run_scoped3A_39, %dma_wait3A_116] : memref<25x100xi32, #tpu.memory_space<vmem>> -> memref<1x100xi32, #tpu.memory_space<vmem>>
        %dma_wait3A_118 = tpu.memref_squeeze %dma_wait3A_117 : memref<1x100xi32, #tpu.memory_space<vmem>> -> memref<100xi32, #tpu.memory_space<vmem>>
        %dma_wait3A_119 = arith.constant 0 : i32
        %dma_wait3A_120 = arith.constant 0 : i32
        %dma_wait3A_121 = tpu.memref_slice %arg11[%dma_wait3A_119, %dma_wait3A_120] : memref<10240x128xf32, #tpu.memory_space<vmem_shared>> -> memref<10240x128xf32, #tpu.memory_space<vmem_shared>>
        tpu.wait_indirect_dma semaphore(%run_scoped3A_109 : memref<!tpu.dma_semaphore, #tpu.memory_space<semaphore_mem>>) src(%arg9 : memref<100x128xf32, #tpu.memory_space<vmem>>) dst(%dma_wait3A_121 : memref<10240x128xf32, #tpu.memory_space<vmem_shared>>)
        tpu.yield
      }) : () -> ()
      %run_scoped3A_40 = arith.constant 1 : i32
      "tpu.region"() ({
        %run_scoped3A_109 = tpu.sem_alloc : memref<!tpu.dma_semaphore, #tpu.memory_space<semaphore_mem>>
        %dma_start3A_110 = arith.constant 0 : i32
        %dma_start3A_111 = arith.constant 0 : i32
        %dma_start3A_112 = tpu.memref_slice %arg3[%add3A, %run_scoped3A_40, %dma_start3A_110, %dma_start3A_111] : memref<32x4x25x100xi32, #tpu.memory_space<hbm>> -> memref<1x1x25x100xi32, #tpu.memory_space<hbm>>
        %dma_start3A_113 = tpu.memref_squeeze %dma_start3A_112 : memref<1x1x25x100xi32, #tpu.memory_space<hbm>> -> memref<25x100xi32, #tpu.memory_space<hbm>>
        %dma_start3A_114 = arith.constant 0 : i32
        %dma_start3A_115 = arith.constant 0 : i32
        %dma_start3A_116 = tpu.memref_slice %arg3[%add3A, %run_scoped3A_40, %dma_start3A_114, %dma_start3A_115] : memref<32x4x25x100xi32, #tpu.memory_space<hbm>> -> memref<1x1x25x100xi32, #tpu.memory_space<hbm>>
        %dma_start3A_117 = tpu.memref_squeeze %dma_start3A_116 : memref<1x1x25x100xi32, #tpu.memory_space<hbm>> -> memref<25x100xi32, #tpu.memory_space<hbm>>
        tpu.enqueue_dma source(%dma_start3A_117 : memref<25x100xi32, #tpu.memory_space<hbm>>) target(%arg7 : memref<25x100xi32, #tpu.memory_space<vmem>>) target_semaphore(%run_scoped3A_109 : memref<!tpu.dma_semaphore, #tpu.memory_space<semaphore_mem>>)
        %dma_wait3A_118 = arith.constant 0 : i32
        %dma_wait3A_119 = arith.constant 0 : i32
        %dma_wait3A_120 = tpu.memref_slice %arg3[%add3A, %run_scoped3A_40, %dma_wait3A_118, %dma_wait3A_119] : memref<32x4x25x100xi32, #tpu.memory_space<hbm>> -> memref<1x1x25x100xi32, #tpu.memory_space<hbm>>
        %dma_wait3A_121 = tpu.memref_squeeze %dma_wait3A_120 : memref<1x1x25x100xi32, #tpu.memory_space<hbm>> -> memref<25x100xi32, #tpu.memory_space<hbm>>
        %dma_wait3A_122 = arith.constant 0 : i32
        %dma_wait3A_123 = arith.constant 0 : i32
        %dma_wait3A_124 = tpu.memref_slice %arg3[%add3A, %run_scoped3A_40, %dma_wait3A_122, %dma_wait3A_123] : memref<32x4x25x100xi32, #tpu.memory_space<hbm>> -> memref<1x1x25x100xi32, #tpu.memory_space<hbm>>
        %dma_wait3A_125 = tpu.memref_squeeze %dma_wait3A_124 : memref<1x1x25x100xi32, #tpu.memory_space<hbm>> -> memref<25x100xi32, #tpu.memory_space<hbm>>
        tpu.wait_dma2 semaphore(%run_scoped3A_109 : memref<!tpu.dma_semaphore, #tpu.memory_space<semaphore_mem>>) src(%dma_wait3A_125 : memref<25x100xi32, #tpu.memory_space<hbm>>) dst(%arg7 : memref<25x100xi32, #tpu.memory_space<vmem>>)
        tpu.yield
      }) : () -> ()
      %run_scoped3A_41 = arith.constant 1 : i32
      "tpu.region"() ({
        %run_scoped3A_109 = tpu.sem_alloc : memref<!tpu.dma_semaphore, #tpu.memory_space<semaphore_mem>>
        %dma_start3A_110 = arith.constant 0 : i32
        %dma_start3A_111 = arith.constant 0 : i32
        %dma_start3A_112 = tpu.memref_slice %arg4[%add3A, %run_scoped3A_41, %dma_start3A_110, %dma_start3A_111] : memref<32x4x25x100xi32, #tpu.memory_space<hbm>> -> memref<1x1x25x100xi32, #tpu.memory_space<hbm>>
        %dma_start3A_113 = tpu.memref_squeeze %dma_start3A_112 : memref<1x1x25x100xi32, #tpu.memory_space<hbm>> -> memref<25x100xi32, #tpu.memory_space<hbm>>
        %dma_start3A_114 = arith.constant 0 : i32
        %dma_start3A_115 = arith.constant 0 : i32
        %dma_start3A_116 = tpu.memref_slice %arg4[%add3A, %run_scoped3A_41, %dma_start3A_114, %dma_start3A_115] : memref<32x4x25x100xi32, #tpu.memory_space<hbm>> -> memref<1x1x25x100xi32, #tpu.memory_space<hbm>>
        %dma_start3A_117 = tpu.memref_squeeze %dma_start3A_116 : memref<1x1x25x100xi32, #tpu.memory_space<hbm>> -> memref<25x100xi32, #tpu.memory_space<hbm>>
        tpu.enqueue_dma source(%dma_start3A_117 : memref<25x100xi32, #tpu.memory_space<hbm>>) target(%arg8 : memref<25x100xi32, #tpu.memory_space<vmem>>) target_semaphore(%run_scoped3A_109 : memref<!tpu.dma_semaphore, #tpu.memory_space<semaphore_mem>>)
        %dma_wait3A_118 = arith.constant 0 : i32
        %dma_wait3A_119 = arith.constant 0 : i32
        %dma_wait3A_120 = tpu.memref_slice %arg4[%add3A, %run_scoped3A_41, %dma_wait3A_118, %dma_wait3A_119] : memref<32x4x25x100xi32, #tpu.memory_space<hbm>> -> memref<1x1x25x100xi32, #tpu.memory_space<hbm>>
        %dma_wait3A_121 = tpu.memref_squeeze %dma_wait3A_120 : memref<1x1x25x100xi32, #tpu.memory_space<hbm>> -> memref<25x100xi32, #tpu.memory_space<hbm>>
        %dma_wait3A_122 = arith.constant 0 : i32
        %dma_wait3A_123 = arith.constant 0 : i32
        %dma_wait3A_124 = tpu.memref_slice %arg4[%add3A, %run_scoped3A_41, %dma_wait3A_122, %dma_wait3A_123] : memref<32x4x25x100xi32, #tpu.memory_space<hbm>> -> memref<1x1x25x100xi32, #tpu.memory_space<hbm>>
        %dma_wait3A_125 = tpu.memref_squeeze %dma_wait3A_124 : memref<1x1x25x100xi32, #tpu.memory_space<hbm>> -> memref<25x100xi32, #tpu.memory_space<hbm>>
        tpu.wait_dma2 semaphore(%run_scoped3A_109 : memref<!tpu.dma_semaphore, #tpu.memory_space<semaphore_mem>>) src(%dma_wait3A_125 : memref<25x100xi32, #tpu.memory_space<hbm>>) dst(%arg8 : memref<25x100xi32, #tpu.memory_space<vmem>>)
        tpu.yield
      }) : () -> ()
      %dma_start3A_42 = arith.constant 0 : i32
      %dma_start3A_43 = arith.constant 0 : i32
      %dma_start3A_44 = tpu.memref_slice %arg7[%dma_start3A_42, %dma_start3A_43] : memref<25x100xi32, #tpu.memory_space<vmem>> -> memref<1x100xi32, #tpu.memory_space<vmem>>
      %dma_start3A_45 = tpu.memref_squeeze %dma_start3A_44 : memref<1x100xi32, #tpu.memory_space<vmem>> -> memref<100xi32, #tpu.memory_space<vmem>>
      %dma_start3A_46 = arith.constant 0 : i32
      %dma_start3A_47 = arith.constant 0 : i32
      %dma_start3A_48 = tpu.memref_slice %arg2[%dma_start3A_46, %dma_start3A_47] : memref<10240x128xf32, #tpu.memory_space<hbm>> -> memref<10240x128xf32, #tpu.memory_space<hbm>>
      tpu.enqueue_indirect_dma source(%dma_start3A_48 : memref<10240x128xf32, #tpu.memory_space<hbm>>) target(%arg9 : memref<100x128xf32, #tpu.memory_space<vmem>>) offsets(%dma_start3A_45 : memref<100xi32, #tpu.memory_space<vmem>>) semaphore(%run_scoped3A : memref<!tpu.dma_semaphore, #tpu.memory_space<semaphore_mem>>)
      %scan3A_49 = arith.constant 0 : i32
      %scan3A_50 = arith.constant 0 : i32
      %scan3A_51 = arith.constant 12 : i32
      %scan3A_52 = arith.addi %scan3A_50, %scan3A_51 : i32
      %scan3A_53 = arith.constant 1 : i32
      scf.for %scan3A_109 = %scan3A_50 to %scan3A_52 step %scan3A_53  : i32 {
        %mul3A_110 = arith.constant 2 : i32
        %mul3A_111 = arith.muli %mul3A_110, %scan3A_109 : i32
        %add3A_112 = arith.constant 1 : i32
        %add3A_113 = arith.addi %mul3A_111, %add3A_112 : i32
        %dma_start3A_114 = arith.constant 0 : i32
        %dma_start3A_115 = tpu.memref_slice %arg7[%add3A_113, %dma_start3A_114] : memref<25x100xi32, #tpu.memory_space<vmem>> -> memref<1x100xi32, #tpu.memory_space<vmem>>
        %dma_start3A_116 = tpu.memref_squeeze %dma_start3A_115 : memref<1x100xi32, #tpu.memory_space<vmem>> -> memref<100xi32, #tpu.memory_space<vmem>>
        %dma_start3A_117 = arith.constant 0 : i32
        %dma_start3A_118 = arith.constant 0 : i32
        %dma_start3A_119 = tpu.memref_slice %arg2[%dma_start3A_117, %dma_start3A_118] : memref<10240x128xf32, #tpu.memory_space<hbm>> -> memref<10240x128xf32, #tpu.memory_space<hbm>>
        tpu.enqueue_indirect_dma source(%dma_start3A_119 : memref<10240x128xf32, #tpu.memory_space<hbm>>) target(%arg10 : memref<100x128xf32, #tpu.memory_space<vmem>>) offsets(%dma_start3A_116 : memref<100xi32, #tpu.memory_space<vmem>>) semaphore(%run_scoped3A_18 : memref<!tpu.dma_semaphore, #tpu.memory_space<semaphore_mem>>)
        %dma_wait3A_120 = arith.constant 0 : i32
        %dma_wait3A_121 = tpu.memref_slice %arg7[%mul3A_111, %dma_wait3A_120] : memref<25x100xi32, #tpu.memory_space<vmem>> -> memref<1x100xi32, #tpu.memory_space<vmem>>
        %dma_wait3A_122 = tpu.memref_squeeze %dma_wait3A_121 : memref<1x100xi32, #tpu.memory_space<vmem>> -> memref<100xi32, #tpu.memory_space<vmem>>
        %dma_wait3A_123 = arith.constant 0 : i32
        %dma_wait3A_124 = arith.constant 0 : i32
        %dma_wait3A_125 = tpu.memref_slice %arg2[%dma_wait3A_123, %dma_wait3A_124] : memref<10240x128xf32, #tpu.memory_space<hbm>> -> memref<10240x128xf32, #tpu.memory_space<hbm>>
        tpu.wait_indirect_dma semaphore(%run_scoped3A : memref<!tpu.dma_semaphore, #tpu.memory_space<semaphore_mem>>) src(%dma_wait3A_125 : memref<10240x128xf32, #tpu.memory_space<hbm>>) dst(%arg9 : memref<100x128xf32, #tpu.memory_space<vmem>>)
        "tpu.region"() ({
          %run_scoped3A_144 = tpu.sem_alloc : memref<!tpu.dma_semaphore, #tpu.memory_space<semaphore_mem>>
          %dma_start3A_145 = arith.constant 0 : i32
          %dma_start3A_146 = tpu.memref_slice %arg8[%mul3A_111, %dma_start3A_145] : memref<25x100xi32, #tpu.memory_space<vmem>> -> memref<1x100xi32, #tpu.memory_space<vmem>>
          %dma_start3A_147 = tpu.memref_squeeze %dma_start3A_146 : memref<1x100xi32, #tpu.memory_space<vmem>> -> memref<100xi32, #tpu.memory_space<vmem>>
          %dma_start3A_148 = arith.constant 0 : i32
          %dma_start3A_149 = arith.constant 0 : i32
          %dma_start3A_150 = tpu.memref_slice %arg11[%dma_start3A_148, %dma_start3A_149] : memref<10240x128xf32, #tpu.memory_space<vmem_shared>> -> memref<10240x128xf32, #tpu.memory_space<vmem_shared>>
          tpu.enqueue_indirect_dma source(%arg9 : memref<100x128xf32, #tpu.memory_space<vmem>>) target(%dma_start3A_150 : memref<10240x128xf32, #tpu.memory_space<vmem_shared>>) offsets(%dma_start3A_147 : memref<100xi32, #tpu.memory_space<vmem>>) semaphore(%run_scoped3A_144 : memref<!tpu.dma_semaphore, #tpu.memory_space<semaphore_mem>>) {add = true}
          %dma_wait3A_151 = arith.constant 0 : i32
          %dma_wait3A_152 = tpu.memref_slice %arg8[%mul3A_111, %dma_wait3A_151] : memref<25x100xi32, #tpu.memory_space<vmem>> -> memref<1x100xi32, #tpu.memory_space<vmem>>
          %dma_wait3A_153 = tpu.memref_squeeze %dma_wait3A_152 : memref<1x100xi32, #tpu.memory_space<vmem>> -> memref<100xi32, #tpu.memory_space<vmem>>
          %dma_wait3A_154 = arith.constant 0 : i32
          %dma_wait3A_155 = arith.constant 0 : i32
          %dma_wait3A_156 = tpu.memref_slice %arg11[%dma_wait3A_154, %dma_wait3A_155] : memref<10240x128xf32, #tpu.memory_space<vmem_shared>> -> memref<10240x128xf32, #tpu.memory_space<vmem_shared>>
          tpu.wait_indirect_dma semaphore(%run_scoped3A_144 : memref<!tpu.dma_semaphore, #tpu.memory_space<semaphore_mem>>) src(%arg9 : memref<100x128xf32, #tpu.memory_space<vmem>>) dst(%dma_wait3A_156 : memref<10240x128xf32, #tpu.memory_space<vmem_shared>>)
          tpu.yield
        }) : () -> ()
        %add3A_126 = arith.constant 2 : i32
        %add3A_127 = arith.addi %mul3A_111, %add3A_126 : i32
        %dma_start3A_128 = arith.constant 0 : i32
        %dma_start3A_129 = tpu.memref_slice %arg7[%add3A_127, %dma_start3A_128] : memref<25x100xi32, #tpu.memory_space<vmem>> -> memref<1x100xi32, #tpu.memory_space<vmem>>
        %dma_start3A_130 = tpu.memref_squeeze %dma_start3A_129 : memref<1x100xi32, #tpu.memory_space<vmem>> -> memref<100xi32, #tpu.memory_space<vmem>>
        %dma_start3A_131 = arith.constant 0 : i32
        %dma_start3A_132 = arith.constant 0 : i32
        %dma_start3A_133 = tpu.memref_slice %arg2[%dma_start3A_131, %dma_start3A_132] : memref<10240x128xf32, #tpu.memory_space<hbm>> -> memref<10240x128xf32, #tpu.memory_space<hbm>>
        tpu.enqueue_indirect_dma source(%dma_start3A_133 : memref<10240x128xf32, #tpu.memory_space<hbm>>) target(%arg9 : memref<100x128xf32, #tpu.memory_space<vmem>>) offsets(%dma_start3A_130 : memref<100xi32, #tpu.memory_space<vmem>>) semaphore(%run_scoped3A : memref<!tpu.dma_semaphore, #tpu.memory_space<semaphore_mem>>)
        %add3A_134 = arith.constant 1 : i32
        %add3A_135 = arith.addi %mul3A_111, %add3A_134 : i32
        %dma_wait3A_136 = arith.constant 0 : i32
        %dma_wait3A_137 = tpu.memref_slice %arg7[%add3A_135, %dma_wait3A_136] : memref<25x100xi32, #tpu.memory_space<vmem>> -> memref<1x100xi32, #tpu.memory_space<vmem>>
        %dma_wait3A_138 = tpu.memref_squeeze %dma_wait3A_137 : memref<1x100xi32, #tpu.memory_space<vmem>> -> memref<100xi32, #tpu.memory_space<vmem>>
        %dma_wait3A_139 = arith.constant 0 : i32
        %dma_wait3A_140 = arith.constant 0 : i32
        %dma_wait3A_141 = tpu.memref_slice %arg2[%dma_wait3A_139, %dma_wait3A_140] : memref<10240x128xf32, #tpu.memory_space<hbm>> -> memref<10240x128xf32, #tpu.memory_space<hbm>>
        tpu.wait_indirect_dma semaphore(%run_scoped3A_18 : memref<!tpu.dma_semaphore, #tpu.memory_space<semaphore_mem>>) src(%dma_wait3A_141 : memref<10240x128xf32, #tpu.memory_space<hbm>>) dst(%arg10 : memref<100x128xf32, #tpu.memory_space<vmem>>)
        %add3A_142 = arith.constant 1 : i32
        %add3A_143 = arith.addi %mul3A_111, %add3A_142 : i32
        "tpu.region"() ({
          %run_scoped3A_144 = tpu.sem_alloc : memref<!tpu.dma_semaphore, #tpu.memory_space<semaphore_mem>>
          %dma_start3A_145 = arith.constant 0 : i32
          %dma_start3A_146 = tpu.memref_slice %arg8[%add3A_143, %dma_start3A_145] : memref<25x100xi32, #tpu.memory_space<vmem>> -> memref<1x100xi32, #tpu.memory_space<vmem>>
          %dma_start3A_147 = tpu.memref_squeeze %dma_start3A_146 : memref<1x100xi32, #tpu.memory_space<vmem>> -> memref<100xi32, #tpu.memory_space<vmem>>
          %dma_start3A_148 = arith.constant 0 : i32
          %dma_start3A_149 = arith.constant 0 : i32
          %dma_start3A_150 = tpu.memref_slice %arg11[%dma_start3A_148, %dma_start3A_149] : memref<10240x128xf32, #tpu.memory_space<vmem_shared>> -> memref<10240x128xf32, #tpu.memory_space<vmem_shared>>
          tpu.enqueue_indirect_dma source(%arg10 : memref<100x128xf32, #tpu.memory_space<vmem>>) target(%dma_start3A_150 : memref<10240x128xf32, #tpu.memory_space<vmem_shared>>) offsets(%dma_start3A_147 : memref<100xi32, #tpu.memory_space<vmem>>) semaphore(%run_scoped3A_144 : memref<!tpu.dma_semaphore, #tpu.memory_space<semaphore_mem>>) {add = true}
          %dma_wait3A_151 = arith.constant 0 : i32
          %dma_wait3A_152 = tpu.memref_slice %arg8[%add3A_143, %dma_wait3A_151] : memref<25x100xi32, #tpu.memory_space<vmem>> -> memref<1x100xi32, #tpu.memory_space<vmem>>
          %dma_wait3A_153 = tpu.memref_squeeze %dma_wait3A_152 : memref<1x100xi32, #tpu.memory_space<vmem>> -> memref<100xi32, #tpu.memory_space<vmem>>
          %dma_wait3A_154 = arith.constant 0 : i32
          %dma_wait3A_155 = arith.constant 0 : i32
          %dma_wait3A_156 = tpu.memref_slice %arg11[%dma_wait3A_154, %dma_wait3A_155] : memref<10240x128xf32, #tpu.memory_space<vmem_shared>> -> memref<10240x128xf32, #tpu.memory_space<vmem_shared>>
          tpu.wait_indirect_dma semaphore(%run_scoped3A_144 : memref<!tpu.dma_semaphore, #tpu.memory_space<semaphore_mem>>) src(%arg10 : memref<100x128xf32, #tpu.memory_space<vmem>>) dst(%dma_wait3A_156 : memref<10240x128xf32, #tpu.memory_space<vmem_shared>>)
          tpu.yield
        }) : () -> ()
      }
      %scan3A_54 = arith.constant 12 : i32
      %dma_wait3A_55 = arith.constant 24 : i32
      %dma_wait3A_56 = arith.constant 0 : i32
      %dma_wait3A_57 = tpu.memref_slice %arg7[%dma_wait3A_55, %dma_wait3A_56] : memref<25x100xi32, #tpu.memory_space<vmem>> -> memref<1x100xi32, #tpu.memory_space<vmem>>
      %dma_wait3A_58 = tpu.memref_squeeze %dma_wait3A_57 : memref<1x100xi32, #tpu.memory_space<vmem>> -> memref<100xi32, #tpu.memory_space<vmem>>
      %dma_wait3A_59 = arith.constant 0 : i32
      %dma_wait3A_60 = arith.constant 0 : i32
      %dma_wait3A_61 = tpu.memref_slice %arg2[%dma_wait3A_59, %dma_wait3A_60] : memref<10240x128xf32, #tpu.memory_space<hbm>> -> memref<10240x128xf32, #tpu.memory_space<hbm>>
      tpu.wait_indirect_dma semaphore(%run_scoped3A : memref<!tpu.dma_semaphore, #tpu.memory_space<semaphore_mem>>) src(%dma_wait3A_61 : memref<10240x128xf32, #tpu.memory_space<hbm>>) dst(%arg9 : memref<100x128xf32, #tpu.memory_space<vmem>>)
      %run_scoped3A_62 = arith.constant 24 : i32
      "tpu.region"() ({
        %run_scoped3A_109 = tpu.sem_alloc : memref<!tpu.dma_semaphore, #tpu.memory_space<semaphore_mem>>
        %dma_start3A_110 = arith.constant 0 : i32
        %dma_start3A_111 = tpu.memref_slice %arg8[%run_scoped3A_62, %dma_start3A_110] : memref<25x100xi32, #tpu.memory_space<vmem>> -> memref<1x100xi32, #tpu.memory_space<vmem>>
        %dma_start3A_112 = tpu.memref_squeeze %dma_start3A_111 : memref<1x100xi32, #tpu.memory_space<vmem>> -> memref<100xi32, #tpu.memory_space<vmem>>
        %dma_start3A_113 = arith.constant 0 : i32
        %dma_start3A_114 = arith.constant 0 : i32
        %dma_start3A_115 = tpu.memref_slice %arg11[%dma_start3A_113, %dma_start3A_114] : memref<10240x128xf32, #tpu.memory_space<vmem_shared>> -> memref<10240x128xf32, #tpu.memory_space<vmem_shared>>
        tpu.enqueue_indirect_dma source(%arg9 : memref<100x128xf32, #tpu.memory_space<vmem>>) target(%dma_start3A_115 : memref<10240x128xf32, #tpu.memory_space<vmem_shared>>) offsets(%dma_start3A_112 : memref<100xi32, #tpu.memory_space<vmem>>) semaphore(%run_scoped3A_109 : memref<!tpu.dma_semaphore, #tpu.memory_space<semaphore_mem>>) {add = true}
        %dma_wait3A_116 = arith.constant 0 : i32
        %dma_wait3A_117 = tpu.memref_slice %arg8[%run_scoped3A_62, %dma_wait3A_116] : memref<25x100xi32, #tpu.memory_space<vmem>> -> memref<1x100xi32, #tpu.memory_space<vmem>>
        %dma_wait3A_118 = tpu.memref_squeeze %dma_wait3A_117 : memref<1x100xi32, #tpu.memory_space<vmem>> -> memref<100xi32, #tpu.memory_space<vmem>>
        %dma_wait3A_119 = arith.constant 0 : i32
        %dma_wait3A_120 = arith.constant 0 : i32
        %dma_wait3A_121 = tpu.memref_slice %arg11[%dma_wait3A_119, %dma_wait3A_120] : memref<10240x128xf32, #tpu.memory_space<vmem_shared>> -> memref<10240x128xf32, #tpu.memory_space<vmem_shared>>
        tpu.wait_indirect_dma semaphore(%run_scoped3A_109 : memref<!tpu.dma_semaphore, #tpu.memory_space<semaphore_mem>>) src(%arg9 : memref<100x128xf32, #tpu.memory_space<vmem>>) dst(%dma_wait3A_121 : memref<10240x128xf32, #tpu.memory_space<vmem_shared>>)
        tpu.yield
      }) : () -> ()
      %run_scoped3A_63 = arith.constant 2 : i32
      "tpu.region"() ({
        %run_scoped3A_109 = tpu.sem_alloc : memref<!tpu.dma_semaphore, #tpu.memory_space<semaphore_mem>>
        %dma_start3A_110 = arith.constant 0 : i32
        %dma_start3A_111 = arith.constant 0 : i32
        %dma_start3A_112 = tpu.memref_slice %arg3[%add3A, %run_scoped3A_63, %dma_start3A_110, %dma_start3A_111] : memref<32x4x25x100xi32, #tpu.memory_space<hbm>> -> memref<1x1x25x100xi32, #tpu.memory_space<hbm>>
        %dma_start3A_113 = tpu.memref_squeeze %dma_start3A_112 : memref<1x1x25x100xi32, #tpu.memory_space<hbm>> -> memref<25x100xi32, #tpu.memory_space<hbm>>
        %dma_start3A_114 = arith.constant 0 : i32
        %dma_start3A_115 = arith.constant 0 : i32
        %dma_start3A_116 = tpu.memref_slice %arg3[%add3A, %run_scoped3A_63, %dma_start3A_114, %dma_start3A_115] : memref<32x4x25x100xi32, #tpu.memory_space<hbm>> -> memref<1x1x25x100xi32, #tpu.memory_space<hbm>>
        %dma_start3A_117 = tpu.memref_squeeze %dma_start3A_116 : memref<1x1x25x100xi32, #tpu.memory_space<hbm>> -> memref<25x100xi32, #tpu.memory_space<hbm>>
        tpu.enqueue_dma source(%dma_start3A_117 : memref<25x100xi32, #tpu.memory_space<hbm>>) target(%arg7 : memref<25x100xi32, #tpu.memory_space<vmem>>) target_semaphore(%run_scoped3A_109 : memref<!tpu.dma_semaphore, #tpu.memory_space<semaphore_mem>>)
        %dma_wait3A_118 = arith.constant 0 : i32
        %dma_wait3A_119 = arith.constant 0 : i32
        %dma_wait3A_120 = tpu.memref_slice %arg3[%add3A, %run_scoped3A_63, %dma_wait3A_118, %dma_wait3A_119] : memref<32x4x25x100xi32, #tpu.memory_space<hbm>> -> memref<1x1x25x100xi32, #tpu.memory_space<hbm>>
        %dma_wait3A_121 = tpu.memref_squeeze %dma_wait3A_120 : memref<1x1x25x100xi32, #tpu.memory_space<hbm>> -> memref<25x100xi32, #tpu.memory_space<hbm>>
        %dma_wait3A_122 = arith.constant 0 : i32
        %dma_wait3A_123 = arith.constant 0 : i32
        %dma_wait3A_124 = tpu.memref_slice %arg3[%add3A, %run_scoped3A_63, %dma_wait3A_122, %dma_wait3A_123] : memref<32x4x25x100xi32, #tpu.memory_space<hbm>> -> memref<1x1x25x100xi32, #tpu.memory_space<hbm>>
        %dma_wait3A_125 = tpu.memref_squeeze %dma_wait3A_124 : memref<1x1x25x100xi32, #tpu.memory_space<hbm>> -> memref<25x100xi32, #tpu.memory_space<hbm>>
        tpu.wait_dma2 semaphore(%run_scoped3A_109 : memref<!tpu.dma_semaphore, #tpu.memory_space<semaphore_mem>>) src(%dma_wait3A_125 : memref<25x100xi32, #tpu.memory_space<hbm>>) dst(%arg7 : memref<25x100xi32, #tpu.memory_space<vmem>>)
        tpu.yield
      }) : () -> ()
      %run_scoped3A_64 = arith.constant 2 : i32
      "tpu.region"() ({
        %run_scoped3A_109 = tpu.sem_alloc : memref<!tpu.dma_semaphore, #tpu.memory_space<semaphore_mem>>
        %dma_start3A_110 = arith.constant 0 : i32
        %dma_start3A_111 = arith.constant 0 : i32
        %dma_start3A_112 = tpu.memref_slice %arg4[%add3A, %run_scoped3A_64, %dma_start3A_110, %dma_start3A_111] : memref<32x4x25x100xi32, #tpu.memory_space<hbm>> -> memref<1x1x25x100xi32, #tpu.memory_space<hbm>>
        %dma_start3A_113 = tpu.memref_squeeze %dma_start3A_112 : memref<1x1x25x100xi32, #tpu.memory_space<hbm>> -> memref<25x100xi32, #tpu.memory_space<hbm>>
        %dma_start3A_114 = arith.constant 0 : i32
        %dma_start3A_115 = arith.constant 0 : i32
        %dma_start3A_116 = tpu.memref_slice %arg4[%add3A, %run_scoped3A_64, %dma_start3A_114, %dma_start3A_115] : memref<32x4x25x100xi32, #tpu.memory_space<hbm>> -> memref<1x1x25x100xi32, #tpu.memory_space<hbm>>
        %dma_start3A_117 = tpu.memref_squeeze %dma_start3A_116 : memref<1x1x25x100xi32, #tpu.memory_space<hbm>> -> memref<25x100xi32, #tpu.memory_space<hbm>>
        tpu.enqueue_dma source(%dma_start3A_117 : memref<25x100xi32, #tpu.memory_space<hbm>>) target(%arg8 : memref<25x100xi32, #tpu.memory_space<vmem>>) target_semaphore(%run_scoped3A_109 : memref<!tpu.dma_semaphore, #tpu.memory_space<semaphore_mem>>)
        %dma_wait3A_118 = arith.constant 0 : i32
        %dma_wait3A_119 = arith.constant 0 : i32
        %dma_wait3A_120 = tpu.memref_slice %arg4[%add3A, %run_scoped3A_64, %dma_wait3A_118, %dma_wait3A_119] : memref<32x4x25x100xi32, #tpu.memory_space<hbm>> -> memref<1x1x25x100xi32, #tpu.memory_space<hbm>>
        %dma_wait3A_121 = tpu.memref_squeeze %dma_wait3A_120 : memref<1x1x25x100xi32, #tpu.memory_space<hbm>> -> memref<25x100xi32, #tpu.memory_space<hbm>>
        %dma_wait3A_122 = arith.constant 0 : i32
        %dma_wait3A_123 = arith.constant 0 : i32
        %dma_wait3A_124 = tpu.memref_slice %arg4[%add3A, %run_scoped3A_64, %dma_wait3A_122, %dma_wait3A_123] : memref<32x4x25x100xi32, #tpu.memory_space<hbm>> -> memref<1x1x25x100xi32, #tpu.memory_space<hbm>>
        %dma_wait3A_125 = tpu.memref_squeeze %dma_wait3A_124 : memref<1x1x25x100xi32, #tpu.memory_space<hbm>> -> memref<25x100xi32, #tpu.memory_space<hbm>>
        tpu.wait_dma2 semaphore(%run_scoped3A_109 : memref<!tpu.dma_semaphore, #tpu.memory_space<semaphore_mem>>) src(%dma_wait3A_125 : memref<25x100xi32, #tpu.memory_space<hbm>>) dst(%arg8 : memref<25x100xi32, #tpu.memory_space<vmem>>)
        tpu.yield
      }) : () -> ()
      %dma_start3A_65 = arith.constant 0 : i32
      %dma_start3A_66 = arith.constant 0 : i32
      %dma_start3A_67 = tpu.memref_slice %arg7[%dma_start3A_65, %dma_start3A_66] : memref<25x100xi32, #tpu.memory_space<vmem>> -> memref<1x100xi32, #tpu.memory_space<vmem>>
      %dma_start3A_68 = tpu.memref_squeeze %dma_start3A_67 : memref<1x100xi32, #tpu.memory_space<vmem>> -> memref<100xi32, #tpu.memory_space<vmem>>
      %dma_start3A_69 = arith.constant 0 : i32
      %dma_start3A_70 = arith.constant 0 : i32
      %dma_start3A_71 = tpu.memref_slice %arg2[%dma_start3A_69, %dma_start3A_70] : memref<10240x128xf32, #tpu.memory_space<hbm>> -> memref<10240x128xf32, #tpu.memory_space<hbm>>
      tpu.enqueue_indirect_dma source(%dma_start3A_71 : memref<10240x128xf32, #tpu.memory_space<hbm>>) target(%arg9 : memref<100x128xf32, #tpu.memory_space<vmem>>) offsets(%dma_start3A_68 : memref<100xi32, #tpu.memory_space<vmem>>) semaphore(%run_scoped3A : memref<!tpu.dma_semaphore, #tpu.memory_space<semaphore_mem>>)
      %scan3A_72 = arith.constant 0 : i32
      %scan3A_73 = arith.constant 0 : i32
      %scan3A_74 = arith.constant 12 : i32
      %scan3A_75 = arith.addi %scan3A_73, %scan3A_74 : i32
      %scan3A_76 = arith.constant 1 : i32
      scf.for %scan3A_109 = %scan3A_73 to %scan3A_75 step %scan3A_76  : i32 {
        %mul3A_110 = arith.constant 2 : i32
        %mul3A_111 = arith.muli %mul3A_110, %scan3A_109 : i32
        %add3A_112 = arith.constant 1 : i32
        %add3A_113 = arith.addi %mul3A_111, %add3A_112 : i32
        %dma_start3A_114 = arith.constant 0 : i32
        %dma_start3A_115 = tpu.memref_slice %arg7[%add3A_113, %dma_start3A_114] : memref<25x100xi32, #tpu.memory_space<vmem>> -> memref<1x100xi32, #tpu.memory_space<vmem>>
        %dma_start3A_116 = tpu.memref_squeeze %dma_start3A_115 : memref<1x100xi32, #tpu.memory_space<vmem>> -> memref<100xi32, #tpu.memory_space<vmem>>
        %dma_start3A_117 = arith.constant 0 : i32
        %dma_start3A_118 = arith.constant 0 : i32
        %dma_start3A_119 = tpu.memref_slice %arg2[%dma_start3A_117, %dma_start3A_118] : memref<10240x128xf32, #tpu.memory_space<hbm>> -> memref<10240x128xf32, #tpu.memory_space<hbm>>
        tpu.enqueue_indirect_dma source(%dma_start3A_119 : memref<10240x128xf32, #tpu.memory_space<hbm>>) target(%arg10 : memref<100x128xf32, #tpu.memory_space<vmem>>) offsets(%dma_start3A_116 : memref<100xi32, #tpu.memory_space<vmem>>) semaphore(%run_scoped3A_18 : memref<!tpu.dma_semaphore, #tpu.memory_space<semaphore_mem>>)
        %dma_wait3A_120 = arith.constant 0 : i32
        %dma_wait3A_121 = tpu.memref_slice %arg7[%mul3A_111, %dma_wait3A_120] : memref<25x100xi32, #tpu.memory_space<vmem>> -> memref<1x100xi32, #tpu.memory_space<vmem>>
        %dma_wait3A_122 = tpu.memref_squeeze %dma_wait3A_121 : memref<1x100xi32, #tpu.memory_space<vmem>> -> memref<100xi32, #tpu.memory_space<vmem>>
        %dma_wait3A_123 = arith.constant 0 : i32
        %dma_wait3A_124 = arith.constant 0 : i32
        %dma_wait3A_125 = tpu.memref_slice %arg2[%dma_wait3A_123, %dma_wait3A_124] : memref<10240x128xf32, #tpu.memory_space<hbm>> -> memref<10240x128xf32, #tpu.memory_space<hbm>>
        tpu.wait_indirect_dma semaphore(%run_scoped3A : memref<!tpu.dma_semaphore, #tpu.memory_space<semaphore_mem>>) src(%dma_wait3A_125 : memref<10240x128xf32, #tpu.memory_space<hbm>>) dst(%arg9 : memref<100x128xf32, #tpu.memory_space<vmem>>)
        "tpu.region"() ({
          %run_scoped3A_144 = tpu.sem_alloc : memref<!tpu.dma_semaphore, #tpu.memory_space<semaphore_mem>>
          %dma_start3A_145 = arith.constant 0 : i32
          %dma_start3A_146 = tpu.memref_slice %arg8[%mul3A_111, %dma_start3A_145] : memref<25x100xi32, #tpu.memory_space<vmem>> -> memref<1x100xi32, #tpu.memory_space<vmem>>
          %dma_start3A_147 = tpu.memref_squeeze %dma_start3A_146 : memref<1x100xi32, #tpu.memory_space<vmem>> -> memref<100xi32, #tpu.memory_space<vmem>>
          %dma_start3A_148 = arith.constant 0 : i32
          %dma_start3A_149 = arith.constant 0 : i32
          %dma_start3A_150 = tpu.memref_slice %arg11[%dma_start3A_148, %dma_start3A_149] : memref<10240x128xf32, #tpu.memory_space<vmem_shared>> -> memref<10240x128xf32, #tpu.memory_space<vmem_shared>>
          tpu.enqueue_indirect_dma source(%arg9 : memref<100x128xf32, #tpu.memory_space<vmem>>) target(%dma_start3A_150 : memref<10240x128xf32, #tpu.memory_space<vmem_shared>>) offsets(%dma_start3A_147 : memref<100xi32, #tpu.memory_space<vmem>>) semaphore(%run_scoped3A_144 : memref<!tpu.dma_semaphore, #tpu.memory_space<semaphore_mem>>) {add = true}
          %dma_wait3A_151 = arith.constant 0 : i32
          %dma_wait3A_152 = tpu.memref_slice %arg8[%mul3A_111, %dma_wait3A_151] : memref<25x100xi32, #tpu.memory_space<vmem>> -> memref<1x100xi32, #tpu.memory_space<vmem>>
          %dma_wait3A_153 = tpu.memref_squeeze %dma_wait3A_152 : memref<1x100xi32, #tpu.memory_space<vmem>> -> memref<100xi32, #tpu.memory_space<vmem>>
          %dma_wait3A_154 = arith.constant 0 : i32
          %dma_wait3A_155 = arith.constant 0 : i32
          %dma_wait3A_156 = tpu.memref_slice %arg11[%dma_wait3A_154, %dma_wait3A_155] : memref<10240x128xf32, #tpu.memory_space<vmem_shared>> -> memref<10240x128xf32, #tpu.memory_space<vmem_shared>>
          tpu.wait_indirect_dma semaphore(%run_scoped3A_144 : memref<!tpu.dma_semaphore, #tpu.memory_space<semaphore_mem>>) src(%arg9 : memref<100x128xf32, #tpu.memory_space<vmem>>) dst(%dma_wait3A_156 : memref<10240x128xf32, #tpu.memory_space<vmem_shared>>)
          tpu.yield
        }) : () -> ()
        %add3A_126 = arith.constant 2 : i32
        %add3A_127 = arith.addi %mul3A_111, %add3A_126 : i32
        %dma_start3A_128 = arith.constant 0 : i32
        %dma_start3A_129 = tpu.memref_slice %arg7[%add3A_127, %dma_start3A_128] : memref<25x100xi32, #tpu.memory_space<vmem>> -> memref<1x100xi32, #tpu.memory_space<vmem>>
        %dma_start3A_130 = tpu.memref_squeeze %dma_start3A_129 : memref<1x100xi32, #tpu.memory_space<vmem>> -> memref<100xi32, #tpu.memory_space<vmem>>
        %dma_start3A_131 = arith.constant 0 : i32
        %dma_start3A_132 = arith.constant 0 : i32
        %dma_start3A_133 = tpu.memref_slice %arg2[%dma_start3A_131, %dma_start3A_132] : memref<10240x128xf32, #tpu.memory_space<hbm>> -> memref<10240x128xf32, #tpu.memory_space<hbm>>
        tpu.enqueue_indirect_dma source(%dma_start3A_133 : memref<10240x128xf32, #tpu.memory_space<hbm>>) target(%arg9 : memref<100x128xf32, #tpu.memory_space<vmem>>) offsets(%dma_start3A_130 : memref<100xi32, #tpu.memory_space<vmem>>) semaphore(%run_scoped3A : memref<!tpu.dma_semaphore, #tpu.memory_space<semaphore_mem>>)
        %add3A_134 = arith.constant 1 : i32
        %add3A_135 = arith.addi %mul3A_111, %add3A_134 : i32
        %dma_wait3A_136 = arith.constant 0 : i32
        %dma_wait3A_137 = tpu.memref_slice %arg7[%add3A_135, %dma_wait3A_136] : memref<25x100xi32, #tpu.memory_space<vmem>> -> memref<1x100xi32, #tpu.memory_space<vmem>>
        %dma_wait3A_138 = tpu.memref_squeeze %dma_wait3A_137 : memref<1x100xi32, #tpu.memory_space<vmem>> -> memref<100xi32, #tpu.memory_space<vmem>>
        %dma_wait3A_139 = arith.constant 0 : i32
        %dma_wait3A_140 = arith.constant 0 : i32
        %dma_wait3A_141 = tpu.memref_slice %arg2[%dma_wait3A_139, %dma_wait3A_140] : memref<10240x128xf32, #tpu.memory_space<hbm>> -> memref<10240x128xf32, #tpu.memory_space<hbm>>
        tpu.wait_indirect_dma semaphore(%run_scoped3A_18 : memref<!tpu.dma_semaphore, #tpu.memory_space<semaphore_mem>>) src(%dma_wait3A_141 : memref<10240x128xf32, #tpu.memory_space<hbm>>) dst(%arg10 : memref<100x128xf32, #tpu.memory_space<vmem>>)
        %add3A_142 = arith.constant 1 : i32
        %add3A_143 = arith.addi %mul3A_111, %add3A_142 : i32
        "tpu.region"() ({
          %run_scoped3A_144 = tpu.sem_alloc : memref<!tpu.dma_semaphore, #tpu.memory_space<semaphore_mem>>
          %dma_start3A_145 = arith.constant 0 : i32
          %dma_start3A_146 = tpu.memref_slice %arg8[%add3A_143, %dma_start3A_145] : memref<25x100xi32, #tpu.memory_space<vmem>> -> memref<1x100xi32, #tpu.memory_space<vmem>>
          %dma_start3A_147 = tpu.memref_squeeze %dma_start3A_146 : memref<1x100xi32, #tpu.memory_space<vmem>> -> memref<100xi32, #tpu.memory_space<vmem>>
          %dma_start3A_148 = arith.constant 0 : i32
          %dma_start3A_149 = arith.constant 0 : i32
          %dma_start3A_150 = tpu.memref_slice %arg11[%dma_start3A_148, %dma_start3A_149] : memref<10240x128xf32, #tpu.memory_space<vmem_shared>> -> memref<10240x128xf32, #tpu.memory_space<vmem_shared>>
          tpu.enqueue_indirect_dma source(%arg10 : memref<100x128xf32, #tpu.memory_space<vmem>>) target(%dma_start3A_150 : memref<10240x128xf32, #tpu.memory_space<vmem_shared>>) offsets(%dma_start3A_147 : memref<100xi32, #tpu.memory_space<vmem>>) semaphore(%run_scoped3A_144 : memref<!tpu.dma_semaphore, #tpu.memory_space<semaphore_mem>>) {add = true}
          %dma_wait3A_151 = arith.constant 0 : i32
          %dma_wait3A_152 = tpu.memref_slice %arg8[%add3A_143, %dma_wait3A_151] : memref<25x100xi32, #tpu.memory_space<vmem>> -> memref<1x100xi32, #tpu.memory_space<vmem>>
          %dma_wait3A_153 = tpu.memref_squeeze %dma_wait3A_152 : memref<1x100xi32, #tpu.memory_space<vmem>> -> memref<100xi32, #tpu.memory_space<vmem>>
          %dma_wait3A_154 = arith.constant 0 : i32
          %dma_wait3A_155 = arith.constant 0 : i32
          %dma_wait3A_156 = tpu.memref_slice %arg11[%dma_wait3A_154, %dma_wait3A_155] : memref<10240x128xf32, #tpu.memory_space<vmem_shared>> -> memref<10240x128xf32, #tpu.memory_space<vmem_shared>>
          tpu.wait_indirect_dma semaphore(%run_scoped3A_144 : memref<!tpu.dma_semaphore, #tpu.memory_space<semaphore_mem>>) src(%arg10 : memref<100x128xf32, #tpu.memory_space<vmem>>) dst(%dma_wait3A_156 : memref<10240x128xf32, #tpu.memory_space<vmem_shared>>)
          tpu.yield
        }) : () -> ()
      }
      %scan3A_77 = arith.constant 12 : i32
      %dma_wait3A_78 = arith.constant 24 : i32
      %dma_wait3A_79 = arith.constant 0 : i32
      %dma_wait3A_80 = tpu.memref_slice %arg7[%dma_wait3A_78, %dma_wait3A_79] : memref<25x100xi32, #tpu.memory_space<vmem>> -> memref<1x100xi32, #tpu.memory_space<vmem>>
      %dma_wait3A_81 = tpu.memref_squeeze %dma_wait3A_80 : memref<1x100xi32, #tpu.memory_space<vmem>> -> memref<100xi32, #tpu.memory_space<vmem>>
      %dma_wait3A_82 = arith.constant 0 : i32
      %dma_wait3A_83 = arith.constant 0 : i32
      %dma_wait3A_84 = tpu.memref_slice %arg2[%dma_wait3A_82, %dma_wait3A_83] : memref<10240x128xf32, #tpu.memory_space<hbm>> -> memref<10240x128xf32, #tpu.memory_space<hbm>>
      tpu.wait_indirect_dma semaphore(%run_scoped3A : memref<!tpu.dma_semaphore, #tpu.memory_space<semaphore_mem>>) src(%dma_wait3A_84 : memref<10240x128xf32, #tpu.memory_space<hbm>>) dst(%arg9 : memref<100x128xf32, #tpu.memory_space<vmem>>)
      %run_scoped3A_85 = arith.constant 24 : i32
      "tpu.region"() ({
        %run_scoped3A_109 = tpu.sem_alloc : memref<!tpu.dma_semaphore, #tpu.memory_space<semaphore_mem>>
        %dma_start3A_110 = arith.constant 0 : i32
        %dma_start3A_111 = tpu.memref_slice %arg8[%run_scoped3A_85, %dma_start3A_110] : memref<25x100xi32, #tpu.memory_space<vmem>> -> memref<1x100xi32, #tpu.memory_space<vmem>>
        %dma_start3A_112 = tpu.memref_squeeze %dma_start3A_111 : memref<1x100xi32, #tpu.memory_space<vmem>> -> memref<100xi32, #tpu.memory_space<vmem>>
        %dma_start3A_113 = arith.constant 0 : i32
        %dma_start3A_114 = arith.constant 0 : i32
        %dma_start3A_115 = tpu.memref_slice %arg11[%dma_start3A_113, %dma_start3A_114] : memref<10240x128xf32, #tpu.memory_space<vmem_shared>> -> memref<10240x128xf32, #tpu.memory_space<vmem_shared>>
        tpu.enqueue_indirect_dma source(%arg9 : memref<100x128xf32, #tpu.memory_space<vmem>>) target(%dma_start3A_115 : memref<10240x128xf32, #tpu.memory_space<vmem_shared>>) offsets(%dma_start3A_112 : memref<100xi32, #tpu.memory_space<vmem>>) semaphore(%run_scoped3A_109 : memref<!tpu.dma_semaphore, #tpu.memory_space<semaphore_mem>>) {add = true}
        %dma_wait3A_116 = arith.constant 0 : i32
        %dma_wait3A_117 = tpu.memref_slice %arg8[%run_scoped3A_85, %dma_wait3A_116] : memref<25x100xi32, #tpu.memory_space<vmem>> -> memref<1x100xi32, #tpu.memory_space<vmem>>
        %dma_wait3A_118 = tpu.memref_squeeze %dma_wait3A_117 : memref<1x100xi32, #tpu.memory_space<vmem>> -> memref<100xi32, #tpu.memory_space<vmem>>
        %dma_wait3A_119 = arith.constant 0 : i32
        %dma_wait3A_120 = arith.constant 0 : i32
        %dma_wait3A_121 = tpu.memref_slice %arg11[%dma_wait3A_119, %dma_wait3A_120] : memref<10240x128xf32, #tpu.memory_space<vmem_shared>> -> memref<10240x128xf32, #tpu.memory_space<vmem_shared>>
        tpu.wait_indirect_dma semaphore(%run_scoped3A_109 : memref<!tpu.dma_semaphore, #tpu.memory_space<semaphore_mem>>) src(%arg9 : memref<100x128xf32, #tpu.memory_space<vmem>>) dst(%dma_wait3A_121 : memref<10240x128xf32, #tpu.memory_space<vmem_shared>>)
        tpu.yield
      }) : () -> ()
      %run_scoped3A_86 = arith.constant 3 : i32
      "tpu.region"() ({
        %run_scoped3A_109 = tpu.sem_alloc : memref<!tpu.dma_semaphore, #tpu.memory_space<semaphore_mem>>
        %dma_start3A_110 = arith.constant 0 : i32
        %dma_start3A_111 = arith.constant 0 : i32
        %dma_start3A_112 = tpu.memref_slice %arg3[%add3A, %run_scoped3A_86, %dma_start3A_110, %dma_start3A_111] : memref<32x4x25x100xi32, #tpu.memory_space<hbm>> -> memref<1x1x25x100xi32, #tpu.memory_space<hbm>>
        %dma_start3A_113 = tpu.memref_squeeze %dma_start3A_112 : memref<1x1x25x100xi32, #tpu.memory_space<hbm>> -> memref<25x100xi32, #tpu.memory_space<hbm>>
        %dma_start3A_114 = arith.constant 0 : i32
        %dma_start3A_115 = arith.constant 0 : i32
        %dma_start3A_116 = tpu.memref_slice %arg3[%add3A, %run_scoped3A_86, %dma_start3A_114, %dma_start3A_115] : memref<32x4x25x100xi32, #tpu.memory_space<hbm>> -> memref<1x1x25x100xi32, #tpu.memory_space<hbm>>
        %dma_start3A_117 = tpu.memref_squeeze %dma_start3A_116 : memref<1x1x25x100xi32, #tpu.memory_space<hbm>> -> memref<25x100xi32, #tpu.memory_space<hbm>>
        tpu.enqueue_dma source(%dma_start3A_117 : memref<25x100xi32, #tpu.memory_space<hbm>>) target(%arg7 : memref<25x100xi32, #tpu.memory_space<vmem>>) target_semaphore(%run_scoped3A_109 : memref<!tpu.dma_semaphore, #tpu.memory_space<semaphore_mem>>)
        %dma_wait3A_118 = arith.constant 0 : i32
        %dma_wait3A_119 = arith.constant 0 : i32
        %dma_wait3A_120 = tpu.memref_slice %arg3[%add3A, %run_scoped3A_86, %dma_wait3A_118, %dma_wait3A_119] : memref<32x4x25x100xi32, #tpu.memory_space<hbm>> -> memref<1x1x25x100xi32, #tpu.memory_space<hbm>>
        %dma_wait3A_121 = tpu.memref_squeeze %dma_wait3A_120 : memref<1x1x25x100xi32, #tpu.memory_space<hbm>> -> memref<25x100xi32, #tpu.memory_space<hbm>>
        %dma_wait3A_122 = arith.constant 0 : i32
        %dma_wait3A_123 = arith.constant 0 : i32
        %dma_wait3A_124 = tpu.memref_slice %arg3[%add3A, %run_scoped3A_86, %dma_wait3A_122, %dma_wait3A_123] : memref<32x4x25x100xi32, #tpu.memory_space<hbm>> -> memref<1x1x25x100xi32, #tpu.memory_space<hbm>>
        %dma_wait3A_125 = tpu.memref_squeeze %dma_wait3A_124 : memref<1x1x25x100xi32, #tpu.memory_space<hbm>> -> memref<25x100xi32, #tpu.memory_space<hbm>>
        tpu.wait_dma2 semaphore(%run_scoped3A_109 : memref<!tpu.dma_semaphore, #tpu.memory_space<semaphore_mem>>) src(%dma_wait3A_125 : memref<25x100xi32, #tpu.memory_space<hbm>>) dst(%arg7 : memref<25x100xi32, #tpu.memory_space<vmem>>)
        tpu.yield
      }) : () -> ()
      %run_scoped3A_87 = arith.constant 3 : i32
      "tpu.region"() ({
        %run_scoped3A_109 = tpu.sem_alloc : memref<!tpu.dma_semaphore, #tpu.memory_space<semaphore_mem>>
        %dma_start3A_110 = arith.constant 0 : i32
        %dma_start3A_111 = arith.constant 0 : i32
        %dma_start3A_112 = tpu.memref_slice %arg4[%add3A, %run_scoped3A_87, %dma_start3A_110, %dma_start3A_111] : memref<32x4x25x100xi32, #tpu.memory_space<hbm>> -> memref<1x1x25x100xi32, #tpu.memory_space<hbm>>
        %dma_start3A_113 = tpu.memref_squeeze %dma_start3A_112 : memref<1x1x25x100xi32, #tpu.memory_space<hbm>> -> memref<25x100xi32, #tpu.memory_space<hbm>>
        %dma_start3A_114 = arith.constant 0 : i32
        %dma_start3A_115 = arith.constant 0 : i32
        %dma_start3A_116 = tpu.memref_slice %arg4[%add3A, %run_scoped3A_87, %dma_start3A_114, %dma_start3A_115] : memref<32x4x25x100xi32, #tpu.memory_space<hbm>> -> memref<1x1x25x100xi32, #tpu.memory_space<hbm>>
        %dma_start3A_117 = tpu.memref_squeeze %dma_start3A_116 : memref<1x1x25x100xi32, #tpu.memory_space<hbm>> -> memref<25x100xi32, #tpu.memory_space<hbm>>
        tpu.enqueue_dma source(%dma_start3A_117 : memref<25x100xi32, #tpu.memory_space<hbm>>) target(%arg8 : memref<25x100xi32, #tpu.memory_space<vmem>>) target_semaphore(%run_scoped3A_109 : memref<!tpu.dma_semaphore, #tpu.memory_space<semaphore_mem>>)
        %dma_wait3A_118 = arith.constant 0 : i32
        %dma_wait3A_119 = arith.constant 0 : i32
        %dma_wait3A_120 = tpu.memref_slice %arg4[%add3A, %run_scoped3A_87, %dma_wait3A_118, %dma_wait3A_119] : memref<32x4x25x100xi32, #tpu.memory_space<hbm>> -> memref<1x1x25x100xi32, #tpu.memory_space<hbm>>
        %dma_wait3A_121 = tpu.memref_squeeze %dma_wait3A_120 : memref<1x1x25x100xi32, #tpu.memory_space<hbm>> -> memref<25x100xi32, #tpu.memory_space<hbm>>
        %dma_wait3A_122 = arith.constant 0 : i32
        %dma_wait3A_123 = arith.constant 0 : i32
        %dma_wait3A_124 = tpu.memref_slice %arg4[%add3A, %run_scoped3A_87, %dma_wait3A_122, %dma_wait3A_123] : memref<32x4x25x100xi32, #tpu.memory_space<hbm>> -> memref<1x1x25x100xi32, #tpu.memory_space<hbm>>
        %dma_wait3A_125 = tpu.memref_squeeze %dma_wait3A_124 : memref<1x1x25x100xi32, #tpu.memory_space<hbm>> -> memref<25x100xi32, #tpu.memory_space<hbm>>
        tpu.wait_dma2 semaphore(%run_scoped3A_109 : memref<!tpu.dma_semaphore, #tpu.memory_space<semaphore_mem>>) src(%dma_wait3A_125 : memref<25x100xi32, #tpu.memory_space<hbm>>) dst(%arg8 : memref<25x100xi32, #tpu.memory_space<vmem>>)
        tpu.yield
      }) : () -> ()
      %dma_start3A_88 = arith.constant 0 : i32
      %dma_start3A_89 = arith.constant 0 : i32
      %dma_start3A_90 = tpu.memref_slice %arg7[%dma_start3A_88, %dma_start3A_89] : memref<25x100xi32, #tpu.memory_space<vmem>> -> memref<1x100xi32, #tpu.memory_space<vmem>>
      %dma_start3A_91 = tpu.memref_squeeze %dma_start3A_90 : memref<1x100xi32, #tpu.memory_space<vmem>> -> memref<100xi32, #tpu.memory_space<vmem>>
      %dma_start3A_92 = arith.constant 0 : i32
      %dma_start3A_93 = arith.constant 0 : i32
      %dma_start3A_94 = tpu.memref_slice %arg2[%dma_start3A_92, %dma_start3A_93] : memref<10240x128xf32, #tpu.memory_space<hbm>> -> memref<10240x128xf32, #tpu.memory_space<hbm>>
      tpu.enqueue_indirect_dma source(%dma_start3A_94 : memref<10240x128xf32, #tpu.memory_space<hbm>>) target(%arg9 : memref<100x128xf32, #tpu.memory_space<vmem>>) offsets(%dma_start3A_91 : memref<100xi32, #tpu.memory_space<vmem>>) semaphore(%run_scoped3A : memref<!tpu.dma_semaphore, #tpu.memory_space<semaphore_mem>>)
      %scan3A_95 = arith.constant 0 : i32
      %scan3A_96 = arith.constant 0 : i32
      %scan3A_97 = arith.constant 12 : i32
      %scan3A_98 = arith.addi %scan3A_96, %scan3A_97 : i32
      %scan3A_99 = arith.constant 1 : i32
      scf.for %scan3A_109 = %scan3A_96 to %scan3A_98 step %scan3A_99  : i32 {
        %mul3A_110 = arith.constant 2 : i32
        %mul3A_111 = arith.muli %mul3A_110, %scan3A_109 : i32
        %add3A_112 = arith.constant 1 : i32
        %add3A_113 = arith.addi %mul3A_111, %add3A_112 : i32
        %dma_start3A_114 = arith.constant 0 : i32
        %dma_start3A_115 = tpu.memref_slice %arg7[%add3A_113, %dma_start3A_114] : memref<25x100xi32, #tpu.memory_space<vmem>> -> memref<1x100xi32, #tpu.memory_space<vmem>>
        %dma_start3A_116 = tpu.memref_squeeze %dma_start3A_115 : memref<1x100xi32, #tpu.memory_space<vmem>> -> memref<100xi32, #tpu.memory_space<vmem>>
        %dma_start3A_117 = arith.constant 0 : i32
        %dma_start3A_118 = arith.constant 0 : i32
        %dma_start3A_119 = tpu.memref_slice %arg2[%dma_start3A_117, %dma_start3A_118] : memref<10240x128xf32, #tpu.memory_space<hbm>> -> memref<10240x128xf32, #tpu.memory_space<hbm>>
        tpu.enqueue_indirect_dma source(%dma_start3A_119 : memref<10240x128xf32, #tpu.memory_space<hbm>>) target(%arg10 : memref<100x128xf32, #tpu.memory_space<vmem>>) offsets(%dma_start3A_116 : memref<100xi32, #tpu.memory_space<vmem>>) semaphore(%run_scoped3A_18 : memref<!tpu.dma_semaphore, #tpu.memory_space<semaphore_mem>>)
        %dma_wait3A_120 = arith.constant 0 : i32
        %dma_wait3A_121 = tpu.memref_slice %arg7[%mul3A_111, %dma_wait3A_120] : memref<25x100xi32, #tpu.memory_space<vmem>> -> memref<1x100xi32, #tpu.memory_space<vmem>>
        %dma_wait3A_122 = tpu.memref_squeeze %dma_wait3A_121 : memref<1x100xi32, #tpu.memory_space<vmem>> -> memref<100xi32, #tpu.memory_space<vmem>>
        %dma_wait3A_123 = arith.constant 0 : i32
        %dma_wait3A_124 = arith.constant 0 : i32
        %dma_wait3A_125 = tpu.memref_slice %arg2[%dma_wait3A_123, %dma_wait3A_124] : memref<10240x128xf32, #tpu.memory_space<hbm>> -> memref<10240x128xf32, #tpu.memory_space<hbm>>
        tpu.wait_indirect_dma semaphore(%run_scoped3A : memref<!tpu.dma_semaphore, #tpu.memory_space<semaphore_mem>>) src(%dma_wait3A_125 : memref<10240x128xf32, #tpu.memory_space<hbm>>) dst(%arg9 : memref<100x128xf32, #tpu.memory_space<vmem>>)
        "tpu.region"() ({
          %run_scoped3A_144 = tpu.sem_alloc : memref<!tpu.dma_semaphore, #tpu.memory_space<semaphore_mem>>
          %dma_start3A_145 = arith.constant 0 : i32
          %dma_start3A_146 = tpu.memref_slice %arg8[%mul3A_111, %dma_start3A_145] : memref<25x100xi32, #tpu.memory_space<vmem>> -> memref<1x100xi32, #tpu.memory_space<vmem>>
          %dma_start3A_147 = tpu.memref_squeeze %dma_start3A_146 : memref<1x100xi32, #tpu.memory_space<vmem>> -> memref<100xi32, #tpu.memory_space<vmem>>
          %dma_start3A_148 = arith.constant 0 : i32
          %dma_start3A_149 = arith.constant 0 : i32
          %dma_start3A_150 = tpu.memref_slice %arg11[%dma_start3A_148, %dma_start3A_149] : memref<10240x128xf32, #tpu.memory_space<vmem_shared>> -> memref<10240x128xf32, #tpu.memory_space<vmem_shared>>
          tpu.enqueue_indirect_dma source(%arg9 : memref<100x128xf32, #tpu.memory_space<vmem>>) target(%dma_start3A_150 : memref<10240x128xf32, #tpu.memory_space<vmem_shared>>) offsets(%dma_start3A_147 : memref<100xi32, #tpu.memory_space<vmem>>) semaphore(%run_scoped3A_144 : memref<!tpu.dma_semaphore, #tpu.memory_space<semaphore_mem>>) {add = true}
          %dma_wait3A_151 = arith.constant 0 : i32
          %dma_wait3A_152 = tpu.memref_slice %arg8[%mul3A_111, %dma_wait3A_151] : memref<25x100xi32, #tpu.memory_space<vmem>> -> memref<1x100xi32, #tpu.memory_space<vmem>>
          %dma_wait3A_153 = tpu.memref_squeeze %dma_wait3A_152 : memref<1x100xi32, #tpu.memory_space<vmem>> -> memref<100xi32, #tpu.memory_space<vmem>>
          %dma_wait3A_154 = arith.constant 0 : i32
          %dma_wait3A_155 = arith.constant 0 : i32
          %dma_wait3A_156 = tpu.memref_slice %arg11[%dma_wait3A_154, %dma_wait3A_155] : memref<10240x128xf32, #tpu.memory_space<vmem_shared>> -> memref<10240x128xf32, #tpu.memory_space<vmem_shared>>
          tpu.wait_indirect_dma semaphore(%run_scoped3A_144 : memref<!tpu.dma_semaphore, #tpu.memory_space<semaphore_mem>>) src(%arg9 : memref<100x128xf32, #tpu.memory_space<vmem>>) dst(%dma_wait3A_156 : memref<10240x128xf32, #tpu.memory_space<vmem_shared>>)
          tpu.yield
        }) : () -> ()
        %add3A_126 = arith.constant 2 : i32
        %add3A_127 = arith.addi %mul3A_111, %add3A_126 : i32
        %dma_start3A_128 = arith.constant 0 : i32
        %dma_start3A_129 = tpu.memref_slice %arg7[%add3A_127, %dma_start3A_128] : memref<25x100xi32, #tpu.memory_space<vmem>> -> memref<1x100xi32, #tpu.memory_space<vmem>>
        %dma_start3A_130 = tpu.memref_squeeze %dma_start3A_129 : memref<1x100xi32, #tpu.memory_space<vmem>> -> memref<100xi32, #tpu.memory_space<vmem>>
        %dma_start3A_131 = arith.constant 0 : i32
        %dma_start3A_132 = arith.constant 0 : i32
        %dma_start3A_133 = tpu.memref_slice %arg2[%dma_start3A_131, %dma_start3A_132] : memref<10240x128xf32, #tpu.memory_space<hbm>> -> memref<10240x128xf32, #tpu.memory_space<hbm>>
        tpu.enqueue_indirect_dma source(%dma_start3A_133 : memref<10240x128xf32, #tpu.memory_space<hbm>>) target(%arg9 : memref<100x128xf32, #tpu.memory_space<vmem>>) offsets(%dma_start3A_130 : memref<100xi32, #tpu.memory_space<vmem>>) semaphore(%run_scoped3A : memref<!tpu.dma_semaphore, #tpu.memory_space<semaphore_mem>>)
        %add3A_134 = arith.constant 1 : i32
        %add3A_135 = arith.addi %mul3A_111, %add3A_134 : i32
        %dma_wait3A_136 = arith.constant 0 : i32
        %dma_wait3A_137 = tpu.memref_slice %arg7[%add3A_135, %dma_wait3A_136] : memref<25x100xi32, #tpu.memory_space<vmem>> -> memref<1x100xi32, #tpu.memory_space<vmem>>
        %dma_wait3A_138 = tpu.memref_squeeze %dma_wait3A_137 : memref<1x100xi32, #tpu.memory_space<vmem>> -> memref<100xi32, #tpu.memory_space<vmem>>
        %dma_wait3A_139 = arith.constant 0 : i32
        %dma_wait3A_140 = arith.constant 0 : i32
        %dma_wait3A_141 = tpu.memref_slice %arg2[%dma_wait3A_139, %dma_wait3A_140] : memref<10240x128xf32, #tpu.memory_space<hbm>> -> memref<10240x128xf32, #tpu.memory_space<hbm>>
        tpu.wait_indirect_dma semaphore(%run_scoped3A_18 : memref<!tpu.dma_semaphore, #tpu.memory_space<semaphore_mem>>) src(%dma_wait3A_141 : memref<10240x128xf32, #tpu.memory_space<hbm>>) dst(%arg10 : memref<100x128xf32, #tpu.memory_space<vmem>>)
        %add3A_142 = arith.constant 1 : i32
        %add3A_143 = arith.addi %mul3A_111, %add3A_142 : i32
        "tpu.region"() ({
          %run_scoped3A_144 = tpu.sem_alloc : memref<!tpu.dma_semaphore, #tpu.memory_space<semaphore_mem>>
          %dma_start3A_145 = arith.constant 0 : i32
          %dma_start3A_146 = tpu.memref_slice %arg8[%add3A_143, %dma_start3A_145] : memref<25x100xi32, #tpu.memory_space<vmem>> -> memref<1x100xi32, #tpu.memory_space<vmem>>
          %dma_start3A_147 = tpu.memref_squeeze %dma_start3A_146 : memref<1x100xi32, #tpu.memory_space<vmem>> -> memref<100xi32, #tpu.memory_space<vmem>>
          %dma_start3A_148 = arith.constant 0 : i32
          %dma_start3A_149 = arith.constant 0 : i32
          %dma_start3A_150 = tpu.memref_slice %arg11[%dma_start3A_148, %dma_start3A_149] : memref<10240x128xf32, #tpu.memory_space<vmem_shared>> -> memref<10240x128xf32, #tpu.memory_space<vmem_shared>>
          tpu.enqueue_indirect_dma source(%arg10 : memref<100x128xf32, #tpu.memory_space<vmem>>) target(%dma_start3A_150 : memref<10240x128xf32, #tpu.memory_space<vmem_shared>>) offsets(%dma_start3A_147 : memref<100xi32, #tpu.memory_space<vmem>>) semaphore(%run_scoped3A_144 : memref<!tpu.dma_semaphore, #tpu.memory_space<semaphore_mem>>) {add = true}
          %dma_wait3A_151 = arith.constant 0 : i32
          %dma_wait3A_152 = tpu.memref_slice %arg8[%add3A_143, %dma_wait3A_151] : memref<25x100xi32, #tpu.memory_space<vmem>> -> memref<1x100xi32, #tpu.memory_space<vmem>>
          %dma_wait3A_153 = tpu.memref_squeeze %dma_wait3A_152 : memref<1x100xi32, #tpu.memory_space<vmem>> -> memref<100xi32, #tpu.memory_space<vmem>>
          %dma_wait3A_154 = arith.constant 0 : i32
          %dma_wait3A_155 = arith.constant 0 : i32
          %dma_wait3A_156 = tpu.memref_slice %arg11[%dma_wait3A_154, %dma_wait3A_155] : memref<10240x128xf32, #tpu.memory_space<vmem_shared>> -> memref<10240x128xf32, #tpu.memory_space<vmem_shared>>
          tpu.wait_indirect_dma semaphore(%run_scoped3A_144 : memref<!tpu.dma_semaphore, #tpu.memory_space<semaphore_mem>>) src(%arg10 : memref<100x128xf32, #tpu.memory_space<vmem>>) dst(%dma_wait3A_156 : memref<10240x128xf32, #tpu.memory_space<vmem_shared>>)
          tpu.yield
        }) : () -> ()
      }
      %scan3A_100 = arith.constant 12 : i32
      %dma_wait3A_101 = arith.constant 24 : i32
      %dma_wait3A_102 = arith.constant 0 : i32
      %dma_wait3A_103 = tpu.memref_slice %arg7[%dma_wait3A_101, %dma_wait3A_102] : memref<25x100xi32, #tpu.memory_space<vmem>> -> memref<1x100xi32, #tpu.memory_space<vmem>>
      %dma_wait3A_104 = tpu.memref_squeeze %dma_wait3A_103 : memref<1x100xi32, #tpu.memory_space<vmem>> -> memref<100xi32, #tpu.memory_space<vmem>>
      %dma_wait3A_105 = arith.constant 0 : i32
      %dma_wait3A_106 = arith.constant 0 : i32
      %dma_wait3A_107 = tpu.memref_slice %arg2[%dma_wait3A_105, %dma_wait3A_106] : memref<10240x128xf32, #tpu.memory_space<hbm>> -> memref<10240x128xf32, #tpu.memory_space<hbm>>
      tpu.wait_indirect_dma semaphore(%run_scoped3A : memref<!tpu.dma_semaphore, #tpu.memory_space<semaphore_mem>>) src(%dma_wait3A_107 : memref<10240x128xf32, #tpu.memory_space<hbm>>) dst(%arg9 : memref<100x128xf32, #tpu.memory_space<vmem>>)
      %run_scoped3A_108 = arith.constant 24 : i32
      "tpu.region"() ({
        %run_scoped3A_109 = tpu.sem_alloc : memref<!tpu.dma_semaphore, #tpu.memory_space<semaphore_mem>>
        %dma_start3A_110 = arith.constant 0 : i32
        %dma_start3A_111 = tpu.memref_slice %arg8[%run_scoped3A_108, %dma_start3A_110] : memref<25x100xi32, #tpu.memory_space<vmem>> -> memref<1x100xi32, #tpu.memory_space<vmem>>
        %dma_start3A_112 = tpu.memref_squeeze %dma_start3A_111 : memref<1x100xi32, #tpu.memory_space<vmem>> -> memref<100xi32, #tpu.memory_space<vmem>>
        %dma_start3A_113 = arith.constant 0 : i32
        %dma_start3A_114 = arith.constant 0 : i32
        %dma_start3A_115 = tpu.memref_slice %arg11[%dma_start3A_113, %dma_start3A_114] : memref<10240x128xf32, #tpu.memory_space<vmem_shared>> -> memref<10240x128xf32, #tpu.memory_space<vmem_shared>>
        tpu.enqueue_indirect_dma source(%arg9 : memref<100x128xf32, #tpu.memory_space<vmem>>) target(%dma_start3A_115 : memref<10240x128xf32, #tpu.memory_space<vmem_shared>>) offsets(%dma_start3A_112 : memref<100xi32, #tpu.memory_space<vmem>>) semaphore(%run_scoped3A_109 : memref<!tpu.dma_semaphore, #tpu.memory_space<semaphore_mem>>) {add = true}
        %dma_wait3A_116 = arith.constant 0 : i32
        %dma_wait3A_117 = tpu.memref_slice %arg8[%run_scoped3A_108, %dma_wait3A_116] : memref<25x100xi32, #tpu.memory_space<vmem>> -> memref<1x100xi32, #tpu.memory_space<vmem>>
        %dma_wait3A_118 = tpu.memref_squeeze %dma_wait3A_117 : memref<1x100xi32, #tpu.memory_space<vmem>> -> memref<100xi32, #tpu.memory_space<vmem>>
        %dma_wait3A_119 = arith.constant 0 : i32
        %dma_wait3A_120 = arith.constant 0 : i32
        %dma_wait3A_121 = tpu.memref_slice %arg11[%dma_wait3A_119, %dma_wait3A_120] : memref<10240x128xf32, #tpu.memory_space<vmem_shared>> -> memref<10240x128xf32, #tpu.memory_space<vmem_shared>>
        tpu.wait_indirect_dma semaphore(%run_scoped3A_109 : memref<!tpu.dma_semaphore, #tpu.memory_space<semaphore_mem>>) src(%arg9 : memref<100x128xf32, #tpu.memory_space<vmem>>) dst(%dma_wait3A_121 : memref<10240x128xf32, #tpu.memory_space<vmem_shared>>)
        tpu.yield
      }) : () -> ()
      tpu.yield
    }) : () -> ()
    %barrier3A_11 = arith.constant 0 : index
    tpu.barrier barrier_id(%barrier3A_11)
    %scan3A_12 = arith.constant 0 : i32
    %scan3A_13 = arith.constant 0 : i32
    %scan3A_14 = arith.constant 10 : i32
    %scan3A_15 = arith.addi %scan3A_13, %scan3A_14 : i32
    %scan3A_16 = arith.constant 1 : i32
    scf.for %scan3A_18 = %scan3A_13 to %scan3A_15 step %scan3A_16  : i32 {
      %mul3A_19 = arith.constant 640 : i32
      %mul3A_20 = arith.muli %arg1, %mul3A_19 : i32
      %mul3A_21 = arith.constant 64 : i32
      %mul3A_22 = arith.muli %scan3A_18, %mul3A_21 : i32
      %add3A_23 = arith.addi %mul3A_20, %mul3A_22 : i32
      "tpu.region"() ({
        %run_scoped3A = tpu.sem_alloc : memref<!tpu.dma_semaphore, #tpu.memory_space<semaphore_mem>>
        %dma_start3A = arith.constant 0 : i32
        %dma_start3A_27 = arith.constant 0 : i32
        %dma_start3A_28 = tpu.memref_slice %arg9[%dma_start3A, %dma_start3A_27] : memref<100x128xf32, #tpu.memory_space<vmem>> -> memref<64x128xf32, #tpu.memory_space<vmem>>
        %dma_start3A_29 = arith.constant 0 : i32
        %dma_start3A_30 = tpu.memref_slice %arg11[%add3A_23, %dma_start3A_29] : memref<10240x128xf32, #tpu.memory_space<vmem_shared>> -> memref<64x128xf32, #tpu.memory_space<vmem_shared>>
        %dma_start3A_31 = arith.constant 0 : i32
        %dma_start3A_32 = arith.constant 0 : i32
        %dma_start3A_33 = tpu.memref_slice %arg9[%dma_start3A_31, %dma_start3A_32] : memref<100x128xf32, #tpu.memory_space<vmem>> -> memref<64x128xf32, #tpu.memory_space<vmem>>
        %dma_start3A_34 = arith.constant 0 : i32
        %dma_start3A_35 = tpu.memref_slice %arg11[%add3A_23, %dma_start3A_34] : memref<10240x128xf32, #tpu.memory_space<vmem_shared>> -> memref<64x128xf32, #tpu.memory_space<vmem_shared>>
        tpu.enqueue_dma source(%dma_start3A_35 : memref<64x128xf32, #tpu.memory_space<vmem_shared>>) target(%dma_start3A_33 : memref<64x128xf32, #tpu.memory_space<vmem>>) target_semaphore(%run_scoped3A : memref<!tpu.dma_semaphore, #tpu.memory_space<semaphore_mem>>)
        %dma_wait3A = arith.constant 0 : i32
        %dma_wait3A_36 = arith.constant 0 : i32
        %dma_wait3A_37 = tpu.memref_slice %arg9[%dma_wait3A, %dma_wait3A_36] : memref<100x128xf32, #tpu.memory_space<vmem>> -> memref<64x128xf32, #tpu.memory_space<vmem>>
        %dma_wait3A_38 = arith.constant 0 : i32
        %dma_wait3A_39 = tpu.memref_slice %arg11[%add3A_23, %dma_wait3A_38] : memref<10240x128xf32, #tpu.memory_space<vmem_shared>> -> memref<64x128xf32, #tpu.memory_space<vmem_shared>>
        %dma_wait3A_40 = arith.constant 0 : i32
        %dma_wait3A_41 = arith.constant 0 : i32
        %dma_wait3A_42 = tpu.memref_slice %arg9[%dma_wait3A_40, %dma_wait3A_41] : memref<100x128xf32, #tpu.memory_space<vmem>> -> memref<64x128xf32, #tpu.memory_space<vmem>>
        %dma_wait3A_43 = arith.constant 0 : i32
        %dma_wait3A_44 = tpu.memref_slice %arg11[%add3A_23, %dma_wait3A_43] : memref<10240x128xf32, #tpu.memory_space<vmem_shared>> -> memref<64x128xf32, #tpu.memory_space<vmem_shared>>
        tpu.wait_dma2 semaphore(%run_scoped3A : memref<!tpu.dma_semaphore, #tpu.memory_space<semaphore_mem>>) src(%dma_wait3A_44 : memref<64x128xf32, #tpu.memory_space<vmem_shared>>) dst(%dma_wait3A_42 : memref<64x128xf32, #tpu.memory_space<vmem>>)
        tpu.yield
      }) : () -> ()
      %mul3A_24 = arith.constant 64 : i32
      %mul3A_25 = arith.muli %scan3A_18, %mul3A_24 : i32
      %add3A_26 = arith.addi %add3A_5, %mul3A_25 : i32
      "tpu.region"() ({
        %run_scoped3A = tpu.sem_alloc : memref<!tpu.dma_semaphore, #tpu.memory_space<semaphore_mem>>
        %dma_start3A = arith.constant 0 : i32
        %dma_start3A_27 = arith.constant 0 : i32
        %dma_start3A_28 = tpu.memref_slice %arg9[%dma_start3A, %dma_start3A_27] : memref<100x128xf32, #tpu.memory_space<vmem>> -> memref<64x128xf32, #tpu.memory_space<vmem>>
        %dma_start3A_29 = arith.constant 0 : i32
        %dma_start3A_30 = tpu.memref_slice %arg6[%add3A_26, %dma_start3A_29] : memref<20480x128xf32, #tpu.memory_space<hbm>> -> memref<64x128xf32, #tpu.memory_space<hbm>>
        %dma_start3A_31 = arith.constant 0 : i32
        %dma_start3A_32 = tpu.memref_slice %arg6[%add3A_26, %dma_start3A_31] : memref<20480x128xf32, #tpu.memory_space<hbm>> -> memref<64x128xf32, #tpu.memory_space<hbm>>
        %dma_start3A_33 = arith.constant 0 : i32
        %dma_start3A_34 = arith.constant 0 : i32
        %dma_start3A_35 = tpu.memref_slice %arg9[%dma_start3A_33, %dma_start3A_34] : memref<100x128xf32, #tpu.memory_space<vmem>> -> memref<64x128xf32, #tpu.memory_space<vmem>>
        tpu.enqueue_dma source(%dma_start3A_35 : memref<64x128xf32, #tpu.memory_space<vmem>>) target(%dma_start3A_32 : memref<64x128xf32, #tpu.memory_space<hbm>>) target_semaphore(%run_scoped3A : memref<!tpu.dma_semaphore, #tpu.memory_space<semaphore_mem>>)
        %dma_wait3A = arith.constant 0 : i32
        %dma_wait3A_36 = arith.constant 0 : i32
        %dma_wait3A_37 = tpu.memref_slice %arg9[%dma_wait3A, %dma_wait3A_36] : memref<100x128xf32, #tpu.memory_space<vmem>> -> memref<64x128xf32, #tpu.memory_space<vmem>>
        %dma_wait3A_38 = arith.constant 0 : i32
        %dma_wait3A_39 = tpu.memref_slice %arg6[%add3A_26, %dma_wait3A_38] : memref<20480x128xf32, #tpu.memory_space<hbm>> -> memref<64x128xf32, #tpu.memory_space<hbm>>
        %dma_wait3A_40 = arith.constant 0 : i32
        %dma_wait3A_41 = tpu.memref_slice %arg6[%add3A_26, %dma_wait3A_40] : memref<20480x128xf32, #tpu.memory_space<hbm>> -> memref<64x128xf32, #tpu.memory_space<hbm>>
        %dma_wait3A_42 = arith.constant 0 : i32
        %dma_wait3A_43 = arith.constant 0 : i32
        %dma_wait3A_44 = tpu.memref_slice %arg9[%dma_wait3A_42, %dma_wait3A_43] : memref<100x128xf32, #tpu.memory_space<vmem>> -> memref<64x128xf32, #tpu.memory_space<vmem>>
        tpu.wait_dma2 semaphore(%run_scoped3A : memref<!tpu.dma_semaphore, #tpu.memory_space<semaphore_mem>>) src(%dma_wait3A_44 : memref<64x128xf32, #tpu.memory_space<vmem>>) dst(%dma_wait3A_41 : memref<64x128xf32, #tpu.memory_space<hbm>>)
        tpu.yield
      }) : () -> ()
    }
    %scan3A_17 = arith.constant 10 : i32
    return
  }
}

module attributes {stable_mosaic.version = 14 : i64} {
  func.func @body(%arg0: i32, %arg1: memref<2x1024x128xf32, #tpu.memory_space<vmem>>, %arg2: memref<2x1024x128xf32, #tpu.memory_space<vmem>>, %arg3: memref<1024x128xf32, #tpu.memory_space<vmem>>, %arg4: memref<128x128xf32, #tpu.memory_space<vmem>>, %arg5: memref<1x128xf32, #tpu.memory_space<vmem>>, %arg6: memref<128x128xf32, #tpu.memory_space<vmem>>, %arg7: memref<1024x128xf32, #tpu.memory_space<vmem>>) attributes {dimension_semantics = [#tpu.dimension_semantics<arbitrary>], iteration_bounds = array<i64: 10>, scalar_prefetch = 0 : i64, scratch_operands = 0 : i64, tpu.core_type = #tpu.core_type<tc>, window_params = [{transform_indices = @transform_0, window_bounds = array<i64: 2, 1024, 128>}, {transform_indices = @transform_1, window_bounds = array<i64: 2, 1024, 128>}, {transform_indices = @transform_2, window_bounds = array<i64: 1024, 128>}, {pipeline_mode = #tpu.pipeline_mode<synchronous>, transform_indices = @transform_3, window_bounds = array<i64: 128, 128>}, {pipeline_mode = #tpu.pipeline_mode<synchronous>, transform_indices = @transform_4, window_bounds = array<i64: 1, 128>}, {pipeline_mode = #tpu.pipeline_mode<synchronous>, transform_indices = @transform_5, window_bounds = array<i64: 128, 128>}, {transform_indices = @transform_6, window_bounds = array<i64: 1024, 128>}]} {
    %get3A = arith.constant 0 : index
    %get3A_0 = arith.constant 0 : index
    %get3A_1 = arith.constant 0 : index
    %get3A_2 = vector.load %arg1[%get3A, %get3A_0, %get3A_1] : memref<2x1024x128xf32, #tpu.memory_space<vmem>>, vector<1x1024x128xf32>
    %get3A_3 = vector.shape_cast %get3A_2 : vector<1x1024x128xf32> to vector<1024x128xf32>
    %get3A_4 = arith.constant 1 : index
    %get3A_5 = arith.constant 0 : index
    %get3A_6 = arith.constant 0 : index
    %get3A_7 = vector.load %arg1[%get3A_4, %get3A_5, %get3A_6] : memref<2x1024x128xf32, #tpu.memory_space<vmem>>, vector<1x1024x128xf32>
    %get3A_8 = vector.shape_cast %get3A_7 : vector<1x1024x128xf32> to vector<1024x128xf32>
    %add3A = arith.addf %get3A_3, %get3A_8 : vector<1024x128xf32>
    %get3A_9 = arith.constant 0 : index
    %get3A_10 = arith.constant 0 : index
    %get3A_11 = arith.constant 0 : index
    %get3A_12 = vector.load %arg2[%get3A_9, %get3A_10, %get3A_11] : memref<2x1024x128xf32, #tpu.memory_space<vmem>>, vector<1x1024x128xf32>
    %get3A_13 = vector.shape_cast %get3A_12 : vector<1x1024x128xf32> to vector<1024x128xf32>
    %get3A_14 = arith.constant 1 : index
    %get3A_15 = arith.constant 0 : index
    %get3A_16 = arith.constant 0 : index
    %get3A_17 = vector.load %arg2[%get3A_14, %get3A_15, %get3A_16] : memref<2x1024x128xf32, #tpu.memory_space<vmem>>, vector<1x1024x128xf32>
    %get3A_18 = vector.shape_cast %get3A_17 : vector<1x1024x128xf32> to vector<1024x128xf32>
    %add3A_19 = arith.addf %get3A_13, %get3A_18 : vector<1024x128xf32>
    %max3A = arith.constant 1.000000e+00 : f32
    %max3A_20 = vector.broadcast %max3A : f32 to vector<1024x128xf32>
    %max3A_21 = arith.maximumf %add3A_19, %max3A_20 : vector<1024x128xf32>
    %div3A = arith.divf %add3A, %max3A_21 : vector<1024x128xf32>
    %get3A_22 = arith.constant 0 : index
    %get3A_23 = arith.constant 0 : index
    %get3A_24 = vector.load %arg4[%get3A_22, %get3A_23] : memref<128x128xf32, #tpu.memory_space<vmem>>, vector<128x128xf32>
    %dot_general3A = arith.constant dense<0.000000e+00> : vector<1024x128xf32>
    %dot_general3A_25 = tpu.matmul %div3A, %get3A_24, %dot_general3A {dimension_numbers = #tpu.dot_dimension_numbers<[1], [0], [0], [1], [0, 0, 1, 1], [], []>, precision = #tpu.contract_precision<fp32>, transpose_lhs_hint = false} : vector<1024x128xf32>, vector<128x128xf32>, vector<1024x128xf32> -> vector<1024x128xf32>
    %get3A_26 = arith.constant 0 : index
    %get3A_27 = arith.constant 0 : index
    %get3A_28 = vector.load %arg3[%get3A_26, %get3A_27] : memref<1024x128xf32, #tpu.memory_space<vmem>>, vector<1024x128xf32>
    %get3A_29 = arith.constant 0 : index
    %get3A_30 = arith.constant 0 : index
    %get3A_31 = vector.load %arg6[%get3A_29, %get3A_30] : memref<128x128xf32, #tpu.memory_space<vmem>>, vector<128x128xf32>
    %dot_general3A_32 = arith.constant dense<0.000000e+00> : vector<1024x128xf32>
    %dot_general3A_33 = tpu.matmul %get3A_28, %get3A_31, %dot_general3A_32 {dimension_numbers = #tpu.dot_dimension_numbers<[1], [0], [0], [1], [0, 0, 1, 1], [], []>, precision = #tpu.contract_precision<fp32>, transpose_lhs_hint = false} : vector<1024x128xf32>, vector<128x128xf32>, vector<1024x128xf32> -> vector<1024x128xf32>
    %add3A_34 = arith.addf %dot_general3A_25, %dot_general3A_33 : vector<1024x128xf32>
    %get3A_35 = arith.constant 0 : index
    %get3A_36 = arith.constant 0 : index
    %get3A_37 = vector.load %arg5[%get3A_35, %get3A_36] : memref<1x128xf32, #tpu.memory_space<vmem>>, vector<1x128xf32>
    %add3A_38 = vector.broadcast %get3A_37 : vector<1x128xf32> to vector<1024x128xf32>
    %add3A_39 = arith.addf %add3A_34, %add3A_38 : vector<1024x128xf32>
    %max3A_40 = arith.constant 0.000000e+00 : f32
    %max3A_41 = vector.broadcast %max3A_40 : f32 to vector<1024x128xf32>
    %max3A_42 = arith.maximumf %add3A_39, %max3A_41 : vector<1024x128xf32>
    %swap3A = arith.constant 0 : index
    %swap3A_43 = arith.constant 0 : index
    %swap3A_44 = vector.load %arg7[%swap3A, %swap3A_43] : memref<1024x128xf32, #tpu.memory_space<vmem>>, vector<1024x128xf32>
    tpu.vector_store %arg7[%swap3A, %swap3A_43], %max3A_42 {strides = array<i32>} : memref<1024x128xf32, #tpu.memory_space<vmem>>, vector<1024x128xf32>,
    return
  }
  func.func @transform_0(%arg0: i32) -> (i32, i32, i32) {
    %c0_i32 = arith.constant 0 : i32
    %c0_i32_0 = arith.constant 0 : i32
    %c0_i32_1 = arith.constant 0 : i32
    return %c0_i32, %arg0, %c0_i32_0 : i32, i32, i32
  }
  func.func @transform_1(%arg0: i32) -> (i32, i32, i32) {
    %c0_i32 = arith.constant 0 : i32
    %c0_i32_0 = arith.constant 0 : i32
    %c0_i32_1 = arith.constant 0 : i32
    return %c0_i32, %arg0, %c0_i32_0 : i32, i32, i32
  }
  func.func @transform_2(%arg0: i32) -> (i32, i32) {
    %c0_i32 = arith.constant 0 : i32
    %c0_i32_0 = arith.constant 0 : i32
    return %arg0, %c0_i32 : i32, i32
  }
  func.func @transform_3(%arg0: i32) -> (i32, i32) {
    %c0_i32 = arith.constant 0 : i32
    %c0_i32_0 = arith.constant 0 : i32
    %c0_i32_1 = arith.constant 0 : i32
    return %c0_i32, %c0_i32_0 : i32, i32
  }
  func.func @transform_4(%arg0: i32) -> (i32, i32) {
    %c0_i32 = arith.constant 0 : i32
    %c0_i32_0 = arith.constant 0 : i32
    %c0_i32_1 = arith.constant 0 : i32
    return %c0_i32, %c0_i32_0 : i32, i32
  }
  func.func @transform_5(%arg0: i32) -> (i32, i32) {
    %c0_i32 = arith.constant 0 : i32
    %c0_i32_0 = arith.constant 0 : i32
    %c0_i32_1 = arith.constant 0 : i32
    return %c0_i32, %c0_i32_0 : i32, i32
  }
  func.func @transform_6(%arg0: i32) -> (i32, i32) {
    %c0_i32 = arith.constant 0 : i32
    %c0_i32_0 = arith.constant 0 : i32
    return %arg0, %c0_i32 : i32, i32
  }
}

module attributes {stable_mosaic.version = 14 : i64} {
  func.func @body(%arg0: i32, %arg1: memref<2x1024x128xf32, #tpu.memory_space<vmem>>, %arg2: memref<2x1024x128xf32, #tpu.memory_space<vmem>>, %arg3: memref<1024x128xf32, #tpu.memory_space<vmem>>, %arg4: memref<128x128xf32, #tpu.memory_space<vmem>>, %arg5: memref<1x128xf32, #tpu.memory_space<vmem>>, %arg6: memref<128x128xf32, #tpu.memory_space<vmem>>, %arg7: memref<1024x128xf32, #tpu.memory_space<vmem>>) attributes {dimension_semantics = [#tpu.dimension_semantics<arbitrary>], iteration_bounds = array<i64: 10>, scalar_prefetch = 0 : i64, scratch_operands = 0 : i64, tpu.core_type = #tpu.core_type<tc>, window_params = [{transform_indices = @transform_0, window_bounds = array<i64: 2, 1024, 128>}, {transform_indices = @transform_1, window_bounds = array<i64: 2, 1024, 128>}, {transform_indices = @transform_2, window_bounds = array<i64: 1024, 128>}, {pipeline_mode = #tpu.pipeline_mode<synchronous>, transform_indices = @transform_3, window_bounds = array<i64: 128, 128>}, {pipeline_mode = #tpu.pipeline_mode<synchronous>, transform_indices = @transform_4, window_bounds = array<i64: 1, 128>}, {pipeline_mode = #tpu.pipeline_mode<synchronous>, transform_indices = @transform_5, window_bounds = array<i64: 128, 128>}, {transform_indices = @transform_6, window_bounds = array<i64: 1024, 128>}]} {
    %get3A = arith.constant 0 : index
    %get3A_0 = arith.constant 0 : index
    %get3A_1 = arith.constant 0 : index
    %get3A_2 = vector.load %arg1[%get3A, %get3A_0, %get3A_1] : memref<2x1024x128xf32, #tpu.memory_space<vmem>>, vector<1x1024x128xf32>
    %get3A_3 = vector.shape_cast %get3A_2 : vector<1x1024x128xf32> to vector<1024x128xf32>
    %get3A_4 = arith.constant 1 : index
    %get3A_5 = arith.constant 0 : index
    %get3A_6 = arith.constant 0 : index
    %get3A_7 = vector.load %arg1[%get3A_4, %get3A_5, %get3A_6] : memref<2x1024x128xf32, #tpu.memory_space<vmem>>, vector<1x1024x128xf32>
    %get3A_8 = vector.shape_cast %get3A_7 : vector<1x1024x128xf32> to vector<1024x128xf32>
    %add3A = arith.addf %get3A_3, %get3A_8 : vector<1024x128xf32>
    %get3A_9 = arith.constant 0 : index
    %get3A_10 = arith.constant 0 : index
    %get3A_11 = arith.constant 0 : index
    %get3A_12 = vector.load %arg2[%get3A_9, %get3A_10, %get3A_11] : memref<2x1024x128xf32, #tpu.memory_space<vmem>>, vector<1x1024x128xf32>
    %get3A_13 = vector.shape_cast %get3A_12 : vector<1x1024x128xf32> to vector<1024x128xf32>
    %get3A_14 = arith.constant 1 : index
    %get3A_15 = arith.constant 0 : index
    %get3A_16 = arith.constant 0 : index
    %get3A_17 = vector.load %arg2[%get3A_14, %get3A_15, %get3A_16] : memref<2x1024x128xf32, #tpu.memory_space<vmem>>, vector<1x1024x128xf32>
    %get3A_18 = vector.shape_cast %get3A_17 : vector<1x1024x128xf32> to vector<1024x128xf32>
    %add3A_19 = arith.addf %get3A_13, %get3A_18 : vector<1024x128xf32>
    %max3A = arith.constant 1.000000e+00 : f32
    %max3A_20 = vector.broadcast %max3A : f32 to vector<1024x128xf32>
    %max3A_21 = arith.maximumf %add3A_19, %max3A_20 : vector<1024x128xf32>
    %div3A = arith.divf %add3A, %max3A_21 : vector<1024x128xf32>
    %get3A_22 = arith.constant 0 : index
    %get3A_23 = arith.constant 0 : index
    %get3A_24 = vector.load %arg4[%get3A_22, %get3A_23] : memref<128x128xf32, #tpu.memory_space<vmem>>, vector<128x128xf32>
    %dot_general3A = arith.constant dense<0.000000e+00> : vector<1024x128xf32>
    %dot_general3A_25 = tpu.matmul %div3A, %get3A_24, %dot_general3A {dimension_numbers = #tpu.dot_dimension_numbers<[1], [0], [0], [1], [0, 0, 1, 1], [], []>, precision = #tpu.contract_precision<fp32>, transpose_lhs_hint = false} : vector<1024x128xf32>, vector<128x128xf32>, vector<1024x128xf32> -> vector<1024x128xf32>
    %get3A_26 = arith.constant 0 : index
    %get3A_27 = arith.constant 0 : index
    %get3A_28 = vector.load %arg3[%get3A_26, %get3A_27] : memref<1024x128xf32, #tpu.memory_space<vmem>>, vector<1024x128xf32>
    %get3A_29 = arith.constant 0 : index
    %get3A_30 = arith.constant 0 : index
    %get3A_31 = vector.load %arg6[%get3A_29, %get3A_30] : memref<128x128xf32, #tpu.memory_space<vmem>>, vector<128x128xf32>
    %dot_general3A_32 = arith.constant dense<0.000000e+00> : vector<1024x128xf32>
    %dot_general3A_33 = tpu.matmul %get3A_28, %get3A_31, %dot_general3A_32 {dimension_numbers = #tpu.dot_dimension_numbers<[1], [0], [0], [1], [0, 0, 1, 1], [], []>, precision = #tpu.contract_precision<fp32>, transpose_lhs_hint = false} : vector<1024x128xf32>, vector<128x128xf32>, vector<1024x128xf32> -> vector<1024x128xf32>
    %add3A_34 = arith.addf %dot_general3A_25, %dot_general3A_33 : vector<1024x128xf32>
    %get3A_35 = arith.constant 0 : index
    %get3A_36 = arith.constant 0 : index
    %get3A_37 = vector.load %arg5[%get3A_35, %get3A_36] : memref<1x128xf32, #tpu.memory_space<vmem>>, vector<1x128xf32>
    %add3A_38 = vector.broadcast %get3A_37 : vector<1x128xf32> to vector<1024x128xf32>
    %add3A_39 = arith.addf %add3A_34, %add3A_38 : vector<1024x128xf32>
    %swap3A = arith.constant 0 : index
    %swap3A_40 = arith.constant 0 : index
    %swap3A_41 = vector.load %arg7[%swap3A, %swap3A_40] : memref<1024x128xf32, #tpu.memory_space<vmem>>, vector<1024x128xf32>
    tpu.vector_store %arg7[%swap3A, %swap3A_40], %add3A_39 {strides = array<i32>} : memref<1024x128xf32, #tpu.memory_space<vmem>>, vector<1024x128xf32>,
    return
  }
  func.func @transform_0(%arg0: i32) -> (i32, i32, i32) {
    %c0_i32 = arith.constant 0 : i32
    %c0_i32_0 = arith.constant 0 : i32
    %c0_i32_1 = arith.constant 0 : i32
    return %c0_i32, %arg0, %c0_i32_0 : i32, i32, i32
  }
  func.func @transform_1(%arg0: i32) -> (i32, i32, i32) {
    %c0_i32 = arith.constant 0 : i32
    %c0_i32_0 = arith.constant 0 : i32
    %c0_i32_1 = arith.constant 0 : i32
    return %c0_i32, %arg0, %c0_i32_0 : i32, i32, i32
  }
  func.func @transform_2(%arg0: i32) -> (i32, i32) {
    %c0_i32 = arith.constant 0 : i32
    %c0_i32_0 = arith.constant 0 : i32
    return %arg0, %c0_i32 : i32, i32
  }
  func.func @transform_3(%arg0: i32) -> (i32, i32) {
    %c0_i32 = arith.constant 0 : i32
    %c0_i32_0 = arith.constant 0 : i32
    %c0_i32_1 = arith.constant 0 : i32
    return %c0_i32, %c0_i32_0 : i32, i32
  }
  func.func @transform_4(%arg0: i32) -> (i32, i32) {
    %c0_i32 = arith.constant 0 : i32
    %c0_i32_0 = arith.constant 0 : i32
    %c0_i32_1 = arith.constant 0 : i32
    return %c0_i32, %c0_i32_0 : i32, i32
  }
  func.func @transform_5(%arg0: i32) -> (i32, i32) {
    %c0_i32 = arith.constant 0 : i32
    %c0_i32_0 = arith.constant 0 : i32
    %c0_i32_1 = arith.constant 0 : i32
    return %c0_i32, %c0_i32_0 : i32, i32
  }
  func.func @transform_6(%arg0: i32) -> (i32, i32) {
    %c0_i32 = arith.constant 0 : i32
    %c0_i32_0 = arith.constant 0 : i32
    return %arg0, %c0_i32 : i32, i32
  }
}

</mosaic_0001>

<sc_bundles>
// kernel: kernel.10.cloned.1.call-start
scs
__scs_entry_jumppad:
0x0: {  	(pc) =	sbr.rel $0x88, $3  }
0x1: {  	(tag) =	ssettag $0x0;
	lr =	simm.s32 $0x1  }
0x2: {  	[smem:$0x3F99] =	sst lr;
	_ =	strace $0xD0000000  }
0x3: {  	_ = 	snop  }
0x4: {  	_ = 	snop  }
0x5: {  	_ = 	snop  }
0x6: {  	_ = 	snop  }
0x7: {  	_ = 	snop  }
__scs_overlays_trampoline_lowered:
0x8: {  	[smem:$0x3FA8] =	sst s0  }
0x9: {  	[smem:$0x3FA9] =	sst s1  }
0xa: {  	[smem:$0x3FAA] =	sst s2  }
0xb: {  	[smem:$0x3FAB] =	sst s3  }
0xc: {  	[smem:$0x3FAC] =	sst s4  }
0xd: {  	[smem:$0x3FAD] =	sst s5  }
0xe: {  	[smem:$0x3FAE] =	sst s6  }
0xf: {  	[smem:$0x3FAF] =	sst s7  }
0x10: {  	[smem:$0x3FB0] =	sst s8  }
0x11: {  	[smem:$0x3FB1] =	sst s9;
	s0 =	simm.s32 @!p0 $0x0  }
0x12: {  	s1 =	sld [smem:$0x3F97];
	s0 =	simm.s32 @p0 $0x1  }
0x13: {  	[smem:$0x3FB2] =	sst s0;
	s0 =	simm.s32 @!p1 $0x0  }
0x14: {  	s2 =	sld [smem:$0x3F96];
	s0 =	simm.s32 @p1 $0x1  }
0x15: {  	[smem:$0x3FB3] =	sst s0;
	s0 =	simm.s32 @!p2 $0x0  }
0x16: {  	s3 =	sld [smem:$0x3FDB];
	s0 =	simm.s32 @p2 $0x1  }
0x17: {  	s4 =	simm.s32 $0x1BF5;
	[smem:$0x3FB5] =	sst s0  }
0x18: {  	s0 =	sld [smem:$0x3F98];
	_ =	swait.ge [sflag:s4], $0x0  }
0x19: {  	s7 =	sld [smem:$0x3F99]  }
0x1a: {  	s8 =	sadd.s32 $0xFFFFE003, lr  }
0x1b: {  	s9 =	sadd.s32 $0xFFFFFEF7, lr;
	s5 =	simm.s32 $0xFFFFFFFF;
	p2 =	slt.u32 s8, $0xFFFFF086  }
0x1c: {  	p1 =	slt.u32 s9, $0xF7A;
	s5 =	simm.s32 @!p2 $0x0  }
0x1d: {  	s5 =	simm.s32 @p1 $0x1;
	p0 =	seq.s32 s7, s2  }
0x1e: {  	s7 =	smul.u32 @!p0 $0xF7A, s2;
	p2 =	seq.s32 @!p0 s5, $0x0  }
0x1f: {  	s9 =	smul.u32 $0xF7A, s1;
	s8 =	simm.s32 @!p0 $0x1BF5;
	p2 =	por !p2, p0  }
0x20: {  	[sflag:s8] =	ssyncset.s32 @!p0 $0xFFFFF086;
	s6 =	sadd.s32 @!p0 s3, s7;
	s7 =	simm.s32 @!p0 $0x108  }
0x21: {  	s3 =	sadd.s32 s3, s9;
	s6 =	sadd.s32 @!p0 $0x88, s6;
	s7 =	simm.s32 @p2 $0x1082  }
0x22: {  	[simem:s7], [sflag:s8] =	dma.local @!p0 [hbm:s6], $0xF7A  }
0x23: {  	s9 =	sor.u32 $0xD0000000, s2;
	s6 =	simm.s32 $0x108;
	_ =	swait.ge @!p0 [sflag:s8], $0x0  }
0x24: {  	s3 =	sadd.s32 $0x88, s3;
	s6 =	simm.s32 @!p1 $0x1082;
	[sflag:s4] =	ssyncset.s32 $0xFFFFF086  }
0x25: {  	[simem:s6], [sflag:s4] =	dma.local [hbm:s3], $0xF7A  }
0x26: {  	[smem:$0x3F99] =	sst s1;
	(tag) =	ssettag s2;
	_ =	strace s9  }
0x27: {  	s1 =	sld [smem:$0x3FA9]  }
0x28: {  	s2 =	sld [smem:$0x3FAA]  }
0x29: {  	s4 =	sld [smem:$0x3FAC]  }
0x2a: {  	p0 =	seq.s32 s5, $0x0;
	s5 =	sld [smem:$0x3FAD]  }
0x2b: {  	s6 =	sld [smem:$0x3FAE]  }
0x2c: {  	s7 =	sld [smem:$0x3FAF]  }
0x2d: {  	s3 =	simm.s32 $0x108;
	s8 =	sld [smem:$0x3FB0]  }
0x2e: {  	s3 =	simm.s32 @!p0 $0x1082;
	s9 =	sld [smem:$0x3FB1]  }
0x2f: {  	lr =	sadd.s32 s0, s3;
	s0 =	sld [smem:$0x3FA8]  }
0x30: {  	s3 =	sld [smem:$0x3FAB]  }
0x31: {  	[smem:$0x3FB4] =	sst s10  }
0x32: {  	s10 =	sld [smem:$0x3FB2];
	_ =	sdelay $0x3  }
0x33: {  	p0 =	seq.s32 s10, $0x1;
	s10 =	sld [smem:$0x3FB4];
	_ =	sdelay $0x3  }
0x34: {  	[smem:$0x3FB4] =	sst s10  }
0x35: {  	s10 =	sld [smem:$0x3FB3];
	_ =	sdelay $0x3  }
0x36: {  	p1 =	seq.s32 s10, $0x1;
	s10 =	sld [smem:$0x3FB4];
	_ =	sdelay $0x3  }
0x37: {  	[smem:$0x3FB4] =	sst s10  }
0x38: {  	s10 =	sld [smem:$0x3FB5]  }
0x39: {  	_ = 	snop;
	(pc) =	sbr.ind lr, $3  }
0x3a: {  	_ = 	snop  }
0x3b: {  	_ = 	snop  }
0x3c: {  	p2 =	seq.s32 s10, $0x1;
	s10 =	sld [smem:$0x3FB4]  }
0x3d: {  	_ =	shalt  }
0x3e: {  	_ =	shalt  }
0x3f: {  	_ =	shalt  }
0x40: {  	_ =	shalt  }
0x41: {  	_ =	shalt  }
0x42: {  	_ =	shalt  }
0x43: {  	_ =	shalt  }
0x44: {  	_ =	shalt  }
0x45: {  	_ =	shalt  }
0x46: {  	_ =	shalt  }
0x47: {  	_ =	shalt  }
0x48: {  	_ =	shalt  }
0x49: {  	_ =	shalt  }
0x4a: {  	_ =	shalt  }
0x4b: {  	_ =	shalt  }
0x4c: {  	_ =	shalt  }
0x4d: {  	_ =	shalt  }
0x4e: {  	_ =	shalt  }
0x4f: {  	_ =	shalt  }
0x50: {  	_ =	shalt  }
0x51: {  	_ =	shalt  }
0x52: {  	_ =	shalt  }
0x53: {  	_ =	shalt  }
0x54: {  	_ =	shalt  }
0x55: {  	_ =	shalt  }
0x56: {  	_ =	shalt  }
0x57: {  	_ =	shalt  }
0x58: {  	_ =	shalt  }
0x59: {  	_ =	shalt  }
0x5a: {  	_ =	shalt  }
0x5b: {  	_ =	shalt  }
0x5c: {  	_ =	shalt  }
0x5d: {  	_ =	shalt  }
0x5e: {  	_ =	shalt  }
0x5f: {  	_ =	shalt  }
0x60: {  	_ =	shalt  }
0x61: {  	_ =	shalt  }
0x62: {  	_ =	shalt  }
0x63: {  	_ =	shalt  }
0x64: {  	_ =	shalt  }
0x65: {  	_ =	shalt  }
0x66: {  	_ =	shalt  }
0x67: {  	_ =	shalt  }
0x68: {  	_ =	shalt  }
0x69: {  	_ =	shalt  }
0x6a: {  	_ =	shalt  }
0x6b: {  	_ =	shalt  }
0x6c: {  	_ =	shalt  }
0x6d: {  	_ =	shalt  }
0x6e: {  	_ =	shalt  }
0x6f: {  	_ =	shalt  }
0x70: {  	_ =	shalt  }
0x71: {  	_ =	shalt  }
0x72: {  	_ =	shalt  }
0x73: {  	_ =	shalt  }
0x74: {  	_ =	shalt  }
0x75: {  	_ =	shalt  }
0x76: {  	_ =	shalt  }
0x77: {  	_ =	shalt  }
0x78: {  	_ =	shalt  }
0x79: {  	_ =	shalt  }
0x7a: {  	_ =	shalt  }
0x7b: {  	_ =	shalt  }
0x7c: {  	_ =	shalt  }
0x7d: {  	_ =	shalt  }
0x7e: {  	_ =	shalt  }
0x7f: {  	_ =	shalt  }
0x80: {  	_ =	shalt  }
0x81: {  	_ =	shalt  }
0x82: {  	_ =	shalt  }
0x83: {  	_ =	shalt  }
0x84: {  	_ =	shalt  }
0x85: {  	_ =	shalt  }
0x86: {  	_ =	shalt  }
0x87: {  	_ =	shalt  }
.Lfunc_end0:
.L_simem_size_0:
called_computation.1_lowered:
.L_overlay_start_0:
0x88: {  	s2 =	sld [smem:$0x3FD9]  }
0x89: {  	s3 =	sld [smem:$0x3FFE];
	_ =	sdelay $0x1  }
0x8a: {  	s1 =	srdreg.scid  }
0x8b: {  	s0 =	sand.u32 $0x1, s1  }
0x8c: {  	s17 =	sshll.u32 s0, $0xA;
	s2 =	sadd.s32 s3, s2  }
0x8d: {  	s2 =	sadd.s32 s2, s17  }
0x8e: {  	[smem:$0x3FC0] =	sst s2  }
0x8f: {  	_ = 	snop  }
0x90: {  	s18 =	sld [smem:$0x3FD0];
	(tm) =	ssettm $0x1  }
0x91: {  	s19 =	sld [smem:$0x3FFB];
	_ =	sdelay $0x3  }
0x92: {  	_ =	strace s19  }
0x93: {  	s2 =	sld [smem:$0x3FFC];
	_ =	sdelay $0x3  }
0x94: {  	_ =	strace s2  }
0x95: {  	s2 =	sld [smem:$0x3FFD];
	_ =	sdelay $0x3  }
0x96: {  	_ =	strace s2  }
0x97: {  	_ =	strace $0x8FFFFFFF  }
0x98: {  	s20 =	sld [smem:$0x3FDB];
	_ =	sdelay $0x1  }
0x99: {  	s4 =	simm.s32 $_scs_section_size  }
0x9a: {  	s5 =	simm.s32 $_size__tile_overlayer_lowered;
	s6 =	simm.s32 $_tile_overlayer_lowered  }
0x9b: {  	s7 =	simm.s32 $0x1BFF;
	s21 =	sshll.u32 s6, $0x1;
	s4 =	sadd.s32 s4, s20  }
0x9c: {  	s22 =	simm.s32 $0x0;
	s5 =	sshll.u32 s5, $0x1;
	s6 =	sadd.s32 s21, s4  }
0x9d: {  	[timem:s22], [sflag:s7] =	dma.local [hbm:s6], s5  }
0x9e: {  	_ =	swait.ge [sflag:s7], s5  }
0x9f: {  	s5 =	ssub.s32 $0x0, s5;
	[sflag:s7] =	ssyncset.done $0x0  }
0xa0: {  	[sflag:s7] =	ssyncadd.s32 s5;
	_ =	sdelay $0x1  }
0xa1: {  	s23 =	simm.s32 $0x1B8B  }
0xa2: {  	_ =	swait.ge [sflag:s23], $0x1  }
0xa3: {  	[sflag:s23] =	ssyncset.done $0x0  }
0xa4: {  	[sflag:s23] =	ssyncadd.s32 $0xFFFFFFFF  }
0xa5: {  	s5 =	sld [smem:$0x0]  }
0xa6: {  	s6 =	sand.u32 $0xFFFFFFFE, s1  }
0xa7: {  	p0 =	sne.s32 s1, s6  }
0xa8: {  	s6 =	sshll.u32 @p0 s6, $0xE  }
0xa9: {  	s6 =	sadd.s32 @p0 $0x11B8D, s6;
	s7 =	sshll.u32 @p0 s5, $0x11  }
0xaa: {  	s6 =	sor.u32 @p0 s7, s6  }
0xab: {  	[sflag:s6] =	ssyncadd.remote.s32 @p0 $0x1;
	_ =	sdelay $0x1  }
0xac: {  	s6 =	simm.s32 @p0 $0x1B8D  }
0xad: {  	_ =	swait.eq @p0 [sflag:s6], $0x1  }
0xae: {  	[sflag:s6] =	ssyncadd.s32 @p0 $0xFFFFFFFF  }
0xaf: {  	s7 =	sshll.u32 @!p0 s1, $0xE  }
0xb0: {  	s7 =	sor.u32 @!p0 $0x4000, s7;
	s6 =	simm.s32 @!p0 $0x1B8D  }
0xb1: {  	s5 =	sshll.u32 @!p0 s5, $0x11;
	s7 =	sadd.s32 @!p0 $0x11B8D, s7;
	_ =	swait.eq @!p0 [sflag:s6], $0x1  }
0xb2: {  	s5 =	sor.u32 @!p0 s5, s7;
	[sflag:s6] =	ssyncadd.s32 @!p0 $0xFFFFFFFF  }
0xb3: {  	s25 =	simm.s32 $0x1B8E;
	s24 =	sld [smem:$0x3FFE];
	[sflag:s5] =	ssyncadd.remote.s32 @!p0 $0x1  }
0xb4: {  	s26 =	simm.s32 $execute0_lowered;
	[smem:$0x3FD2] =	sst s25  }
0xb5: {  	s6 =	sshll.u32 s26, $0x1;
	_ =	strace $0x80000049;
	[dreg:$0x1] =	wrdreg $0xFFFFFFFF  }
0xb6: {  	s28 =	simm.s32 $_size_execute0_lowered;
	s4 =	sadd.s32 s4, s6;
	[dreg:$0x0] =	wrdreg $0x0  }
0xb7: {  	s6 =	sshll.u32 s28, $0x1;
	[dreg:$0x2] =	wrdreg s4  }
0xb8: {  	[dreg:$0x3] =	wrdreg s6  }
0xb9: {  	[dreg:$0x4] =	wrdreg $0xC0  }
0xba: {  	_ =	task [dreg:s22], $0x5FFFF  }
0xbb: {  	[dreg:$0x1] =	wrdreg $0xFFFFFFFF  }
0xbc: {  	[dreg:$0x0] =	wrdreg $0x60  }
0xbd: {  	[dreg:$0x2] =	wrdreg s24  }
0xbe: {  	[dreg:$0x3] =	wrdreg s18  }
0xbf: {  	[dreg:$0x4] =	wrdreg $0x88000  }
0xc0: {  	[dreg:$0x5] =	wrdreg $0xA  }
0xc1: {  	_ =	task.clear_ibuf [dreg:s22], $0x6FFFF;
	_ =	strace $0x90000049  }
0xc2: {  	s29 =	simm.s32 $0xA;
	_ =	strace $0x8000004B  }
0xc3: {  	_ =	swait.ge [sflag:s29], $0x1  }
0xc4: {  	[sflag:s29] =	ssyncadd.s32 $0xFFFFFFFF  }
0xc5: {  	_ =	strace $0x9000004B  }
0xc6: {  	_ =	sfence  }
0xc7: {  	s30 =	sld [smem:$0x0];
	_ =	sdelay $0x2  }
0xc8: {  	s31 =	sshll.u32 s1, $0xD;
	s1 =	sshrl.u32 s1, $0x2  }
0xc9: {  	s4 =	sand.u32 $0x4000, s31;
	s1 =	sadd.s32 s1, s30  }
0xca: {  	s0 =	sor.u32 s4, s0;
	s1 =	sshll.u32 s1, $0x11  }
0xcb: {  	s0 =	sor.u32 s1, s0  }
0xcc: {  	s0 =	sadd.s32 $0x8F2B, s0  }
0xcd: {  	[sflag:s0] =	ssyncadd.remote.s32 $0x1  }
0xce: {  	_ =	sfence.sel $0xFFFF  }
0xcf: {  	[dreg:$0x0] =	wrdreg $0xFFFFFFFF;
	(pc) =	sbr.abs _section_cstart, $3  }
0xd0: {  	[dreg:$0x1] =	wrdreg $0xFFFFFFFF  }
0xd1: {  	_ =	task.clear_ibuf [dreg:s22], $0x2FFFF;
	_ =	strace $0x9FFFFFFF  }
0xd2: {  	(tm) =	ssettm $0x7FFFFFFF  }
0xd3: {  	_ =	shalt  }
tec
execute0_lowered:
.L_overlay_start_1:
0x0: {  	(tag) =	ssettag $0x1  }
0x1: {  	s0 =	rddreg [dreg:$0x0]  }
0x2: {  	s1 =	rddreg [dreg:$0x1]  }
0x3: {  	s3 =	srdreg.scid;
	s2 =	rddreg [dreg:$0x2]  }
0x4: {  	s9 =	stileid.u32;
	s11 =	simm.s32 $0x1000;
	s5 =	sand.u32 $0x1, s3  }
0x5: {  	s3 =	simm.s32 $0x0;
	s6 =	smul.u32 $0x280, s9;
	s7 =	sadd.s32 $0x2800, s0  }
0x6: {  	s8 =	sadd.s32 $0x12800, s0;
	s12 =	smul.u32 $0x50000, s9;
	s9 =	sshll.u32 s9, $0xB  }
0x7: {  	s4 =	smul.u32 $0x2800, s5;
	[smem:$0x7FF] =	sst s3;
	s13 =	ssub.s32 $0x2, s5  }
0x8: {  	s5 =	sshll.u32 s5, $0xF;
	_ =	strace $0x8000004A;
	[dreg:$0x4] =	wrdreg s8  }
0x9: {  	s10 =	sshrl.u32 s13, $0x1;
	s5 =	sor.u32 s9, s5;
	s6 =	sadd.s32 s6, s4  }
0xa: {  	s4 =	sadd.s32 $0x8B000, s0;
	s8 =	ssub.s32 s13, s10;
	s14 =	sadd.s32 s1, s5  }
0xb: {  	s9 =	sor.u32 $0x200, s5;
	s15 =	sadd.s32 s7, s5;
	[dreg:$0x5] =	wrdreg s14  }
0xc: {  	s17 =	sor.u32 $0x400, s5;
	[dreg:$0x6] =	wrdreg s15;
	s16 =	sadd.s32 s1, s9  }
0xd: {  	s5 =	sor.u32 $0x600, s5;
	s9 =	sadd.s32 s7, s9;
	[dreg:$0x7] =	wrdreg s16  }
0xe: {  	s10 =	simm.s32 $0x3;
	s18 =	sadd.s32 s1, s17;
	[dreg:$0x8] =	wrdreg s9  }
0xf: {  	s13 =	simm.s32 $0x5400;
	s1 =	sadd.s32 s1, s5;
	[dreg:$0x9] =	wrdreg s18  }
0x10: {  	s6 =	sshll.u32 s6, $0x4;
	s19 =	sadd.s32 s7, s5;
	[dreg:$0xb] =	wrdreg s1  }
0x11: {  	s20 =	smax.u32 s8, $0x1;
	s8 =	simm.s32 $0x2000;
	[dreg:$0xc] =	wrdreg s19  }
0x12: {  	s0 =	sadd.s32 s6, s0;
	s9 =	sadd.s32 s7, s17;
	[dreg:$0xd] =	wrdreg s20  }
0x13: {  	s14 =	simm.s32 $0x2;
	[dreg:$0xa] =	wrdreg s9;
	s21 =	sadd.s32 $0xB3000, s0  }
0x14: {  	s15 =	simm.s32 $0x1C00;
	s22 =	sadd.s32 $0xB3400, s0;
	[dreg:$0xe] =	wrdreg s21  }
0x15: {  	s6 =	sshrl.u32 s12, $0x2;
	s23 =	sadd.s32 $0xB3800, s0;
	[dreg:$0xf] =	wrdreg s22  }
0x16: {  	s12 =	simm.s32 $0x64;
	s24 =	sadd.s32 $0xB3C00, s0;
	[dreg:$0x10] =	wrdreg s23  }
0x17: {  	s16 =	simm.s32 $0x0;
	s25 =	sadd.s32 $0xB4000, s0;
	[dreg:$0x11] =	wrdreg s24  }
0x18: {  	s6 =	sadd.s32 s6, s2;
	s26 =	sadd.s32 $0xB4400, s0;
	[dreg:$0x12] =	wrdreg s25  }
0x19: {  	s9 =	simm.s32 $0x1;
	[dreg:$0x13] =	wrdreg s26;
	s22 =	sadd.s32 $0xB4800, s0  }
0x1a: {  	s23 =	sadd.s32 $0xB4C00, s0;
	s24 =	sadd.s32 $0xB5000, s0;
	s25 =	sadd.s32 $0xB5400, s0  }
0x1b: {  	s26 =	sadd.s32 $0x2000, s6;
	s28 =	sadd.s32 $0x4000, s6;
	s29 =	sadd.s32 $0x6000, s6  }
0x1c: {  	s30 =	sadd.s32 $0x8000, s6;
	s31 =	sadd.s32 $0xA000, s6;
	s0 =	sadd.s32 $0xC000, s6  }
0x1d: {  	s1 =	sadd.s32 $0xE000, s6;
	s5 =	sadd.s32 $0x10000, s6;
	s7 =	sadd.s32 $0x12000, s6  }
.LBB2_1:
0x1e: {  	s17 =	rddreg [dreg:$0x4]  }
0x1f: {  	[tilespmem:s8], [sflag:$0x1] =	stream.linear.gather [hbm4b:s17+s3], $0x3200, $0x38;
	[tilespmem:$0x1C800] =	vst v63  }
0x20: {  	_ =	swait.ge [sflag:s9], $0x3200  }
0x21: {  	[sflag:s9] =	ssyncset.done $0x0  }
0x22: {  	[sflag:s9] =	ssyncadd.s32 $0xFFFFCE00  }
0x23: {  	[spmem:s6] =	stream.linear.scatter [tilespmem:s8], [sflag:$0x1], $0x2000, $0x38;
	[tilespmem:$0x1C800] =	vst v63  }
0x24: {  	_ =	swait.ge [sflag:s9], $0x2000  }
0x25: {  	[sflag:s9] =	ssyncset.done $0x0  }
0x26: {  	[sflag:s9] =	ssyncadd.s32 $0xFFFFE000  }
0x27: {  	[spmem:s26] =	stream.linear.scatter [tilespmem:s8], [sflag:$0x1], $0x2000, $0x38;
	[tilespmem:$0x1C800] =	vst v63  }
0x28: {  	_ =	swait.ge [sflag:s9], $0x2000  }
0x29: {  	[sflag:s9] =	ssyncset.done $0x0  }
0x2a: {  	[sflag:s9] =	ssyncadd.s32 $0xFFFFE000  }
0x2b: {  	[spmem:s28] =	stream.linear.scatter [tilespmem:s8], [sflag:$0x1], $0x2000, $0x38;
	[tilespmem:$0x1C800] =	vst v63  }
0x2c: {  	_ =	swait.ge [sflag:s9], $0x2000  }
0x2d: {  	[sflag:s9] =	ssyncset.done $0x0  }
0x2e: {  	[sflag:s9] =	ssyncadd.s32 $0xFFFFE000  }
0x2f: {  	[spmem:s29] =	stream.linear.scatter [tilespmem:s8], [sflag:$0x1], $0x2000, $0x38;
	[tilespmem:$0x1C800] =	vst v63  }
0x30: {  	_ =	swait.ge [sflag:s9], $0x2000  }
0x31: {  	[sflag:s9] =	ssyncset.done $0x0  }
0x32: {  	[sflag:s9] =	ssyncadd.s32 $0xFFFFE000  }
0x33: {  	[spmem:s30] =	stream.linear.scatter [tilespmem:s8], [sflag:$0x1], $0x2000, $0x38;
	[tilespmem:$0x1C800] =	vst v63  }
0x34: {  	_ =	swait.ge [sflag:s9], $0x2000  }
0x35: {  	[sflag:s9] =	ssyncset.done $0x0  }
0x36: {  	[sflag:s9] =	ssyncadd.s32 $0xFFFFE000  }
0x37: {  	[spmem:s31] =	stream.linear.scatter [tilespmem:s8], [sflag:$0x1], $0x2000, $0x38;
	[tilespmem:$0x1C800] =	vst v63  }
0x38: {  	_ =	swait.ge [sflag:s9], $0x2000  }
0x39: {  	[sflag:s9] =	ssyncset.done $0x0  }
0x3a: {  	[sflag:s9] =	ssyncadd.s32 $0xFFFFE000  }
0x3b: {  	[spmem:s0] =	stream.linear.scatter [tilespmem:s8], [sflag:$0x1], $0x2000, $0x38;
	[tilespmem:$0x1C800] =	vst v63  }
0x3c: {  	_ =	swait.ge [sflag:s9], $0x2000  }
0x3d: {  	[sflag:s9] =	ssyncset.done $0x0  }
0x3e: {  	[sflag:s9] =	ssyncadd.s32 $0xFFFFE000  }
0x3f: {  	[spmem:s1] =	stream.linear.scatter [tilespmem:s8], [sflag:$0x1], $0x2000, $0x38;
	[tilespmem:$0x1C800] =	vst v63  }
0x40: {  	_ =	swait.ge [sflag:s9], $0x2000  }
0x41: {  	[sflag:s9] =	ssyncset.done $0x0  }
0x42: {  	[sflag:s9] =	ssyncadd.s32 $0xFFFFE000  }
0x43: {  	[spmem:s5] =	stream.linear.scatter [tilespmem:s8], [sflag:$0x1], $0x2000, $0x38;
	[tilespmem:$0x1C800] =	vst v63  }
0x44: {  	_ =	swait.ge [sflag:s9], $0x2000  }
0x45: {  	[sflag:s9] =	ssyncset.done $0x0  }
0x46: {  	[sflag:s9] =	ssyncadd.s32 $0xFFFFE000  }
0x47: {  	[spmem:s7] =	stream.linear.scatter [tilespmem:s8], [sflag:$0x1], $0x2000, $0x38;
	[tilespmem:$0x1C800] =	vst v63  }
0x48: {  	_ =	swait.ge [sflag:s9], $0x2000  }
0x49: {  	[sflag:s9] =	ssyncset.done $0x0  }
0x4a: {  	[sflag:s9] =	ssyncadd.s32 $0xFFFFE000  }
0x4b: {  	[bflag:$0x0] =	sbarrier.arrive $0xFFFF  }
0x4c: {  	s20 =	rddreg [dreg:$0x5]  }
0x4d: {  	[tilespmem:s3], [sflag:$0x3] =	stream.linear.gather [hbm4b:s20+s3], $0xC80, $0x38;
	[tilespmem:$0x1C800] =	vst v63  }
0x4e: {  	_ =	swait.ge [sflag:s10], $0xC80  }
0x4f: {  	[sflag:s10] =	ssyncset.done $0x0  }
0x50: {  	s21 =	rddreg [dreg:$0x6];
	[sflag:s10] =	ssyncadd.s32 $0xFFFFF380  }
0x51: {  	[tilespmem:s11], [sflag:$0x3] =	stream.linear.gather [hbm4b:s21+s3], $0xC80, $0x38;
	[tilespmem:$0x1C800] =	vst v63  }
0x52: {  	_ =	swait.ge [sflag:s10], $0xC80  }
0x53: {  	[sflag:s10] =	ssyncset.done $0x0  }
0x54: {  	[sflag:s10] =	ssyncadd.s32 $0xFFFFF380  }
0x55: {  	[tilespmem:s8], [sflag:$0x1] =	stream.indirect.gather [hbm4b:s4+s12], $0x80, s3, s12, $0xb8;
	[tilespmem:$0x1C800] =	vst v63  }
0x56: {  	s18 =	simm.s32 $0x80  }
0x57: {  	[tilespmem:s13], [sflag:$0x2] =	stream.indirect.gather [hbm4b:s4+s12], $0x80, s18, s12, $0xb8;
	[tilespmem:$0x1C800] =	vst v63  }
0x58: {  	_ =	swait.ge [sflag:s9], $0x3200  }
0x59: {  	[sflag:s9] =	ssyncset.done $0x0  }
0x5a: {  	s19 =	simm.s32 $0x1000;
	[sflag:s9] =	ssyncadd.s32 $0xFFFFCE00  }
0x5b: {  	[spmem:s2] =	stream.indirect.scatter.add.f32 [tilespmem:s8], [sflag:$0x3], $0x80, s19, s12, $0xb8;
	[tilespmem:$0x1C800] =	vst v63  }
0x5c: {  	_ =	swait.ge [sflag:s10], $0x3200  }
0x5d: {  	[sflag:s10] =	ssyncset.done $0x0  }
0x5e: {  	s20 =	simm.s32 $0x100;
	[sflag:s10] =	ssyncadd.s32 $0xFFFFCE00  }
0x5f: {  	[tilespmem:s8], [sflag:$0x1] =	stream.indirect.gather [hbm4b:s4+s12], $0x80, s20, s12, $0xb8;
	[tilespmem:$0x1C800] =	vst v63  }
0x60: {  	_ =	swait.ge [sflag:s14], $0x3200  }
0x61: {  	[sflag:s14] =	ssyncset.done $0x0  }
0x62: {  	s21 =	simm.s32 $0x1080;
	[sflag:s14] =	ssyncadd.s32 $0xFFFFCE00  }
0x63: {  	[spmem:s2] =	stream.indirect.scatter.add.f32 [tilespmem:s13], [sflag:$0x3], $0x80, s21, s12, $0xb8;
	[tilespmem:$0x1C800] =	vst v63  }
0x64: {  	_ =	swait.ge [sflag:s10], $0x3200  }
0x65: {  	s17 =	simm.s32 $0x100;
	s18 =	simm.s32 $0x800;
	[sflag:s10] =	ssyncset.done $0x0  }
.LBB2_2:
0x66: {  	s19 =	sadd.s32 $0x80, s17  }
0x67: {  	[sflag:s10] =	ssyncadd.s32 $0xFFFFCE00;
	s20 =	smov.u32 s18;
	s21 =	sadd.s32 $0x400, s18  }
0x68: {  	[tilespmem:s13], [sflag:$0x2] =	stream.indirect.gather [hbm4b:s4+s12], $0x80, s19, s12, $0xb8;
	[tilespmem:$0x1C800] =	vst v63  }
0x69: {  	p0 =	sne.s32 s18, $0x2C00;
	_ =	swait.ge [sflag:s9], $0x3200  }
0x6a: {  	[sflag:s9] =	ssyncset.done $0x0  }
0x6b: {  	s18 =	sadd.s32 $0x1000, s17;
	[sflag:s9] =	ssyncadd.s32 $0xFFFFCE00  }
0x6c: {  	[spmem:s2] =	stream.indirect.scatter.add.f32 [tilespmem:s8], [sflag:$0x3], $0x80, s18, s12, $0xb8;
	[tilespmem:$0x1C800] =	vst v63  }
0x6d: {  	_ =	swait.ge [sflag:s10], $0x3200  }
0x6e: {  	[sflag:s10] =	ssyncset.done $0x0  }
0x6f: {  	s18 =	sadd.s32 $0x100, s17;
	[sflag:s10] =	ssyncadd.s32 $0xFFFFCE00  }
0x70: {  	[tilespmem:s8], [sflag:$0x1] =	stream.indirect.gather [hbm4b:s4+s12], $0x80, s18, s12, $0xb8;
	[tilespmem:$0x1C800] =	vst v63  }
0x71: {  	_ =	swait.ge [sflag:s14], $0x3200  }
.Ltmp0:
0x72: {  	[sflag:s14] =	ssyncset.done $0x0;
	(pc) =	sbr.rel @p0 .LBB2_2-.Ltmp0, $4  }
0x73: {  	s17 =	sadd.s32 $0x1080, s17;
	[sflag:s14] =	ssyncadd.s32 $0xFFFFCE00  }
0x74: {  	[spmem:s2] =	stream.indirect.scatter.add.f32 [tilespmem:s13], [sflag:$0x3], $0x80, s17, s12, $0xb8;
	[tilespmem:$0x1C800] =	vst v63  }
0x75: {  	_ =	swait.ge [sflag:s10], $0x3200  }
0x76: {  	s18 =	smov.u32 s21;
	s17 =	sshra.s32 s20, $0x2;
	[sflag:s10] =	ssyncset.done $0x0  }
0x77: {  	s18 =	sadd.s32 $0x80, s17;
	[sflag:s10] =	ssyncadd.s32 $0xFFFFCE00  }
0x78: {  	[tilespmem:s13], [sflag:$0x2] =	stream.indirect.gather [hbm4b:s4+s12], $0x80, s18, s12, $0xb8;
	[tilespmem:$0x1C800] =	vst v63  }
0x79: {  	_ =	swait.ge [sflag:s9], $0x3200  }
0x7a: {  	[sflag:s9] =	ssyncset.done $0x0  }
0x7b: {  	s20 =	sadd.s32 $0x1000, s17;
	[sflag:s9] =	ssyncadd.s32 $0xFFFFCE00  }
0x7c: {  	[spmem:s2] =	stream.indirect.scatter.add.f32 [tilespmem:s8], [sflag:$0x3], $0x80, s20, s12, $0xb8;
	[tilespmem:$0x1C800] =	vst v63  }
0x7d: {  	_ =	swait.ge [sflag:s10], $0x3200  }
0x7e: {  	[sflag:s10] =	ssyncset.done $0x0  }
0x7f: {  	s21 =	sadd.s32 $0x100, s17;
	[sflag:s10] =	ssyncadd.s32 $0xFFFFCE00  }
0x80: {  	[tilespmem:s8], [sflag:$0x1] =	stream.indirect.gather [hbm4b:s4+s12], $0x80, s21, s12, $0xb8;
	[tilespmem:$0x1C800] =	vst v63  }
0x81: {  	_ =	swait.ge [sflag:s14], $0x3200  }
0x82: {  	[sflag:s14] =	ssyncset.done $0x0  }
0x83: {  	s18 =	sadd.s32 $0x1080, s17;
	[sflag:s14] =	ssyncadd.s32 $0xFFFFCE00  }
0x84: {  	[spmem:s2] =	stream.indirect.scatter.add.f32 [tilespmem:s13], [sflag:$0x3], $0x80, s18, s12, $0xb8;
	[tilespmem:$0x1C800] =	vst v63  }
0x85: {  	_ =	swait.ge [sflag:s10], $0x3200  }
0x86: {  	[sflag:s10] =	ssyncset.done $0x0  }
0x87: {  	[sflag:s10] =	ssyncadd.s32 $0xFFFFCE00  }
0x88: {  	_ =	swait.ge [sflag:s9], $0x3200  }
0x89: {  	[sflag:s9] =	ssyncset.done $0x0  }
0x8a: {  	[sflag:s9] =	ssyncadd.s32 $0xFFFFCE00  }
0x8b: {  	[spmem:s2] =	stream.indirect.scatter.add.f32 [tilespmem:s8], [sflag:$0x3], $0x80, s15, s12, $0xb8;
	[tilespmem:$0x1C800] =	vst v63  }
0x8c: {  	_ =	swait.ge [sflag:s10], $0x3200  }
0x8d: {  	[sflag:s10] =	ssyncset.done $0x0  }
0x8e: {  	s19 =	simm.s32 $0x0;
	s20 =	rddreg [dreg:$0x7];
	[sflag:s10] =	ssyncadd.s32 $0xFFFFCE00  }
0x8f: {  	[tilespmem:s19], [sflag:$0x3] =	stream.linear.gather [hbm4b:s20+s19], $0xC80, $0x38;
	[tilespmem:$0x1C800] =	vst v63  }
0x90: {  	_ =	swait.ge [sflag:s10], $0xC80  }
0x91: {  	[sflag:s10] =	ssyncset.done $0x0  }
0x92: {  	s21 =	rddreg [dreg:$0x8];
	[sflag:s10] =	ssyncadd.s32 $0xFFFFF380  }
0x93: {  	[tilespmem:s11], [sflag:$0x3] =	stream.linear.gather [hbm4b:s21+s19], $0xC80, $0x38;
	[tilespmem:$0x1C800] =	vst v63  }
0x94: {  	_ =	swait.ge [sflag:s10], $0xC80  }
0x95: {  	[sflag:s10] =	ssyncset.done $0x0  }
0x96: {  	[sflag:s10] =	ssyncadd.s32 $0xFFFFF380  }
0x97: {  	[tilespmem:s8], [sflag:$0x1] =	stream.indirect.gather [hbm4b:s4+s12], $0x80, s19, s12, $0xb8;
	[tilespmem:$0x1C800] =	vst v63  }
0x98: {  	s18 =	simm.s32 $0x80  }
0x99: {  	[tilespmem:s13], [sflag:$0x2] =	stream.indirect.gather [hbm4b:s4+s12], $0x80, s18, s12, $0xb8;
	[tilespmem:$0x1C800] =	vst v63  }
0x9a: {  	_ =	swait.ge [sflag:s9], $0x3200  }
0x9b: {  	[sflag:s9] =	ssyncset.done $0x0  }
0x9c: {  	s19 =	simm.s32 $0x1000;
	[sflag:s9] =	ssyncadd.s32 $0xFFFFCE00  }
0x9d: {  	[spmem:s2] =	stream.indirect.scatter.add.f32 [tilespmem:s8], [sflag:$0x3], $0x80, s19, s12, $0xb8;
	[tilespmem:$0x1C800] =	vst v63  }
0x9e: {  	_ =	swait.ge [sflag:s10], $0x3200  }
0x9f: {  	[sflag:s10] =	ssyncset.done $0x0  }
0xa0: {  	s20 =	simm.s32 $0x100;
	[sflag:s10] =	ssyncadd.s32 $0xFFFFCE00  }
0xa1: {  	[tilespmem:s8], [sflag:$0x1] =	stream.indirect.gather [hbm4b:s4+s12], $0x80, s20, s12, $0xb8;
	[tilespmem:$0x1C800] =	vst v63  }
0xa2: {  	_ =	swait.ge [sflag:s14], $0x3200  }
0xa3: {  	[sflag:s14] =	ssyncset.done $0x0  }
0xa4: {  	s21 =	simm.s32 $0x1080;
	[sflag:s14] =	ssyncadd.s32 $0xFFFFCE00  }
0xa5: {  	[spmem:s2] =	stream.indirect.scatter.add.f32 [tilespmem:s13], [sflag:$0x3], $0x80, s21, s12, $0xb8;
	[tilespmem:$0x1C800] =	vst v63  }
0xa6: {  	_ =	swait.ge [sflag:s10], $0x3200  }
0xa7: {  	s17 =	simm.s32 $0x100;
	s18 =	simm.s32 $0x800;
	[sflag:s10] =	ssyncset.done $0x0  }
.LBB2_4:
0xa8: {  	s19 =	sadd.s32 $0x80, s17  }
0xa9: {  	[sflag:s10] =	ssyncadd.s32 $0xFFFFCE00;
	s20 =	smov.u32 s18;
	s21 =	sadd.s32 $0x400, s18  }
0xaa: {  	[tilespmem:s13], [sflag:$0x2] =	stream.indirect.gather [hbm4b:s4+s12], $0x80, s19, s12, $0xb8;
	[tilespmem:$0x1C800] =	vst v63  }
0xab: {  	p0 =	sne.s32 s18, $0x2C00;
	_ =	swait.ge [sflag:s9], $0x3200  }
0xac: {  	[sflag:s9] =	ssyncset.done $0x0  }
0xad: {  	s18 =	sadd.s32 $0x1000, s17;
	[sflag:s9] =	ssyncadd.s32 $0xFFFFCE00  }
0xae: {  	[spmem:s2] =	stream.indirect.scatter.add.f32 [tilespmem:s8], [sflag:$0x3], $0x80, s18, s12, $0xb8;
	[tilespmem:$0x1C800] =	vst v63  }
0xaf: {  	_ =	swait.ge [sflag:s10], $0x3200  }
0xb0: {  	[sflag:s10] =	ssyncset.done $0x0  }
0xb1: {  	s18 =	sadd.s32 $0x100, s17;
	[sflag:s10] =	ssyncadd.s32 $0xFFFFCE00  }
0xb2: {  	[tilespmem:s8], [sflag:$0x1] =	stream.indirect.gather [hbm4b:s4+s12], $0x80, s18, s12, $0xb8;
	[tilespmem:$0x1C800] =	vst v63  }
0xb3: {  	_ =	swait.ge [sflag:s14], $0x3200  }
.Ltmp1:
0xb4: {  	[sflag:s14] =	ssyncset.done $0x0;
	(pc) =	sbr.rel @p0 .LBB2_4-.Ltmp1, $4  }
0xb5: {  	s17 =	sadd.s32 $0x1080, s17;
	[sflag:s14] =	ssyncadd.s32 $0xFFFFCE00  }
0xb6: {  	[spmem:s2] =	stream.indirect.scatter.add.f32 [tilespmem:s13], [sflag:$0x3], $0x80, s17, s12, $0xb8;
	[tilespmem:$0x1C800] =	vst v63  }
0xb7: {  	_ =	swait.ge [sflag:s10], $0x3200  }
0xb8: {  	s18 =	smov.u32 s21;
	s17 =	sshra.s32 s20, $0x2;
	[sflag:s10] =	ssyncset.done $0x0  }
0xb9: {  	s18 =	sadd.s32 $0x80, s17;
	[sflag:s10] =	ssyncadd.s32 $0xFFFFCE00  }
0xba: {  	[tilespmem:s13], [sflag:$0x2] =	stream.indirect.gather [hbm4b:s4+s12], $0x80, s18, s12, $0xb8;
	[tilespmem:$0x1C800] =	vst v63  }
0xbb: {  	_ =	swait.ge [sflag:s9], $0x3200  }
0xbc: {  	[sflag:s9] =	ssyncset.done $0x0  }
0xbd: {  	s20 =	sadd.s32 $0x1000, s17;
	[sflag:s9] =	ssyncadd.s32 $0xFFFFCE00  }
0xbe: {  	[spmem:s2] =	stream.indirect.scatter.add.f32 [tilespmem:s8], [sflag:$0x3], $0x80, s20, s12, $0xb8;
	[tilespmem:$0x1C800] =	vst v63  }
0xbf: {  	_ =	swait.ge [sflag:s10], $0x3200  }
0xc0: {  	[sflag:s10] =	ssyncset.done $0x0  }
0xc1: {  	s21 =	sadd.s32 $0x100, s17;
	[sflag:s10] =	ssyncadd.s32 $0xFFFFCE00  }
0xc2: {  	[tilespmem:s8], [sflag:$0x1] =	stream.indirect.gather [hbm4b:s4+s12], $0x80, s21, s12, $0xb8;
	[tilespmem:$0x1C800] =	vst v63  }
0xc3: {  	_ =	swait.ge [sflag:s14], $0x3200  }
0xc4: {  	[sflag:s14] =	ssyncset.done $0x0  }
0xc5: {  	s18 =	sadd.s32 $0x1080, s17;
	[sflag:s14] =	ssyncadd.s32 $0xFFFFCE00  }
0xc6: {  	[spmem:s2] =	stream.indirect.scatter.add.f32 [tilespmem:s13], [sflag:$0x3], $0x80, s18, s12, $0xb8;
	[tilespmem:$0x1C800] =	vst v63  }
0xc7: {  	_ =	swait.ge [sflag:s10], $0x3200  }
0xc8: {  	[sflag:s10] =	ssyncset.done $0x0  }
0xc9: {  	[sflag:s10] =	ssyncadd.s32 $0xFFFFCE00  }
0xca: {  	_ =	swait.ge [sflag:s9], $0x3200  }
0xcb: {  	[sflag:s9] =	ssyncset.done $0x0  }
0xcc: {  	[sflag:s9] =	ssyncadd.s32 $0xFFFFCE00  }
0xcd: {  	[spmem:s2] =	stream.indirect.scatter.add.f32 [tilespmem:s8], [sflag:$0x3], $0x80, s15, s12, $0xb8;
	[tilespmem:$0x1C800] =	vst v63  }
0xce: {  	_ =	swait.ge [sflag:s10], $0x3200  }
0xcf: {  	[sflag:s10] =	ssyncset.done $0x0  }
0xd0: {  	s19 =	simm.s32 $0x0;
	s20 =	rddreg [dreg:$0x9];
	[sflag:s10] =	ssyncadd.s32 $0xFFFFCE00  }
0xd1: {  	[tilespmem:s19], [sflag:$0x3] =	stream.linear.gather [hbm4b:s20+s19], $0xC80, $0x38;
	[tilespmem:$0x1C800] =	vst v63  }
0xd2: {  	_ =	swait.ge [sflag:s10], $0xC80  }
0xd3: {  	[sflag:s10] =	ssyncset.done $0x0  }
0xd4: {  	s21 =	rddreg [dreg:$0xa];
	[sflag:s10] =	ssyncadd.s32 $0xFFFFF380  }
0xd5: {  	[tilespmem:s11], [sflag:$0x3] =	stream.linear.gather [hbm4b:s21+s19], $0xC80, $0x38;
	[tilespmem:$0x1C800] =	vst v63  }
0xd6: {  	_ =	swait.ge [sflag:s10], $0xC80  }
0xd7: {  	[sflag:s10] =	ssyncset.done $0x0  }
0xd8: {  	[sflag:s10] =	ssyncadd.s32 $0xFFFFF380  }
0xd9: {  	[tilespmem:s8], [sflag:$0x1] =	stream.indirect.gather [hbm4b:s4+s12], $0x80, s19, s12, $0xb8;
	[tilespmem:$0x1C800] =	vst v63  }
0xda: {  	s18 =	simm.s32 $0x80  }
0xdb: {  	[tilespmem:s13], [sflag:$0x2] =	stream.indirect.gather [hbm4b:s4+s12], $0x80, s18, s12, $0xb8;
	[tilespmem:$0x1C800] =	vst v63  }
0xdc: {  	_ =	swait.ge [sflag:s9], $0x3200  }
0xdd: {  	[sflag:s9] =	ssyncset.done $0x0  }
0xde: {  	s19 =	simm.s32 $0x1000;
	[sflag:s9] =	ssyncadd.s32 $0xFFFFCE00  }
0xdf: {  	[spmem:s2] =	stream.indirect.scatter.add.f32 [tilespmem:s8], [sflag:$0x3], $0x80, s19, s12, $0xb8;
	[tilespmem:$0x1C800] =	vst v63  }
0xe0: {  	_ =	swait.ge [sflag:s10], $0x3200  }
0xe1: {  	[sflag:s10] =	ssyncset.done $0x0  }
0xe2: {  	s20 =	simm.s32 $0x100;
	[sflag:s10] =	ssyncadd.s32 $0xFFFFCE00  }
0xe3: {  	[tilespmem:s8], [sflag:$0x1] =	stream.indirect.gather [hbm4b:s4+s12], $0x80, s20, s12, $0xb8;
	[tilespmem:$0x1C800] =	vst v63  }
0xe4: {  	_ =	swait.ge [sflag:s14], $0x3200  }
0xe5: {  	[sflag:s14] =	ssyncset.done $0x0  }
0xe6: {  	s21 =	simm.s32 $0x1080;
	[sflag:s14] =	ssyncadd.s32 $0xFFFFCE00  }
0xe7: {  	[spmem:s2] =	stream.indirect.scatter.add.f32 [tilespmem:s13], [sflag:$0x3], $0x80, s21, s12, $0xb8;
	[tilespmem:$0x1C800] =	vst v63  }
0xe8: {  	_ =	swait.ge [sflag:s10], $0x3200  }
0xe9: {  	s17 =	simm.s32 $0x100;
	s18 =	simm.s32 $0x800;
	[sflag:s10] =	ssyncset.done $0x0  }
.LBB2_6:
0xea: {  	s19 =	sadd.s32 $0x80, s17  }
0xeb: {  	[sflag:s10] =	ssyncadd.s32 $0xFFFFCE00;
	s20 =	smov.u32 s18;
	s21 =	sadd.s32 $0x400, s18  }
0xec: {  	[tilespmem:s13], [sflag:$0x2] =	stream.indirect.gather [hbm4b:s4+s12], $0x80, s19, s12, $0xb8;
	[tilespmem:$0x1C800] =	vst v63  }
0xed: {  	p0 =	sne.s32 s18, $0x2C00;
	_ =	swait.ge [sflag:s9], $0x3200  }
0xee: {  	[sflag:s9] =	ssyncset.done $0x0  }
0xef: {  	s18 =	sadd.s32 $0x1000, s17;
	[sflag:s9] =	ssyncadd.s32 $0xFFFFCE00  }
0xf0: {  	[spmem:s2] =	stream.indirect.scatter.add.f32 [tilespmem:s8], [sflag:$0x3], $0x80, s18, s12, $0xb8;
	[tilespmem:$0x1C800] =	vst v63  }
0xf1: {  	_ =	swait.ge [sflag:s10], $0x3200  }
0xf2: {  	[sflag:s10] =	ssyncset.done $0x0  }
0xf3: {  	s18 =	sadd.s32 $0x100, s17;
	[sflag:s10] =	ssyncadd.s32 $0xFFFFCE00  }
0xf4: {  	[tilespmem:s8], [sflag:$0x1] =	stream.indirect.gather [hbm4b:s4+s12], $0x80, s18, s12, $0xb8;
	[tilespmem:$0x1C800] =	vst v63  }
0xf5: {  	_ =	swait.ge [sflag:s14], $0x3200  }
.Ltmp2:
0xf6: {  	[sflag:s14] =	ssyncset.done $0x0;
	(pc) =	sbr.rel @p0 .LBB2_6-.Ltmp2, $4  }
0xf7: {  	s17 =	sadd.s32 $0x1080, s17;
	[sflag:s14] =	ssyncadd.s32 $0xFFFFCE00  }
0xf8: {  	[spmem:s2] =	stream.indirect.scatter.add.f32 [tilespmem:s13], [sflag:$0x3], $0x80, s17, s12, $0xb8;
	[tilespmem:$0x1C800] =	vst v63  }
0xf9: {  	_ =	swait.ge [sflag:s10], $0x3200  }
0xfa: {  	s18 =	smov.u32 s21;
	s17 =	sshra.s32 s20, $0x2;
	[sflag:s10] =	ssyncset.done $0x0  }
0xfb: {  	s18 =	sadd.s32 $0x80, s17;
	[sflag:s10] =	ssyncadd.s32 $0xFFFFCE00  }
0xfc: {  	[tilespmem:s13], [sflag:$0x2] =	stream.indirect.gather [hbm4b:s4+s12], $0x80, s18, s12, $0xb8;
	[tilespmem:$0x1C800] =	vst v63  }
0xfd: {  	_ =	swait.ge [sflag:s9], $0x3200  }
0xfe: {  	[sflag:s9] =	ssyncset.done $0x0  }
0xff: {  	s20 =	sadd.s32 $0x1000, s17;
	[sflag:s9] =	ssyncadd.s32 $0xFFFFCE00  }
0x100: {  	[spmem:s2] =	stream.indirect.scatter.add.f32 [tilespmem:s8], [sflag:$0x3], $0x80, s20, s12, $0xb8;
	[tilespmem:$0x1C800] =	vst v63  }
0x101: {  	_ =	swait.ge [sflag:s10], $0x3200  }
0x102: {  	[sflag:s10] =	ssyncset.done $0x0  }
0x103: {  	s21 =	sadd.s32 $0x100, s17;
	[sflag:s10] =	ssyncadd.s32 $0xFFFFCE00  }
0x104: {  	[tilespmem:s8], [sflag:$0x1] =	stream.indirect.gather [hbm4b:s4+s12], $0x80, s21, s12, $0xb8;
	[tilespmem:$0x1C800] =	vst v63  }
0x105: {  	_ =	swait.ge [sflag:s14], $0x3200  }
0x106: {  	[sflag:s14] =	ssyncset.done $0x0  }
0x107: {  	s18 =	sadd.s32 $0x1080, s17;
	[sflag:s14] =	ssyncadd.s32 $0xFFFFCE00  }
0x108: {  	[spmem:s2] =	stream.indirect.scatter.add.f32 [tilespmem:s13], [sflag:$0x3], $0x80, s18, s12, $0xb8;
	[tilespmem:$0x1C800] =	vst v63  }
0x109: {  	_ =	swait.ge [sflag:s10], $0x3200  }
0x10a: {  	[sflag:s10] =	ssyncset.done $0x0  }
0x10b: {  	[sflag:s10] =	ssyncadd.s32 $0xFFFFCE00  }
0x10c: {  	_ =	swait.ge [sflag:s9], $0x3200  }
0x10d: {  	[sflag:s9] =	ssyncset.done $0x0  }
0x10e: {  	[sflag:s9] =	ssyncadd.s32 $0xFFFFCE00  }
0x10f: {  	[spmem:s2] =	stream.indirect.scatter.add.f32 [tilespmem:s8], [sflag:$0x3], $0x80, s15, s12, $0xb8;
	[tilespmem:$0x1C800] =	vst v63  }
0x110: {  	_ =	swait.ge [sflag:s10], $0x3200  }
0x111: {  	[sflag:s10] =	ssyncset.done $0x0  }
0x112: {  	s19 =	simm.s32 $0x0;
	s20 =	rddreg [dreg:$0xb];
	[sflag:s10] =	ssyncadd.s32 $0xFFFFCE00  }
0x113: {  	[tilespmem:s19], [sflag:$0x3] =	stream.linear.gather [hbm4b:s20+s19], $0xC80, $0x38;
	[tilespmem:$0x1C800] =	vst v63  }
0x114: {  	_ =	swait.ge [sflag:s10], $0xC80  }
0x115: {  	[sflag:s10] =	ssyncset.done $0x0  }
0x116: {  	s21 =	rddreg [dreg:$0xc];
	[sflag:s10] =	ssyncadd.s32 $0xFFFFF380  }
0x117: {  	[tilespmem:s11], [sflag:$0x3] =	stream.linear.gather [hbm4b:s21+s19], $0xC80, $0x38;
	[tilespmem:$0x1C800] =	vst v63  }
0x118: {  	_ =	swait.ge [sflag:s10], $0xC80  }
0x119: {  	[sflag:s10] =	ssyncset.done $0x0  }
0x11a: {  	[sflag:s10] =	ssyncadd.s32 $0xFFFFF380  }
0x11b: {  	[tilespmem:s8], [sflag:$0x1] =	stream.indirect.gather [hbm4b:s4+s12], $0x80, s19, s12, $0xb8;
	[tilespmem:$0x1C800] =	vst v63  }
0x11c: {  	s18 =	simm.s32 $0x80  }
0x11d: {  	[tilespmem:s13], [sflag:$0x2] =	stream.indirect.gather [hbm4b:s4+s12], $0x80, s18, s12, $0xb8;
	[tilespmem:$0x1C800] =	vst v63  }
0x11e: {  	_ =	swait.ge [sflag:s9], $0x3200  }
0x11f: {  	[sflag:s9] =	ssyncset.done $0x0  }
0x120: {  	s19 =	simm.s32 $0x1000;
	[sflag:s9] =	ssyncadd.s32 $0xFFFFCE00  }
0x121: {  	[spmem:s2] =	stream.indirect.scatter.add.f32 [tilespmem:s8], [sflag:$0x3], $0x80, s19, s12, $0xb8;
	[tilespmem:$0x1C800] =	vst v63  }
0x122: {  	_ =	swait.ge [sflag:s10], $0x3200  }
0x123: {  	[sflag:s10] =	ssyncset.done $0x0  }
0x124: {  	s20 =	simm.s32 $0x100;
	[sflag:s10] =	ssyncadd.s32 $0xFFFFCE00  }
0x125: {  	[tilespmem:s8], [sflag:$0x1] =	stream.indirect.gather [hbm4b:s4+s12], $0x80, s20, s12, $0xb8;
	[tilespmem:$0x1C800] =	vst v63  }
0x126: {  	_ =	swait.ge [sflag:s14], $0x3200  }
0x127: {  	[sflag:s14] =	ssyncset.done $0x0  }
0x128: {  	s21 =	simm.s32 $0x1080;
	[sflag:s14] =	ssyncadd.s32 $0xFFFFCE00  }
0x129: {  	[spmem:s2] =	stream.indirect.scatter.add.f32 [tilespmem:s13], [sflag:$0x3], $0x80, s21, s12, $0xb8;
	[tilespmem:$0x1C800] =	vst v63  }
0x12a: {  	_ =	swait.ge [sflag:s10], $0x3200  }
0x12b: {  	s17 =	simm.s32 $0x100;
	s18 =	simm.s32 $0x800;
	[sflag:s10] =	ssyncset.done $0x0  }
.LBB2_8:
0x12c: {  	s19 =	sadd.s32 $0x80, s17  }
0x12d: {  	[sflag:s10] =	ssyncadd.s32 $0xFFFFCE00;
	s20 =	smov.u32 s18;
	s21 =	sadd.s32 $0x400, s18  }
0x12e: {  	[tilespmem:s13], [sflag:$0x2] =	stream.indirect.gather [hbm4b:s4+s12], $0x80, s19, s12, $0xb8;
	[tilespmem:$0x1C800] =	vst v63  }
0x12f: {  	p0 =	sne.s32 s18, $0x2C00;
	_ =	swait.ge [sflag:s9], $0x3200  }
0x130: {  	[sflag:s9] =	ssyncset.done $0x0  }
0x131: {  	s18 =	sadd.s32 $0x1000, s17;
	[sflag:s9] =	ssyncadd.s32 $0xFFFFCE00  }
0x132: {  	[spmem:s2] =	stream.indirect.scatter.add.f32 [tilespmem:s8], [sflag:$0x3], $0x80, s18, s12, $0xb8;
	[tilespmem:$0x1C800] =	vst v63  }
0x133: {  	_ =	swait.ge [sflag:s10], $0x3200  }
0x134: {  	[sflag:s10] =	ssyncset.done $0x0  }
0x135: {  	s18 =	sadd.s32 $0x100, s17;
	[sflag:s10] =	ssyncadd.s32 $0xFFFFCE00  }
0x136: {  	[tilespmem:s8], [sflag:$0x1] =	stream.indirect.gather [hbm4b:s4+s12], $0x80, s18, s12, $0xb8;
	[tilespmem:$0x1C800] =	vst v63  }
0x137: {  	_ =	swait.ge [sflag:s14], $0x3200  }
.Ltmp3:
0x138: {  	[sflag:s14] =	ssyncset.done $0x0;
	(pc) =	sbr.rel @p0 .LBB2_8-.Ltmp3, $4  }
0x139: {  	s17 =	sadd.s32 $0x1080, s17;
	[sflag:s14] =	ssyncadd.s32 $0xFFFFCE00  }
0x13a: {  	[spmem:s2] =	stream.indirect.scatter.add.f32 [tilespmem:s13], [sflag:$0x3], $0x80, s17, s12, $0xb8;
	[tilespmem:$0x1C800] =	vst v63  }
0x13b: {  	_ =	swait.ge [sflag:s10], $0x3200  }
0x13c: {  	s18 =	smov.u32 s21;
	s17 =	sshra.s32 s20, $0x2;
	[sflag:s10] =	ssyncset.done $0x0  }
0x13d: {  	s18 =	sadd.s32 $0x80, s17;
	[sflag:s10] =	ssyncadd.s32 $0xFFFFCE00  }
0x13e: {  	[tilespmem:s13], [sflag:$0x2] =	stream.indirect.gather [hbm4b:s4+s12], $0x80, s18, s12, $0xb8;
	[tilespmem:$0x1C800] =	vst v63  }
0x13f: {  	_ =	swait.ge [sflag:s9], $0x3200  }
0x140: {  	[sflag:s9] =	ssyncset.done $0x0  }
0x141: {  	s20 =	sadd.s32 $0x1000, s17;
	[sflag:s9] =	ssyncadd.s32 $0xFFFFCE00  }
0x142: {  	[spmem:s2] =	stream.indirect.scatter.add.f32 [tilespmem:s8], [sflag:$0x3], $0x80, s20, s12, $0xb8;
	[tilespmem:$0x1C800] =	vst v63  }
0x143: {  	_ =	swait.ge [sflag:s10], $0x3200  }
0x144: {  	[sflag:s10] =	ssyncset.done $0x0  }
0x145: {  	s21 =	sadd.s32 $0x100, s17;
	[sflag:s10] =	ssyncadd.s32 $0xFFFFCE00  }
0x146: {  	[tilespmem:s8], [sflag:$0x1] =	stream.indirect.gather [hbm4b:s4+s12], $0x80, s21, s12, $0xb8;
	[tilespmem:$0x1C800] =	vst v63  }
0x147: {  	_ =	swait.ge [sflag:s14], $0x3200  }
0x148: {  	[sflag:s14] =	ssyncset.done $0x0  }
0x149: {  	s18 =	sadd.s32 $0x1080, s17;
	[sflag:s14] =	ssyncadd.s32 $0xFFFFCE00  }
0x14a: {  	[spmem:s2] =	stream.indirect.scatter.add.f32 [tilespmem:s13], [sflag:$0x3], $0x80, s18, s12, $0xb8;
	[tilespmem:$0x1C800] =	vst v63  }
0x14b: {  	_ =	swait.ge [sflag:s10], $0x3200  }
0x14c: {  	[sflag:s10] =	ssyncset.done $0x0  }
0x14d: {  	[sflag:s10] =	ssyncadd.s32 $0xFFFFCE00  }
0x14e: {  	_ =	swait.ge [sflag:s9], $0x3200  }
0x14f: {  	[sflag:s9] =	ssyncset.done $0x0  }
0x150: {  	[sflag:s9] =	ssyncadd.s32 $0xFFFFCE00  }
0x151: {  	[spmem:s2] =	stream.indirect.scatter.add.f32 [tilespmem:s8], [sflag:$0x3], $0x80, s15, s12, $0xb8;
	[tilespmem:$0x1C800] =	vst v63  }
0x152: {  	_ =	swait.ge [sflag:s10], $0x3200  }
0x153: {  	[sflag:s10] =	ssyncset.done $0x0  }
0x154: {  	[sflag:s10] =	ssyncadd.s32 $0xFFFFCE00  }
0x155: {  	[bflag:$0x0] =	sbarrier.arrive $0xFFFF  }
0x156: {  	[tilespmem:s8], [sflag:$0x1] =	stream.linear.gather [spmem:s6], $0x2000, $0x38;
	[tilespmem:$0x1C800] =	vst v63  }
0x157: {  	_ =	swait.ge [sflag:s9], $0x2000  }
0x158: {  	[sflag:s9] =	ssyncset.done $0x0  }
0x159: {  	s19 =	rddreg [dreg:$0xe];
	[sflag:s9] =	ssyncadd.s32 $0xFFFFE000  }
0x15a: {  	[hbm4b:s19+s3] =	stream.linear.scatter [tilespmem:s8], [sflag:$0x1], $0x2000, $0x38;
	[tilespmem:$0x1C800] =	vst v63  }
0x15b: {  	_ =	swait.ge [sflag:s9], $0x2000  }
0x15c: {  	[sflag:s9] =	ssyncset.done $0x0  }
0x15d: {  	[sflag:s9] =	ssyncadd.s32 $0xFFFFE000  }
0x15e: {  	[tilespmem:s8], [sflag:$0x1] =	stream.linear.gather [spmem:s26], $0x2000, $0x38;
	[tilespmem:$0x1C800] =	vst v63  }
0x15f: {  	_ =	swait.ge [sflag:s9], $0x2000  }
0x160: {  	[sflag:s9] =	ssyncset.done $0x0  }
0x161: {  	s20 =	rddreg [dreg:$0xf];
	[sflag:s9] =	ssyncadd.s32 $0xFFFFE000  }
0x162: {  	[hbm4b:s20+s3] =	stream.linear.scatter [tilespmem:s8], [sflag:$0x1], $0x2000, $0x38;
	[tilespmem:$0x1C800] =	vst v63  }
0x163: {  	_ =	swait.ge [sflag:s9], $0x2000  }
0x164: {  	[sflag:s9] =	ssyncset.done $0x0  }
0x165: {  	[sflag:s9] =	ssyncadd.s32 $0xFFFFE000  }
0x166: {  	[tilespmem:s8], [sflag:$0x1] =	stream.linear.gather [spmem:s28], $0x2000, $0x38;
	[tilespmem:$0x1C800] =	vst v63  }
0x167: {  	_ =	swait.ge [sflag:s9], $0x2000  }
0x168: {  	[sflag:s9] =	ssyncset.done $0x0  }
0x169: {  	s21 =	rddreg [dreg:$0x10];
	[sflag:s9] =	ssyncadd.s32 $0xFFFFE000  }
0x16a: {  	[hbm4b:s21+s3] =	stream.linear.scatter [tilespmem:s8], [sflag:$0x1], $0x2000, $0x38;
	[tilespmem:$0x1C800] =	vst v63  }
0x16b: {  	_ =	swait.ge [sflag:s9], $0x2000  }
0x16c: {  	[sflag:s9] =	ssyncset.done $0x0  }
0x16d: {  	[sflag:s9] =	ssyncadd.s32 $0xFFFFE000  }
0x16e: {  	[tilespmem:s8], [sflag:$0x1] =	stream.linear.gather [spmem:s29], $0x2000, $0x38;
	[tilespmem:$0x1C800] =	vst v63  }
0x16f: {  	_ =	swait.ge [sflag:s9], $0x2000  }
0x170: {  	[sflag:s9] =	ssyncset.done $0x0  }
0x171: {  	s18 =	rddreg [dreg:$0x11];
	[sflag:s9] =	ssyncadd.s32 $0xFFFFE000  }
0x172: {  	[hbm4b:s18+s3] =	stream.linear.scatter [tilespmem:s8], [sflag:$0x1], $0x2000, $0x38;
	[tilespmem:$0x1C800] =	vst v63  }
0x173: {  	_ =	swait.ge [sflag:s9], $0x2000  }
0x174: {  	[sflag:s9] =	ssyncset.done $0x0  }
0x175: {  	[sflag:s9] =	ssyncadd.s32 $0xFFFFE000  }
0x176: {  	[tilespmem:s8], [sflag:$0x1] =	stream.linear.gather [spmem:s30], $0x2000, $0x38;
	[tilespmem:$0x1C800] =	vst v63  }
0x177: {  	_ =	swait.ge [sflag:s9], $0x2000  }
0x178: {  	[sflag:s9] =	ssyncset.done $0x0  }
0x179: {  	s19 =	rddreg [dreg:$0x12];
	[sflag:s9] =	ssyncadd.s32 $0xFFFFE000  }
0x17a: {  	[hbm4b:s19+s3] =	stream.linear.scatter [tilespmem:s8], [sflag:$0x1], $0x2000, $0x38;
	[tilespmem:$0x1C800] =	vst v63  }
0x17b: {  	_ =	swait.ge [sflag:s9], $0x2000  }
0x17c: {  	[sflag:s9] =	ssyncset.done $0x0  }
0x17d: {  	[sflag:s9] =	ssyncadd.s32 $0xFFFFE000  }
0x17e: {  	[tilespmem:s8], [sflag:$0x1] =	stream.linear.gather [spmem:s31], $0x2000, $0x38;
	[tilespmem:$0x1C800] =	vst v63  }
0x17f: {  	_ =	swait.ge [sflag:s9], $0x2000  }
0x180: {  	[sflag:s9] =	ssyncset.done $0x0  }
0x181: {  	s20 =	rddreg [dreg:$0x13];
	[sflag:s9] =	ssyncadd.s32 $0xFFFFE000  }
0x182: {  	[hbm4b:s20+s3] =	stream.linear.scatter [tilespmem:s8], [sflag:$0x1], $0x2000, $0x38;
	[tilespmem:$0x1C800] =	vst v63  }
0x183: {  	_ =	swait.ge [sflag:s9], $0x2000  }
0x184: {  	[sflag:s9] =	ssyncset.done $0x0  }
0x185: {  	[sflag:s9] =	ssyncadd.s32 $0xFFFFE000  }
0x186: {  	[tilespmem:s8], [sflag:$0x1] =	stream.linear.gather [spmem:s0], $0x2000, $0x38;
	[tilespmem:$0x1C800] =	vst v63  }
0x187: {  	_ =	swait.ge [sflag:s9], $0x2000  }
0x188: {  	[sflag:s9] =	ssyncset.done $0x0  }
0x189: {  	[sflag:s9] =	ssyncadd.s32 $0xFFFFE000  }
0x18a: {  	[hbm4b:s22+s3] =	stream.linear.scatter [tilespmem:s8], [sflag:$0x1], $0x2000, $0x38;
	[tilespmem:$0x1C800] =	vst v63  }
0x18b: {  	_ =	swait.ge [sflag:s9], $0x2000  }
0x18c: {  	[sflag:s9] =	ssyncset.done $0x0  }
0x18d: {  	[sflag:s9] =	ssyncadd.s32 $0xFFFFE000  }
0x18e: {  	[tilespmem:s8], [sflag:$0x1] =	stream.linear.gather [spmem:s1], $0x2000, $0x38;
	[tilespmem:$0x1C800] =	vst v63  }
0x18f: {  	_ =	swait.ge [sflag:s9], $0x2000  }
0x190: {  	[sflag:s9] =	ssyncset.done $0x0  }
0x191: {  	[sflag:s9] =	ssyncadd.s32 $0xFFFFE000  }
0x192: {  	[hbm4b:s23+s3] =	stream.linear.scatter [tilespmem:s8], [sflag:$0x1], $0x2000, $0x38;
	[tilespmem:$0x1C800] =	vst v63  }
0x193: {  	_ =	swait.ge [sflag:s9], $0x2000  }
0x194: {  	[sflag:s9] =	ssyncset.done $0x0  }
0x195: {  	[sflag:s9] =	ssyncadd.s32 $0xFFFFE000  }
0x196: {  	[tilespmem:s8], [sflag:$0x1] =	stream.linear.gather [spmem:s5], $0x2000, $0x38;
	[tilespmem:$0x1C800] =	vst v63  }
0x197: {  	_ =	swait.ge [sflag:s9], $0x2000  }
0x198: {  	[sflag:s9] =	ssyncset.done $0x0  }
0x199: {  	[sflag:s9] =	ssyncadd.s32 $0xFFFFE000  }
0x19a: {  	[hbm4b:s24+s3] =	stream.linear.scatter [tilespmem:s8], [sflag:$0x1], $0x2000, $0x38;
	[tilespmem:$0x1C800] =	vst v63  }
0x19b: {  	_ =	swait.ge [sflag:s9], $0x2000  }
0x19c: {  	[sflag:s9] =	ssyncset.done $0x0  }
0x19d: {  	[sflag:s9] =	ssyncadd.s32 $0xFFFFE000  }
0x19e: {  	[tilespmem:s8], [sflag:$0x1] =	stream.linear.gather [spmem:s7], $0x2000, $0x38;
	[tilespmem:$0x1C800] =	vst v63  }
0x19f: {  	_ =	swait.ge [sflag:s9], $0x2000  }
0x1a0: {  	[sflag:s9] =	ssyncset.done $0x0  }
0x1a1: {  	[sflag:s9] =	ssyncadd.s32 $0xFFFFE000  }
0x1a2: {  	[hbm4b:s25+s3] =	stream.linear.scatter [tilespmem:s8], [sflag:$0x1], $0x2000, $0x38;
	[tilespmem:$0x1C800] =	vst v63  }
0x1a3: {  	_ =	swait.ge [sflag:s9], $0x2000  }
0x1a4: {  	s16 =	sadd.s32 $0x1, s16;
	s21 =	rddreg [dreg:$0xd]  }
0x1a5: {  	p0 =	sne.s32 s16, s21  }
.Ltmp4:
0x1a6: {  	_ = 	snop;
	(pc) =	sbr.rel @p0 .LBB2_1-.Ltmp4, $3  }
0x1a7: {  	_ =	sdelay $0x1  }
0x1a8: {  	[sflag:s9] =	ssyncset.done $0x0  }
0x1a9: {  	[sflag:s9] =	ssyncadd.s32 $0xFFFFE000  }
0x1aa: {  	_ =	sfence.sel $0x180000  }
0x1ab: {  	[bflag:$0x0] =	sbarrier.arrive $0xFFFF  }
0x1ac: {  	_ =	strace $0x9000004A  }
0x1ad: {  	s0 =	stileid.u32;
	[bflag:$0x2] =	sbarrier.arrive $0xFFFF  }
0x1ae: {  	p0 =	sne.s32 s0, $0x0;
	s0 =	rddreg [dreg:$0x3]  }
0x1af: {  	s0 =	sadd.s32 @!p0 $0x100000, s0  }
0x1b0: {  	[sflag:s0] =	ssyncadd.tile.s32 @!p0 $0x1;
	_ =	shalt  }
.Lfunc_end2:
_tile_overlayer_lowered:
.L_overlay_start_2:
0x1b1: {  	(tag) =	ssettag $0x2  }
0x1b2: {  	s0 =	rddreg [dreg:$0x0];
	s2 =	stileid.u32  }
0x1b3: {  	s1 =	rddreg [dreg:$0x1];
	p0 =	sne.s32 s2, $0x0  }
0x1b4: {  	s3 =	rddreg [dreg:$0x2];
	[bflag:$0x3] =	sbarrier.arrive $0xFFFF;
	s2 =	simm.s32 @!p0 $0x1C01  }
0x1b5: {  	[timem:s3], [sflag:s2] =	dma.local @!p0 [hbm:s0], s1  }
0x1b6: {  	s0 =	simm.s32 @!p0 $0x1  }
0x1b7: {  	_ =	swait.ge @!p0 [sflag:s0], s1  }
0x1b8: {  	s1 =	ssub.s32 @!p0 $0x0, s1;
	[sflag:s0] =	ssyncset.done @!p0 $0x0  }
0x1b9: {  	[sflag:s0] =	ssyncadd.s32 @!p0 s1  }
0x1ba: {  	[bflag:$0x3] =	sbarrier.arrive $0xFFFF  }
0x1bb: {  	_ =	shalt  }

// kernel: kernel.13.cloned.1.call-start
scs
__scs_entry_jumppad:
0x0: {  	(pc) =	sbr.rel $0x88, $3  }
0x1: {  	(tag) =	ssettag $0x0;
	lr =	simm.s32 $0x1  }
0x2: {  	[smem:$0x3F99] =	sst lr;
	_ =	strace $0xD0000000  }
0x3: {  	_ = 	snop  }
0x4: {  	_ = 	snop  }
0x5: {  	_ = 	snop  }
0x6: {  	_ = 	snop  }
0x7: {  	_ = 	snop  }
__scs_overlays_trampoline_lowered:
0x8: {  	[smem:$0x3FA8] =	sst s0  }
0x9: {  	[smem:$0x3FA9] =	sst s1  }
0xa: {  	[smem:$0x3FAA] =	sst s2  }
0xb: {  	[smem:$0x3FAB] =	sst s3  }
0xc: {  	[smem:$0x3FAC] =	sst s4  }
0xd: {  	[smem:$0x3FAD] =	sst s5  }
0xe: {  	[smem:$0x3FAE] =	sst s6  }
0xf: {  	[smem:$0x3FAF] =	sst s7  }
0x10: {  	[smem:$0x3FB0] =	sst s8  }
0x11: {  	[smem:$0x3FB1] =	sst s9;
	s0 =	simm.s32 @!p0 $0x0  }
0x12: {  	s1 =	sld [smem:$0x3F97];
	s0 =	simm.s32 @p0 $0x1  }
0x13: {  	[smem:$0x3FB2] =	sst s0;
	s0 =	simm.s32 @!p1 $0x0  }
0x14: {  	s2 =	sld [smem:$0x3F96];
	s0 =	simm.s32 @p1 $0x1  }
0x15: {  	[smem:$0x3FB3] =	sst s0;
	s0 =	simm.s32 @!p2 $0x0  }
0x16: {  	s3 =	sld [smem:$0x3FDB];
	s0 =	simm.s32 @p2 $0x1  }
0x17: {  	s4 =	simm.s32 $0x1BF5;
	[smem:$0x3FB5] =	sst s0  }
0x18: {  	s0 =	sld [smem:$0x3F98];
	_ =	swait.ge [sflag:s4], $0x0  }
0x19: {  	s7 =	sld [smem:$0x3F99]  }
0x1a: {  	s8 =	sadd.s32 $0xFFFFE003, lr  }
0x1b: {  	s9 =	sadd.s32 $0xFFFFFEF7, lr;
	s5 =	simm.s32 $0xFFFFFFFF;
	p2 =	slt.u32 s8, $0xFFFFF086  }
0x1c: {  	p1 =	slt.u32 s9, $0xF7A;
	s5 =	simm.s32 @!p2 $0x0  }
0x1d: {  	s5 =	simm.s32 @p1 $0x1;
	p0 =	seq.s32 s7, s2  }
0x1e: {  	s7 =	smul.u32 @!p0 $0xF7A, s2;
	p2 =	seq.s32 @!p0 s5, $0x0  }
0x1f: {  	s9 =	smul.u32 $0xF7A, s1;
	s8 =	simm.s32 @!p0 $0x1BF5;
	p2 =	por !p2, p0  }
0x20: {  	[sflag:s8] =	ssyncset.s32 @!p0 $0xFFFFF086;
	s6 =	sadd.s32 @!p0 s3, s7;
	s7 =	simm.s32 @!p0 $0x108  }
0x21: {  	s3 =	sadd.s32 s3, s9;
	s6 =	sadd.s32 @!p0 $0x88, s6;
	s7 =	simm.s32 @p2 $0x1082  }
0x22: {  	[simem:s7], [sflag:s8] =	dma.local @!p0 [hbm:s6], $0xF7A  }
0x23: {  	s9 =	sor.u32 $0xD0000000, s2;
	s6 =	simm.s32 $0x108;
	_ =	swait.ge @!p0 [sflag:s8], $0x0  }
0x24: {  	s3 =	sadd.s32 $0x88, s3;
	s6 =	simm.s32 @!p1 $0x1082;
	[sflag:s4] =	ssyncset.s32 $0xFFFFF086  }
0x25: {  	[simem:s6], [sflag:s4] =	dma.local [hbm:s3], $0xF7A  }
0x26: {  	[smem:$0x3F99] =	sst s1;
	(tag) =	ssettag s2;
	_ =	strace s9  }
0x27: {  	s1 =	sld [smem:$0x3FA9]  }
0x28: {  	s2 =	sld [smem:$0x3FAA]  }
0x29: {  	s4 =	sld [smem:$0x3FAC]  }
0x2a: {  	p0 =	seq.s32 s5, $0x0;
	s5 =	sld [smem:$0x3FAD]  }
0x2b: {  	s6 =	sld [smem:$0x3FAE]  }
0x2c: {  	s7 =	sld [smem:$0x3FAF]  }
0x2d: {  	s3 =	simm.s32 $0x108;
	s8 =	sld [smem:$0x3FB0]  }
0x2e: {  	s3 =	simm.s32 @!p0 $0x1082;
	s9 =	sld [smem:$0x3FB1]  }
0x2f: {  	lr =	sadd.s32 s0, s3;
	s0 =	sld [smem:$0x3FA8]  }
0x30: {  	s3 =	sld [smem:$0x3FAB]  }
0x31: {  	[smem:$0x3FB4] =	sst s10  }
0x32: {  	s10 =	sld [smem:$0x3FB2];
	_ =	sdelay $0x3  }
0x33: {  	p0 =	seq.s32 s10, $0x1;
	s10 =	sld [smem:$0x3FB4];
	_ =	sdelay $0x3  }
0x34: {  	[smem:$0x3FB4] =	sst s10  }
0x35: {  	s10 =	sld [smem:$0x3FB3];
	_ =	sdelay $0x3  }
0x36: {  	p1 =	seq.s32 s10, $0x1;
	s10 =	sld [smem:$0x3FB4];
	_ =	sdelay $0x3  }
0x37: {  	[smem:$0x3FB4] =	sst s10  }
0x38: {  	s10 =	sld [smem:$0x3FB5]  }
0x39: {  	_ = 	snop;
	(pc) =	sbr.ind lr, $3  }
0x3a: {  	_ = 	snop  }
0x3b: {  	_ = 	snop  }
0x3c: {  	p2 =	seq.s32 s10, $0x1;
	s10 =	sld [smem:$0x3FB4]  }
0x3d: {  	_ =	shalt  }
0x3e: {  	_ =	shalt  }
0x3f: {  	_ =	shalt  }
0x40: {  	_ =	shalt  }
0x41: {  	_ =	shalt  }
0x42: {  	_ =	shalt  }
0x43: {  	_ =	shalt  }
0x44: {  	_ =	shalt  }
0x45: {  	_ =	shalt  }
0x46: {  	_ =	shalt  }
0x47: {  	_ =	shalt  }
0x48: {  	_ =	shalt  }
0x49: {  	_ =	shalt  }
0x4a: {  	_ =	shalt  }
0x4b: {  	_ =	shalt  }
0x4c: {  	_ =	shalt  }
0x4d: {  	_ =	shalt  }
0x4e: {  	_ =	shalt  }
0x4f: {  	_ =	shalt  }
0x50: {  	_ =	shalt  }
0x51: {  	_ =	shalt  }
0x52: {  	_ =	shalt  }
0x53: {  	_ =	shalt  }
0x54: {  	_ =	shalt  }
0x55: {  	_ =	shalt  }
0x56: {  	_ =	shalt  }
0x57: {  	_ =	shalt  }
0x58: {  	_ =	shalt  }
0x59: {  	_ =	shalt  }
0x5a: {  	_ =	shalt  }
0x5b: {  	_ =	shalt  }
0x5c: {  	_ =	shalt  }
0x5d: {  	_ =	shalt  }
0x5e: {  	_ =	shalt  }
0x5f: {  	_ =	shalt  }
0x60: {  	_ =	shalt  }
0x61: {  	_ =	shalt  }
0x62: {  	_ =	shalt  }
0x63: {  	_ =	shalt  }
0x64: {  	_ =	shalt  }
0x65: {  	_ =	shalt  }
0x66: {  	_ =	shalt  }
0x67: {  	_ =	shalt  }
0x68: {  	_ =	shalt  }
0x69: {  	_ =	shalt  }
0x6a: {  	_ =	shalt  }
0x6b: {  	_ =	shalt  }
0x6c: {  	_ =	shalt  }
0x6d: {  	_ =	shalt  }
0x6e: {  	_ =	shalt  }
0x6f: {  	_ =	shalt  }
0x70: {  	_ =	shalt  }
0x71: {  	_ =	shalt  }
0x72: {  	_ =	shalt  }
0x73: {  	_ =	shalt  }
0x74: {  	_ =	shalt  }
0x75: {  	_ =	shalt  }
0x76: {  	_ =	shalt  }
0x77: {  	_ =	shalt  }
0x78: {  	_ =	shalt  }
0x79: {  	_ =	shalt  }
0x7a: {  	_ =	shalt  }
0x7b: {  	_ =	shalt  }
0x7c: {  	_ =	shalt  }
0x7d: {  	_ =	shalt  }
0x7e: {  	_ =	shalt  }
0x7f: {  	_ =	shalt  }
0x80: {  	_ =	shalt  }
0x81: {  	_ =	shalt  }
0x82: {  	_ =	shalt  }
0x83: {  	_ =	shalt  }
0x84: {  	_ =	shalt  }
0x85: {  	_ =	shalt  }
0x86: {  	_ =	shalt  }
0x87: {  	_ =	shalt  }
.Lfunc_end0:
.L_simem_size_0:
called_computation.2_lowered:
.L_overlay_start_0:
0x88: {  	s2 =	sld [smem:$0x3FD9]  }
0x89: {  	s3 =	sld [smem:$0x3FFE];
	_ =	sdelay $0x1  }
0x8a: {  	s1 =	srdreg.scid  }
0x8b: {  	s0 =	sand.u32 $0x1, s1  }
0x8c: {  	s17 =	sshll.u32 s0, $0xA;
	s2 =	sadd.s32 s3, s2  }
0x8d: {  	s2 =	sadd.s32 s2, s17  }
0x8e: {  	[smem:$0x3FC0] =	sst s2  }
0x8f: {  	_ = 	snop  }
0x90: {  	s2 =	sld [smem:$0x3FD0];
	(tm) =	ssettm $0x1  }
0x91: {  	s18 =	sld [smem:$0x3FFB];
	_ =	sdelay $0x3  }
0x92: {  	_ =	strace s18  }
0x93: {  	s3 =	sld [smem:$0x3FFC];
	_ =	sdelay $0x3  }
0x94: {  	_ =	strace s3  }
0x95: {  	s3 =	sld [smem:$0x3FFD];
	_ =	sdelay $0x3  }
0x96: {  	_ =	strace s3  }
0x97: {  	_ =	strace $0x8FFFFFFF  }
0x98: {  	s19 =	sld [smem:$0x3FDB];
	_ =	sdelay $0x1  }
0x99: {  	s4 =	simm.s32 $_scs_section_size  }
0x9a: {  	s5 =	simm.s32 $_size__tile_overlayer_lowered;
	s6 =	simm.s32 $_tile_overlayer_lowered  }
0x9b: {  	s22 =	simm.s32 $0x1BFF;
	s21 =	sshll.u32 s6, $0x1;
	s3 =	sadd.s32 s4, s19  }
0x9c: {  	s7 =	simm.s32 $0x0;
	s20 =	sshll.u32 s5, $0x1;
	s5 =	sadd.s32 s21, s3  }
0x9d: {  	[timem:s7], [sflag:s22] =	dma.local [hbm:s5], s20  }
0x9e: {  	_ =	swait.ge [sflag:s22], s20  }
0x9f: {  	s4 =	ssub.s32 $0x0, s20;
	[sflag:s22] =	ssyncset.done $0x0  }
0xa0: {  	[sflag:s22] =	ssyncadd.s32 s4;
	_ =	sdelay $0x1  }
0xa1: {  	s23 =	simm.s32 $0x1B8B  }
0xa2: {  	_ =	swait.ge [sflag:s23], $0x1  }
0xa3: {  	[sflag:s23] =	ssyncset.done $0x0  }
0xa4: {  	s25 =	simm.s32 $0x1B8E;
	s24 =	sld [smem:$0x3FFE];
	[sflag:s23] =	ssyncadd.s32 $0xFFFFFFFF  }
0xa5: {  	s26 =	simm.s32 $execute0_lowered;
	[smem:$0x3FD2] =	sst s25  }
0xa6: {  	s5 =	sshll.u32 s26, $0x1;
	_ =	strace $0x8000004C;
	[dreg:$0x1] =	wrdreg $0xFFFFFFFF  }
0xa7: {  	s28 =	simm.s32 $_size_execute0_lowered;
	s3 =	sadd.s32 s3, s5;
	[dreg:$0x0] =	wrdreg $0x0  }
0xa8: {  	s5 =	sshll.u32 s28, $0x1;
	[dreg:$0x2] =	wrdreg s3  }
0xa9: {  	[dreg:$0x3] =	wrdreg s5  }
0xaa: {  	[dreg:$0x4] =	wrdreg $0xC0  }
0xab: {  	_ =	task [dreg:s7], $0x5FFFF  }
0xac: {  	[dreg:$0x1] =	wrdreg $0xFFFFFFFF  }
0xad: {  	[dreg:$0x0] =	wrdreg $0x60  }
0xae: {  	[dreg:$0x2] =	wrdreg s24  }
0xaf: {  	[dreg:$0x3] =	wrdreg s2  }
0xb0: {  	[dreg:$0x4] =	wrdreg $0x88000  }
0xb1: {  	[dreg:$0x5] =	wrdreg $0x9  }
0xb2: {  	_ =	task.clear_ibuf [dreg:s7], $0x6FFFF;
	_ =	strace $0x9000004C  }
0xb3: {  	s29 =	simm.s32 $0x9;
	_ =	strace $0x8000004E  }
0xb4: {  	_ =	swait.ge [sflag:s29], $0x1  }
0xb5: {  	[sflag:s29] =	ssyncadd.s32 $0xFFFFFFFF  }
0xb6: {  	_ =	strace $0x9000004E  }
0xb7: {  	_ =	sfence  }
0xb8: {  	s30 =	sld [smem:$0x0];
	_ =	sdelay $0x2  }
0xb9: {  	s31 =	sshll.u32 s1, $0xD;
	s1 =	sshrl.u32 s1, $0x2  }
0xba: {  	s3 =	sand.u32 $0x4000, s31;
	s1 =	sadd.s32 s1, s30  }
0xbb: {  	s0 =	sor.u32 s3, s0;
	s1 =	sshll.u32 s1, $0x11  }
0xbc: {  	s0 =	sor.u32 s1, s0  }
0xbd: {  	s0 =	sadd.s32 $0x8F2B, s0  }
0xbe: {  	[sflag:s0] =	ssyncadd.remote.s32 $0x1  }
0xbf: {  	_ =	sfence.sel $0xFFFF  }
0xc0: {  	[dreg:$0x0] =	wrdreg $0xFFFFFFFF;
	(pc) =	sbr.abs _section_cstart, $3  }
0xc1: {  	[dreg:$0x1] =	wrdreg $0xFFFFFFFF  }
0xc2: {  	_ =	task.clear_ibuf [dreg:s7], $0x2FFFF;
	_ =	strace $0x9FFFFFFF  }
0xc3: {  	(tm) =	ssettm $0x7FFFFFFF  }
tec
execute0_lowered:
.L_overlay_start_1:
0x0: {  	(tag) =	ssettag $0x1  }
0x1: {  	s0 =	rddreg [dreg:$0x0]  }
0x2: {  	s1 =	rddreg [dreg:$0x1]  }
0x3: {  	s3 =	srdreg.scid;
	s2 =	rddreg [dreg:$0x2]  }
0x4: {  	s9 =	stileid.u32;
	s11 =	simm.s32 $0x1000;
	s5 =	sand.u32 $0x1, s3  }
0x5: {  	s3 =	simm.s32 $0x0;
	s6 =	smul.u32 $0x280, s9;
	s7 =	sadd.s32 $0x2800, s0  }
0x6: {  	s8 =	sadd.s32 $0x12800, s0;
	s12 =	smul.u32 $0x50000, s9;
	s9 =	sshll.u32 s9, $0xB  }
0x7: {  	s4 =	smul.u32 $0x2800, s5;
	[smem:$0x7FF] =	sst s3;
	s13 =	ssub.s32 $0x2, s5  }
0x8: {  	s5 =	sshll.u32 s5, $0xF;
	_ =	strace $0x8000004D;
	[dreg:$0x4] =	wrdreg s8  }
0x9: {  	s10 =	sshrl.u32 s13, $0x1;
	s5 =	sor.u32 s9, s5;
	s6 =	sadd.s32 s6, s4  }
0xa: {  	s4 =	sadd.s32 $0x13000, s0;
	s8 =	ssub.s32 s13, s10;
	s14 =	sadd.s32 s1, s5  }
0xb: {  	s9 =	sor.u32 $0x200, s5;
	s15 =	sadd.s32 s7, s5;
	[dreg:$0x5] =	wrdreg s14  }
0xc: {  	s17 =	sor.u32 $0x400, s5;
	[dreg:$0x6] =	wrdreg s15;
	s16 =	sadd.s32 s1, s9  }
0xd: {  	s5 =	sor.u32 $0x600, s5;
	s9 =	sadd.s32 s7, s9;
	[dreg:$0x7] =	wrdreg s16  }
0xe: {  	s10 =	simm.s32 $0x3;
	s18 =	sadd.s32 s1, s17;
	[dreg:$0x8] =	wrdreg s9  }
0xf: {  	s13 =	simm.s32 $0x5400;
	s1 =	sadd.s32 s1, s5;
	[dreg:$0x9] =	wrdreg s18  }
0x10: {  	s6 =	sshll.u32 s6, $0x4;
	s19 =	sadd.s32 s7, s5;
	[dreg:$0xb] =	wrdreg s1  }
0x11: {  	s20 =	smax.u32 s8, $0x1;
	s8 =	simm.s32 $0x2000;
	[dreg:$0xc] =	wrdreg s19  }
0x12: {  	s0 =	sadd.s32 s6, s0;
	s9 =	sadd.s32 s7, s17;
	[dreg:$0xd] =	wrdreg s20  }
0x13: {  	s14 =	simm.s32 $0x2;
	[dreg:$0xa] =	wrdreg s9;
	s21 =	sadd.s32 $0x8B000, s0  }
0x14: {  	s15 =	simm.s32 $0x1C00;
	s22 =	sadd.s32 $0x8B400, s0;
	[dreg:$0xe] =	wrdreg s21  }
0x15: {  	s6 =	sshrl.u32 s12, $0x2;
	s23 =	sadd.s32 $0x8B800, s0;
	[dreg:$0xf] =	wrdreg s22  }
0x16: {  	s12 =	simm.s32 $0x64;
	s24 =	sadd.s32 $0x8BC00, s0;
	[dreg:$0x10] =	wrdreg s23  }
0x17: {  	s16 =	simm.s32 $0x0;
	s25 =	sadd.s32 $0x8C000, s0;
	[dreg:$0x11] =	wrdreg s24  }
0x18: {  	s6 =	sadd.s32 s6, s2;
	s26 =	sadd.s32 $0x8C400, s0;
	[dreg:$0x12] =	wrdreg s25  }
0x19: {  	s9 =	simm.s32 $0x1;
	[dreg:$0x13] =	wrdreg s26;
	s22 =	sadd.s32 $0x8C800, s0  }
0x1a: {  	s23 =	sadd.s32 $0x8CC00, s0;
	s24 =	sadd.s32 $0x8D000, s0;
	s25 =	sadd.s32 $0x8D400, s0  }
0x1b: {  	s26 =	sadd.s32 $0x2000, s6;
	s28 =	sadd.s32 $0x4000, s6;
	s29 =	sadd.s32 $0x6000, s6  }
0x1c: {  	s30 =	sadd.s32 $0x8000, s6;
	s31 =	sadd.s32 $0xA000, s6;
	s0 =	sadd.s32 $0xC000, s6  }
0x1d: {  	s1 =	sadd.s32 $0xE000, s6;
	s5 =	sadd.s32 $0x10000, s6;
	s7 =	sadd.s32 $0x12000, s6  }
.LBB2_1:
0x1e: {  	s17 =	rddreg [dreg:$0x4]  }
0x1f: {  	[tilespmem:s8], [sflag:$0x1] =	stream.linear.gather [hbm4b:s17+s3], $0x3200, $0x38;
	[tilespmem:$0x1C800] =	vst v63  }
0x20: {  	_ =	swait.ge [sflag:s9], $0x3200  }
0x21: {  	[sflag:s9] =	ssyncset.done $0x0  }
0x22: {  	[sflag:s9] =	ssyncadd.s32 $0xFFFFCE00  }
0x23: {  	[spmem:s6] =	stream.linear.scatter [tilespmem:s8], [sflag:$0x1], $0x2000, $0x38;
	[tilespmem:$0x1C800] =	vst v63  }
0x24: {  	_ =	swait.ge [sflag:s9], $0x2000  }
0x25: {  	[sflag:s9] =	ssyncset.done $0x0  }
0x26: {  	[sflag:s9] =	ssyncadd.s32 $0xFFFFE000  }
0x27: {  	[spmem:s26] =	stream.linear.scatter [tilespmem:s8], [sflag:$0x1], $0x2000, $0x38;
	[tilespmem:$0x1C800] =	vst v63  }
0x28: {  	_ =	swait.ge [sflag:s9], $0x2000  }
0x29: {  	[sflag:s9] =	ssyncset.done $0x0  }
0x2a: {  	[sflag:s9] =	ssyncadd.s32 $0xFFFFE000  }
0x2b: {  	[spmem:s28] =	stream.linear.scatter [tilespmem:s8], [sflag:$0x1], $0x2000, $0x38;
	[tilespmem:$0x1C800] =	vst v63  }
0x2c: {  	_ =	swait.ge [sflag:s9], $0x2000  }
0x2d: {  	[sflag:s9] =	ssyncset.done $0x0  }
0x2e: {  	[sflag:s9] =	ssyncadd.s32 $0xFFFFE000  }
0x2f: {  	[spmem:s29] =	stream.linear.scatter [tilespmem:s8], [sflag:$0x1], $0x2000, $0x38;
	[tilespmem:$0x1C800] =	vst v63  }
0x30: {  	_ =	swait.ge [sflag:s9], $0x2000  }
0x31: {  	[sflag:s9] =	ssyncset.done $0x0  }
0x32: {  	[sflag:s9] =	ssyncadd.s32 $0xFFFFE000  }
0x33: {  	[spmem:s30] =	stream.linear.scatter [tilespmem:s8], [sflag:$0x1], $0x2000, $0x38;
	[tilespmem:$0x1C800] =	vst v63  }
0x34: {  	_ =	swait.ge [sflag:s9], $0x2000  }
0x35: {  	[sflag:s9] =	ssyncset.done $0x0  }
0x36: {  	[sflag:s9] =	ssyncadd.s32 $0xFFFFE000  }
0x37: {  	[spmem:s31] =	stream.linear.scatter [tilespmem:s8], [sflag:$0x1], $0x2000, $0x38;
	[tilespmem:$0x1C800] =	vst v63  }
0x38: {  	_ =	swait.ge [sflag:s9], $0x2000  }
0x39: {  	[sflag:s9] =	ssyncset.done $0x0  }
0x3a: {  	[sflag:s9] =	ssyncadd.s32 $0xFFFFE000  }
0x3b: {  	[spmem:s0] =	stream.linear.scatter [tilespmem:s8], [sflag:$0x1], $0x2000, $0x38;
	[tilespmem:$0x1C800] =	vst v63  }
0x3c: {  	_ =	swait.ge [sflag:s9], $0x2000  }
0x3d: {  	[sflag:s9] =	ssyncset.done $0x0  }
0x3e: {  	[sflag:s9] =	ssyncadd.s32 $0xFFFFE000  }
0x3f: {  	[spmem:s1] =	stream.linear.scatter [tilespmem:s8], [sflag:$0x1], $0x2000, $0x38;
	[tilespmem:$0x1C800] =	vst v63  }
0x40: {  	_ =	swait.ge [sflag:s9], $0x2000  }
0x41: {  	[sflag:s9] =	ssyncset.done $0x0  }
0x42: {  	[sflag:s9] =	ssyncadd.s32 $0xFFFFE000  }
0x43: {  	[spmem:s5] =	stream.linear.scatter [tilespmem:s8], [sflag:$0x1], $0x2000, $0x38;
	[tilespmem:$0x1C800] =	vst v63  }
0x44: {  	_ =	swait.ge [sflag:s9], $0x2000  }
0x45: {  	[sflag:s9] =	ssyncset.done $0x0  }
0x46: {  	[sflag:s9] =	ssyncadd.s32 $0xFFFFE000  }
0x47: {  	[spmem:s7] =	stream.linear.scatter [tilespmem:s8], [sflag:$0x1], $0x2000, $0x38;
	[tilespmem:$0x1C800] =	vst v63  }
0x48: {  	_ =	swait.ge [sflag:s9], $0x2000  }
0x49: {  	[sflag:s9] =	ssyncset.done $0x0  }
0x4a: {  	[sflag:s9] =	ssyncadd.s32 $0xFFFFE000  }
0x4b: {  	[bflag:$0x0] =	sbarrier.arrive $0xFFFF  }
0x4c: {  	s20 =	rddreg [dreg:$0x5]  }
0x4d: {  	[tilespmem:s3], [sflag:$0x3] =	stream.linear.gather [hbm4b:s20+s3], $0xC80, $0x38;
	[tilespmem:$0x1C800] =	vst v63  }
0x4e: {  	_ =	swait.ge [sflag:s10], $0xC80  }
0x4f: {  	[sflag:s10] =	ssyncset.done $0x0  }
0x50: {  	s21 =	rddreg [dreg:$0x6];
	[sflag:s10] =	ssyncadd.s32 $0xFFFFF380  }
0x51: {  	[tilespmem:s11], [sflag:$0x3] =	stream.linear.gather [hbm4b:s21+s3], $0xC80, $0x38;
	[tilespmem:$0x1C800] =	vst v63  }
0x52: {  	_ =	swait.ge [sflag:s10], $0xC80  }
0x53: {  	[sflag:s10] =	ssyncset.done $0x0  }
0x54: {  	[sflag:s10] =	ssyncadd.s32 $0xFFFFF380  }
0x55: {  	[tilespmem:s8], [sflag:$0x1] =	stream.indirect.gather [hbm4b:s4+s12], $0x80, s3, s12, $0xb8;
	[tilespmem:$0x1C800] =	vst v63  }
0x56: {  	s18 =	simm.s32 $0x80  }
0x57: {  	[tilespmem:s13], [sflag:$0x2] =	stream.indirect.gather [hbm4b:s4+s12], $0x80, s18, s12, $0xb8;
	[tilespmem:$0x1C800] =	vst v63  }
0x58: {  	_ =	swait.ge [sflag:s9], $0x3200  }
0x59: {  	[sflag:s9] =	ssyncset.done $0x0  }
0x5a: {  	s19 =	simm.s32 $0x1000;
	[sflag:s9] =	ssyncadd.s32 $0xFFFFCE00  }
0x5b: {  	[spmem:s2] =	stream.indirect.scatter.add.f32 [tilespmem:s8], [sflag:$0x3], $0x80, s19, s12, $0xb8;
	[tilespmem:$0x1C800] =	vst v63  }
0x5c: {  	_ =	swait.ge [sflag:s10], $0x3200  }
0x5d: {  	[sflag:s10] =	ssyncset.done $0x0  }
0x5e: {  	s20 =	simm.s32 $0x100;
	[sflag:s10] =	ssyncadd.s32 $0xFFFFCE00  }
0x5f: {  	[tilespmem:s8], [sflag:$0x1] =	stream.indirect.gather [hbm4b:s4+s12], $0x80, s20, s12, $0xb8;
	[tilespmem:$0x1C800] =	vst v63  }
0x60: {  	_ =	swait.ge [sflag:s14], $0x3200  }
0x61: {  	[sflag:s14] =	ssyncset.done $0x0  }
0x62: {  	s21 =	simm.s32 $0x1080;
	[sflag:s14] =	ssyncadd.s32 $0xFFFFCE00  }
0x63: {  	[spmem:s2] =	stream.indirect.scatter.add.f32 [tilespmem:s13], [sflag:$0x3], $0x80, s21, s12, $0xb8;
	[tilespmem:$0x1C800] =	vst v63  }
0x64: {  	_ =	swait.ge [sflag:s10], $0x3200  }
0x65: {  	s17 =	simm.s32 $0x100;
	s18 =	simm.s32 $0x800;
	[sflag:s10] =	ssyncset.done $0x0  }
.LBB2_2:
0x66: {  	s19 =	sadd.s32 $0x80, s17  }
0x67: {  	[sflag:s10] =	ssyncadd.s32 $0xFFFFCE00;
	s20 =	smov.u32 s18;
	s21 =	sadd.s32 $0x400, s18  }
0x68: {  	[tilespmem:s13], [sflag:$0x2] =	stream.indirect.gather [hbm4b:s4+s12], $0x80, s19, s12, $0xb8;
	[tilespmem:$0x1C800] =	vst v63  }
0x69: {  	p0 =	sne.s32 s18, $0x2C00;
	_ =	swait.ge [sflag:s9], $0x3200  }
0x6a: {  	[sflag:s9] =	ssyncset.done $0x0  }
0x6b: {  	s18 =	sadd.s32 $0x1000, s17;
	[sflag:s9] =	ssyncadd.s32 $0xFFFFCE00  }
0x6c: {  	[spmem:s2] =	stream.indirect.scatter.add.f32 [tilespmem:s8], [sflag:$0x3], $0x80, s18, s12, $0xb8;
	[tilespmem:$0x1C800] =	vst v63  }
0x6d: {  	_ =	swait.ge [sflag:s10], $0x3200  }
0x6e: {  	[sflag:s10] =	ssyncset.done $0x0  }
0x6f: {  	s18 =	sadd.s32 $0x100, s17;
	[sflag:s10] =	ssyncadd.s32 $0xFFFFCE00  }
0x70: {  	[tilespmem:s8], [sflag:$0x1] =	stream.indirect.gather [hbm4b:s4+s12], $0x80, s18, s12, $0xb8;
	[tilespmem:$0x1C800] =	vst v63  }
0x71: {  	_ =	swait.ge [sflag:s14], $0x3200  }
.Ltmp0:
0x72: {  	[sflag:s14] =	ssyncset.done $0x0;
	(pc) =	sbr.rel @p0 .LBB2_2-.Ltmp0, $4  }
0x73: {  	s17 =	sadd.s32 $0x1080, s17;
	[sflag:s14] =	ssyncadd.s32 $0xFFFFCE00  }
0x74: {  	[spmem:s2] =	stream.indirect.scatter.add.f32 [tilespmem:s13], [sflag:$0x3], $0x80, s17, s12, $0xb8;
	[tilespmem:$0x1C800] =	vst v63  }
0x75: {  	_ =	swait.ge [sflag:s10], $0x3200  }
0x76: {  	s18 =	smov.u32 s21;
	s17 =	sshra.s32 s20, $0x2;
	[sflag:s10] =	ssyncset.done $0x0  }
0x77: {  	s18 =	sadd.s32 $0x80, s17;
	[sflag:s10] =	ssyncadd.s32 $0xFFFFCE00  }
0x78: {  	[tilespmem:s13], [sflag:$0x2] =	stream.indirect.gather [hbm4b:s4+s12], $0x80, s18, s12, $0xb8;
	[tilespmem:$0x1C800] =	vst v63  }
0x79: {  	_ =	swait.ge [sflag:s9], $0x3200  }
0x7a: {  	[sflag:s9] =	ssyncset.done $0x0  }
0x7b: {  	s20 =	sadd.s32 $0x1000, s17;
	[sflag:s9] =	ssyncadd.s32 $0xFFFFCE00  }
0x7c: {  	[spmem:s2] =	stream.indirect.scatter.add.f32 [tilespmem:s8], [sflag:$0x3], $0x80, s20, s12, $0xb8;
	[tilespmem:$0x1C800] =	vst v63  }
0x7d: {  	_ =	swait.ge [sflag:s10], $0x3200  }
0x7e: {  	[sflag:s10] =	ssyncset.done $0x0  }
0x7f: {  	s21 =	sadd.s32 $0x100, s17;
	[sflag:s10] =	ssyncadd.s32 $0xFFFFCE00  }
0x80: {  	[tilespmem:s8], [sflag:$0x1] =	stream.indirect.gather [hbm4b:s4+s12], $0x80, s21, s12, $0xb8;
	[tilespmem:$0x1C800] =	vst v63  }
0x81: {  	_ =	swait.ge [sflag:s14], $0x3200  }
0x82: {  	[sflag:s14] =	ssyncset.done $0x0  }
0x83: {  	s18 =	sadd.s32 $0x1080, s17;
	[sflag:s14] =	ssyncadd.s32 $0xFFFFCE00  }
0x84: {  	[spmem:s2] =	stream.indirect.scatter.add.f32 [tilespmem:s13], [sflag:$0x3], $0x80, s18, s12, $0xb8;
	[tilespmem:$0x1C800] =	vst v63  }
0x85: {  	_ =	swait.ge [sflag:s10], $0x3200  }
0x86: {  	[sflag:s10] =	ssyncset.done $0x0  }
0x87: {  	[sflag:s10] =	ssyncadd.s32 $0xFFFFCE00  }
0x88: {  	_ =	swait.ge [sflag:s9], $0x3200  }
0x89: {  	[sflag:s9] =	ssyncset.done $0x0  }
0x8a: {  	[sflag:s9] =	ssyncadd.s32 $0xFFFFCE00  }
0x8b: {  	[spmem:s2] =	stream.indirect.scatter.add.f32 [tilespmem:s8], [sflag:$0x3], $0x80, s15, s12, $0xb8;
	[tilespmem:$0x1C800] =	vst v63  }
0x8c: {  	_ =	swait.ge [sflag:s10], $0x3200  }
0x8d: {  	[sflag:s10] =	ssyncset.done $0x0  }
0x8e: {  	s19 =	simm.s32 $0x0;
	s20 =	rddreg [dreg:$0x7];
	[sflag:s10] =	ssyncadd.s32 $0xFFFFCE00  }
0x8f: {  	[tilespmem:s19], [sflag:$0x3] =	stream.linear.gather [hbm4b:s20+s19], $0xC80, $0x38;
	[tilespmem:$0x1C800] =	vst v63  }
0x90: {  	_ =	swait.ge [sflag:s10], $0xC80  }
0x91: {  	[sflag:s10] =	ssyncset.done $0x0  }
0x92: {  	s21 =	rddreg [dreg:$0x8];
	[sflag:s10] =	ssyncadd.s32 $0xFFFFF380  }
0x93: {  	[tilespmem:s11], [sflag:$0x3] =	stream.linear.gather [hbm4b:s21+s19], $0xC80, $0x38;
	[tilespmem:$0x1C800] =	vst v63  }
0x94: {  	_ =	swait.ge [sflag:s10], $0xC80  }
0x95: {  	[sflag:s10] =	ssyncset.done $0x0  }
0x96: {  	[sflag:s10] =	ssyncadd.s32 $0xFFFFF380  }
0x97: {  	[tilespmem:s8], [sflag:$0x1] =	stream.indirect.gather [hbm4b:s4+s12], $0x80, s19, s12, $0xb8;
	[tilespmem:$0x1C800] =	vst v63  }
0x98: {  	s18 =	simm.s32 $0x80  }
0x99: {  	[tilespmem:s13], [sflag:$0x2] =	stream.indirect.gather [hbm4b:s4+s12], $0x80, s18, s12, $0xb8;
	[tilespmem:$0x1C800] =	vst v63  }
0x9a: {  	_ =	swait.ge [sflag:s9], $0x3200  }
0x9b: {  	[sflag:s9] =	ssyncset.done $0x0  }
0x9c: {  	s19 =	simm.s32 $0x1000;
	[sflag:s9] =	ssyncadd.s32 $0xFFFFCE00  }
0x9d: {  	[spmem:s2] =	stream.indirect.scatter.add.f32 [tilespmem:s8], [sflag:$0x3], $0x80, s19, s12, $0xb8;
	[tilespmem:$0x1C800] =	vst v63  }
0x9e: {  	_ =	swait.ge [sflag:s10], $0x3200  }
0x9f: {  	[sflag:s10] =	ssyncset.done $0x0  }
0xa0: {  	s20 =	simm.s32 $0x100;
	[sflag:s10] =	ssyncadd.s32 $0xFFFFCE00  }
0xa1: {  	[tilespmem:s8], [sflag:$0x1] =	stream.indirect.gather [hbm4b:s4+s12], $0x80, s20, s12, $0xb8;
	[tilespmem:$0x1C800] =	vst v63  }
0xa2: {  	_ =	swait.ge [sflag:s14], $0x3200  }
0xa3: {  	[sflag:s14] =	ssyncset.done $0x0  }
0xa4: {  	s21 =	simm.s32 $0x1080;
	[sflag:s14] =	ssyncadd.s32 $0xFFFFCE00  }
0xa5: {  	[spmem:s2] =	stream.indirect.scatter.add.f32 [tilespmem:s13], [sflag:$0x3], $0x80, s21, s12, $0xb8;
	[tilespmem:$0x1C800] =	vst v63  }
0xa6: {  	_ =	swait.ge [sflag:s10], $0x3200  }
0xa7: {  	s17 =	simm.s32 $0x100;
	s18 =	simm.s32 $0x800;
	[sflag:s10] =	ssyncset.done $0x0  }
.LBB2_4:
0xa8: {  	s19 =	sadd.s32 $0x80, s17  }
0xa9: {  	[sflag:s10] =	ssyncadd.s32 $0xFFFFCE00;
	s20 =	smov.u32 s18;
	s21 =	sadd.s32 $0x400, s18  }
0xaa: {  	[tilespmem:s13], [sflag:$0x2] =	stream.indirect.gather [hbm4b:s4+s12], $0x80, s19, s12, $0xb8;
	[tilespmem:$0x1C800] =	vst v63  }
0xab: {  	p0 =	sne.s32 s18, $0x2C00;
	_ =	swait.ge [sflag:s9], $0x3200  }
0xac: {  	[sflag:s9] =	ssyncset.done $0x0  }
0xad: {  	s18 =	sadd.s32 $0x1000, s17;
	[sflag:s9] =	ssyncadd.s32 $0xFFFFCE00  }
0xae: {  	[spmem:s2] =	stream.indirect.scatter.add.f32 [tilespmem:s8], [sflag:$0x3], $0x80, s18, s12, $0xb8;
	[tilespmem:$0x1C800] =	vst v63  }
0xaf: {  	_ =	swait.ge [sflag:s10], $0x3200  }
0xb0: {  	[sflag:s10] =	ssyncset.done $0x0  }
0xb1: {  	s18 =	sadd.s32 $0x100, s17;
	[sflag:s10] =	ssyncadd.s32 $0xFFFFCE00  }
0xb2: {  	[tilespmem:s8], [sflag:$0x1] =	stream.indirect.gather [hbm4b:s4+s12], $0x80, s18, s12, $0xb8;
	[tilespmem:$0x1C800] =	vst v63  }
0xb3: {  	_ =	swait.ge [sflag:s14], $0x3200  }
.Ltmp1:
0xb4: {  	[sflag:s14] =	ssyncset.done $0x0;
	(pc) =	sbr.rel @p0 .LBB2_4-.Ltmp1, $4  }
0xb5: {  	s17 =	sadd.s32 $0x1080, s17;
	[sflag:s14] =	ssyncadd.s32 $0xFFFFCE00  }
0xb6: {  	[spmem:s2] =	stream.indirect.scatter.add.f32 [tilespmem:s13], [sflag:$0x3], $0x80, s17, s12, $0xb8;
	[tilespmem:$0x1C800] =	vst v63  }
0xb7: {  	_ =	swait.ge [sflag:s10], $0x3200  }
0xb8: {  	s18 =	smov.u32 s21;
	s17 =	sshra.s32 s20, $0x2;
	[sflag:s10] =	ssyncset.done $0x0  }
0xb9: {  	s18 =	sadd.s32 $0x80, s17;
	[sflag:s10] =	ssyncadd.s32 $0xFFFFCE00  }
0xba: {  	[tilespmem:s13], [sflag:$0x2] =	stream.indirect.gather [hbm4b:s4+s12], $0x80, s18, s12, $0xb8;
	[tilespmem:$0x1C800] =	vst v63  }
0xbb: {  	_ =	swait.ge [sflag:s9], $0x3200  }
0xbc: {  	[sflag:s9] =	ssyncset.done $0x0  }
0xbd: {  	s20 =	sadd.s32 $0x1000, s17;
	[sflag:s9] =	ssyncadd.s32 $0xFFFFCE00  }
0xbe: {  	[spmem:s2] =	stream.indirect.scatter.add.f32 [tilespmem:s8], [sflag:$0x3], $0x80, s20, s12, $0xb8;
	[tilespmem:$0x1C800] =	vst v63  }
0xbf: {  	_ =	swait.ge [sflag:s10], $0x3200  }
0xc0: {  	[sflag:s10] =	ssyncset.done $0x0  }
0xc1: {  	s21 =	sadd.s32 $0x100, s17;
	[sflag:s10] =	ssyncadd.s32 $0xFFFFCE00  }
0xc2: {  	[tilespmem:s8], [sflag:$0x1] =	stream.indirect.gather [hbm4b:s4+s12], $0x80, s21, s12, $0xb8;
	[tilespmem:$0x1C800] =	vst v63  }
0xc3: {  	_ =	swait.ge [sflag:s14], $0x3200  }
0xc4: {  	[sflag:s14] =	ssyncset.done $0x0  }
0xc5: {  	s18 =	sadd.s32 $0x1080, s17;
	[sflag:s14] =	ssyncadd.s32 $0xFFFFCE00  }
0xc6: {  	[spmem:s2] =	stream.indirect.scatter.add.f32 [tilespmem:s13], [sflag:$0x3], $0x80, s18, s12, $0xb8;
	[tilespmem:$0x1C800] =	vst v63  }
0xc7: {  	_ =	swait.ge [sflag:s10], $0x3200  }
0xc8: {  	[sflag:s10] =	ssyncset.done $0x0  }
0xc9: {  	[sflag:s10] =	ssyncadd.s32 $0xFFFFCE00  }
0xca: {  	_ =	swait.ge [sflag:s9], $0x3200  }
0xcb: {  	[sflag:s9] =	ssyncset.done $0x0  }
0xcc: {  	[sflag:s9] =	ssyncadd.s32 $0xFFFFCE00  }
0xcd: {  	[spmem:s2] =	stream.indirect.scatter.add.f32 [tilespmem:s8], [sflag:$0x3], $0x80, s15, s12, $0xb8;
	[tilespmem:$0x1C800] =	vst v63  }
0xce: {  	_ =	swait.ge [sflag:s10], $0x3200  }
0xcf: {  	[sflag:s10] =	ssyncset.done $0x0  }
0xd0: {  	s19 =	simm.s32 $0x0;
	s20 =	rddreg [dreg:$0x9];
	[sflag:s10] =	ssyncadd.s32 $0xFFFFCE00  }
0xd1: {  	[tilespmem:s19], [sflag:$0x3] =	stream.linear.gather [hbm4b:s20+s19], $0xC80, $0x38;
	[tilespmem:$0x1C800] =	vst v63  }
0xd2: {  	_ =	swait.ge [sflag:s10], $0xC80  }
0xd3: {  	[sflag:s10] =	ssyncset.done $0x0  }
0xd4: {  	s21 =	rddreg [dreg:$0xa];
	[sflag:s10] =	ssyncadd.s32 $0xFFFFF380  }
0xd5: {  	[tilespmem:s11], [sflag:$0x3] =	stream.linear.gather [hbm4b:s21+s19], $0xC80, $0x38;
	[tilespmem:$0x1C800] =	vst v63  }
0xd6: {  	_ =	swait.ge [sflag:s10], $0xC80  }
0xd7: {  	[sflag:s10] =	ssyncset.done $0x0  }
0xd8: {  	[sflag:s10] =	ssyncadd.s32 $0xFFFFF380  }
0xd9: {  	[tilespmem:s8], [sflag:$0x1] =	stream.indirect.gather [hbm4b:s4+s12], $0x80, s19, s12, $0xb8;
	[tilespmem:$0x1C800] =	vst v63  }
0xda: {  	s18 =	simm.s32 $0x80  }
0xdb: {  	[tilespmem:s13], [sflag:$0x2] =	stream.indirect.gather [hbm4b:s4+s12], $0x80, s18, s12, $0xb8;
	[tilespmem:$0x1C800] =	vst v63  }
0xdc: {  	_ =	swait.ge [sflag:s9], $0x3200  }
0xdd: {  	[sflag:s9] =	ssyncset.done $0x0  }
0xde: {  	s19 =	simm.s32 $0x1000;
	[sflag:s9] =	ssyncadd.s32 $0xFFFFCE00  }
0xdf: {  	[spmem:s2] =	stream.indirect.scatter.add.f32 [tilespmem:s8], [sflag:$0x3], $0x80, s19, s12, $0xb8;
	[tilespmem:$0x1C800] =	vst v63  }
0xe0: {  	_ =	swait.ge [sflag:s10], $0x3200  }
0xe1: {  	[sflag:s10] =	ssyncset.done $0x0  }
0xe2: {  	s20 =	simm.s32 $0x100;
	[sflag:s10] =	ssyncadd.s32 $0xFFFFCE00  }
0xe3: {  	[tilespmem:s8], [sflag:$0x1] =	stream.indirect.gather [hbm4b:s4+s12], $0x80, s20, s12, $0xb8;
	[tilespmem:$0x1C800] =	vst v63  }
0xe4: {  	_ =	swait.ge [sflag:s14], $0x3200  }
0xe5: {  	[sflag:s14] =	ssyncset.done $0x0  }
0xe6: {  	s21 =	simm.s32 $0x1080;
	[sflag:s14] =	ssyncadd.s32 $0xFFFFCE00  }
0xe7: {  	[spmem:s2] =	stream.indirect.scatter.add.f32 [tilespmem:s13], [sflag:$0x3], $0x80, s21, s12, $0xb8;
	[tilespmem:$0x1C800] =	vst v63  }
0xe8: {  	_ =	swait.ge [sflag:s10], $0x3200  }
0xe9: {  	s17 =	simm.s32 $0x100;
	s18 =	simm.s32 $0x800;
	[sflag:s10] =	ssyncset.done $0x0  }
.LBB2_6:
0xea: {  	s19 =	sadd.s32 $0x80, s17  }
0xeb: {  	[sflag:s10] =	ssyncadd.s32 $0xFFFFCE00;
	s20 =	smov.u32 s18;
	s21 =	sadd.s32 $0x400, s18  }
0xec: {  	[tilespmem:s13], [sflag:$0x2] =	stream.indirect.gather [hbm4b:s4+s12], $0x80, s19, s12, $0xb8;
	[tilespmem:$0x1C800] =	vst v63  }
0xed: {  	p0 =	sne.s32 s18, $0x2C00;
	_ =	swait.ge [sflag:s9], $0x3200  }
0xee: {  	[sflag:s9] =	ssyncset.done $0x0  }
0xef: {  	s18 =	sadd.s32 $0x1000, s17;
	[sflag:s9] =	ssyncadd.s32 $0xFFFFCE00  }
0xf0: {  	[spmem:s2] =	stream.indirect.scatter.add.f32 [tilespmem:s8], [sflag:$0x3], $0x80, s18, s12, $0xb8;
	[tilespmem:$0x1C800] =	vst v63  }
0xf1: {  	_ =	swait.ge [sflag:s10], $0x3200  }
0xf2: {  	[sflag:s10] =	ssyncset.done $0x0  }
0xf3: {  	s18 =	sadd.s32 $0x100, s17;
	[sflag:s10] =	ssyncadd.s32 $0xFFFFCE00  }
0xf4: {  	[tilespmem:s8], [sflag:$0x1] =	stream.indirect.gather [hbm4b:s4+s12], $0x80, s18, s12, $0xb8;
	[tilespmem:$0x1C800] =	vst v63  }
0xf5: {  	_ =	swait.ge [sflag:s14], $0x3200  }
.Ltmp2:
0xf6: {  	[sflag:s14] =	ssyncset.done $0x0;
	(pc) =	sbr.rel @p0 .LBB2_6-.Ltmp2, $4  }
0xf7: {  	s17 =	sadd.s32 $0x1080, s17;
	[sflag:s14] =	ssyncadd.s32 $0xFFFFCE00  }
0xf8: {  	[spmem:s2] =	stream.indirect.scatter.add.f32 [tilespmem:s13], [sflag:$0x3], $0x80, s17, s12, $0xb8;
	[tilespmem:$0x1C800] =	vst v63  }
0xf9: {  	_ =	swait.ge [sflag:s10], $0x3200  }
0xfa: {  	s18 =	smov.u32 s21;
	s17 =	sshra.s32 s20, $0x2;
	[sflag:s10] =	ssyncset.done $0x0  }
0xfb: {  	s18 =	sadd.s32 $0x80, s17;
	[sflag:s10] =	ssyncadd.s32 $0xFFFFCE00  }
0xfc: {  	[tilespmem:s13], [sflag:$0x2] =	stream.indirect.gather [hbm4b:s4+s12], $0x80, s18, s12, $0xb8;
	[tilespmem:$0x1C800] =	vst v63  }
0xfd: {  	_ =	swait.ge [sflag:s9], $0x3200  }
0xfe: {  	[sflag:s9] =	ssyncset.done $0x0  }
0xff: {  	s20 =	sadd.s32 $0x1000, s17;
	[sflag:s9] =	ssyncadd.s32 $0xFFFFCE00  }
0x100: {  	[spmem:s2] =	stream.indirect.scatter.add.f32 [tilespmem:s8], [sflag:$0x3], $0x80, s20, s12, $0xb8;
	[tilespmem:$0x1C800] =	vst v63  }
0x101: {  	_ =	swait.ge [sflag:s10], $0x3200  }
0x102: {  	[sflag:s10] =	ssyncset.done $0x0  }
0x103: {  	s21 =	sadd.s32 $0x100, s17;
	[sflag:s10] =	ssyncadd.s32 $0xFFFFCE00  }
0x104: {  	[tilespmem:s8], [sflag:$0x1] =	stream.indirect.gather [hbm4b:s4+s12], $0x80, s21, s12, $0xb8;
	[tilespmem:$0x1C800] =	vst v63  }
0x105: {  	_ =	swait.ge [sflag:s14], $0x3200  }
0x106: {  	[sflag:s14] =	ssyncset.done $0x0  }
0x107: {  	s18 =	sadd.s32 $0x1080, s17;
	[sflag:s14] =	ssyncadd.s32 $0xFFFFCE00  }
0x108: {  	[spmem:s2] =	stream.indirect.scatter.add.f32 [tilespmem:s13], [sflag:$0x3], $0x80, s18, s12, $0xb8;
	[tilespmem:$0x1C800] =	vst v63  }
0x109: {  	_ =	swait.ge [sflag:s10], $0x3200  }
0x10a: {  	[sflag:s10] =	ssyncset.done $0x0  }
0x10b: {  	[sflag:s10] =	ssyncadd.s32 $0xFFFFCE00  }
0x10c: {  	_ =	swait.ge [sflag:s9], $0x3200  }
0x10d: {  	[sflag:s9] =	ssyncset.done $0x0  }
0x10e: {  	[sflag:s9] =	ssyncadd.s32 $0xFFFFCE00  }
0x10f: {  	[spmem:s2] =	stream.indirect.scatter.add.f32 [tilespmem:s8], [sflag:$0x3], $0x80, s15, s12, $0xb8;
	[tilespmem:$0x1C800] =	vst v63  }
0x110: {  	_ =	swait.ge [sflag:s10], $0x3200  }
0x111: {  	[sflag:s10] =	ssyncset.done $0x0  }
0x112: {  	s19 =	simm.s32 $0x0;
	s20 =	rddreg [dreg:$0xb];
	[sflag:s10] =	ssyncadd.s32 $0xFFFFCE00  }
0x113: {  	[tilespmem:s19], [sflag:$0x3] =	stream.linear.gather [hbm4b:s20+s19], $0xC80, $0x38;
	[tilespmem:$0x1C800] =	vst v63  }
0x114: {  	_ =	swait.ge [sflag:s10], $0xC80  }
0x115: {  	[sflag:s10] =	ssyncset.done $0x0  }
0x116: {  	s21 =	rddreg [dreg:$0xc];
	[sflag:s10] =	ssyncadd.s32 $0xFFFFF380  }
0x117: {  	[tilespmem:s11], [sflag:$0x3] =	stream.linear.gather [hbm4b:s21+s19], $0xC80, $0x38;
	[tilespmem:$0x1C800] =	vst v63  }
0x118: {  	_ =	swait.ge [sflag:s10], $0xC80  }
0x119: {  	[sflag:s10] =	ssyncset.done $0x0  }
0x11a: {  	[sflag:s10] =	ssyncadd.s32 $0xFFFFF380  }
0x11b: {  	[tilespmem:s8], [sflag:$0x1] =	stream.indirect.gather [hbm4b:s4+s12], $0x80, s19, s12, $0xb8;
	[tilespmem:$0x1C800] =	vst v63  }
0x11c: {  	s18 =	simm.s32 $0x80  }
0x11d: {  	[tilespmem:s13], [sflag:$0x2] =	stream.indirect.gather [hbm4b:s4+s12], $0x80, s18, s12, $0xb8;
	[tilespmem:$0x1C800] =	vst v63  }
0x11e: {  	_ =	swait.ge [sflag:s9], $0x3200  }
0x11f: {  	[sflag:s9] =	ssyncset.done $0x0  }
0x120: {  	s19 =	simm.s32 $0x1000;
	[sflag:s9] =	ssyncadd.s32 $0xFFFFCE00  }
0x121: {  	[spmem:s2] =	stream.indirect.scatter.add.f32 [tilespmem:s8], [sflag:$0x3], $0x80, s19, s12, $0xb8;
	[tilespmem:$0x1C800] =	vst v63  }
0x122: {  	_ =	swait.ge [sflag:s10], $0x3200  }
0x123: {  	[sflag:s10] =	ssyncset.done $0x0  }
0x124: {  	s20 =	simm.s32 $0x100;
	[sflag:s10] =	ssyncadd.s32 $0xFFFFCE00  }
0x125: {  	[tilespmem:s8], [sflag:$0x1] =	stream.indirect.gather [hbm4b:s4+s12], $0x80, s20, s12, $0xb8;
	[tilespmem:$0x1C800] =	vst v63  }
0x126: {  	_ =	swait.ge [sflag:s14], $0x3200  }
0x127: {  	[sflag:s14] =	ssyncset.done $0x0  }
0x128: {  	s21 =	simm.s32 $0x1080;
	[sflag:s14] =	ssyncadd.s32 $0xFFFFCE00  }
0x129: {  	[spmem:s2] =	stream.indirect.scatter.add.f32 [tilespmem:s13], [sflag:$0x3], $0x80, s21, s12, $0xb8;
	[tilespmem:$0x1C800] =	vst v63  }
0x12a: {  	_ =	swait.ge [sflag:s10], $0x3200  }
0x12b: {  	s17 =	simm.s32 $0x100;
	s18 =	simm.s32 $0x800;
	[sflag:s10] =	ssyncset.done $0x0  }
.LBB2_8:
0x12c: {  	s19 =	sadd.s32 $0x80, s17  }
0x12d: {  	[sflag:s10] =	ssyncadd.s32 $0xFFFFCE00;
	s20 =	smov.u32 s18;
	s21 =	sadd.s32 $0x400, s18  }
0x12e: {  	[tilespmem:s13], [sflag:$0x2] =	stream.indirect.gather [hbm4b:s4+s12], $0x80, s19, s12, $0xb8;
	[tilespmem:$0x1C800] =	vst v63  }
0x12f: {  	p0 =	sne.s32 s18, $0x2C00;
	_ =	swait.ge [sflag:s9], $0x3200  }
0x130: {  	[sflag:s9] =	ssyncset.done $0x0  }
0x131: {  	s18 =	sadd.s32 $0x1000, s17;
	[sflag:s9] =	ssyncadd.s32 $0xFFFFCE00  }
0x132: {  	[spmem:s2] =	stream.indirect.scatter.add.f32 [tilespmem:s8], [sflag:$0x3], $0x80, s18, s12, $0xb8;
	[tilespmem:$0x1C800] =	vst v63  }
0x133: {  	_ =	swait.ge [sflag:s10], $0x3200  }
0x134: {  	[sflag:s10] =	ssyncset.done $0x0  }
0x135: {  	s18 =	sadd.s32 $0x100, s17;
	[sflag:s10] =	ssyncadd.s32 $0xFFFFCE00  }
0x136: {  	[tilespmem:s8], [sflag:$0x1] =	stream.indirect.gather [hbm4b:s4+s12], $0x80, s18, s12, $0xb8;
	[tilespmem:$0x1C800] =	vst v63  }
0x137: {  	_ =	swait.ge [sflag:s14], $0x3200  }
.Ltmp3:
0x138: {  	[sflag:s14] =	ssyncset.done $0x0;
	(pc) =	sbr.rel @p0 .LBB2_8-.Ltmp3, $4  }
0x139: {  	s17 =	sadd.s32 $0x1080, s17;
	[sflag:s14] =	ssyncadd.s32 $0xFFFFCE00  }
0x13a: {  	[spmem:s2] =	stream.indirect.scatter.add.f32 [tilespmem:s13], [sflag:$0x3], $0x80, s17, s12, $0xb8;
	[tilespmem:$0x1C800] =	vst v63  }
0x13b: {  	_ =	swait.ge [sflag:s10], $0x3200  }
0x13c: {  	s18 =	smov.u32 s21;
	s17 =	sshra.s32 s20, $0x2;
	[sflag:s10] =	ssyncset.done $0x0  }
0x13d: {  	s18 =	sadd.s32 $0x80, s17;
	[sflag:s10] =	ssyncadd.s32 $0xFFFFCE00  }
0x13e: {  	[tilespmem:s13], [sflag:$0x2] =	stream.indirect.gather [hbm4b:s4+s12], $0x80, s18, s12, $0xb8;
	[tilespmem:$0x1C800] =	vst v63  }
0x13f: {  	_ =	swait.ge [sflag:s9], $0x3200  }
0x140: {  	[sflag:s9] =	ssyncset.done $0x0  }
0x141: {  	s20 =	sadd.s32 $0x1000, s17;
	[sflag:s9] =	ssyncadd.s32 $0xFFFFCE00  }
0x142: {  	[spmem:s2] =	stream.indirect.scatter.add.f32 [tilespmem:s8], [sflag:$0x3], $0x80, s20, s12, $0xb8;
	[tilespmem:$0x1C800] =	vst v63  }
0x143: {  	_ =	swait.ge [sflag:s10], $0x3200  }
0x144: {  	[sflag:s10] =	ssyncset.done $0x0  }
0x145: {  	s21 =	sadd.s32 $0x100, s17;
	[sflag:s10] =	ssyncadd.s32 $0xFFFFCE00  }
0x146: {  	[tilespmem:s8], [sflag:$0x1] =	stream.indirect.gather [hbm4b:s4+s12], $0x80, s21, s12, $0xb8;
	[tilespmem:$0x1C800] =	vst v63  }
0x147: {  	_ =	swait.ge [sflag:s14], $0x3200  }
0x148: {  	[sflag:s14] =	ssyncset.done $0x0  }
0x149: {  	s18 =	sadd.s32 $0x1080, s17;
	[sflag:s14] =	ssyncadd.s32 $0xFFFFCE00  }
0x14a: {  	[spmem:s2] =	stream.indirect.scatter.add.f32 [tilespmem:s13], [sflag:$0x3], $0x80, s18, s12, $0xb8;
	[tilespmem:$0x1C800] =	vst v63  }
0x14b: {  	_ =	swait.ge [sflag:s10], $0x3200  }
0x14c: {  	[sflag:s10] =	ssyncset.done $0x0  }
0x14d: {  	[sflag:s10] =	ssyncadd.s32 $0xFFFFCE00  }
0x14e: {  	_ =	swait.ge [sflag:s9], $0x3200  }
0x14f: {  	[sflag:s9] =	ssyncset.done $0x0  }
0x150: {  	[sflag:s9] =	ssyncadd.s32 $0xFFFFCE00  }
0x151: {  	[spmem:s2] =	stream.indirect.scatter.add.f32 [tilespmem:s8], [sflag:$0x3], $0x80, s15, s12, $0xb8;
	[tilespmem:$0x1C800] =	vst v63  }
0x152: {  	_ =	swait.ge [sflag:s10], $0x3200  }
0x153: {  	[sflag:s10] =	ssyncset.done $0x0  }
0x154: {  	[sflag:s10] =	ssyncadd.s32 $0xFFFFCE00  }
0x155: {  	[bflag:$0x0] =	sbarrier.arrive $0xFFFF  }
0x156: {  	[tilespmem:s8], [sflag:$0x1] =	stream.linear.gather [spmem:s6], $0x2000, $0x38;
	[tilespmem:$0x1C800] =	vst v63  }
0x157: {  	_ =	swait.ge [sflag:s9], $0x2000  }
0x158: {  	[sflag:s9] =	ssyncset.done $0x0  }
0x159: {  	s19 =	rddreg [dreg:$0xe];
	[sflag:s9] =	ssyncadd.s32 $0xFFFFE000  }
0x15a: {  	[hbm4b:s19+s3] =	stream.linear.scatter [tilespmem:s8], [sflag:$0x1], $0x2000, $0x38;
	[tilespmem:$0x1C800] =	vst v63  }
0x15b: {  	_ =	swait.ge [sflag:s9], $0x2000  }
0x15c: {  	[sflag:s9] =	ssyncset.done $0x0  }
0x15d: {  	[sflag:s9] =	ssyncadd.s32 $0xFFFFE000  }
0x15e: {  	[tilespmem:s8], [sflag:$0x1] =	stream.linear.gather [spmem:s26], $0x2000, $0x38;
	[tilespmem:$0x1C800] =	vst v63  }
0x15f: {  	_ =	swait.ge [sflag:s9], $0x2000  }
0x160: {  	[sflag:s9] =	ssyncset.done $0x0  }
0x161: {  	s20 =	rddreg [dreg:$0xf];
	[sflag:s9] =	ssyncadd.s32 $0xFFFFE000  }
0x162: {  	[hbm4b:s20+s3] =	stream.linear.scatter [tilespmem:s8], [sflag:$0x1], $0x2000, $0x38;
	[tilespmem:$0x1C800] =	vst v63  }
0x163: {  	_ =	swait.ge [sflag:s9], $0x2000  }
0x164: {  	[sflag:s9] =	ssyncset.done $0x0  }
0x165: {  	[sflag:s9] =	ssyncadd.s32 $0xFFFFE000  }
0x166: {  	[tilespmem:s8], [sflag:$0x1] =	stream.linear.gather [spmem:s28], $0x2000, $0x38;
	[tilespmem:$0x1C800] =	vst v63  }
0x167: {  	_ =	swait.ge [sflag:s9], $0x2000  }
0x168: {  	[sflag:s9] =	ssyncset.done $0x0  }
0x169: {  	s21 =	rddreg [dreg:$0x10];
	[sflag:s9] =	ssyncadd.s32 $0xFFFFE000  }
0x16a: {  	[hbm4b:s21+s3] =	stream.linear.scatter [tilespmem:s8], [sflag:$0x1], $0x2000, $0x38;
	[tilespmem:$0x1C800] =	vst v63  }
0x16b: {  	_ =	swait.ge [sflag:s9], $0x2000  }
0x16c: {  	[sflag:s9] =	ssyncset.done $0x0  }
0x16d: {  	[sflag:s9] =	ssyncadd.s32 $0xFFFFE000  }
0x16e: {  	[tilespmem:s8], [sflag:$0x1] =	stream.linear.gather [spmem:s29], $0x2000, $0x38;
	[tilespmem:$0x1C800] =	vst v63  }
0x16f: {  	_ =	swait.ge [sflag:s9], $0x2000  }
0x170: {  	[sflag:s9] =	ssyncset.done $0x0  }
0x171: {  	s18 =	rddreg [dreg:$0x11];
	[sflag:s9] =	ssyncadd.s32 $0xFFFFE000  }
0x172: {  	[hbm4b:s18+s3] =	stream.linear.scatter [tilespmem:s8], [sflag:$0x1], $0x2000, $0x38;
	[tilespmem:$0x1C800] =	vst v63  }
0x173: {  	_ =	swait.ge [sflag:s9], $0x2000  }
0x174: {  	[sflag:s9] =	ssyncset.done $0x0  }
0x175: {  	[sflag:s9] =	ssyncadd.s32 $0xFFFFE000  }
0x176: {  	[tilespmem:s8], [sflag:$0x1] =	stream.linear.gather [spmem:s30], $0x2000, $0x38;
	[tilespmem:$0x1C800] =	vst v63  }
0x177: {  	_ =	swait.ge [sflag:s9], $0x2000  }
0x178: {  	[sflag:s9] =	ssyncset.done $0x0  }
0x179: {  	s19 =	rddreg [dreg:$0x12];
	[sflag:s9] =	ssyncadd.s32 $0xFFFFE000  }
0x17a: {  	[hbm4b:s19+s3] =	stream.linear.scatter [tilespmem:s8], [sflag:$0x1], $0x2000, $0x38;
	[tilespmem:$0x1C800] =	vst v63  }
0x17b: {  	_ =	swait.ge [sflag:s9], $0x2000  }
0x17c: {  	[sflag:s9] =	ssyncset.done $0x0  }
0x17d: {  	[sflag:s9] =	ssyncadd.s32 $0xFFFFE000  }
0x17e: {  	[tilespmem:s8], [sflag:$0x1] =	stream.linear.gather [spmem:s31], $0x2000, $0x38;
	[tilespmem:$0x1C800] =	vst v63  }
0x17f: {  	_ =	swait.ge [sflag:s9], $0x2000  }
0x180: {  	[sflag:s9] =	ssyncset.done $0x0  }
0x181: {  	s20 =	rddreg [dreg:$0x13];
	[sflag:s9] =	ssyncadd.s32 $0xFFFFE000  }
0x182: {  	[hbm4b:s20+s3] =	stream.linear.scatter [tilespmem:s8], [sflag:$0x1], $0x2000, $0x38;
	[tilespmem:$0x1C800] =	vst v63  }
0x183: {  	_ =	swait.ge [sflag:s9], $0x2000  }
0x184: {  	[sflag:s9] =	ssyncset.done $0x0  }
0x185: {  	[sflag:s9] =	ssyncadd.s32 $0xFFFFE000  }
0x186: {  	[tilespmem:s8], [sflag:$0x1] =	stream.linear.gather [spmem:s0], $0x2000, $0x38;
	[tilespmem:$0x1C800] =	vst v63  }
0x187: {  	_ =	swait.ge [sflag:s9], $0x2000  }
0x188: {  	[sflag:s9] =	ssyncset.done $0x0  }
0x189: {  	[sflag:s9] =	ssyncadd.s32 $0xFFFFE000  }
0x18a: {  	[hbm4b:s22+s3] =	stream.linear.scatter [tilespmem:s8], [sflag:$0x1], $0x2000, $0x38;
	[tilespmem:$0x1C800] =	vst v63  }
0x18b: {  	_ =	swait.ge [sflag:s9], $0x2000  }
0x18c: {  	[sflag:s9] =	ssyncset.done $0x0  }
0x18d: {  	[sflag:s9] =	ssyncadd.s32 $0xFFFFE000  }
0x18e: {  	[tilespmem:s8], [sflag:$0x1] =	stream.linear.gather [spmem:s1], $0x2000, $0x38;
	[tilespmem:$0x1C800] =	vst v63  }
0x18f: {  	_ =	swait.ge [sflag:s9], $0x2000  }
0x190: {  	[sflag:s9] =	ssyncset.done $0x0  }
0x191: {  	[sflag:s9] =	ssyncadd.s32 $0xFFFFE000  }
0x192: {  	[hbm4b:s23+s3] =	stream.linear.scatter [tilespmem:s8], [sflag:$0x1], $0x2000, $0x38;
	[tilespmem:$0x1C800] =	vst v63  }
0x193: {  	_ =	swait.ge [sflag:s9], $0x2000  }
0x194: {  	[sflag:s9] =	ssyncset.done $0x0  }
0x195: {  	[sflag:s9] =	ssyncadd.s32 $0xFFFFE000  }
0x196: {  	[tilespmem:s8], [sflag:$0x1] =	stream.linear.gather [spmem:s5], $0x2000, $0x38;
	[tilespmem:$0x1C800] =	vst v63  }
0x197: {  	_ =	swait.ge [sflag:s9], $0x2000  }
0x198: {  	[sflag:s9] =	ssyncset.done $0x0  }
0x199: {  	[sflag:s9] =	ssyncadd.s32 $0xFFFFE000  }
0x19a: {  	[hbm4b:s24+s3] =	stream.linear.scatter [tilespmem:s8], [sflag:$0x1], $0x2000, $0x38;
	[tilespmem:$0x1C800] =	vst v63  }
0x19b: {  	_ =	swait.ge [sflag:s9], $0x2000  }
0x19c: {  	[sflag:s9] =	ssyncset.done $0x0  }
0x19d: {  	[sflag:s9] =	ssyncadd.s32 $0xFFFFE000  }
0x19e: {  	[tilespmem:s8], [sflag:$0x1] =	stream.linear.gather [spmem:s7], $0x2000, $0x38;
	[tilespmem:$0x1C800] =	vst v63  }
0x19f: {  	_ =	swait.ge [sflag:s9], $0x2000  }
0x1a0: {  	[sflag:s9] =	ssyncset.done $0x0  }
0x1a1: {  	[sflag:s9] =	ssyncadd.s32 $0xFFFFE000  }
0x1a2: {  	[hbm4b:s25+s3] =	stream.linear.scatter [tilespmem:s8], [sflag:$0x1], $0x2000, $0x38;
	[tilespmem:$0x1C800] =	vst v63  }
0x1a3: {  	_ =	swait.ge [sflag:s9], $0x2000  }
0x1a4: {  	s16 =	sadd.s32 $0x1, s16;
	s21 =	rddreg [dreg:$0xd]  }
0x1a5: {  	p0 =	sne.s32 s16, s21  }
.Ltmp4:
0x1a6: {  	_ = 	snop;
	(pc) =	sbr.rel @p0 .LBB2_1-.Ltmp4, $3  }
0x1a7: {  	_ =	sdelay $0x1  }
0x1a8: {  	[sflag:s9] =	ssyncset.done $0x0  }
0x1a9: {  	[sflag:s9] =	ssyncadd.s32 $0xFFFFE000  }
0x1aa: {  	_ =	sfence.sel $0x180000  }
0x1ab: {  	[bflag:$0x0] =	sbarrier.arrive $0xFFFF  }
0x1ac: {  	_ =	strace $0x9000004D  }
0x1ad: {  	s0 =	stileid.u32;
	[bflag:$0x2] =	sbarrier.arrive $0xFFFF  }
0x1ae: {  	p0 =	sne.s32 s0, $0x0;
	s0 =	rddreg [dreg:$0x3]  }
0x1af: {  	s0 =	sadd.s32 @!p0 $0x100000, s0  }
0x1b0: {  	[sflag:s0] =	ssyncadd.tile.s32 @!p0 $0x1;
	_ =	shalt  }
.Lfunc_end2:
_tile_overlayer_lowered:
.L_overlay_start_2:
0x1b1: {  	(tag) =	ssettag $0x2  }
0x1b2: {  	s0 =	rddreg [dreg:$0x0];
	s2 =	stileid.u32  }
0x1b3: {  	s1 =	rddreg [dreg:$0x1];
	p0 =	sne.s32 s2, $0x0  }
0x1b4: {  	s3 =	rddreg [dreg:$0x2];
	[bflag:$0x3] =	sbarrier.arrive $0xFFFF;
	s2 =	simm.s32 @!p0 $0x1C01  }
0x1b5: {  	[timem:s3], [sflag:s2] =	dma.local @!p0 [hbm:s0], s1  }
0x1b6: {  	s0 =	simm.s32 @!p0 $0x1  }
0x1b7: {  	_ =	swait.ge @!p0 [sflag:s0], s1  }
0x1b8: {  	s1 =	ssub.s32 @!p0 $0x0, s1;
	[sflag:s0] =	ssyncset.done @!p0 $0x0  }
0x1b9: {  	[sflag:s0] =	ssyncadd.s32 @!p0 s1  }
0x1ba: {  	[bflag:$0x3] =	sbarrier.arrive $0xFFFF  }
0x1bb: {  	_ =	shalt  }

// kernel: kernel.7.cloned.1.call-start
scs
__scs_entry_jumppad:
0x0: {  	(pc) =	sbr.rel $0x88, $3  }
0x1: {  	(tag) =	ssettag $0x0;
	lr =	simm.s32 $0x1  }
0x2: {  	[smem:$0x3F99] =	sst lr;
	_ =	strace $0xD0000000  }
0x3: {  	_ = 	snop  }
0x4: {  	_ = 	snop  }
0x5: {  	_ = 	snop  }
0x6: {  	_ = 	snop  }
0x7: {  	_ = 	snop  }
__scs_overlays_trampoline_lowered:
0x8: {  	[smem:$0x3FA8] =	sst s0  }
0x9: {  	[smem:$0x3FA9] =	sst s1  }
0xa: {  	[smem:$0x3FAA] =	sst s2  }
0xb: {  	[smem:$0x3FAB] =	sst s3  }
0xc: {  	[smem:$0x3FAC] =	sst s4  }
0xd: {  	[smem:$0x3FAD] =	sst s5  }
0xe: {  	[smem:$0x3FAE] =	sst s6  }
0xf: {  	[smem:$0x3FAF] =	sst s7  }
0x10: {  	[smem:$0x3FB0] =	sst s8  }
0x11: {  	[smem:$0x3FB1] =	sst s9;
	s0 =	simm.s32 @!p0 $0x0  }
0x12: {  	s1 =	sld [smem:$0x3F97];
	s0 =	simm.s32 @p0 $0x1  }
0x13: {  	[smem:$0x3FB2] =	sst s0;
	s0 =	simm.s32 @!p1 $0x0  }
0x14: {  	s2 =	sld [smem:$0x3F96];
	s0 =	simm.s32 @p1 $0x1  }
0x15: {  	[smem:$0x3FB3] =	sst s0;
	s0 =	simm.s32 @!p2 $0x0  }
0x16: {  	s3 =	sld [smem:$0x3FDB];
	s0 =	simm.s32 @p2 $0x1  }
0x17: {  	s4 =	simm.s32 $0x1BF5;
	[smem:$0x3FB5] =	sst s0  }
0x18: {  	s0 =	sld [smem:$0x3F98];
	_ =	swait.ge [sflag:s4], $0x0  }
0x19: {  	s7 =	sld [smem:$0x3F99]  }
0x1a: {  	s8 =	sadd.s32 $0xFFFFE003, lr  }
0x1b: {  	s9 =	sadd.s32 $0xFFFFFEF7, lr;
	s5 =	simm.s32 $0xFFFFFFFF;
	p2 =	slt.u32 s8, $0xFFFFF086  }
0x1c: {  	p1 =	slt.u32 s9, $0xF7A;
	s5 =	simm.s32 @!p2 $0x0  }
0x1d: {  	s5 =	simm.s32 @p1 $0x1;
	p0 =	seq.s32 s7, s2  }
0x1e: {  	s7 =	smul.u32 @!p0 $0xF7A, s2;
	p2 =	seq.s32 @!p0 s5, $0x0  }
0x1f: {  	s9 =	smul.u32 $0xF7A, s1;
	s8 =	simm.s32 @!p0 $0x1BF5;
	p2 =	por !p2, p0  }
0x20: {  	[sflag:s8] =	ssyncset.s32 @!p0 $0xFFFFF086;
	s6 =	sadd.s32 @!p0 s3, s7;
	s7 =	simm.s32 @!p0 $0x108  }
0x21: {  	s3 =	sadd.s32 s3, s9;
	s6 =	sadd.s32 @!p0 $0x88, s6;
	s7 =	simm.s32 @p2 $0x1082  }
0x22: {  	[simem:s7], [sflag:s8] =	dma.local @!p0 [hbm:s6], $0xF7A  }
0x23: {  	s9 =	sor.u32 $0xD0000000, s2;
	s6 =	simm.s32 $0x108;
	_ =	swait.ge @!p0 [sflag:s8], $0x0  }
0x24: {  	s3 =	sadd.s32 $0x88, s3;
	s6 =	simm.s32 @!p1 $0x1082;
	[sflag:s4] =	ssyncset.s32 $0xFFFFF086  }
0x25: {  	[simem:s6], [sflag:s4] =	dma.local [hbm:s3], $0xF7A  }
0x26: {  	[smem:$0x3F99] =	sst s1;
	(tag) =	ssettag s2;
	_ =	strace s9  }
0x27: {  	s1 =	sld [smem:$0x3FA9]  }
0x28: {  	s2 =	sld [smem:$0x3FAA]  }
0x29: {  	s4 =	sld [smem:$0x3FAC]  }
0x2a: {  	p0 =	seq.s32 s5, $0x0;
	s5 =	sld [smem:$0x3FAD]  }
0x2b: {  	s6 =	sld [smem:$0x3FAE]  }
0x2c: {  	s7 =	sld [smem:$0x3FAF]  }
0x2d: {  	s3 =	simm.s32 $0x108;
	s8 =	sld [smem:$0x3FB0]  }
0x2e: {  	s3 =	simm.s32 @!p0 $0x1082;
	s9 =	sld [smem:$0x3FB1]  }
0x2f: {  	lr =	sadd.s32 s0, s3;
	s0 =	sld [smem:$0x3FA8]  }
0x30: {  	s3 =	sld [smem:$0x3FAB]  }
0x31: {  	[smem:$0x3FB4] =	sst s10  }
0x32: {  	s10 =	sld [smem:$0x3FB2];
	_ =	sdelay $0x3  }
0x33: {  	p0 =	seq.s32 s10, $0x1;
	s10 =	sld [smem:$0x3FB4];
	_ =	sdelay $0x3  }
0x34: {  	[smem:$0x3FB4] =	sst s10  }
0x35: {  	s10 =	sld [smem:$0x3FB3];
	_ =	sdelay $0x3  }
0x36: {  	p1 =	seq.s32 s10, $0x1;
	s10 =	sld [smem:$0x3FB4];
	_ =	sdelay $0x3  }
0x37: {  	[smem:$0x3FB4] =	sst s10  }
0x38: {  	s10 =	sld [smem:$0x3FB5]  }
0x39: {  	_ = 	snop;
	(pc) =	sbr.ind lr, $3  }
0x3a: {  	_ = 	snop  }
0x3b: {  	_ = 	snop  }
0x3c: {  	p2 =	seq.s32 s10, $0x1;
	s10 =	sld [smem:$0x3FB4]  }
0x3d: {  	_ =	shalt  }
0x3e: {  	_ =	shalt  }
0x3f: {  	_ =	shalt  }
0x40: {  	_ =	shalt  }
0x41: {  	_ =	shalt  }
0x42: {  	_ =	shalt  }
0x43: {  	_ =	shalt  }
0x44: {  	_ =	shalt  }
0x45: {  	_ =	shalt  }
0x46: {  	_ =	shalt  }
0x47: {  	_ =	shalt  }
0x48: {  	_ =	shalt  }
0x49: {  	_ =	shalt  }
0x4a: {  	_ =	shalt  }
0x4b: {  	_ =	shalt  }
0x4c: {  	_ =	shalt  }
0x4d: {  	_ =	shalt  }
0x4e: {  	_ =	shalt  }
0x4f: {  	_ =	shalt  }
0x50: {  	_ =	shalt  }
0x51: {  	_ =	shalt  }
0x52: {  	_ =	shalt  }
0x53: {  	_ =	shalt  }
0x54: {  	_ =	shalt  }
0x55: {  	_ =	shalt  }
0x56: {  	_ =	shalt  }
0x57: {  	_ =	shalt  }
0x58: {  	_ =	shalt  }
0x59: {  	_ =	shalt  }
0x5a: {  	_ =	shalt  }
0x5b: {  	_ =	shalt  }
0x5c: {  	_ =	shalt  }
0x5d: {  	_ =	shalt  }
0x5e: {  	_ =	shalt  }
0x5f: {  	_ =	shalt  }
0x60: {  	_ =	shalt  }
0x61: {  	_ =	shalt  }
0x62: {  	_ =	shalt  }
0x63: {  	_ =	shalt  }
0x64: {  	_ =	shalt  }
0x65: {  	_ =	shalt  }
0x66: {  	_ =	shalt  }
0x67: {  	_ =	shalt  }
0x68: {  	_ =	shalt  }
0x69: {  	_ =	shalt  }
0x6a: {  	_ =	shalt  }
0x6b: {  	_ =	shalt  }
0x6c: {  	_ =	shalt  }
0x6d: {  	_ =	shalt  }
0x6e: {  	_ =	shalt  }
0x6f: {  	_ =	shalt  }
0x70: {  	_ =	shalt  }
0x71: {  	_ =	shalt  }
0x72: {  	_ =	shalt  }
0x73: {  	_ =	shalt  }
0x74: {  	_ =	shalt  }
0x75: {  	_ =	shalt  }
0x76: {  	_ =	shalt  }
0x77: {  	_ =	shalt  }
0x78: {  	_ =	shalt  }
0x79: {  	_ =	shalt  }
0x7a: {  	_ =	shalt  }
0x7b: {  	_ =	shalt  }
0x7c: {  	_ =	shalt  }
0x7d: {  	_ =	shalt  }
0x7e: {  	_ =	shalt  }
0x7f: {  	_ =	shalt  }
0x80: {  	_ =	shalt  }
0x81: {  	_ =	shalt  }
0x82: {  	_ =	shalt  }
0x83: {  	_ =	shalt  }
0x84: {  	_ =	shalt  }
0x85: {  	_ =	shalt  }
0x86: {  	_ =	shalt  }
0x87: {  	_ =	shalt  }
.Lfunc_end0:
.L_simem_size_0:
called_computation_lowered:
.L_overlay_start_0:
0x88: {  	s2 =	sld [smem:$0x3FD9]  }
0x89: {  	s3 =	sld [smem:$0x3FFE];
	_ =	sdelay $0x1  }
0x8a: {  	s1 =	srdreg.scid  }
0x8b: {  	s0 =	sand.u32 $0x1, s1  }
0x8c: {  	s17 =	sshll.u32 s0, $0xA;
	s2 =	sadd.s32 s3, s2  }
0x8d: {  	s2 =	sadd.s32 s2, s17  }
0x8e: {  	[smem:$0x3FC0] =	sst s2  }
0x8f: {  	_ = 	snop  }
0x90: {  	s2 =	sld [smem:$0x3FD0];
	(tm) =	ssettm $0x1  }
0x91: {  	s18 =	sld [smem:$0x3FFB];
	_ =	sdelay $0x3  }
0x92: {  	_ =	strace s18  }
0x93: {  	s3 =	sld [smem:$0x3FFC];
	_ =	sdelay $0x3  }
0x94: {  	_ =	strace s3  }
0x95: {  	s3 =	sld [smem:$0x3FFD];
	_ =	sdelay $0x3  }
0x96: {  	_ =	strace s3  }
0x97: {  	_ =	strace $0x8FFFFFFF  }
0x98: {  	s19 =	sld [smem:$0x3FDB];
	_ =	sdelay $0x1  }
0x99: {  	s4 =	simm.s32 $_scs_section_size  }
0x9a: {  	s5 =	simm.s32 $_size__tile_overlayer_lowered;
	s6 =	simm.s32 $_tile_overlayer_lowered  }
0x9b: {  	s22 =	simm.s32 $0x1BFF;
	s21 =	sshll.u32 s6, $0x1;
	s3 =	sadd.s32 s4, s19  }
0x9c: {  	s7 =	simm.s32 $0x0;
	s20 =	sshll.u32 s5, $0x1;
	s5 =	sadd.s32 s21, s3  }
0x9d: {  	[timem:s7], [sflag:s22] =	dma.local [hbm:s5], s20  }
0x9e: {  	_ =	swait.ge [sflag:s22], s20  }
0x9f: {  	s4 =	ssub.s32 $0x0, s20;
	[sflag:s22] =	ssyncset.done $0x0  }
0xa0: {  	[sflag:s22] =	ssyncadd.s32 s4;
	_ =	sdelay $0x1  }
0xa1: {  	s23 =	simm.s32 $0x1B8B  }
0xa2: {  	_ =	swait.ge [sflag:s23], $0x1  }
0xa3: {  	[sflag:s23] =	ssyncset.done $0x0  }
0xa4: {  	s25 =	simm.s32 $0x1B8E;
	s24 =	sld [smem:$0x3FFE];
	[sflag:s23] =	ssyncadd.s32 $0xFFFFFFFF  }
0xa5: {  	s26 =	simm.s32 $execute0_lowered;
	[smem:$0x3FD2] =	sst s25  }
0xa6: {  	s5 =	sshll.u32 s26, $0x1;
	_ =	strace $0x80000046;
	[dreg:$0x1] =	wrdreg $0xFFFFFFFF  }
0xa7: {  	s28 =	simm.s32 $_size_execute0_lowered;
	s3 =	sadd.s32 s3, s5;
	[dreg:$0x0] =	wrdreg $0x0  }
0xa8: {  	s5 =	sshll.u32 s28, $0x1;
	[dreg:$0x2] =	wrdreg s3  }
0xa9: {  	[dreg:$0x3] =	wrdreg s5  }
0xaa: {  	[dreg:$0x4] =	wrdreg $0xC0  }
0xab: {  	_ =	task [dreg:s7], $0x5FFFF  }
0xac: {  	[dreg:$0x1] =	wrdreg $0xFFFFFFFF  }
0xad: {  	[dreg:$0x0] =	wrdreg $0x60  }
0xae: {  	[dreg:$0x2] =	wrdreg s24  }
0xaf: {  	[dreg:$0x3] =	wrdreg s2  }
0xb0: {  	[dreg:$0x4] =	wrdreg $0x88000  }
0xb1: {  	[dreg:$0x5] =	wrdreg $0x9  }
0xb2: {  	_ =	task.clear_ibuf [dreg:s7], $0x6FFFF;
	_ =	strace $0x90000046  }
0xb3: {  	s29 =	simm.s32 $0x9;
	_ =	strace $0x80000048  }
0xb4: {  	_ =	swait.ge [sflag:s29], $0x1  }
0xb5: {  	[sflag:s29] =	ssyncadd.s32 $0xFFFFFFFF  }
0xb6: {  	_ =	strace $0x90000048  }
0xb7: {  	_ =	sfence  }
0xb8: {  	s30 =	sld [smem:$0x0];
	_ =	sdelay $0x2  }
0xb9: {  	s31 =	sshll.u32 s1, $0xD;
	s1 =	sshrl.u32 s1, $0x2  }
0xba: {  	s3 =	sand.u32 $0x4000, s31;
	s1 =	sadd.s32 s1, s30  }
0xbb: {  	s0 =	sor.u32 s3, s0;
	s1 =	sshll.u32 s1, $0x11  }
0xbc: {  	s0 =	sor.u32 s1, s0  }
0xbd: {  	s0 =	sadd.s32 $0x8F2B, s0  }
0xbe: {  	[sflag:s0] =	ssyncadd.remote.s32 $0x1  }
0xbf: {  	_ =	sfence.sel $0xFFFF  }
0xc0: {  	[dreg:$0x0] =	wrdreg $0xFFFFFFFF;
	(pc) =	sbr.abs _section_cstart, $3  }
0xc1: {  	[dreg:$0x1] =	wrdreg $0xFFFFFFFF  }
0xc2: {  	_ =	task.clear_ibuf [dreg:s7], $0x2FFFF;
	_ =	strace $0x9FFFFFFF  }
0xc3: {  	(tm) =	ssettm $0x7FFFFFFF  }
tec
execute0_lowered:
.L_overlay_start_1:
0x0: {  	(tag) =	ssettag $0x1  }
0x1: {  	s0 =	rddreg [dreg:$0x0]  }
0x2: {  	s1 =	rddreg [dreg:$0x1]  }
0x3: {  	s3 =	srdreg.scid;
	s2 =	rddreg [dreg:$0x2]  }
0x4: {  	s9 =	stileid.u32;
	s11 =	simm.s32 $0x1000;
	s5 =	sand.u32 $0x1, s3  }
0x5: {  	s3 =	simm.s32 $0x0;
	s6 =	smul.u32 $0x280, s9;
	s7 =	sadd.s32 $0x2800, s0  }
0x6: {  	s8 =	sadd.s32 $0x12800, s0;
	s12 =	smul.u32 $0x50000, s9;
	s9 =	sshll.u32 s9, $0xB  }
0x7: {  	s4 =	smul.u32 $0x2800, s5;
	[smem:$0x7FF] =	sst s3;
	s13 =	ssub.s32 $0x2, s5  }
0x8: {  	s5 =	sshll.u32 s5, $0xF;
	_ =	strace $0x80000047;
	[dreg:$0x4] =	wrdreg s8  }
0x9: {  	s10 =	sshrl.u32 s13, $0x1;
	s5 =	sor.u32 s9, s5;
	s6 =	sadd.s32 s6, s4  }
0xa: {  	s4 =	sadd.s32 $0x13000, s0;
	s8 =	ssub.s32 s13, s10;
	s14 =	sadd.s32 s1, s5  }
0xb: {  	s9 =	sor.u32 $0x200, s5;
	s15 =	sadd.s32 s7, s5;
	[dreg:$0x5] =	wrdreg s14  }
0xc: {  	s17 =	sor.u32 $0x400, s5;
	[dreg:$0x6] =	wrdreg s15;
	s16 =	sadd.s32 s1, s9  }
0xd: {  	s5 =	sor.u32 $0x600, s5;
	s9 =	sadd.s32 s7, s9;
	[dreg:$0x7] =	wrdreg s16  }
0xe: {  	s10 =	simm.s32 $0x3;
	s18 =	sadd.s32 s1, s17;
	[dreg:$0x8] =	wrdreg s9  }
0xf: {  	s13 =	simm.s32 $0x5400;
	s1 =	sadd.s32 s1, s5;
	[dreg:$0x9] =	wrdreg s18  }
0x10: {  	s6 =	sshll.u32 s6, $0x4;
	s19 =	sadd.s32 s7, s5;
	[dreg:$0xb] =	wrdreg s1  }
0x11: {  	s20 =	smax.u32 s8, $0x1;
	s8 =	simm.s32 $0x2000;
	[dreg:$0xc] =	wrdreg s19  }
0x12: {  	s0 =	sadd.s32 s6, s0;
	s9 =	sadd.s32 s7, s17;
	[dreg:$0xd] =	wrdreg s20  }
0x13: {  	s14 =	simm.s32 $0x2;
	[dreg:$0xa] =	wrdreg s9;
	s21 =	sadd.s32 $0x3B000, s0  }
0x14: {  	s15 =	simm.s32 $0x1C00;
	s22 =	sadd.s32 $0x3B400, s0;
	[dreg:$0xe] =	wrdreg s21  }
0x15: {  	s6 =	sshrl.u32 s12, $0x2;
	s23 =	sadd.s32 $0x3B800, s0;
	[dreg:$0xf] =	wrdreg s22  }
0x16: {  	s12 =	simm.s32 $0x64;
	s24 =	sadd.s32 $0x3BC00, s0;
	[dreg:$0x10] =	wrdreg s23  }
0x17: {  	s16 =	simm.s32 $0x0;
	s25 =	sadd.s32 $0x3C000, s0;
	[dreg:$0x11] =	wrdreg s24  }
0x18: {  	s6 =	sadd.s32 s6, s2;
	s26 =	sadd.s32 $0x3C400, s0;
	[dreg:$0x12] =	wrdreg s25  }
0x19: {  	s9 =	simm.s32 $0x1;
	[dreg:$0x13] =	wrdreg s26;
	s22 =	sadd.s32 $0x3C800, s0  }
0x1a: {  	s23 =	sadd.s32 $0x3CC00, s0;
	s24 =	sadd.s32 $0x3D000, s0;
	s25 =	sadd.s32 $0x3D400, s0  }
0x1b: {  	s26 =	sadd.s32 $0x2000, s6;
	s28 =	sadd.s32 $0x4000, s6;
	s29 =	sadd.s32 $0x6000, s6  }
0x1c: {  	s30 =	sadd.s32 $0x8000, s6;
	s31 =	sadd.s32 $0xA000, s6;
	s0 =	sadd.s32 $0xC000, s6  }
0x1d: {  	s1 =	sadd.s32 $0xE000, s6;
	s5 =	sadd.s32 $0x10000, s6;
	s7 =	sadd.s32 $0x12000, s6  }
.LBB2_1:
0x1e: {  	s17 =	rddreg [dreg:$0x4]  }
0x1f: {  	[tilespmem:s8], [sflag:$0x1] =	stream.linear.gather [hbm4b:s17+s3], $0x3200, $0x38;
	[tilespmem:$0x1C800] =	vst v63  }
0x20: {  	_ =	swait.ge [sflag:s9], $0x3200  }
0x21: {  	[sflag:s9] =	ssyncset.done $0x0  }
0x22: {  	[sflag:s9] =	ssyncadd.s32 $0xFFFFCE00  }
0x23: {  	[spmem:s6] =	stream.linear.scatter [tilespmem:s8], [sflag:$0x1], $0x2000, $0x38;
	[tilespmem:$0x1C800] =	vst v63  }
0x24: {  	_ =	swait.ge [sflag:s9], $0x2000  }
0x25: {  	[sflag:s9] =	ssyncset.done $0x0  }
0x26: {  	[sflag:s9] =	ssyncadd.s32 $0xFFFFE000  }
0x27: {  	[spmem:s26] =	stream.linear.scatter [tilespmem:s8], [sflag:$0x1], $0x2000, $0x38;
	[tilespmem:$0x1C800] =	vst v63  }
0x28: {  	_ =	swait.ge [sflag:s9], $0x2000  }
0x29: {  	[sflag:s9] =	ssyncset.done $0x0  }
0x2a: {  	[sflag:s9] =	ssyncadd.s32 $0xFFFFE000  }
0x2b: {  	[spmem:s28] =	stream.linear.scatter [tilespmem:s8], [sflag:$0x1], $0x2000, $0x38;
	[tilespmem:$0x1C800] =	vst v63  }
0x2c: {  	_ =	swait.ge [sflag:s9], $0x2000  }
0x2d: {  	[sflag:s9] =	ssyncset.done $0x0  }
0x2e: {  	[sflag:s9] =	ssyncadd.s32 $0xFFFFE000  }
0x2f: {  	[spmem:s29] =	stream.linear.scatter [tilespmem:s8], [sflag:$0x1], $0x2000, $0x38;
	[tilespmem:$0x1C800] =	vst v63  }
0x30: {  	_ =	swait.ge [sflag:s9], $0x2000  }
0x31: {  	[sflag:s9] =	ssyncset.done $0x0  }
0x32: {  	[sflag:s9] =	ssyncadd.s32 $0xFFFFE000  }
0x33: {  	[spmem:s30] =	stream.linear.scatter [tilespmem:s8], [sflag:$0x1], $0x2000, $0x38;
	[tilespmem:$0x1C800] =	vst v63  }
0x34: {  	_ =	swait.ge [sflag:s9], $0x2000  }
0x35: {  	[sflag:s9] =	ssyncset.done $0x0  }
0x36: {  	[sflag:s9] =	ssyncadd.s32 $0xFFFFE000  }
0x37: {  	[spmem:s31] =	stream.linear.scatter [tilespmem:s8], [sflag:$0x1], $0x2000, $0x38;
	[tilespmem:$0x1C800] =	vst v63  }
0x38: {  	_ =	swait.ge [sflag:s9], $0x2000  }
0x39: {  	[sflag:s9] =	ssyncset.done $0x0  }
0x3a: {  	[sflag:s9] =	ssyncadd.s32 $0xFFFFE000  }
0x3b: {  	[spmem:s0] =	stream.linear.scatter [tilespmem:s8], [sflag:$0x1], $0x2000, $0x38;
	[tilespmem:$0x1C800] =	vst v63  }
0x3c: {  	_ =	swait.ge [sflag:s9], $0x2000  }
0x3d: {  	[sflag:s9] =	ssyncset.done $0x0  }
0x3e: {  	[sflag:s9] =	ssyncadd.s32 $0xFFFFE000  }
0x3f: {  	[spmem:s1] =	stream.linear.scatter [tilespmem:s8], [sflag:$0x1], $0x2000, $0x38;
	[tilespmem:$0x1C800] =	vst v63  }
0x40: {  	_ =	swait.ge [sflag:s9], $0x2000  }
0x41: {  	[sflag:s9] =	ssyncset.done $0x0  }
0x42: {  	[sflag:s9] =	ssyncadd.s32 $0xFFFFE000  }
0x43: {  	[spmem:s5] =	stream.linear.scatter [tilespmem:s8], [sflag:$0x1], $0x2000, $0x38;
	[tilespmem:$0x1C800] =	vst v63  }
0x44: {  	_ =	swait.ge [sflag:s9], $0x2000  }
0x45: {  	[sflag:s9] =	ssyncset.done $0x0  }
0x46: {  	[sflag:s9] =	ssyncadd.s32 $0xFFFFE000  }
0x47: {  	[spmem:s7] =	stream.linear.scatter [tilespmem:s8], [sflag:$0x1], $0x2000, $0x38;
	[tilespmem:$0x1C800] =	vst v63  }
0x48: {  	_ =	swait.ge [sflag:s9], $0x2000  }
0x49: {  	[sflag:s9] =	ssyncset.done $0x0  }
0x4a: {  	[sflag:s9] =	ssyncadd.s32 $0xFFFFE000  }
0x4b: {  	[bflag:$0x0] =	sbarrier.arrive $0xFFFF  }
0x4c: {  	s20 =	rddreg [dreg:$0x5]  }
0x4d: {  	[tilespmem:s3], [sflag:$0x3] =	stream.linear.gather [hbm4b:s20+s3], $0xC80, $0x38;
	[tilespmem:$0x1C800] =	vst v63  }
0x4e: {  	_ =	swait.ge [sflag:s10], $0xC80  }
0x4f: {  	[sflag:s10] =	ssyncset.done $0x0  }
0x50: {  	s21 =	rddreg [dreg:$0x6];
	[sflag:s10] =	ssyncadd.s32 $0xFFFFF380  }
0x51: {  	[tilespmem:s11], [sflag:$0x3] =	stream.linear.gather [hbm4b:s21+s3], $0xC80, $0x38;
	[tilespmem:$0x1C800] =	vst v63  }
0x52: {  	_ =	swait.ge [sflag:s10], $0xC80  }
0x53: {  	[sflag:s10] =	ssyncset.done $0x0  }
0x54: {  	[sflag:s10] =	ssyncadd.s32 $0xFFFFF380  }
0x55: {  	[tilespmem:s8], [sflag:$0x1] =	stream.indirect.gather [hbm4b:s4+s12], $0x80, s3, s12, $0xb8;
	[tilespmem:$0x1C800] =	vst v63  }
0x56: {  	s18 =	simm.s32 $0x80  }
0x57: {  	[tilespmem:s13], [sflag:$0x2] =	stream.indirect.gather [hbm4b:s4+s12], $0x80, s18, s12, $0xb8;
	[tilespmem:$0x1C800] =	vst v63  }
0x58: {  	_ =	swait.ge [sflag:s9], $0x3200  }
0x59: {  	[sflag:s9] =	ssyncset.done $0x0  }
0x5a: {  	s19 =	simm.s32 $0x1000;
	[sflag:s9] =	ssyncadd.s32 $0xFFFFCE00  }
0x5b: {  	[spmem:s2] =	stream.indirect.scatter.add.f32 [tilespmem:s8], [sflag:$0x3], $0x80, s19, s12, $0xb8;
	[tilespmem:$0x1C800] =	vst v63  }
0x5c: {  	_ =	swait.ge [sflag:s10], $0x3200  }
0x5d: {  	[sflag:s10] =	ssyncset.done $0x0  }
0x5e: {  	s20 =	simm.s32 $0x100;
	[sflag:s10] =	ssyncadd.s32 $0xFFFFCE00  }
0x5f: {  	[tilespmem:s8], [sflag:$0x1] =	stream.indirect.gather [hbm4b:s4+s12], $0x80, s20, s12, $0xb8;
	[tilespmem:$0x1C800] =	vst v63  }
0x60: {  	_ =	swait.ge [sflag:s14], $0x3200  }
0x61: {  	[sflag:s14] =	ssyncset.done $0x0  }
0x62: {  	s21 =	simm.s32 $0x1080;
	[sflag:s14] =	ssyncadd.s32 $0xFFFFCE00  }
0x63: {  	[spmem:s2] =	stream.indirect.scatter.add.f32 [tilespmem:s13], [sflag:$0x3], $0x80, s21, s12, $0xb8;
	[tilespmem:$0x1C800] =	vst v63  }
0x64: {  	_ =	swait.ge [sflag:s10], $0x3200  }
0x65: {  	s17 =	simm.s32 $0x100;
	s18 =	simm.s32 $0x800;
	[sflag:s10] =	ssyncset.done $0x0  }
.LBB2_2:
0x66: {  	s19 =	sadd.s32 $0x80, s17  }
0x67: {  	[sflag:s10] =	ssyncadd.s32 $0xFFFFCE00;
	s20 =	smov.u32 s18;
	s21 =	sadd.s32 $0x400, s18  }
0x68: {  	[tilespmem:s13], [sflag:$0x2] =	stream.indirect.gather [hbm4b:s4+s12], $0x80, s19, s12, $0xb8;
	[tilespmem:$0x1C800] =	vst v63  }
0x69: {  	p0 =	sne.s32 s18, $0x2C00;
	_ =	swait.ge [sflag:s9], $0x3200  }
0x6a: {  	[sflag:s9] =	ssyncset.done $0x0  }
0x6b: {  	s18 =	sadd.s32 $0x1000, s17;
	[sflag:s9] =	ssyncadd.s32 $0xFFFFCE00  }
0x6c: {  	[spmem:s2] =	stream.indirect.scatter.add.f32 [tilespmem:s8], [sflag:$0x3], $0x80, s18, s12, $0xb8;
	[tilespmem:$0x1C800] =	vst v63  }
0x6d: {  	_ =	swait.ge [sflag:s10], $0x3200  }
0x6e: {  	[sflag:s10] =	ssyncset.done $0x0  }
0x6f: {  	s18 =	sadd.s32 $0x100, s17;
	[sflag:s10] =	ssyncadd.s32 $0xFFFFCE00  }
0x70: {  	[tilespmem:s8], [sflag:$0x1] =	stream.indirect.gather [hbm4b:s4+s12], $0x80, s18, s12, $0xb8;
	[tilespmem:$0x1C800] =	vst v63  }
0x71: {  	_ =	swait.ge [sflag:s14], $0x3200  }
.Ltmp0:
0x72: {  	[sflag:s14] =	ssyncset.done $0x0;
	(pc) =	sbr.rel @p0 .LBB2_2-.Ltmp0, $4  }
0x73: {  	s17 =	sadd.s32 $0x1080, s17;
	[sflag:s14] =	ssyncadd.s32 $0xFFFFCE00  }
0x74: {  	[spmem:s2] =	stream.indirect.scatter.add.f32 [tilespmem:s13], [sflag:$0x3], $0x80, s17, s12, $0xb8;
	[tilespmem:$0x1C800] =	vst v63  }
0x75: {  	_ =	swait.ge [sflag:s10], $0x3200  }
0x76: {  	s18 =	smov.u32 s21;
	s17 =	sshra.s32 s20, $0x2;
	[sflag:s10] =	ssyncset.done $0x0  }
0x77: {  	s18 =	sadd.s32 $0x80, s17;
	[sflag:s10] =	ssyncadd.s32 $0xFFFFCE00  }
0x78: {  	[tilespmem:s13], [sflag:$0x2] =	stream.indirect.gather [hbm4b:s4+s12], $0x80, s18, s12, $0xb8;
	[tilespmem:$0x1C800] =	vst v63  }
0x79: {  	_ =	swait.ge [sflag:s9], $0x3200  }
0x7a: {  	[sflag:s9] =	ssyncset.done $0x0  }
0x7b: {  	s20 =	sadd.s32 $0x1000, s17;
	[sflag:s9] =	ssyncadd.s32 $0xFFFFCE00  }
0x7c: {  	[spmem:s2] =	stream.indirect.scatter.add.f32 [tilespmem:s8], [sflag:$0x3], $0x80, s20, s12, $0xb8;
	[tilespmem:$0x1C800] =	vst v63  }
0x7d: {  	_ =	swait.ge [sflag:s10], $0x3200  }
0x7e: {  	[sflag:s10] =	ssyncset.done $0x0  }
0x7f: {  	s21 =	sadd.s32 $0x100, s17;
	[sflag:s10] =	ssyncadd.s32 $0xFFFFCE00  }
0x80: {  	[tilespmem:s8], [sflag:$0x1] =	stream.indirect.gather [hbm4b:s4+s12], $0x80, s21, s12, $0xb8;
	[tilespmem:$0x1C800] =	vst v63  }
0x81: {  	_ =	swait.ge [sflag:s14], $0x3200  }
0x82: {  	[sflag:s14] =	ssyncset.done $0x0  }
0x83: {  	s18 =	sadd.s32 $0x1080, s17;
	[sflag:s14] =	ssyncadd.s32 $0xFFFFCE00  }
0x84: {  	[spmem:s2] =	stream.indirect.scatter.add.f32 [tilespmem:s13], [sflag:$0x3], $0x80, s18, s12, $0xb8;
	[tilespmem:$0x1C800] =	vst v63  }
0x85: {  	_ =	swait.ge [sflag:s10], $0x3200  }
0x86: {  	[sflag:s10] =	ssyncset.done $0x0  }
0x87: {  	[sflag:s10] =	ssyncadd.s32 $0xFFFFCE00  }
0x88: {  	_ =	swait.ge [sflag:s9], $0x3200  }
0x89: {  	[sflag:s9] =	ssyncset.done $0x0  }
0x8a: {  	[sflag:s9] =	ssyncadd.s32 $0xFFFFCE00  }
0x8b: {  	[spmem:s2] =	stream.indirect.scatter.add.f32 [tilespmem:s8], [sflag:$0x3], $0x80, s15, s12, $0xb8;
	[tilespmem:$0x1C800] =	vst v63  }
0x8c: {  	_ =	swait.ge [sflag:s10], $0x3200  }
0x8d: {  	[sflag:s10] =	ssyncset.done $0x0  }
0x8e: {  	s19 =	simm.s32 $0x0;
	s20 =	rddreg [dreg:$0x7];
	[sflag:s10] =	ssyncadd.s32 $0xFFFFCE00  }
0x8f: {  	[tilespmem:s19], [sflag:$0x3] =	stream.linear.gather [hbm4b:s20+s19], $0xC80, $0x38;
	[tilespmem:$0x1C800] =	vst v63  }
0x90: {  	_ =	swait.ge [sflag:s10], $0xC80  }
0x91: {  	[sflag:s10] =	ssyncset.done $0x0  }
0x92: {  	s21 =	rddreg [dreg:$0x8];
	[sflag:s10] =	ssyncadd.s32 $0xFFFFF380  }
0x93: {  	[tilespmem:s11], [sflag:$0x3] =	stream.linear.gather [hbm4b:s21+s19], $0xC80, $0x38;
	[tilespmem:$0x1C800] =	vst v63  }
0x94: {  	_ =	swait.ge [sflag:s10], $0xC80  }
0x95: {  	[sflag:s10] =	ssyncset.done $0x0  }
0x96: {  	[sflag:s10] =	ssyncadd.s32 $0xFFFFF380  }
0x97: {  	[tilespmem:s8], [sflag:$0x1] =	stream.indirect.gather [hbm4b:s4+s12], $0x80, s19, s12, $0xb8;
	[tilespmem:$0x1C800] =	vst v63  }
0x98: {  	s18 =	simm.s32 $0x80  }
0x99: {  	[tilespmem:s13], [sflag:$0x2] =	stream.indirect.gather [hbm4b:s4+s12], $0x80, s18, s12, $0xb8;
	[tilespmem:$0x1C800] =	vst v63  }
0x9a: {  	_ =	swait.ge [sflag:s9], $0x3200  }
0x9b: {  	[sflag:s9] =	ssyncset.done $0x0  }
0x9c: {  	s19 =	simm.s32 $0x1000;
	[sflag:s9] =	ssyncadd.s32 $0xFFFFCE00  }
0x9d: {  	[spmem:s2] =	stream.indirect.scatter.add.f32 [tilespmem:s8], [sflag:$0x3], $0x80, s19, s12, $0xb8;
	[tilespmem:$0x1C800] =	vst v63  }
0x9e: {  	_ =	swait.ge [sflag:s10], $0x3200  }
0x9f: {  	[sflag:s10] =	ssyncset.done $0x0  }
0xa0: {  	s20 =	simm.s32 $0x100;
	[sflag:s10] =	ssyncadd.s32 $0xFFFFCE00  }
0xa1: {  	[tilespmem:s8], [sflag:$0x1] =	stream.indirect.gather [hbm4b:s4+s12], $0x80, s20, s12, $0xb8;
	[tilespmem:$0x1C800] =	vst v63  }
0xa2: {  	_ =	swait.ge [sflag:s14], $0x3200  }
0xa3: {  	[sflag:s14] =	ssyncset.done $0x0  }
0xa4: {  	s21 =	simm.s32 $0x1080;
	[sflag:s14] =	ssyncadd.s32 $0xFFFFCE00  }
0xa5: {  	[spmem:s2] =	stream.indirect.scatter.add.f32 [tilespmem:s13], [sflag:$0x3], $0x80, s21, s12, $0xb8;
	[tilespmem:$0x1C800] =	vst v63  }
0xa6: {  	_ =	swait.ge [sflag:s10], $0x3200  }
0xa7: {  	s17 =	simm.s32 $0x100;
	s18 =	simm.s32 $0x800;
	[sflag:s10] =	ssyncset.done $0x0  }
.LBB2_4:
0xa8: {  	s19 =	sadd.s32 $0x80, s17  }
0xa9: {  	[sflag:s10] =	ssyncadd.s32 $0xFFFFCE00;
	s20 =	smov.u32 s18;
	s21 =	sadd.s32 $0x400, s18  }
0xaa: {  	[tilespmem:s13], [sflag:$0x2] =	stream.indirect.gather [hbm4b:s4+s12], $0x80, s19, s12, $0xb8;
	[tilespmem:$0x1C800] =	vst v63  }
0xab: {  	p0 =	sne.s32 s18, $0x2C00;
	_ =	swait.ge [sflag:s9], $0x3200  }
0xac: {  	[sflag:s9] =	ssyncset.done $0x0  }
0xad: {  	s18 =	sadd.s32 $0x1000, s17;
	[sflag:s9] =	ssyncadd.s32 $0xFFFFCE00  }
0xae: {  	[spmem:s2] =	stream.indirect.scatter.add.f32 [tilespmem:s8], [sflag:$0x3], $0x80, s18, s12, $0xb8;
	[tilespmem:$0x1C800] =	vst v63  }
0xaf: {  	_ =	swait.ge [sflag:s10], $0x3200  }
0xb0: {  	[sflag:s10] =	ssyncset.done $0x0  }
0xb1: {  	s18 =	sadd.s32 $0x100, s17;
	[sflag:s10] =	ssyncadd.s32 $0xFFFFCE00  }
0xb2: {  	[tilespmem:s8], [sflag:$0x1] =	stream.indirect.gather [hbm4b:s4+s12], $0x80, s18, s12, $0xb8;
	[tilespmem:$0x1C800] =	vst v63  }
0xb3: {  	_ =	swait.ge [sflag:s14], $0x3200  }
.Ltmp1:
0xb4: {  	[sflag:s14] =	ssyncset.done $0x0;
	(pc) =	sbr.rel @p0 .LBB2_4-.Ltmp1, $4  }
0xb5: {  	s17 =	sadd.s32 $0x1080, s17;
	[sflag:s14] =	ssyncadd.s32 $0xFFFFCE00  }
0xb6: {  	[spmem:s2] =	stream.indirect.scatter.add.f32 [tilespmem:s13], [sflag:$0x3], $0x80, s17, s12, $0xb8;
	[tilespmem:$0x1C800] =	vst v63  }
0xb7: {  	_ =	swait.ge [sflag:s10], $0x3200  }
0xb8: {  	s18 =	smov.u32 s21;
	s17 =	sshra.s32 s20, $0x2;
	[sflag:s10] =	ssyncset.done $0x0  }
0xb9: {  	s18 =	sadd.s32 $0x80, s17;
	[sflag:s10] =	ssyncadd.s32 $0xFFFFCE00  }
0xba: {  	[tilespmem:s13], [sflag:$0x2] =	stream.indirect.gather [hbm4b:s4+s12], $0x80, s18, s12, $0xb8;
	[tilespmem:$0x1C800] =	vst v63  }
0xbb: {  	_ =	swait.ge [sflag:s9], $0x3200  }
0xbc: {  	[sflag:s9] =	ssyncset.done $0x0  }
0xbd: {  	s20 =	sadd.s32 $0x1000, s17;
	[sflag:s9] =	ssyncadd.s32 $0xFFFFCE00  }
0xbe: {  	[spmem:s2] =	stream.indirect.scatter.add.f32 [tilespmem:s8], [sflag:$0x3], $0x80, s20, s12, $0xb8;
	[tilespmem:$0x1C800] =	vst v63  }
0xbf: {  	_ =	swait.ge [sflag:s10], $0x3200  }
0xc0: {  	[sflag:s10] =	ssyncset.done $0x0  }
0xc1: {  	s21 =	sadd.s32 $0x100, s17;
	[sflag:s10] =	ssyncadd.s32 $0xFFFFCE00  }
0xc2: {  	[tilespmem:s8], [sflag:$0x1] =	stream.indirect.gather [hbm4b:s4+s12], $0x80, s21, s12, $0xb8;
	[tilespmem:$0x1C800] =	vst v63  }
0xc3: {  	_ =	swait.ge [sflag:s14], $0x3200  }
0xc4: {  	[sflag:s14] =	ssyncset.done $0x0  }
0xc5: {  	s18 =	sadd.s32 $0x1080, s17;
	[sflag:s14] =	ssyncadd.s32 $0xFFFFCE00  }
0xc6: {  	[spmem:s2] =	stream.indirect.scatter.add.f32 [tilespmem:s13], [sflag:$0x3], $0x80, s18, s12, $0xb8;
	[tilespmem:$0x1C800] =	vst v63  }
0xc7: {  	_ =	swait.ge [sflag:s10], $0x3200  }
0xc8: {  	[sflag:s10] =	ssyncset.done $0x0  }
0xc9: {  	[sflag:s10] =	ssyncadd.s32 $0xFFFFCE00  }
0xca: {  	_ =	swait.ge [sflag:s9], $0x3200  }
0xcb: {  	[sflag:s9] =	ssyncset.done $0x0  }
0xcc: {  	[sflag:s9] =	ssyncadd.s32 $0xFFFFCE00  }
0xcd: {  	[spmem:s2] =	stream.indirect.scatter.add.f32 [tilespmem:s8], [sflag:$0x3], $0x80, s15, s12, $0xb8;
	[tilespmem:$0x1C800] =	vst v63  }
0xce: {  	_ =	swait.ge [sflag:s10], $0x3200  }
0xcf: {  	[sflag:s10] =	ssyncset.done $0x0  }
0xd0: {  	s19 =	simm.s32 $0x0;
	s20 =	rddreg [dreg:$0x9];
	[sflag:s10] =	ssyncadd.s32 $0xFFFFCE00  }
0xd1: {  	[tilespmem:s19], [sflag:$0x3] =	stream.linear.gather [hbm4b:s20+s19], $0xC80, $0x38;
	[tilespmem:$0x1C800] =	vst v63  }
0xd2: {  	_ =	swait.ge [sflag:s10], $0xC80  }
0xd3: {  	[sflag:s10] =	ssyncset.done $0x0  }
0xd4: {  	s21 =	rddreg [dreg:$0xa];
	[sflag:s10] =	ssyncadd.s32 $0xFFFFF380  }
0xd5: {  	[tilespmem:s11], [sflag:$0x3] =	stream.linear.gather [hbm4b:s21+s19], $0xC80, $0x38;
	[tilespmem:$0x1C800] =	vst v63  }
0xd6: {  	_ =	swait.ge [sflag:s10], $0xC80  }
0xd7: {  	[sflag:s10] =	ssyncset.done $0x0  }
0xd8: {  	[sflag:s10] =	ssyncadd.s32 $0xFFFFF380  }
0xd9: {  	[tilespmem:s8], [sflag:$0x1] =	stream.indirect.gather [hbm4b:s4+s12], $0x80, s19, s12, $0xb8;
	[tilespmem:$0x1C800] =	vst v63  }
0xda: {  	s18 =	simm.s32 $0x80  }
0xdb: {  	[tilespmem:s13], [sflag:$0x2] =	stream.indirect.gather [hbm4b:s4+s12], $0x80, s18, s12, $0xb8;
	[tilespmem:$0x1C800] =	vst v63  }
0xdc: {  	_ =	swait.ge [sflag:s9], $0x3200  }
0xdd: {  	[sflag:s9] =	ssyncset.done $0x0  }
0xde: {  	s19 =	simm.s32 $0x1000;
	[sflag:s9] =	ssyncadd.s32 $0xFFFFCE00  }
0xdf: {  	[spmem:s2] =	stream.indirect.scatter.add.f32 [tilespmem:s8], [sflag:$0x3], $0x80, s19, s12, $0xb8;
	[tilespmem:$0x1C800] =	vst v63  }
0xe0: {  	_ =	swait.ge [sflag:s10], $0x3200  }
0xe1: {  	[sflag:s10] =	ssyncset.done $0x0  }
0xe2: {  	s20 =	simm.s32 $0x100;
	[sflag:s10] =	ssyncadd.s32 $0xFFFFCE00  }
0xe3: {  	[tilespmem:s8], [sflag:$0x1] =	stream.indirect.gather [hbm4b:s4+s12], $0x80, s20, s12, $0xb8;
	[tilespmem:$0x1C800] =	vst v63  }
0xe4: {  	_ =	swait.ge [sflag:s14], $0x3200  }
0xe5: {  	[sflag:s14] =	ssyncset.done $0x0  }
0xe6: {  	s21 =	simm.s32 $0x1080;
	[sflag:s14] =	ssyncadd.s32 $0xFFFFCE00  }
0xe7: {  	[spmem:s2] =	stream.indirect.scatter.add.f32 [tilespmem:s13], [sflag:$0x3], $0x80, s21, s12, $0xb8;
	[tilespmem:$0x1C800] =	vst v63  }
0xe8: {  	_ =	swait.ge [sflag:s10], $0x3200  }
0xe9: {  	s17 =	simm.s32 $0x100;
	s18 =	simm.s32 $0x800;
	[sflag:s10] =	ssyncset.done $0x0  }
.LBB2_6:
0xea: {  	s19 =	sadd.s32 $0x80, s17  }
0xeb: {  	[sflag:s10] =	ssyncadd.s32 $0xFFFFCE00;
	s20 =	smov.u32 s18;
	s21 =	sadd.s32 $0x400, s18  }
0xec: {  	[tilespmem:s13], [sflag:$0x2] =	stream.indirect.gather [hbm4b:s4+s12], $0x80, s19, s12, $0xb8;
	[tilespmem:$0x1C800] =	vst v63  }
0xed: {  	p0 =	sne.s32 s18, $0x2C00;
	_ =	swait.ge [sflag:s9], $0x3200  }
0xee: {  	[sflag:s9] =	ssyncset.done $0x0  }
0xef: {  	s18 =	sadd.s32 $0x1000, s17;
	[sflag:s9] =	ssyncadd.s32 $0xFFFFCE00  }
0xf0: {  	[spmem:s2] =	stream.indirect.scatter.add.f32 [tilespmem:s8], [sflag:$0x3], $0x80, s18, s12, $0xb8;
	[tilespmem:$0x1C800] =	vst v63  }
0xf1: {  	_ =	swait.ge [sflag:s10], $0x3200  }
0xf2: {  	[sflag:s10] =	ssyncset.done $0x0  }
0xf3: {  	s18 =	sadd.s32 $0x100, s17;
	[sflag:s10] =	ssyncadd.s32 $0xFFFFCE00  }
0xf4: {  	[tilespmem:s8], [sflag:$0x1] =	stream.indirect.gather [hbm4b:s4+s12], $0x80, s18, s12, $0xb8;
	[tilespmem:$0x1C800] =	vst v63  }
0xf5: {  	_ =	swait.ge [sflag:s14], $0x3200  }
.Ltmp2:
0xf6: {  	[sflag:s14] =	ssyncset.done $0x0;
	(pc) =	sbr.rel @p0 .LBB2_6-.Ltmp2, $4  }
0xf7: {  	s17 =	sadd.s32 $0x1080, s17;
	[sflag:s14] =	ssyncadd.s32 $0xFFFFCE00  }
0xf8: {  	[spmem:s2] =	stream.indirect.scatter.add.f32 [tilespmem:s13], [sflag:$0x3], $0x80, s17, s12, $0xb8;
	[tilespmem:$0x1C800] =	vst v63  }
0xf9: {  	_ =	swait.ge [sflag:s10], $0x3200  }
0xfa: {  	s18 =	smov.u32 s21;
	s17 =	sshra.s32 s20, $0x2;
	[sflag:s10] =	ssyncset.done $0x0  }
0xfb: {  	s18 =	sadd.s32 $0x80, s17;
	[sflag:s10] =	ssyncadd.s32 $0xFFFFCE00  }
0xfc: {  	[tilespmem:s13], [sflag:$0x2] =	stream.indirect.gather [hbm4b:s4+s12], $0x80, s18, s12, $0xb8;
	[tilespmem:$0x1C800] =	vst v63  }
0xfd: {  	_ =	swait.ge [sflag:s9], $0x3200  }
0xfe: {  	[sflag:s9] =	ssyncset.done $0x0  }
0xff: {  	s20 =	sadd.s32 $0x1000, s17;
	[sflag:s9] =	ssyncadd.s32 $0xFFFFCE00  }
0x100: {  	[spmem:s2] =	stream.indirect.scatter.add.f32 [tilespmem:s8], [sflag:$0x3], $0x80, s20, s12, $0xb8;
	[tilespmem:$0x1C800] =	vst v63  }
0x101: {  	_ =	swait.ge [sflag:s10], $0x3200  }
0x102: {  	[sflag:s10] =	ssyncset.done $0x0  }
0x103: {  	s21 =	sadd.s32 $0x100, s17;
	[sflag:s10] =	ssyncadd.s32 $0xFFFFCE00  }
0x104: {  	[tilespmem:s8], [sflag:$0x1] =	stream.indirect.gather [hbm4b:s4+s12], $0x80, s21, s12, $0xb8;
	[tilespmem:$0x1C800] =	vst v63  }
0x105: {  	_ =	swait.ge [sflag:s14], $0x3200  }
0x106: {  	[sflag:s14] =	ssyncset.done $0x0  }
0x107: {  	s18 =	sadd.s32 $0x1080, s17;
	[sflag:s14] =	ssyncadd.s32 $0xFFFFCE00  }
0x108: {  	[spmem:s2] =	stream.indirect.scatter.add.f32 [tilespmem:s13], [sflag:$0x3], $0x80, s18, s12, $0xb8;
	[tilespmem:$0x1C800] =	vst v63  }
0x109: {  	_ =	swait.ge [sflag:s10], $0x3200  }
0x10a: {  	[sflag:s10] =	ssyncset.done $0x0  }
0x10b: {  	[sflag:s10] =	ssyncadd.s32 $0xFFFFCE00  }
0x10c: {  	_ =	swait.ge [sflag:s9], $0x3200  }
0x10d: {  	[sflag:s9] =	ssyncset.done $0x0  }
0x10e: {  	[sflag:s9] =	ssyncadd.s32 $0xFFFFCE00  }
0x10f: {  	[spmem:s2] =	stream.indirect.scatter.add.f32 [tilespmem:s8], [sflag:$0x3], $0x80, s15, s12, $0xb8;
	[tilespmem:$0x1C800] =	vst v63  }
0x110: {  	_ =	swait.ge [sflag:s10], $0x3200  }
0x111: {  	[sflag:s10] =	ssyncset.done $0x0  }
0x112: {  	s19 =	simm.s32 $0x0;
	s20 =	rddreg [dreg:$0xb];
	[sflag:s10] =	ssyncadd.s32 $0xFFFFCE00  }
0x113: {  	[tilespmem:s19], [sflag:$0x3] =	stream.linear.gather [hbm4b:s20+s19], $0xC80, $0x38;
	[tilespmem:$0x1C800] =	vst v63  }
0x114: {  	_ =	swait.ge [sflag:s10], $0xC80  }
0x115: {  	[sflag:s10] =	ssyncset.done $0x0  }
0x116: {  	s21 =	rddreg [dreg:$0xc];
	[sflag:s10] =	ssyncadd.s32 $0xFFFFF380  }
0x117: {  	[tilespmem:s11], [sflag:$0x3] =	stream.linear.gather [hbm4b:s21+s19], $0xC80, $0x38;
	[tilespmem:$0x1C800] =	vst v63  }
0x118: {  	_ =	swait.ge [sflag:s10], $0xC80  }
0x119: {  	[sflag:s10] =	ssyncset.done $0x0  }
0x11a: {  	[sflag:s10] =	ssyncadd.s32 $0xFFFFF380  }
0x11b: {  	[tilespmem:s8], [sflag:$0x1] =	stream.indirect.gather [hbm4b:s4+s12], $0x80, s19, s12, $0xb8;
	[tilespmem:$0x1C800] =	vst v63  }
0x11c: {  	s18 =	simm.s32 $0x80  }
0x11d: {  	[tilespmem:s13], [sflag:$0x2] =	stream.indirect.gather [hbm4b:s4+s12], $0x80, s18, s12, $0xb8;
	[tilespmem:$0x1C800] =	vst v63  }
0x11e: {  	_ =	swait.ge [sflag:s9], $0x3200  }
0x11f: {  	[sflag:s9] =	ssyncset.done $0x0  }
0x120: {  	s19 =	simm.s32 $0x1000;
	[sflag:s9] =	ssyncadd.s32 $0xFFFFCE00  }
0x121: {  	[spmem:s2] =	stream.indirect.scatter.add.f32 [tilespmem:s8], [sflag:$0x3], $0x80, s19, s12, $0xb8;
	[tilespmem:$0x1C800] =	vst v63  }
0x122: {  	_ =	swait.ge [sflag:s10], $0x3200  }
0x123: {  	[sflag:s10] =	ssyncset.done $0x0  }
0x124: {  	s20 =	simm.s32 $0x100;
	[sflag:s10] =	ssyncadd.s32 $0xFFFFCE00  }
0x125: {  	[tilespmem:s8], [sflag:$0x1] =	stream.indirect.gather [hbm4b:s4+s12], $0x80, s20, s12, $0xb8;
	[tilespmem:$0x1C800] =	vst v63  }
0x126: {  	_ =	swait.ge [sflag:s14], $0x3200  }
0x127: {  	[sflag:s14] =	ssyncset.done $0x0  }
0x128: {  	s21 =	simm.s32 $0x1080;
	[sflag:s14] =	ssyncadd.s32 $0xFFFFCE00  }
0x129: {  	[spmem:s2] =	stream.indirect.scatter.add.f32 [tilespmem:s13], [sflag:$0x3], $0x80, s21, s12, $0xb8;
	[tilespmem:$0x1C800] =	vst v63  }
0x12a: {  	_ =	swait.ge [sflag:s10], $0x3200  }
0x12b: {  	s17 =	simm.s32 $0x100;
	s18 =	simm.s32 $0x800;
	[sflag:s10] =	ssyncset.done $0x0  }
.LBB2_8:
0x12c: {  	s19 =	sadd.s32 $0x80, s17  }
0x12d: {  	[sflag:s10] =	ssyncadd.s32 $0xFFFFCE00;
	s20 =	smov.u32 s18;
	s21 =	sadd.s32 $0x400, s18  }
0x12e: {  	[tilespmem:s13], [sflag:$0x2] =	stream.indirect.gather [hbm4b:s4+s12], $0x80, s19, s12, $0xb8;
	[tilespmem:$0x1C800] =	vst v63  }
0x12f: {  	p0 =	sne.s32 s18, $0x2C00;
	_ =	swait.ge [sflag:s9], $0x3200  }
0x130: {  	[sflag:s9] =	ssyncset.done $0x0  }
0x131: {  	s18 =	sadd.s32 $0x1000, s17;
	[sflag:s9] =	ssyncadd.s32 $0xFFFFCE00  }
0x132: {  	[spmem:s2] =	stream.indirect.scatter.add.f32 [tilespmem:s8], [sflag:$0x3], $0x80, s18, s12, $0xb8;
	[tilespmem:$0x1C800] =	vst v63  }
0x133: {  	_ =	swait.ge [sflag:s10], $0x3200  }
0x134: {  	[sflag:s10] =	ssyncset.done $0x0  }
0x135: {  	s18 =	sadd.s32 $0x100, s17;
	[sflag:s10] =	ssyncadd.s32 $0xFFFFCE00  }
0x136: {  	[tilespmem:s8], [sflag:$0x1] =	stream.indirect.gather [hbm4b:s4+s12], $0x80, s18, s12, $0xb8;
	[tilespmem:$0x1C800] =	vst v63  }
0x137: {  	_ =	swait.ge [sflag:s14], $0x3200  }
.Ltmp3:
0x138: {  	[sflag:s14] =	ssyncset.done $0x0;
	(pc) =	sbr.rel @p0 .LBB2_8-.Ltmp3, $4  }
0x139: {  	s17 =	sadd.s32 $0x1080, s17;
	[sflag:s14] =	ssyncadd.s32 $0xFFFFCE00  }
0x13a: {  	[spmem:s2] =	stream.indirect.scatter.add.f32 [tilespmem:s13], [sflag:$0x3], $0x80, s17, s12, $0xb8;
	[tilespmem:$0x1C800] =	vst v63  }
0x13b: {  	_ =	swait.ge [sflag:s10], $0x3200  }
0x13c: {  	s18 =	smov.u32 s21;
	s17 =	sshra.s32 s20, $0x2;
	[sflag:s10] =	ssyncset.done $0x0  }
0x13d: {  	s18 =	sadd.s32 $0x80, s17;
	[sflag:s10] =	ssyncadd.s32 $0xFFFFCE00  }
0x13e: {  	[tilespmem:s13], [sflag:$0x2] =	stream.indirect.gather [hbm4b:s4+s12], $0x80, s18, s12, $0xb8;
	[tilespmem:$0x1C800] =	vst v63  }
0x13f: {  	_ =	swait.ge [sflag:s9], $0x3200  }
0x140: {  	[sflag:s9] =	ssyncset.done $0x0  }
0x141: {  	s20 =	sadd.s32 $0x1000, s17;
	[sflag:s9] =	ssyncadd.s32 $0xFFFFCE00  }
0x142: {  	[spmem:s2] =	stream.indirect.scatter.add.f32 [tilespmem:s8], [sflag:$0x3], $0x80, s20, s12, $0xb8;
	[tilespmem:$0x1C800] =	vst v63  }
0x143: {  	_ =	swait.ge [sflag:s10], $0x3200  }
0x144: {  	[sflag:s10] =	ssyncset.done $0x0  }
0x145: {  	s21 =	sadd.s32 $0x100, s17;
	[sflag:s10] =	ssyncadd.s32 $0xFFFFCE00  }
0x146: {  	[tilespmem:s8], [sflag:$0x1] =	stream.indirect.gather [hbm4b:s4+s12], $0x80, s21, s12, $0xb8;
	[tilespmem:$0x1C800] =	vst v63  }
0x147: {  	_ =	swait.ge [sflag:s14], $0x3200  }
0x148: {  	[sflag:s14] =	ssyncset.done $0x0  }
0x149: {  	s18 =	sadd.s32 $0x1080, s17;
	[sflag:s14] =	ssyncadd.s32 $0xFFFFCE00  }
0x14a: {  	[spmem:s2] =	stream.indirect.scatter.add.f32 [tilespmem:s13], [sflag:$0x3], $0x80, s18, s12, $0xb8;
	[tilespmem:$0x1C800] =	vst v63  }
0x14b: {  	_ =	swait.ge [sflag:s10], $0x3200  }
0x14c: {  	[sflag:s10] =	ssyncset.done $0x0  }
0x14d: {  	[sflag:s10] =	ssyncadd.s32 $0xFFFFCE00  }
0x14e: {  	_ =	swait.ge [sflag:s9], $0x3200  }
0x14f: {  	[sflag:s9] =	ssyncset.done $0x0  }
0x150: {  	[sflag:s9] =	ssyncadd.s32 $0xFFFFCE00  }
0x151: {  	[spmem:s2] =	stream.indirect.scatter.add.f32 [tilespmem:s8], [sflag:$0x3], $0x80, s15, s12, $0xb8;
	[tilespmem:$0x1C800] =	vst v63  }
0x152: {  	_ =	swait.ge [sflag:s10], $0x3200  }
0x153: {  	[sflag:s10] =	ssyncset.done $0x0  }
0x154: {  	[sflag:s10] =	ssyncadd.s32 $0xFFFFCE00  }
0x155: {  	[bflag:$0x0] =	sbarrier.arrive $0xFFFF  }
0x156: {  	[tilespmem:s8], [sflag:$0x1] =	stream.linear.gather [spmem:s6], $0x2000, $0x38;
	[tilespmem:$0x1C800] =	vst v63  }
0x157: {  	_ =	swait.ge [sflag:s9], $0x2000  }
0x158: {  	[sflag:s9] =	ssyncset.done $0x0  }
0x159: {  	s19 =	rddreg [dreg:$0xe];
	[sflag:s9] =	ssyncadd.s32 $0xFFFFE000  }
0x15a: {  	[hbm4b:s19+s3] =	stream.linear.scatter [tilespmem:s8], [sflag:$0x1], $0x2000, $0x38;
	[tilespmem:$0x1C800] =	vst v63  }
0x15b: {  	_ =	swait.ge [sflag:s9], $0x2000  }
0x15c: {  	[sflag:s9] =	ssyncset.done $0x0  }
0x15d: {  	[sflag:s9] =	ssyncadd.s32 $0xFFFFE000  }
0x15e: {  	[tilespmem:s8], [sflag:$0x1] =	stream.linear.gather [spmem:s26], $0x2000, $0x38;
	[tilespmem:$0x1C800] =	vst v63  }
0x15f: {  	_ =	swait.ge [sflag:s9], $0x2000  }
0x160: {  	[sflag:s9] =	ssyncset.done $0x0  }
0x161: {  	s20 =	rddreg [dreg:$0xf];
	[sflag:s9] =	ssyncadd.s32 $0xFFFFE000  }
0x162: {  	[hbm4b:s20+s3] =	stream.linear.scatter [tilespmem:s8], [sflag:$0x1], $0x2000, $0x38;
	[tilespmem:$0x1C800] =	vst v63  }
0x163: {  	_ =	swait.ge [sflag:s9], $0x2000  }
0x164: {  	[sflag:s9] =	ssyncset.done $0x0  }
0x165: {  	[sflag:s9] =	ssyncadd.s32 $0xFFFFE000  }
0x166: {  	[tilespmem:s8], [sflag:$0x1] =	stream.linear.gather [spmem:s28], $0x2000, $0x38;
	[tilespmem:$0x1C800] =	vst v63  }
0x167: {  	_ =	swait.ge [sflag:s9], $0x2000  }
0x168: {  	[sflag:s9] =	ssyncset.done $0x0  }
0x169: {  	s21 =	rddreg [dreg:$0x10];
	[sflag:s9] =	ssyncadd.s32 $0xFFFFE000  }
0x16a: {  	[hbm4b:s21+s3] =	stream.linear.scatter [tilespmem:s8], [sflag:$0x1], $0x2000, $0x38;
	[tilespmem:$0x1C800] =	vst v63  }
0x16b: {  	_ =	swait.ge [sflag:s9], $0x2000  }
0x16c: {  	[sflag:s9] =	ssyncset.done $0x0  }
0x16d: {  	[sflag:s9] =	ssyncadd.s32 $0xFFFFE000  }
0x16e: {  	[tilespmem:s8], [sflag:$0x1] =	stream.linear.gather [spmem:s29], $0x2000, $0x38;
	[tilespmem:$0x1C800] =	vst v63  }
0x16f: {  	_ =	swait.ge [sflag:s9], $0x2000  }
0x170: {  	[sflag:s9] =	ssyncset.done $0x0  }
0x171: {  	s18 =	rddreg [dreg:$0x11];
	[sflag:s9] =	ssyncadd.s32 $0xFFFFE000  }
0x172: {  	[hbm4b:s18+s3] =	stream.linear.scatter [tilespmem:s8], [sflag:$0x1], $0x2000, $0x38;
	[tilespmem:$0x1C800] =	vst v63  }
0x173: {  	_ =	swait.ge [sflag:s9], $0x2000  }
0x174: {  	[sflag:s9] =	ssyncset.done $0x0  }
0x175: {  	[sflag:s9] =	ssyncadd.s32 $0xFFFFE000  }
0x176: {  	[tilespmem:s8], [sflag:$0x1] =	stream.linear.gather [spmem:s30], $0x2000, $0x38;
	[tilespmem:$0x1C800] =	vst v63  }
0x177: {  	_ =	swait.ge [sflag:s9], $0x2000  }
0x178: {  	[sflag:s9] =	ssyncset.done $0x0  }
0x179: {  	s19 =	rddreg [dreg:$0x12];
	[sflag:s9] =	ssyncadd.s32 $0xFFFFE000  }
0x17a: {  	[hbm4b:s19+s3] =	stream.linear.scatter [tilespmem:s8], [sflag:$0x1], $0x2000, $0x38;
	[tilespmem:$0x1C800] =	vst v63  }
0x17b: {  	_ =	swait.ge [sflag:s9], $0x2000  }
0x17c: {  	[sflag:s9] =	ssyncset.done $0x0  }
0x17d: {  	[sflag:s9] =	ssyncadd.s32 $0xFFFFE000  }
0x17e: {  	[tilespmem:s8], [sflag:$0x1] =	stream.linear.gather [spmem:s31], $0x2000, $0x38;
	[tilespmem:$0x1C800] =	vst v63  }
0x17f: {  	_ =	swait.ge [sflag:s9], $0x2000  }
0x180: {  	[sflag:s9] =	ssyncset.done $0x0  }
0x181: {  	s20 =	rddreg [dreg:$0x13];
	[sflag:s9] =	ssyncadd.s32 $0xFFFFE000  }
0x182: {  	[hbm4b:s20+s3] =	stream.linear.scatter [tilespmem:s8], [sflag:$0x1], $0x2000, $0x38;
	[tilespmem:$0x1C800] =	vst v63  }
0x183: {  	_ =	swait.ge [sflag:s9], $0x2000  }
0x184: {  	[sflag:s9] =	ssyncset.done $0x0  }
0x185: {  	[sflag:s9] =	ssyncadd.s32 $0xFFFFE000  }
0x186: {  	[tilespmem:s8], [sflag:$0x1] =	stream.linear.gather [spmem:s0], $0x2000, $0x38;
	[tilespmem:$0x1C800] =	vst v63  }
0x187: {  	_ =	swait.ge [sflag:s9], $0x2000  }
0x188: {  	[sflag:s9] =	ssyncset.done $0x0  }
0x189: {  	[sflag:s9] =	ssyncadd.s32 $0xFFFFE000  }
0x18a: {  	[hbm4b:s22+s3] =	stream.linear.scatter [tilespmem:s8], [sflag:$0x1], $0x2000, $0x38;
	[tilespmem:$0x1C800] =	vst v63  }
0x18b: {  	_ =	swait.ge [sflag:s9], $0x2000  }
0x18c: {  	[sflag:s9] =	ssyncset.done $0x0  }
0x18d: {  	[sflag:s9] =	ssyncadd.s32 $0xFFFFE000  }
0x18e: {  	[tilespmem:s8], [sflag:$0x1] =	stream.linear.gather [spmem:s1], $0x2000, $0x38;
	[tilespmem:$0x1C800] =	vst v63  }
0x18f: {  	_ =	swait.ge [sflag:s9], $0x2000  }
0x190: {  	[sflag:s9] =	ssyncset.done $0x0  }
0x191: {  	[sflag:s9] =	ssyncadd.s32 $0xFFFFE000  }
0x192: {  	[hbm4b:s23+s3] =	stream.linear.scatter [tilespmem:s8], [sflag:$0x1], $0x2000, $0x38;
	[tilespmem:$0x1C800] =	vst v63  }
0x193: {  	_ =	swait.ge [sflag:s9], $0x2000  }
0x194: {  	[sflag:s9] =	ssyncset.done $0x0  }
0x195: {  	[sflag:s9] =	ssyncadd.s32 $0xFFFFE000  }
0x196: {  	[tilespmem:s8], [sflag:$0x1] =	stream.linear.gather [spmem:s5], $0x2000, $0x38;
	[tilespmem:$0x1C800] =	vst v63  }
0x197: {  	_ =	swait.ge [sflag:s9], $0x2000  }
0x198: {  	[sflag:s9] =	ssyncset.done $0x0  }
0x199: {  	[sflag:s9] =	ssyncadd.s32 $0xFFFFE000  }
0x19a: {  	[hbm4b:s24+s3] =	stream.linear.scatter [tilespmem:s8], [sflag:$0x1], $0x2000, $0x38;
	[tilespmem:$0x1C800] =	vst v63  }
0x19b: {  	_ =	swait.ge [sflag:s9], $0x2000  }
0x19c: {  	[sflag:s9] =	ssyncset.done $0x0  }
0x19d: {  	[sflag:s9] =	ssyncadd.s32 $0xFFFFE000  }
0x19e: {  	[tilespmem:s8], [sflag:$0x1] =	stream.linear.gather [spmem:s7], $0x2000, $0x38;
	[tilespmem:$0x1C800] =	vst v63  }
0x19f: {  	_ =	swait.ge [sflag:s9], $0x2000  }
0x1a0: {  	[sflag:s9] =	ssyncset.done $0x0  }
0x1a1: {  	[sflag:s9] =	ssyncadd.s32 $0xFFFFE000  }
0x1a2: {  	[hbm4b:s25+s3] =	stream.linear.scatter [tilespmem:s8], [sflag:$0x1], $0x2000, $0x38;
	[tilespmem:$0x1C800] =	vst v63  }
0x1a3: {  	_ =	swait.ge [sflag:s9], $0x2000  }
0x1a4: {  	s16 =	sadd.s32 $0x1, s16;
	s21 =	rddreg [dreg:$0xd]  }
0x1a5: {  	p0 =	sne.s32 s16, s21  }
.Ltmp4:
0x1a6: {  	_ = 	snop;
	(pc) =	sbr.rel @p0 .LBB2_1-.Ltmp4, $3  }
0x1a7: {  	_ =	sdelay $0x1  }
0x1a8: {  	[sflag:s9] =	ssyncset.done $0x0  }
0x1a9: {  	[sflag:s9] =	ssyncadd.s32 $0xFFFFE000  }
0x1aa: {  	_ =	sfence.sel $0x180000  }
0x1ab: {  	[bflag:$0x0] =	sbarrier.arrive $0xFFFF  }
0x1ac: {  	_ =	strace $0x90000047  }
0x1ad: {  	s0 =	stileid.u32;
	[bflag:$0x2] =	sbarrier.arrive $0xFFFF  }
0x1ae: {  	p0 =	sne.s32 s0, $0x0;
	s0 =	rddreg [dreg:$0x3]  }
0x1af: {  	s0 =	sadd.s32 @!p0 $0x100000, s0  }
0x1b0: {  	[sflag:s0] =	ssyncadd.tile.s32 @!p0 $0x1;
	_ =	shalt  }
.Lfunc_end2:
_tile_overlayer_lowered:
.L_overlay_start_2:
0x1b1: {  	(tag) =	ssettag $0x2  }
0x1b2: {  	s0 =	rddreg [dreg:$0x0];
	s2 =	stileid.u32  }
0x1b3: {  	s1 =	rddreg [dreg:$0x1];
	p0 =	sne.s32 s2, $0x0  }
0x1b4: {  	s3 =	rddreg [dreg:$0x2];
	[bflag:$0x3] =	sbarrier.arrive $0xFFFF;
	s2 =	simm.s32 @!p0 $0x1C01  }
0x1b5: {  	[timem:s3], [sflag:s2] =	dma.local @!p0 [hbm:s0], s1  }
0x1b6: {  	s0 =	simm.s32 @!p0 $0x1  }
0x1b7: {  	_ =	swait.ge @!p0 [sflag:s0], s1  }
0x1b8: {  	s1 =	ssub.s32 @!p0 $0x0, s1;
	[sflag:s0] =	ssyncset.done @!p0 $0x0  }
0x1b9: {  	[sflag:s0] =	ssyncadd.s32 @!p0 s1  }
0x1ba: {  	[bflag:$0x3] =	sbarrier.arrive $0xFFFF  }
0x1bb: {  	_ =	shalt  }

</sc_bundles>
